<compile_context>
chip_gen: v7x
topology: tpu7x:2x2x1
jax: 0.10.2.dev20260603
libtpu: 0.0.44.dev20260713+nightly
codegen_flags: <defaults>
</compile_context>

<pallas_src>
import functools

import jax
import jax.numpy as jnp
from jax import lax
from jax.experimental import pallas as pl
from jax.experimental.pallas import tpu as pltpu
from jax.experimental.pallas import tpu_sc as plsc

D = 50
DP = 128
NW = 32
BLK = 400
CH = 6400


def _pad_stack_tables(rule_table, token_table):
    V = rule_table.shape[0]
    R = 4000
    grid = V // R

    def body(r_ref, t_ref, o_ref):
        z = jnp.zeros((R, DP - D), jnp.float32)
        o_ref[0] = jnp.concatenate([r_ref[...], z], axis=1)
        o_ref[1] = jnp.concatenate([t_ref[...], z], axis=1)

    out = pl.pallas_call(
        body,
        grid=(grid,),
        in_specs=[
            pl.BlockSpec((R, D), lambda i: (i, 0)),
            pl.BlockSpec((R, D), lambda i: (i, 0)),
        ],
        out_specs=pl.BlockSpec((2, R, DP), lambda i: (0, i, 0)),
        out_shape=jax.ShapeDtypeStruct((2, V, DP), jnp.float32),
    )(rule_table, token_table)
    return out.reshape(2 * V, DP)


@functools.partial(jax.jit, static_argnums=(0, 1, 2))
def _action_embed(B, L, V, table, action2):
    N = B * L
    n_per_w = N // NW
    nchunk = n_per_w // CH
    nb = CH // BLK
    bpb = BLK // L
    mesh = plsc.VectorSubcoreMesh(core_axis_name="c", subcore_axis_name="s")

    @functools.partial(
        pl.kernel,
        mesh=mesh,
        compiler_params=pltpu.CompilerParams(use_tc_tiling_on_sc=False),
        out_type=jax.ShapeDtypeStruct((B, 56, DP), jnp.float32),
        scratch_types=[
            pltpu.VMEM((CH,), jnp.int32),
            pltpu.VMEM((CH,), jnp.int32),
            pltpu.VMEM((CH,), jnp.int32),
            pltpu.VMEM((BLK, DP), jnp.float32),
            pltpu.VMEM((BLK, DP), jnp.float32),
            pltpu.SemaphoreType.DMA,
            pltpu.SemaphoreType.DMA,
        ],
    )
    def k(table_h, action_h, out_h, t_v, v_v, idx_v, rows_a, rows_b,
          sem_a, sem_b):
        wid = lax.axis_index("s") * 2 + lax.axis_index("c")
        base_w = wid * n_per_w

        def writes(rows_v, b0):
            for i in range(bpb):
                pltpu.sync_copy(rows_v.at[pl.ds(L * i, L)],
                                out_h.at[b0 + i, pl.ds(0, L)])

        def gather(q, rows_v, sem):
            pltpu.async_copy(
                table_h.at[idx_v.at[pl.ds(q * BLK, BLK)]], rows_v, sem)

        for c in range(nchunk):
            base = base_w + c * CH
            b_c = base // L
            pltpu.sync_copy(action_h.at[0, pl.ds(base, CH)], t_v)
            pltpu.sync_copy(action_h.at[1, pl.ds(base, CH)], v_v)

            def idx_body(j, _):
                t = t_v[pl.ds(j * 16, 16)]
                v = v_v[pl.ds(j * 16, 16)]
                idx_v[pl.ds(j * 16, 16)] = v + t * V
                return 0

            lax.fori_loop(0, CH // 16, idx_body, 0)

            gather(0, rows_a, sem_a)

            def pair_body(g, _):
                gather(2 * g + 1, rows_b, sem_b)
                pltpu.make_async_copy(
                    table_h.at[idx_v.at[pl.ds(0, BLK)]], rows_a, sem_a).wait()
                writes(rows_a, b_c + (2 * g) * bpb)
                gather((2 * g + 2) % nb, rows_a, sem_a)
                pltpu.make_async_copy(
                    table_h.at[idx_v.at[pl.ds(0, BLK)]], rows_b, sem_b).wait()
                writes(rows_b, b_c + (2 * g + 1) * bpb)
                return 0

            lax.fori_loop(0, nb // 2, pair_body, 0)
            pltpu.make_async_copy(
                table_h.at[idx_v.at[pl.ds(0, BLK)]], rows_a, sem_a).wait()

    return k(table, action2)


def kernel(action, rule_table, token_table):
    V = rule_table.shape[0]
    _, B, L = action.shape
    N = B * L
    table = _pad_stack_tables(rule_table, token_table)
    action2 = action.reshape(2, N)
    out = _action_embed(B, L, V, table, action2)
    return out[:, :L, :D]

# --- scband reference (transcript-rebuilt; emitter-appended) ---
"""Pipeline reference for scband-action-embed-91010357002363 (READ-ONLY COPY).

The authoritative reference and input builder live on the scoring server;
editing this copy changes nothing except your own understanding.
"""

import jax, jax.numpy as jnp
import numpy as np

ACTION_EMBEDDING_SIZE = 50
B, L = 16384, 50
RULE_VOCAB = 100000
TOKEN_VOCAB = 100000


def setup_inputs(seed: int = 0) -> dict:
    key = jax.random.key(seed)
    k1, k2, k3, k4 = jax.random.split(key, 4)
    action_type = jax.random.randint(k1, (B, L), 0, 2)
    action_value = jax.random.randint(k2, (B, L), 0, RULE_VOCAB)
    action = jnp.stack([action_type, action_value], axis=0)
    rule_table = jax.random.normal(k3, (RULE_VOCAB, ACTION_EMBEDDING_SIZE), dtype=jnp.float32)
    token_table = jax.random.normal(k4, (TOKEN_VOCAB, ACTION_EMBEDDING_SIZE), dtype=jnp.float32)
    return {"action": action, "rule_table": rule_table, "token_table": token_table}


def reference(action, rule_table, token_table):
    action_type = action[0]
    action_value = action[1]
    # rule_embedding lookup (nn.Embed with rule_vocab_size x ACTION_EMBEDDING_SIZE)
    rule_emb = jnp.take(rule_table, action_value, axis=0)
    # token_embedding lookup (passed-in nn.Embed module)
    token_emb = jnp.take(token_table, action_value, axis=0)
    mask_rule = jnp.equal(action_type, jnp.array(0))[..., None].astype(rule_emb.dtype)
    mask_token = jnp.equal(action_type, jnp.array(1))[..., None].astype(token_emb.dtype)
    action_emb = mask_rule * rule_emb + mask_token * token_emb
    return action_emb

if __name__ == "__main__":
    import jax
    _d = setup_inputs()
    print(jax.jit(kernel)(*tuple(_d.values())))

</pallas_src>

<mosaic_0001>
#map = affine_map<(d0, d1) -> (0, 0)>
#map1 = affine_map<(d0, d1) -> (0, 0, 0)>
module attributes {stable_mosaic.version = 14 : i64} {
  func.func @k(%arg0: i32, %arg1: i32, %arg2: memref<200000x128xf32, #tpu.memory_space<hbm>>, %arg3: memref<2x819200xi32, #tpu.memory_space<hbm>>, %arg4: memref<16384x56x128xf32, #tpu.memory_space<hbm>>, %arg5: memref<6400xi32, #tpu.memory_space<vmem>>, %arg6: memref<6400xi32, #tpu.memory_space<vmem>>, %arg7: memref<6400xi32, #tpu.memory_space<vmem>>, %arg8: memref<400x128xf32, #tpu.memory_space<vmem>>, %arg9: memref<400x128xf32, #tpu.memory_space<vmem>>, %arg10: memref<!tpu.dma_semaphore, #tpu.memory_space<semaphore_mem>>, %arg11: memref<!tpu.dma_semaphore, #tpu.memory_space<semaphore_mem>>) attributes {dimension_semantics = [#tpu.dimension_semantics<core_parallel>, #tpu.dimension_semantics<subcore_parallel>], iteration_bounds = array<i64: 2, 16>, scalar_prefetch = 0 : i64, scratch_operands = 7 : i64, tpu.core_type = #tpu.core_type<sc_vector_subcore>, window_params = [{transform_indices = #map}, {transform_indices = #map}, {transform_indices = #map1}]} {
    %mul3A = arith.constant 2 : i32
    %mul3A_0 = arith.muli %arg1, %mul3A : i32
    %add3A = arith.addi %mul3A_0, %arg0 : i32
    %mul3A_1 = arith.constant 25600 : i32
    %mul3A_2 = arith.muli %add3A, %mul3A_1 : i32
    %add3A_3 = arith.constant 0 : i32
    %add3A_4 = arith.addi %mul3A_2, %add3A_3 : i32
    %jit3A = arith.constant 50 : i32
    %div3A = arith.divsi %add3A_4, %jit3A : i32
    %sign3A = arith.constant 0 : i32
    %sign3A_5 = arith.cmpi sgt, %add3A_4, %sign3A : i32
    %sign3A_6 = arith.extui %sign3A_5 : i1 to i32
    %sign3A_7 = arith.constant 0 : i32
    %sign3A_8 = arith.cmpi slt, %add3A_4, %sign3A_7 : i32
    %sign3A_9 = arith.extui %sign3A_8 : i1 to i32
    %sign3A_10 = arith.subi %sign3A_6, %sign3A_9 : i32
    %sign3A_11 = arith.constant 0 : i32
    %sign3A_12 = arith.cmpi sgt, %jit3A, %sign3A_11 : i32
    %sign3A_13 = arith.extui %sign3A_12 : i1 to i32
    %sign3A_14 = arith.constant 0 : i32
    %sign3A_15 = arith.cmpi slt, %jit3A, %sign3A_14 : i32
    %sign3A_16 = arith.extui %sign3A_15 : i1 to i32
    %sign3A_17 = arith.subi %sign3A_13, %sign3A_16 : i32
    %ne3A = arith.cmpi ne, %sign3A_10, %sign3A_17 : i32
    %rem3A = arith.remsi %add3A_4, %jit3A : i32
    %ne3A_18 = arith.constant 0 : i32
    %ne3A_19 = arith.cmpi ne, %rem3A, %ne3A_18 : i32
    %and3A = arith.andi %ne3A, %ne3A_19 : i1
    %sub3A = arith.constant 1 : i32
    %sub3A_20 = arith.subi %div3A, %sub3A : i32
    %select_n3A = arith.select %and3A, %sub3A_20, %div3A : i32
    %run_scoped3A = arith.constant 0 : i32
    "tpu.region"() ({
      %run_scoped3A_199 = tpu.sem_alloc : memref<!tpu.dma_semaphore, #tpu.memory_space<semaphore_mem>>
      %dma_start3A_200 = tpu.memref_slice %arg3[%run_scoped3A, %add3A_4] : memref<2x819200xi32, #tpu.memory_space<hbm>> -> memref<1x6400xi32, #tpu.memory_space<hbm>>
      %dma_start3A_201 = tpu.memref_squeeze %dma_start3A_200 : memref<1x6400xi32, #tpu.memory_space<hbm>> -> memref<6400xi32, #tpu.memory_space<hbm>>
      %dma_start3A_202 = tpu.memref_slice %arg3[%run_scoped3A, %add3A_4] : memref<2x819200xi32, #tpu.memory_space<hbm>> -> memref<1x6400xi32, #tpu.memory_space<hbm>>
      %dma_start3A_203 = tpu.memref_squeeze %dma_start3A_202 : memref<1x6400xi32, #tpu.memory_space<hbm>> -> memref<6400xi32, #tpu.memory_space<hbm>>
      tpu.enqueue_dma source(%dma_start3A_203 : memref<6400xi32, #tpu.memory_space<hbm>>) target(%arg5 : memref<6400xi32, #tpu.memory_space<vmem>>) target_semaphore(%run_scoped3A_199 : memref<!tpu.dma_semaphore, #tpu.memory_space<semaphore_mem>>)
      %dma_wait3A_204 = tpu.memref_slice %arg3[%run_scoped3A, %add3A_4] : memref<2x819200xi32, #tpu.memory_space<hbm>> -> memref<1x6400xi32, #tpu.memory_space<hbm>>
      %dma_wait3A_205 = tpu.memref_squeeze %dma_wait3A_204 : memref<1x6400xi32, #tpu.memory_space<hbm>> -> memref<6400xi32, #tpu.memory_space<hbm>>
      %dma_wait3A_206 = tpu.memref_slice %arg3[%run_scoped3A, %add3A_4] : memref<2x819200xi32, #tpu.memory_space<hbm>> -> memref<1x6400xi32, #tpu.memory_space<hbm>>
      %dma_wait3A_207 = tpu.memref_squeeze %dma_wait3A_206 : memref<1x6400xi32, #tpu.memory_space<hbm>> -> memref<6400xi32, #tpu.memory_space<hbm>>
      tpu.wait_dma2 semaphore(%run_scoped3A_199 : memref<!tpu.dma_semaphore, #tpu.memory_space<semaphore_mem>>) src(%dma_wait3A_207 : memref<6400xi32, #tpu.memory_space<hbm>>) dst(%arg5 : memref<6400xi32, #tpu.memory_space<vmem>>)
      tpu.yield
    }) : () -> ()
    %run_scoped3A_21 = arith.constant 1 : i32
    "tpu.region"() ({
      %run_scoped3A_199 = tpu.sem_alloc : memref<!tpu.dma_semaphore, #tpu.memory_space<semaphore_mem>>
      %dma_start3A_200 = tpu.memref_slice %arg3[%run_scoped3A_21, %add3A_4] : memref<2x819200xi32, #tpu.memory_space<hbm>> -> memref<1x6400xi32, #tpu.memory_space<hbm>>
      %dma_start3A_201 = tpu.memref_squeeze %dma_start3A_200 : memref<1x6400xi32, #tpu.memory_space<hbm>> -> memref<6400xi32, #tpu.memory_space<hbm>>
      %dma_start3A_202 = tpu.memref_slice %arg3[%run_scoped3A_21, %add3A_4] : memref<2x819200xi32, #tpu.memory_space<hbm>> -> memref<1x6400xi32, #tpu.memory_space<hbm>>
      %dma_start3A_203 = tpu.memref_squeeze %dma_start3A_202 : memref<1x6400xi32, #tpu.memory_space<hbm>> -> memref<6400xi32, #tpu.memory_space<hbm>>
      tpu.enqueue_dma source(%dma_start3A_203 : memref<6400xi32, #tpu.memory_space<hbm>>) target(%arg6 : memref<6400xi32, #tpu.memory_space<vmem>>) target_semaphore(%run_scoped3A_199 : memref<!tpu.dma_semaphore, #tpu.memory_space<semaphore_mem>>)
      %dma_wait3A_204 = tpu.memref_slice %arg3[%run_scoped3A_21, %add3A_4] : memref<2x819200xi32, #tpu.memory_space<hbm>> -> memref<1x6400xi32, #tpu.memory_space<hbm>>
      %dma_wait3A_205 = tpu.memref_squeeze %dma_wait3A_204 : memref<1x6400xi32, #tpu.memory_space<hbm>> -> memref<6400xi32, #tpu.memory_space<hbm>>
      %dma_wait3A_206 = tpu.memref_slice %arg3[%run_scoped3A_21, %add3A_4] : memref<2x819200xi32, #tpu.memory_space<hbm>> -> memref<1x6400xi32, #tpu.memory_space<hbm>>
      %dma_wait3A_207 = tpu.memref_squeeze %dma_wait3A_206 : memref<1x6400xi32, #tpu.memory_space<hbm>> -> memref<6400xi32, #tpu.memory_space<hbm>>
      tpu.wait_dma2 semaphore(%run_scoped3A_199 : memref<!tpu.dma_semaphore, #tpu.memory_space<semaphore_mem>>) src(%dma_wait3A_207 : memref<6400xi32, #tpu.memory_space<hbm>>) dst(%arg6 : memref<6400xi32, #tpu.memory_space<vmem>>)
      tpu.yield
    }) : () -> ()
    %scan3A = arith.constant 0 : i32
    %scan3A_22 = arith.constant 0 : i32
    %scan3A_23 = arith.constant 400 : i32
    %scan3A_24 = arith.addi %scan3A_22, %scan3A_23 : i32
    %scan3A_25 = arith.constant 1 : i32
    %scan3A_26 = scf.for %scan3A_199 = %scan3A_22 to %scan3A_24 step %scan3A_25 iter_args(%scan3A_200 = %scan3A) -> (i32)  : i32 {
      %mul3A_201 = arith.constant 16 : i32
      %mul3A_202 = arith.muli %scan3A_199, %mul3A_201 : i32
      %get3A = arith.index_cast %mul3A_202 : i32 to index
      %get3A_203 = tpu.vector_load %arg5[%get3A] {strides = array<i32>} : memref<6400xi32, #tpu.memory_space<vmem>>, vector<16xi32>,
      %get3A_204 = vector.shape_cast %get3A_203 : vector<16xi32> to vector<16xi32>
      %mul3A_205 = arith.constant 16 : i32
      %mul3A_206 = arith.muli %scan3A_199, %mul3A_205 : i32
      %get3A_207 = arith.index_cast %mul3A_206 : i32 to index
      %get3A_208 = tpu.vector_load %arg6[%get3A_207] {strides = array<i32>} : memref<6400xi32, #tpu.memory_space<vmem>>, vector<16xi32>,
      %get3A_209 = vector.shape_cast %get3A_208 : vector<16xi32> to vector<16xi32>
      %mul3A_210 = arith.constant 100000 : i32
      %mul3A_211 = vector.broadcast %mul3A_210 : i32 to vector<16xi32>
      %mul3A_212 = arith.muli %get3A_204, %mul3A_211 : vector<16xi32>
      %add3A_213 = arith.addi %get3A_209, %mul3A_212 : vector<16xi32>
      %mul3A_214 = arith.constant 16 : i32
      %mul3A_215 = arith.muli %scan3A_199, %mul3A_214 : i32
      %swap3A = arith.index_cast %mul3A_215 : i32 to index
      %swap3A_216 = tpu.vector_load %arg7[%swap3A] {strides = array<i32>} : memref<6400xi32, #tpu.memory_space<vmem>>, vector<16xi32>,
      %swap3A_217 = vector.shape_cast %swap3A_216 : vector<16xi32> to vector<16xi32>
      %swap3A_218 = vector.shape_cast %add3A_213 : vector<16xi32> to vector<16xi32>
      tpu.vector_store %arg7[%swap3A], %swap3A_218 {strides = array<i32>} : memref<6400xi32, #tpu.memory_space<vmem>>, vector<16xi32>,
      %scan3A_219 = arith.constant 0 : i32
      scf.yield %scan3A_219 : i32
    }
    %scan3A_27 = arith.constant 400 : i32
    %dma_start3A = arith.constant 0 : i32
    %dma_start3A_28 = tpu.memref_slice %arg7[%dma_start3A] : memref<6400xi32, #tpu.memory_space<vmem>> -> memref<400xi32, #tpu.memory_space<vmem>>
    %dma_start3A_29 = arith.constant 0 : i32
    %dma_start3A_30 = arith.constant 0 : i32
    %dma_start3A_31 = tpu.memref_slice %arg2[%dma_start3A_29, %dma_start3A_30] : memref<200000x128xf32, #tpu.memory_space<hbm>> -> memref<200000x128xf32, #tpu.memory_space<hbm>>
    tpu.enqueue_indirect_dma source(%dma_start3A_31 : memref<200000x128xf32, #tpu.memory_space<hbm>>) target(%arg8 : memref<400x128xf32, #tpu.memory_space<vmem>>) offsets(%dma_start3A_28 : memref<400xi32, #tpu.memory_space<vmem>>) semaphore(%arg10 : memref<!tpu.dma_semaphore, #tpu.memory_space<semaphore_mem>>)
    %scan3A_32 = arith.constant 0 : i32
    %scan3A_33 = arith.constant 0 : i32
    %scan3A_34 = arith.constant 8 : i32
    %scan3A_35 = arith.addi %scan3A_33, %scan3A_34 : i32
    %scan3A_36 = arith.constant 1 : i32
    %scan3A_37 = scf.for %scan3A_199 = %scan3A_33 to %scan3A_35 step %scan3A_36 iter_args(%scan3A_200 = %scan3A_32) -> (i32)  : i32 {
      %mul3A_201 = arith.constant 2 : i32
      %mul3A_202 = arith.muli %mul3A_201, %scan3A_199 : i32
      %add3A_203 = arith.constant 1 : i32
      %add3A_204 = arith.addi %mul3A_202, %add3A_203 : i32
      %mul3A_205 = arith.constant 400 : i32
      %mul3A_206 = arith.muli %add3A_204, %mul3A_205 : i32
      %dma_start3A_207 = tpu.memref_slice %arg7[%mul3A_206] : memref<6400xi32, #tpu.memory_space<vmem>> -> memref<400xi32, #tpu.memory_space<vmem>>
      %dma_start3A_208 = arith.constant 0 : i32
      %dma_start3A_209 = arith.constant 0 : i32
      %dma_start3A_210 = tpu.memref_slice %arg2[%dma_start3A_208, %dma_start3A_209] : memref<200000x128xf32, #tpu.memory_space<hbm>> -> memref<200000x128xf32, #tpu.memory_space<hbm>>
      tpu.enqueue_indirect_dma source(%dma_start3A_210 : memref<200000x128xf32, #tpu.memory_space<hbm>>) target(%arg9 : memref<400x128xf32, #tpu.memory_space<vmem>>) offsets(%dma_start3A_207 : memref<400xi32, #tpu.memory_space<vmem>>) semaphore(%arg11 : memref<!tpu.dma_semaphore, #tpu.memory_space<semaphore_mem>>)
      %dma_wait3A_211 = arith.constant 0 : i32
      %dma_wait3A_212 = tpu.memref_slice %arg7[%dma_wait3A_211] : memref<6400xi32, #tpu.memory_space<vmem>> -> memref<400xi32, #tpu.memory_space<vmem>>
      %dma_wait3A_213 = arith.constant 0 : i32
      %dma_wait3A_214 = arith.constant 0 : i32
      %dma_wait3A_215 = tpu.memref_slice %arg2[%dma_wait3A_213, %dma_wait3A_214] : memref<200000x128xf32, #tpu.memory_space<hbm>> -> memref<200000x128xf32, #tpu.memory_space<hbm>>
      tpu.wait_indirect_dma semaphore(%arg10 : memref<!tpu.dma_semaphore, #tpu.memory_space<semaphore_mem>>) src(%dma_wait3A_215 : memref<200000x128xf32, #tpu.memory_space<hbm>>) dst(%arg8 : memref<400x128xf32, #tpu.memory_space<vmem>>)
      %mul3A_216 = arith.constant 2 : i32
      %mul3A_217 = arith.muli %mul3A_216, %scan3A_199 : i32
      %mul3A_218 = arith.constant 8 : i32
      %mul3A_219 = arith.muli %mul3A_217, %mul3A_218 : i32
      %add3A_220 = arith.addi %select_n3A, %mul3A_219 : i32
      %add3A_221 = arith.constant 0 : i32
      %add3A_222 = arith.addi %add3A_220, %add3A_221 : i32
      "tpu.region"() ({
        %run_scoped3A_290 = tpu.sem_alloc : memref<!tpu.dma_semaphore, #tpu.memory_space<semaphore_mem>>
        %dma_start3A_291 = arith.constant 0 : i32
        %dma_start3A_292 = arith.constant 0 : i32
        %dma_start3A_293 = tpu.memref_slice %arg8[%dma_start3A_291, %dma_start3A_292] : memref<400x128xf32, #tpu.memory_space<vmem>> -> memref<50x128xf32, #tpu.memory_space<vmem>>
        %dma_start3A_294 = arith.constant 0 : i32
        %dma_start3A_295 = arith.constant 0 : i32
        %dma_start3A_296 = tpu.memref_slice %arg4[%add3A_222, %dma_start3A_294, %dma_start3A_295] : memref<16384x56x128xf32, #tpu.memory_space<hbm>> -> memref<1x50x128xf32, #tpu.memory_space<hbm>>
        %dma_start3A_297 = tpu.memref_squeeze %dma_start3A_296 : memref<1x50x128xf32, #tpu.memory_space<hbm>> -> memref<50x128xf32, #tpu.memory_space<hbm>>
        %dma_start3A_298 = arith.constant 0 : i32
        %dma_start3A_299 = arith.constant 0 : i32
        %dma_start3A_300 = tpu.memref_slice %arg4[%add3A_222, %dma_start3A_298, %dma_start3A_299] : memref<16384x56x128xf32, #tpu.memory_space<hbm>> -> memref<1x50x128xf32, #tpu.memory_space<hbm>>
        %dma_start3A_301 = tpu.memref_squeeze %dma_start3A_300 : memref<1x50x128xf32, #tpu.memory_space<hbm>> -> memref<50x128xf32, #tpu.memory_space<hbm>>
        %dma_start3A_302 = arith.constant 0 : i32
        %dma_start3A_303 = arith.constant 0 : i32
        %dma_start3A_304 = tpu.memref_slice %arg8[%dma_start3A_302, %dma_start3A_303] : memref<400x128xf32, #tpu.memory_space<vmem>> -> memref<50x128xf32, #tpu.memory_space<vmem>>
        tpu.enqueue_dma source(%dma_start3A_304 : memref<50x128xf32, #tpu.memory_space<vmem>>) target(%dma_start3A_301 : memref<50x128xf32, #tpu.memory_space<hbm>>) target_semaphore(%run_scoped3A_290 : memref<!tpu.dma_semaphore, #tpu.memory_space<semaphore_mem>>)
        %dma_wait3A_305 = arith.constant 0 : i32
        %dma_wait3A_306 = arith.constant 0 : i32
        %dma_wait3A_307 = tpu.memref_slice %arg8[%dma_wait3A_305, %dma_wait3A_306] : memref<400x128xf32, #tpu.memory_space<vmem>> -> memref<50x128xf32, #tpu.memory_space<vmem>>
        %dma_wait3A_308 = arith.constant 0 : i32
        %dma_wait3A_309 = arith.constant 0 : i32
        %dma_wait3A_310 = tpu.memref_slice %arg4[%add3A_222, %dma_wait3A_308, %dma_wait3A_309] : memref<16384x56x128xf32, #tpu.memory_space<hbm>> -> memref<1x50x128xf32, #tpu.memory_space<hbm>>
        %dma_wait3A_311 = tpu.memref_squeeze %dma_wait3A_310 : memref<1x50x128xf32, #tpu.memory_space<hbm>> -> memref<50x128xf32, #tpu.memory_space<hbm>>
        %dma_wait3A_312 = arith.constant 0 : i32
        %dma_wait3A_313 = arith.constant 0 : i32
        %dma_wait3A_314 = tpu.memref_slice %arg4[%add3A_222, %dma_wait3A_312, %dma_wait3A_313] : memref<16384x56x128xf32, #tpu.memory_space<hbm>> -> memref<1x50x128xf32, #tpu.memory_space<hbm>>
        %dma_wait3A_315 = tpu.memref_squeeze %dma_wait3A_314 : memref<1x50x128xf32, #tpu.memory_space<hbm>> -> memref<50x128xf32, #tpu.memory_space<hbm>>
        %dma_wait3A_316 = arith.constant 0 : i32
        %dma_wait3A_317 = arith.constant 0 : i32
        %dma_wait3A_318 = tpu.memref_slice %arg8[%dma_wait3A_316, %dma_wait3A_317] : memref<400x128xf32, #tpu.memory_space<vmem>> -> memref<50x128xf32, #tpu.memory_space<vmem>>
        tpu.wait_dma2 semaphore(%run_scoped3A_290 : memref<!tpu.dma_semaphore, #tpu.memory_space<semaphore_mem>>) src(%dma_wait3A_318 : memref<50x128xf32, #tpu.memory_space<vmem>>) dst(%dma_wait3A_315 : memref<50x128xf32, #tpu.memory_space<hbm>>)
        tpu.yield
      }) : () -> ()
      %add3A_223 = arith.constant 1 : i32
      %add3A_224 = arith.addi %add3A_220, %add3A_223 : i32
      "tpu.region"() ({
        %run_scoped3A_290 = tpu.sem_alloc : memref<!tpu.dma_semaphore, #tpu.memory_space<semaphore_mem>>
        %dma_start3A_291 = arith.constant 50 : i32
        %dma_start3A_292 = arith.constant 0 : i32
        %dma_start3A_293 = tpu.memref_slice %arg8[%dma_start3A_291, %dma_start3A_292] : memref<400x128xf32, #tpu.memory_space<vmem>> -> memref<50x128xf32, #tpu.memory_space<vmem>>
        %dma_start3A_294 = arith.constant 0 : i32
        %dma_start3A_295 = arith.constant 0 : i32
        %dma_start3A_296 = tpu.memref_slice %arg4[%add3A_224, %dma_start3A_294, %dma_start3A_295] : memref<16384x56x128xf32, #tpu.memory_space<hbm>> -> memref<1x50x128xf32, #tpu.memory_space<hbm>>
        %dma_start3A_297 = tpu.memref_squeeze %dma_start3A_296 : memref<1x50x128xf32, #tpu.memory_space<hbm>> -> memref<50x128xf32, #tpu.memory_space<hbm>>
        %dma_start3A_298 = arith.constant 0 : i32
        %dma_start3A_299 = arith.constant 0 : i32
        %dma_start3A_300 = tpu.memref_slice %arg4[%add3A_224, %dma_start3A_298, %dma_start3A_299] : memref<16384x56x128xf32, #tpu.memory_space<hbm>> -> memref<1x50x128xf32, #tpu.memory_space<hbm>>
        %dma_start3A_301 = tpu.memref_squeeze %dma_start3A_300 : memref<1x50x128xf32, #tpu.memory_space<hbm>> -> memref<50x128xf32, #tpu.memory_space<hbm>>
        %dma_start3A_302 = arith.constant 50 : i32
        %dma_start3A_303 = arith.constant 0 : i32
        %dma_start3A_304 = tpu.memref_slice %arg8[%dma_start3A_302, %dma_start3A_303] : memref<400x128xf32, #tpu.memory_space<vmem>> -> memref<50x128xf32, #tpu.memory_space<vmem>>
        tpu.enqueue_dma source(%dma_start3A_304 : memref<50x128xf32, #tpu.memory_space<vmem>>) target(%dma_start3A_301 : memref<50x128xf32, #tpu.memory_space<hbm>>) target_semaphore(%run_scoped3A_290 : memref<!tpu.dma_semaphore, #tpu.memory_space<semaphore_mem>>)
        %dma_wait3A_305 = arith.constant 50 : i32
        %dma_wait3A_306 = arith.constant 0 : i32
        %dma_wait3A_307 = tpu.memref_slice %arg8[%dma_wait3A_305, %dma_wait3A_306] : memref<400x128xf32, #tpu.memory_space<vmem>> -> memref<50x128xf32, #tpu.memory_space<vmem>>
        %dma_wait3A_308 = arith.constant 0 : i32
        %dma_wait3A_309 = arith.constant 0 : i32
        %dma_wait3A_310 = tpu.memref_slice %arg4[%add3A_224, %dma_wait3A_308, %dma_wait3A_309] : memref<16384x56x128xf32, #tpu.memory_space<hbm>> -> memref<1x50x128xf32, #tpu.memory_space<hbm>>
        %dma_wait3A_311 = tpu.memref_squeeze %dma_wait3A_310 : memref<1x50x128xf32, #tpu.memory_space<hbm>> -> memref<50x128xf32, #tpu.memory_space<hbm>>
        %dma_wait3A_312 = arith.constant 0 : i32
        %dma_wait3A_313 = arith.constant 0 : i32
        %dma_wait3A_314 = tpu.memref_slice %arg4[%add3A_224, %dma_wait3A_312, %dma_wait3A_313] : memref<16384x56x128xf32, #tpu.memory_space<hbm>> -> memref<1x50x128xf32, #tpu.memory_space<hbm>>
        %dma_wait3A_315 = tpu.memref_squeeze %dma_wait3A_314 : memref<1x50x128xf32, #tpu.memory_space<hbm>> -> memref<50x128xf32, #tpu.memory_space<hbm>>
        %dma_wait3A_316 = arith.constant 50 : i32
        %dma_wait3A_317 = arith.constant 0 : i32
        %dma_wait3A_318 = tpu.memref_slice %arg8[%dma_wait3A_316, %dma_wait3A_317] : memref<400x128xf32, #tpu.memory_space<vmem>> -> memref<50x128xf32, #tpu.memory_space<vmem>>
        tpu.wait_dma2 semaphore(%run_scoped3A_290 : memref<!tpu.dma_semaphore, #tpu.memory_space<semaphore_mem>>) src(%dma_wait3A_318 : memref<50x128xf32, #tpu.memory_space<vmem>>) dst(%dma_wait3A_315 : memref<50x128xf32, #tpu.memory_space<hbm>>)
        tpu.yield
      }) : () -> ()
      %add3A_225 = arith.constant 2 : i32
      %add3A_226 = arith.addi %add3A_220, %add3A_225 : i32
      "tpu.region"() ({
        %run_scoped3A_290 = tpu.sem_alloc : memref<!tpu.dma_semaphore, #tpu.memory_space<semaphore_mem>>
        %dma_start3A_291 = arith.constant 100 : i32
        %dma_start3A_292 = arith.constant 0 : i32
        %dma_start3A_293 = tpu.memref_slice %arg8[%dma_start3A_291, %dma_start3A_292] : memref<400x128xf32, #tpu.memory_space<vmem>> -> memref<50x128xf32, #tpu.memory_space<vmem>>
        %dma_start3A_294 = arith.constant 0 : i32
        %dma_start3A_295 = arith.constant 0 : i32
        %dma_start3A_296 = tpu.memref_slice %arg4[%add3A_226, %dma_start3A_294, %dma_start3A_295] : memref<16384x56x128xf32, #tpu.memory_space<hbm>> -> memref<1x50x128xf32, #tpu.memory_space<hbm>>
        %dma_start3A_297 = tpu.memref_squeeze %dma_start3A_296 : memref<1x50x128xf32, #tpu.memory_space<hbm>> -> memref<50x128xf32, #tpu.memory_space<hbm>>
        %dma_start3A_298 = arith.constant 0 : i32
        %dma_start3A_299 = arith.constant 0 : i32
        %dma_start3A_300 = tpu.memref_slice %arg4[%add3A_226, %dma_start3A_298, %dma_start3A_299] : memref<16384x56x128xf32, #tpu.memory_space<hbm>> -> memref<1x50x128xf32, #tpu.memory_space<hbm>>
        %dma_start3A_301 = tpu.memref_squeeze %dma_start3A_300 : memref<1x50x128xf32, #tpu.memory_space<hbm>> -> memref<50x128xf32, #tpu.memory_space<hbm>>
        %dma_start3A_302 = arith.constant 100 : i32
        %dma_start3A_303 = arith.constant 0 : i32
        %dma_start3A_304 = tpu.memref_slice %arg8[%dma_start3A_302, %dma_start3A_303] : memref<400x128xf32, #tpu.memory_space<vmem>> -> memref<50x128xf32, #tpu.memory_space<vmem>>
        tpu.enqueue_dma source(%dma_start3A_304 : memref<50x128xf32, #tpu.memory_space<vmem>>) target(%dma_start3A_301 : memref<50x128xf32, #tpu.memory_space<hbm>>) target_semaphore(%run_scoped3A_290 : memref<!tpu.dma_semaphore, #tpu.memory_space<semaphore_mem>>)
        %dma_wait3A_305 = arith.constant 100 : i32
        %dma_wait3A_306 = arith.constant 0 : i32
        %dma_wait3A_307 = tpu.memref_slice %arg8[%dma_wait3A_305, %dma_wait3A_306] : memref<400x128xf32, #tpu.memory_space<vmem>> -> memref<50x128xf32, #tpu.memory_space<vmem>>
        %dma_wait3A_308 = arith.constant 0 : i32
        %dma_wait3A_309 = arith.constant 0 : i32
        %dma_wait3A_310 = tpu.memref_slice %arg4[%add3A_226, %dma_wait3A_308, %dma_wait3A_309] : memref<16384x56x128xf32, #tpu.memory_space<hbm>> -> memref<1x50x128xf32, #tpu.memory_space<hbm>>
        %dma_wait3A_311 = tpu.memref_squeeze %dma_wait3A_310 : memref<1x50x128xf32, #tpu.memory_space<hbm>> -> memref<50x128xf32, #tpu.memory_space<hbm>>
        %dma_wait3A_312 = arith.constant 0 : i32
        %dma_wait3A_313 = arith.constant 0 : i32
        %dma_wait3A_314 = tpu.memref_slice %arg4[%add3A_226, %dma_wait3A_312, %dma_wait3A_313] : memref<16384x56x128xf32, #tpu.memory_space<hbm>> -> memref<1x50x128xf32, #tpu.memory_space<hbm>>
        %dma_wait3A_315 = tpu.memref_squeeze %dma_wait3A_314 : memref<1x50x128xf32, #tpu.memory_space<hbm>> -> memref<50x128xf32, #tpu.memory_space<hbm>>
        %dma_wait3A_316 = arith.constant 100 : i32
        %dma_wait3A_317 = arith.constant 0 : i32
        %dma_wait3A_318 = tpu.memref_slice %arg8[%dma_wait3A_316, %dma_wait3A_317] : memref<400x128xf32, #tpu.memory_space<vmem>> -> memref<50x128xf32, #tpu.memory_space<vmem>>
        tpu.wait_dma2 semaphore(%run_scoped3A_290 : memref<!tpu.dma_semaphore, #tpu.memory_space<semaphore_mem>>) src(%dma_wait3A_318 : memref<50x128xf32, #tpu.memory_space<vmem>>) dst(%dma_wait3A_315 : memref<50x128xf32, #tpu.memory_space<hbm>>)
        tpu.yield
      }) : () -> ()
      %add3A_227 = arith.constant 3 : i32
      %add3A_228 = arith.addi %add3A_220, %add3A_227 : i32
      "tpu.region"() ({
        %run_scoped3A_290 = tpu.sem_alloc : memref<!tpu.dma_semaphore, #tpu.memory_space<semaphore_mem>>
        %dma_start3A_291 = arith.constant 150 : i32
        %dma_start3A_292 = arith.constant 0 : i32
        %dma_start3A_293 = tpu.memref_slice %arg8[%dma_start3A_291, %dma_start3A_292] : memref<400x128xf32, #tpu.memory_space<vmem>> -> memref<50x128xf32, #tpu.memory_space<vmem>>
        %dma_start3A_294 = arith.constant 0 : i32
        %dma_start3A_295 = arith.constant 0 : i32
        %dma_start3A_296 = tpu.memref_slice %arg4[%add3A_228, %dma_start3A_294, %dma_start3A_295] : memref<16384x56x128xf32, #tpu.memory_space<hbm>> -> memref<1x50x128xf32, #tpu.memory_space<hbm>>
        %dma_start3A_297 = tpu.memref_squeeze %dma_start3A_296 : memref<1x50x128xf32, #tpu.memory_space<hbm>> -> memref<50x128xf32, #tpu.memory_space<hbm>>
        %dma_start3A_298 = arith.constant 0 : i32
        %dma_start3A_299 = arith.constant 0 : i32
        %dma_start3A_300 = tpu.memref_slice %arg4[%add3A_228, %dma_start3A_298, %dma_start3A_299] : memref<16384x56x128xf32, #tpu.memory_space<hbm>> -> memref<1x50x128xf32, #tpu.memory_space<hbm>>
        %dma_start3A_301 = tpu.memref_squeeze %dma_start3A_300 : memref<1x50x128xf32, #tpu.memory_space<hbm>> -> memref<50x128xf32, #tpu.memory_space<hbm>>
        %dma_start3A_302 = arith.constant 150 : i32
        %dma_start3A_303 = arith.constant 0 : i32
        %dma_start3A_304 = tpu.memref_slice %arg8[%dma_start3A_302, %dma_start3A_303] : memref<400x128xf32, #tpu.memory_space<vmem>> -> memref<50x128xf32, #tpu.memory_space<vmem>>
        tpu.enqueue_dma source(%dma_start3A_304 : memref<50x128xf32, #tpu.memory_space<vmem>>) target(%dma_start3A_301 : memref<50x128xf32, #tpu.memory_space<hbm>>) target_semaphore(%run_scoped3A_290 : memref<!tpu.dma_semaphore, #tpu.memory_space<semaphore_mem>>)
        %dma_wait3A_305 = arith.constant 150 : i32
        %dma_wait3A_306 = arith.constant 0 : i32
        %dma_wait3A_307 = tpu.memref_slice %arg8[%dma_wait3A_305, %dma_wait3A_306] : memref<400x128xf32, #tpu.memory_space<vmem>> -> memref<50x128xf32, #tpu.memory_space<vmem>>
        %dma_wait3A_308 = arith.constant 0 : i32
        %dma_wait3A_309 = arith.constant 0 : i32
        %dma_wait3A_310 = tpu.memref_slice %arg4[%add3A_228, %dma_wait3A_308, %dma_wait3A_309] : memref<16384x56x128xf32, #tpu.memory_space<hbm>> -> memref<1x50x128xf32, #tpu.memory_space<hbm>>
        %dma_wait3A_311 = tpu.memref_squeeze %dma_wait3A_310 : memref<1x50x128xf32, #tpu.memory_space<hbm>> -> memref<50x128xf32, #tpu.memory_space<hbm>>
        %dma_wait3A_312 = arith.constant 0 : i32
        %dma_wait3A_313 = arith.constant 0 : i32
        %dma_wait3A_314 = tpu.memref_slice %arg4[%add3A_228, %dma_wait3A_312, %dma_wait3A_313] : memref<16384x56x128xf32, #tpu.memory_space<hbm>> -> memref<1x50x128xf32, #tpu.memory_space<hbm>>
        %dma_wait3A_315 = tpu.memref_squeeze %dma_wait3A_314 : memref<1x50x128xf32, #tpu.memory_space<hbm>> -> memref<50x128xf32, #tpu.memory_space<hbm>>
        %dma_wait3A_316 = arith.constant 150 : i32
        %dma_wait3A_317 = arith.constant 0 : i32
        %dma_wait3A_318 = tpu.memref_slice %arg8[%dma_wait3A_316, %dma_wait3A_317] : memref<400x128xf32, #tpu.memory_space<vmem>> -> memref<50x128xf32, #tpu.memory_space<vmem>>
        tpu.wait_dma2 semaphore(%run_scoped3A_290 : memref<!tpu.dma_semaphore, #tpu.memory_space<semaphore_mem>>) src(%dma_wait3A_318 : memref<50x128xf32, #tpu.memory_space<vmem>>) dst(%dma_wait3A_315 : memref<50x128xf32, #tpu.memory_space<hbm>>)
        tpu.yield
      }) : () -> ()
      %add3A_229 = arith.constant 4 : i32
      %add3A_230 = arith.addi %add3A_220, %add3A_229 : i32
      "tpu.region"() ({
        %run_scoped3A_290 = tpu.sem_alloc : memref<!tpu.dma_semaphore, #tpu.memory_space<semaphore_mem>>
        %dma_start3A_291 = arith.constant 200 : i32
        %dma_start3A_292 = arith.constant 0 : i32
        %dma_start3A_293 = tpu.memref_slice %arg8[%dma_start3A_291, %dma_start3A_292] : memref<400x128xf32, #tpu.memory_space<vmem>> -> memref<50x128xf32, #tpu.memory_space<vmem>>
        %dma_start3A_294 = arith.constant 0 : i32
        %dma_start3A_295 = arith.constant 0 : i32
        %dma_start3A_296 = tpu.memref_slice %arg4[%add3A_230, %dma_start3A_294, %dma_start3A_295] : memref<16384x56x128xf32, #tpu.memory_space<hbm>> -> memref<1x50x128xf32, #tpu.memory_space<hbm>>
        %dma_start3A_297 = tpu.memref_squeeze %dma_start3A_296 : memref<1x50x128xf32, #tpu.memory_space<hbm>> -> memref<50x128xf32, #tpu.memory_space<hbm>>
        %dma_start3A_298 = arith.constant 0 : i32
        %dma_start3A_299 = arith.constant 0 : i32
        %dma_start3A_300 = tpu.memref_slice %arg4[%add3A_230, %dma_start3A_298, %dma_start3A_299] : memref<16384x56x128xf32, #tpu.memory_space<hbm>> -> memref<1x50x128xf32, #tpu.memory_space<hbm>>
        %dma_start3A_301 = tpu.memref_squeeze %dma_start3A_300 : memref<1x50x128xf32, #tpu.memory_space<hbm>> -> memref<50x128xf32, #tpu.memory_space<hbm>>
        %dma_start3A_302 = arith.constant 200 : i32
        %dma_start3A_303 = arith.constant 0 : i32
        %dma_start3A_304 = tpu.memref_slice %arg8[%dma_start3A_302, %dma_start3A_303] : memref<400x128xf32, #tpu.memory_space<vmem>> -> memref<50x128xf32, #tpu.memory_space<vmem>>
        tpu.enqueue_dma source(%dma_start3A_304 : memref<50x128xf32, #tpu.memory_space<vmem>>) target(%dma_start3A_301 : memref<50x128xf32, #tpu.memory_space<hbm>>) target_semaphore(%run_scoped3A_290 : memref<!tpu.dma_semaphore, #tpu.memory_space<semaphore_mem>>)
        %dma_wait3A_305 = arith.constant 200 : i32
        %dma_wait3A_306 = arith.constant 0 : i32
        %dma_wait3A_307 = tpu.memref_slice %arg8[%dma_wait3A_305, %dma_wait3A_306] : memref<400x128xf32, #tpu.memory_space<vmem>> -> memref<50x128xf32, #tpu.memory_space<vmem>>
        %dma_wait3A_308 = arith.constant 0 : i32
        %dma_wait3A_309 = arith.constant 0 : i32
        %dma_wait3A_310 = tpu.memref_slice %arg4[%add3A_230, %dma_wait3A_308, %dma_wait3A_309] : memref<16384x56x128xf32, #tpu.memory_space<hbm>> -> memref<1x50x128xf32, #tpu.memory_space<hbm>>
        %dma_wait3A_311 = tpu.memref_squeeze %dma_wait3A_310 : memref<1x50x128xf32, #tpu.memory_space<hbm>> -> memref<50x128xf32, #tpu.memory_space<hbm>>
        %dma_wait3A_312 = arith.constant 0 : i32
        %dma_wait3A_313 = arith.constant 0 : i32
        %dma_wait3A_314 = tpu.memref_slice %arg4[%add3A_230, %dma_wait3A_312, %dma_wait3A_313] : memref<16384x56x128xf32, #tpu.memory_space<hbm>> -> memref<1x50x128xf32, #tpu.memory_space<hbm>>
        %dma_wait3A_315 = tpu.memref_squeeze %dma_wait3A_314 : memref<1x50x128xf32, #tpu.memory_space<hbm>> -> memref<50x128xf32, #tpu.memory_space<hbm>>
        %dma_wait3A_316 = arith.constant 200 : i32
        %dma_wait3A_317 = arith.constant 0 : i32
        %dma_wait3A_318 = tpu.memref_slice %arg8[%dma_wait3A_316, %dma_wait3A_317] : memref<400x128xf32, #tpu.memory_space<vmem>> -> memref<50x128xf32, #tpu.memory_space<vmem>>
        tpu.wait_dma2 semaphore(%run_scoped3A_290 : memref<!tpu.dma_semaphore, #tpu.memory_space<semaphore_mem>>) src(%dma_wait3A_318 : memref<50x128xf32, #tpu.memory_space<vmem>>) dst(%dma_wait3A_315 : memref<50x128xf32, #tpu.memory_space<hbm>>)
        tpu.yield
      }) : () -> ()
      %add3A_231 = arith.constant 5 : i32
      %add3A_232 = arith.addi %add3A_220, %add3A_231 : i32
      "tpu.region"() ({
        %run_scoped3A_290 = tpu.sem_alloc : memref<!tpu.dma_semaphore, #tpu.memory_space<semaphore_mem>>
        %dma_start3A_291 = arith.constant 250 : i32
        %dma_start3A_292 = arith.constant 0 : i32
        %dma_start3A_293 = tpu.memref_slice %arg8[%dma_start3A_291, %dma_start3A_292] : memref<400x128xf32, #tpu.memory_space<vmem>> -> memref<50x128xf32, #tpu.memory_space<vmem>>
        %dma_start3A_294 = arith.constant 0 : i32
        %dma_start3A_295 = arith.constant 0 : i32
        %dma_start3A_296 = tpu.memref_slice %arg4[%add3A_232, %dma_start3A_294, %dma_start3A_295] : memref<16384x56x128xf32, #tpu.memory_space<hbm>> -> memref<1x50x128xf32, #tpu.memory_space<hbm>>
        %dma_start3A_297 = tpu.memref_squeeze %dma_start3A_296 : memref<1x50x128xf32, #tpu.memory_space<hbm>> -> memref<50x128xf32, #tpu.memory_space<hbm>>
        %dma_start3A_298 = arith.constant 0 : i32
        %dma_start3A_299 = arith.constant 0 : i32
        %dma_start3A_300 = tpu.memref_slice %arg4[%add3A_232, %dma_start3A_298, %dma_start3A_299] : memref<16384x56x128xf32, #tpu.memory_space<hbm>> -> memref<1x50x128xf32, #tpu.memory_space<hbm>>
        %dma_start3A_301 = tpu.memref_squeeze %dma_start3A_300 : memref<1x50x128xf32, #tpu.memory_space<hbm>> -> memref<50x128xf32, #tpu.memory_space<hbm>>
        %dma_start3A_302 = arith.constant 250 : i32
        %dma_start3A_303 = arith.constant 0 : i32
        %dma_start3A_304 = tpu.memref_slice %arg8[%dma_start3A_302, %dma_start3A_303] : memref<400x128xf32, #tpu.memory_space<vmem>> -> memref<50x128xf32, #tpu.memory_space<vmem>>
        tpu.enqueue_dma source(%dma_start3A_304 : memref<50x128xf32, #tpu.memory_space<vmem>>) target(%dma_start3A_301 : memref<50x128xf32, #tpu.memory_space<hbm>>) target_semaphore(%run_scoped3A_290 : memref<!tpu.dma_semaphore, #tpu.memory_space<semaphore_mem>>)
        %dma_wait3A_305 = arith.constant 250 : i32
        %dma_wait3A_306 = arith.constant 0 : i32
        %dma_wait3A_307 = tpu.memref_slice %arg8[%dma_wait3A_305, %dma_wait3A_306] : memref<400x128xf32, #tpu.memory_space<vmem>> -> memref<50x128xf32, #tpu.memory_space<vmem>>
        %dma_wait3A_308 = arith.constant 0 : i32
        %dma_wait3A_309 = arith.constant 0 : i32
        %dma_wait3A_310 = tpu.memref_slice %arg4[%add3A_232, %dma_wait3A_308, %dma_wait3A_309] : memref<16384x56x128xf32, #tpu.memory_space<hbm>> -> memref<1x50x128xf32, #tpu.memory_space<hbm>>
        %dma_wait3A_311 = tpu.memref_squeeze %dma_wait3A_310 : memref<1x50x128xf32, #tpu.memory_space<hbm>> -> memref<50x128xf32, #tpu.memory_space<hbm>>
        %dma_wait3A_312 = arith.constant 0 : i32
        %dma_wait3A_313 = arith.constant 0 : i32
        %dma_wait3A_314 = tpu.memref_slice %arg4[%add3A_232, %dma_wait3A_312, %dma_wait3A_313] : memref<16384x56x128xf32, #tpu.memory_space<hbm>> -> memref<1x50x128xf32, #tpu.memory_space<hbm>>
        %dma_wait3A_315 = tpu.memref_squeeze %dma_wait3A_314 : memref<1x50x128xf32, #tpu.memory_space<hbm>> -> memref<50x128xf32, #tpu.memory_space<hbm>>
        %dma_wait3A_316 = arith.constant 250 : i32
        %dma_wait3A_317 = arith.constant 0 : i32
        %dma_wait3A_318 = tpu.memref_slice %arg8[%dma_wait3A_316, %dma_wait3A_317] : memref<400x128xf32, #tpu.memory_space<vmem>> -> memref<50x128xf32, #tpu.memory_space<vmem>>
        tpu.wait_dma2 semaphore(%run_scoped3A_290 : memref<!tpu.dma_semaphore, #tpu.memory_space<semaphore_mem>>) src(%dma_wait3A_318 : memref<50x128xf32, #tpu.memory_space<vmem>>) dst(%dma_wait3A_315 : memref<50x128xf32, #tpu.memory_space<hbm>>)
        tpu.yield
      }) : () -> ()
      %add3A_233 = arith.constant 6 : i32
      %add3A_234 = arith.addi %add3A_220, %add3A_233 : i32
      "tpu.region"() ({
        %run_scoped3A_290 = tpu.sem_alloc : memref<!tpu.dma_semaphore, #tpu.memory_space<semaphore_mem>>
        %dma_start3A_291 = arith.constant 300 : i32
        %dma_start3A_292 = arith.constant 0 : i32
        %dma_start3A_293 = tpu.memref_slice %arg8[%dma_start3A_291, %dma_start3A_292] : memref<400x128xf32, #tpu.memory_space<vmem>> -> memref<50x128xf32, #tpu.memory_space<vmem>>
        %dma_start3A_294 = arith.constant 0 : i32
        %dma_start3A_295 = arith.constant 0 : i32
        %dma_start3A_296 = tpu.memref_slice %arg4[%add3A_234, %dma_start3A_294, %dma_start3A_295] : memref<16384x56x128xf32, #tpu.memory_space<hbm>> -> memref<1x50x128xf32, #tpu.memory_space<hbm>>
        %dma_start3A_297 = tpu.memref_squeeze %dma_start3A_296 : memref<1x50x128xf32, #tpu.memory_space<hbm>> -> memref<50x128xf32, #tpu.memory_space<hbm>>
        %dma_start3A_298 = arith.constant 0 : i32
        %dma_start3A_299 = arith.constant 0 : i32
        %dma_start3A_300 = tpu.memref_slice %arg4[%add3A_234, %dma_start3A_298, %dma_start3A_299] : memref<16384x56x128xf32, #tpu.memory_space<hbm>> -> memref<1x50x128xf32, #tpu.memory_space<hbm>>
        %dma_start3A_301 = tpu.memref_squeeze %dma_start3A_300 : memref<1x50x128xf32, #tpu.memory_space<hbm>> -> memref<50x128xf32, #tpu.memory_space<hbm>>
        %dma_start3A_302 = arith.constant 300 : i32
        %dma_start3A_303 = arith.constant 0 : i32
        %dma_start3A_304 = tpu.memref_slice %arg8[%dma_start3A_302, %dma_start3A_303] : memref<400x128xf32, #tpu.memory_space<vmem>> -> memref<50x128xf32, #tpu.memory_space<vmem>>
        tpu.enqueue_dma source(%dma_start3A_304 : memref<50x128xf32, #tpu.memory_space<vmem>>) target(%dma_start3A_301 : memref<50x128xf32, #tpu.memory_space<hbm>>) target_semaphore(%run_scoped3A_290 : memref<!tpu.dma_semaphore, #tpu.memory_space<semaphore_mem>>)
        %dma_wait3A_305 = arith.constant 300 : i32
        %dma_wait3A_306 = arith.constant 0 : i32
        %dma_wait3A_307 = tpu.memref_slice %arg8[%dma_wait3A_305, %dma_wait3A_306] : memref<400x128xf32, #tpu.memory_space<vmem>> -> memref<50x128xf32, #tpu.memory_space<vmem>>
        %dma_wait3A_308 = arith.constant 0 : i32
        %dma_wait3A_309 = arith.constant 0 : i32
        %dma_wait3A_310 = tpu.memref_slice %arg4[%add3A_234, %dma_wait3A_308, %dma_wait3A_309] : memref<16384x56x128xf32, #tpu.memory_space<hbm>> -> memref<1x50x128xf32, #tpu.memory_space<hbm>>
        %dma_wait3A_311 = tpu.memref_squeeze %dma_wait3A_310 : memref<1x50x128xf32, #tpu.memory_space<hbm>> -> memref<50x128xf32, #tpu.memory_space<hbm>>
        %dma_wait3A_312 = arith.constant 0 : i32
        %dma_wait3A_313 = arith.constant 0 : i32
        %dma_wait3A_314 = tpu.memref_slice %arg4[%add3A_234, %dma_wait3A_312, %dma_wait3A_313] : memref<16384x56x128xf32, #tpu.memory_space<hbm>> -> memref<1x50x128xf32, #tpu.memory_space<hbm>>
        %dma_wait3A_315 = tpu.memref_squeeze %dma_wait3A_314 : memref<1x50x128xf32, #tpu.memory_space<hbm>> -> memref<50x128xf32, #tpu.memory_space<hbm>>
        %dma_wait3A_316 = arith.constant 300 : i32
        %dma_wait3A_317 = arith.constant 0 : i32
        %dma_wait3A_318 = tpu.memref_slice %arg8[%dma_wait3A_316, %dma_wait3A_317] : memref<400x128xf32, #tpu.memory_space<vmem>> -> memref<50x128xf32, #tpu.memory_space<vmem>>
        tpu.wait_dma2 semaphore(%run_scoped3A_290 : memref<!tpu.dma_semaphore, #tpu.memory_space<semaphore_mem>>) src(%dma_wait3A_318 : memref<50x128xf32, #tpu.memory_space<vmem>>) dst(%dma_wait3A_315 : memref<50x128xf32, #tpu.memory_space<hbm>>)
        tpu.yield
      }) : () -> ()
      %add3A_235 = arith.constant 7 : i32
      %add3A_236 = arith.addi %add3A_220, %add3A_235 : i32
      "tpu.region"() ({
        %run_scoped3A_290 = tpu.sem_alloc : memref<!tpu.dma_semaphore, #tpu.memory_space<semaphore_mem>>
        %dma_start3A_291 = arith.constant 350 : i32
        %dma_start3A_292 = arith.constant 0 : i32
        %dma_start3A_293 = tpu.memref_slice %arg8[%dma_start3A_291, %dma_start3A_292] : memref<400x128xf32, #tpu.memory_space<vmem>> -> memref<50x128xf32, #tpu.memory_space<vmem>>
        %dma_start3A_294 = arith.constant 0 : i32
        %dma_start3A_295 = arith.constant 0 : i32
        %dma_start3A_296 = tpu.memref_slice %arg4[%add3A_236, %dma_start3A_294, %dma_start3A_295] : memref<16384x56x128xf32, #tpu.memory_space<hbm>> -> memref<1x50x128xf32, #tpu.memory_space<hbm>>
        %dma_start3A_297 = tpu.memref_squeeze %dma_start3A_296 : memref<1x50x128xf32, #tpu.memory_space<hbm>> -> memref<50x128xf32, #tpu.memory_space<hbm>>
        %dma_start3A_298 = arith.constant 0 : i32
        %dma_start3A_299 = arith.constant 0 : i32
        %dma_start3A_300 = tpu.memref_slice %arg4[%add3A_236, %dma_start3A_298, %dma_start3A_299] : memref<16384x56x128xf32, #tpu.memory_space<hbm>> -> memref<1x50x128xf32, #tpu.memory_space<hbm>>
        %dma_start3A_301 = tpu.memref_squeeze %dma_start3A_300 : memref<1x50x128xf32, #tpu.memory_space<hbm>> -> memref<50x128xf32, #tpu.memory_space<hbm>>
        %dma_start3A_302 = arith.constant 350 : i32
        %dma_start3A_303 = arith.constant 0 : i32
        %dma_start3A_304 = tpu.memref_slice %arg8[%dma_start3A_302, %dma_start3A_303] : memref<400x128xf32, #tpu.memory_space<vmem>> -> memref<50x128xf32, #tpu.memory_space<vmem>>
        tpu.enqueue_dma source(%dma_start3A_304 : memref<50x128xf32, #tpu.memory_space<vmem>>) target(%dma_start3A_301 : memref<50x128xf32, #tpu.memory_space<hbm>>) target_semaphore(%run_scoped3A_290 : memref<!tpu.dma_semaphore, #tpu.memory_space<semaphore_mem>>)
        %dma_wait3A_305 = arith.constant 350 : i32
        %dma_wait3A_306 = arith.constant 0 : i32
        %dma_wait3A_307 = tpu.memref_slice %arg8[%dma_wait3A_305, %dma_wait3A_306] : memref<400x128xf32, #tpu.memory_space<vmem>> -> memref<50x128xf32, #tpu.memory_space<vmem>>
        %dma_wait3A_308 = arith.constant 0 : i32
        %dma_wait3A_309 = arith.constant 0 : i32
        %dma_wait3A_310 = tpu.memref_slice %arg4[%add3A_236, %dma_wait3A_308, %dma_wait3A_309] : memref<16384x56x128xf32, #tpu.memory_space<hbm>> -> memref<1x50x128xf32, #tpu.memory_space<hbm>>
        %dma_wait3A_311 = tpu.memref_squeeze %dma_wait3A_310 : memref<1x50x128xf32, #tpu.memory_space<hbm>> -> memref<50x128xf32, #tpu.memory_space<hbm>>
        %dma_wait3A_312 = arith.constant 0 : i32
        %dma_wait3A_313 = arith.constant 0 : i32
        %dma_wait3A_314 = tpu.memref_slice %arg4[%add3A_236, %dma_wait3A_312, %dma_wait3A_313] : memref<16384x56x128xf32, #tpu.memory_space<hbm>> -> memref<1x50x128xf32, #tpu.memory_space<hbm>>
        %dma_wait3A_315 = tpu.memref_squeeze %dma_wait3A_314 : memref<1x50x128xf32, #tpu.memory_space<hbm>> -> memref<50x128xf32, #tpu.memory_space<hbm>>
        %dma_wait3A_316 = arith.constant 350 : i32
        %dma_wait3A_317 = arith.constant 0 : i32
        %dma_wait3A_318 = tpu.memref_slice %arg8[%dma_wait3A_316, %dma_wait3A_317] : memref<400x128xf32, #tpu.memory_space<vmem>> -> memref<50x128xf32, #tpu.memory_space<vmem>>
        tpu.wait_dma2 semaphore(%run_scoped3A_290 : memref<!tpu.dma_semaphore, #tpu.memory_space<semaphore_mem>>) src(%dma_wait3A_318 : memref<50x128xf32, #tpu.memory_space<vmem>>) dst(%dma_wait3A_315 : memref<50x128xf32, #tpu.memory_space<hbm>>)
        tpu.yield
      }) : () -> ()
      %mul3A_237 = arith.constant 2 : i32
      %mul3A_238 = arith.muli %mul3A_237, %scan3A_199 : i32
      %add3A_239 = arith.constant 2 : i32
      %add3A_240 = arith.addi %mul3A_238, %add3A_239 : i32
      %jit3A_241 = arith.constant 16 : i32
      %eq3A = arith.constant 0 : i32
      %eq3A_242 = arith.cmpi eq, %jit3A_241, %eq3A : i32
      %jit3A_243 = arith.constant 1 : i32
      %select_n3A_244 = arith.select %eq3A_242, %jit3A_243, %jit3A_241 : i32
      %rem3A_245 = arith.remsi %add3A_240, %select_n3A_244 : i32
      %ne3A_246 = arith.constant 0 : i32
      %ne3A_247 = arith.cmpi ne, %rem3A_245, %ne3A_246 : i32
      %lt3A = arith.constant 0 : i32
      %lt3A_248 = arith.cmpi slt, %rem3A_245, %lt3A : i32
      %lt3A_249 = arith.constant 0 : i32
      %lt3A_250 = arith.cmpi slt, %select_n3A_244, %lt3A_249 : i32
      %ne3A_251 = arith.xori %lt3A_248, %lt3A_250 : i1
      %and3A_252 = arith.andi %ne3A_251, %ne3A_247 : i1
      %add3A_253 = arith.addi %rem3A_245, %select_n3A_244 : i32
      %select_n3A_254 = arith.select %and3A_252, %add3A_253, %rem3A_245 : i32
      %mul3A_255 = arith.constant 400 : i32
      %mul3A_256 = arith.muli %select_n3A_254, %mul3A_255 : i32
      %dma_start3A_257 = tpu.memref_slice %arg7[%mul3A_256] : memref<6400xi32, #tpu.memory_space<vmem>> -> memref<400xi32, #tpu.memory_space<vmem>>
      %dma_start3A_258 = arith.constant 0 : i32
      %dma_start3A_259 = arith.constant 0 : i32
      %dma_start3A_260 = tpu.memref_slice %arg2[%dma_start3A_258, %dma_start3A_259] : memref<200000x128xf32, #tpu.memory_space<hbm>> -> memref<200000x128xf32, #tpu.memory_space<hbm>>
      tpu.enqueue_indirect_dma source(%dma_start3A_260 : memref<200000x128xf32, #tpu.memory_space<hbm>>) target(%arg8 : memref<400x128xf32, #tpu.memory_space<vmem>>) offsets(%dma_start3A_257 : memref<400xi32, #tpu.memory_space<vmem>>) semaphore(%arg10 : memref<!tpu.dma_semaphore, #tpu.memory_space<semaphore_mem>>)
      %dma_wait3A_261 = arith.constant 0 : i32
      %dma_wait3A_262 = tpu.memref_slice %arg7[%dma_wait3A_261] : memref<6400xi32, #tpu.memory_space<vmem>> -> memref<400xi32, #tpu.memory_space<vmem>>
      %dma_wait3A_263 = arith.constant 0 : i32
      %dma_wait3A_264 = arith.constant 0 : i32
      %dma_wait3A_265 = tpu.memref_slice %arg2[%dma_wait3A_263, %dma_wait3A_264] : memref<200000x128xf32, #tpu.memory_space<hbm>> -> memref<200000x128xf32, #tpu.memory_space<hbm>>
      tpu.wait_indirect_dma semaphore(%arg11 : memref<!tpu.dma_semaphore, #tpu.memory_space<semaphore_mem>>) src(%dma_wait3A_265 : memref<200000x128xf32, #tpu.memory_space<hbm>>) dst(%arg9 : memref<400x128xf32, #tpu.memory_space<vmem>>)
      %mul3A_266 = arith.constant 2 : i32
      %mul3A_267 = arith.muli %mul3A_266, %scan3A_199 : i32
      %add3A_268 = arith.constant 1 : i32
      %add3A_269 = arith.addi %mul3A_267, %add3A_268 : i32
      %mul3A_270 = arith.constant 8 : i32
      %mul3A_271 = arith.muli %add3A_269, %mul3A_270 : i32
      %add3A_272 = arith.addi %select_n3A, %mul3A_271 : i32
      %add3A_273 = arith.constant 0 : i32
      %add3A_274 = arith.addi %add3A_272, %add3A_273 : i32
      "tpu.region"() ({
        %run_scoped3A_290 = tpu.sem_alloc : memref<!tpu.dma_semaphore, #tpu.memory_space<semaphore_mem>>
        %dma_start3A_291 = arith.constant 0 : i32
        %dma_start3A_292 = arith.constant 0 : i32
        %dma_start3A_293 = tpu.memref_slice %arg9[%dma_start3A_291, %dma_start3A_292] : memref<400x128xf32, #tpu.memory_space<vmem>> -> memref<50x128xf32, #tpu.memory_space<vmem>>
        %dma_start3A_294 = arith.constant 0 : i32
        %dma_start3A_295 = arith.constant 0 : i32
        %dma_start3A_296 = tpu.memref_slice %arg4[%add3A_274, %dma_start3A_294, %dma_start3A_295] : memref<16384x56x128xf32, #tpu.memory_space<hbm>> -> memref<1x50x128xf32, #tpu.memory_space<hbm>>
        %dma_start3A_297 = tpu.memref_squeeze %dma_start3A_296 : memref<1x50x128xf32, #tpu.memory_space<hbm>> -> memref<50x128xf32, #tpu.memory_space<hbm>>
        %dma_start3A_298 = arith.constant 0 : i32
        %dma_start3A_299 = arith.constant 0 : i32
        %dma_start3A_300 = tpu.memref_slice %arg4[%add3A_274, %dma_start3A_298, %dma_start3A_299] : memref<16384x56x128xf32, #tpu.memory_space<hbm>> -> memref<1x50x128xf32, #tpu.memory_space<hbm>>
        %dma_start3A_301 = tpu.memref_squeeze %dma_start3A_300 : memref<1x50x128xf32, #tpu.memory_space<hbm>> -> memref<50x128xf32, #tpu.memory_space<hbm>>
        %dma_start3A_302 = arith.constant 0 : i32
        %dma_start3A_303 = arith.constant 0 : i32
        %dma_start3A_304 = tpu.memref_slice %arg9[%dma_start3A_302, %dma_start3A_303] : memref<400x128xf32, #tpu.memory_space<vmem>> -> memref<50x128xf32, #tpu.memory_space<vmem>>
        tpu.enqueue_dma source(%dma_start3A_304 : memref<50x128xf32, #tpu.memory_space<vmem>>) target(%dma_start3A_301 : memref<50x128xf32, #tpu.memory_space<hbm>>) target_semaphore(%run_scoped3A_290 : memref<!tpu.dma_semaphore, #tpu.memory_space<semaphore_mem>>)
        %dma_wait3A_305 = arith.constant 0 : i32
        %dma_wait3A_306 = arith.constant 0 : i32
        %dma_wait3A_307 = tpu.memref_slice %arg9[%dma_wait3A_305, %dma_wait3A_306] : memref<400x128xf32, #tpu.memory_space<vmem>> -> memref<50x128xf32, #tpu.memory_space<vmem>>
        %dma_wait3A_308 = arith.constant 0 : i32
        %dma_wait3A_309 = arith.constant 0 : i32
        %dma_wait3A_310 = tpu.memref_slice %arg4[%add3A_274, %dma_wait3A_308, %dma_wait3A_309] : memref<16384x56x128xf32, #tpu.memory_space<hbm>> -> memref<1x50x128xf32, #tpu.memory_space<hbm>>
        %dma_wait3A_311 = tpu.memref_squeeze %dma_wait3A_310 : memref<1x50x128xf32, #tpu.memory_space<hbm>> -> memref<50x128xf32, #tpu.memory_space<hbm>>
        %dma_wait3A_312 = arith.constant 0 : i32
        %dma_wait3A_313 = arith.constant 0 : i32
        %dma_wait3A_314 = tpu.memref_slice %arg4[%add3A_274, %dma_wait3A_312, %dma_wait3A_313] : memref<16384x56x128xf32, #tpu.memory_space<hbm>> -> memref<1x50x128xf32, #tpu.memory_space<hbm>>
        %dma_wait3A_315 = tpu.memref_squeeze %dma_wait3A_314 : memref<1x50x128xf32, #tpu.memory_space<hbm>> -> memref<50x128xf32, #tpu.memory_space<hbm>>
        %dma_wait3A_316 = arith.constant 0 : i32
        %dma_wait3A_317 = arith.constant 0 : i32
        %dma_wait3A_318 = tpu.memref_slice %arg9[%dma_wait3A_316, %dma_wait3A_317] : memref<400x128xf32, #tpu.memory_space<vmem>> -> memref<50x128xf32, #tpu.memory_space<vmem>>
        tpu.wait_dma2 semaphore(%run_scoped3A_290 : memref<!tpu.dma_semaphore, #tpu.memory_space<semaphore_mem>>) src(%dma_wait3A_318 : memref<50x128xf32, #tpu.memory_space<vmem>>) dst(%dma_wait3A_315 : memref<50x128xf32, #tpu.memory_space<hbm>>)
        tpu.yield
      }) : () -> ()
      %add3A_275 = arith.constant 1 : i32
      %add3A_276 = arith.addi %add3A_272, %add3A_275 : i32
      "tpu.region"() ({
        %run_scoped3A_290 = tpu.sem_alloc : memref<!tpu.dma_semaphore, #tpu.memory_space<semaphore_mem>>
        %dma_start3A_291 = arith.constant 50 : i32
        %dma_start3A_292 = arith.constant 0 : i32
        %dma_start3A_293 = tpu.memref_slice %arg9[%dma_start3A_291, %dma_start3A_292] : memref<400x128xf32, #tpu.memory_space<vmem>> -> memref<50x128xf32, #tpu.memory_space<vmem>>
        %dma_start3A_294 = arith.constant 0 : i32
        %dma_start3A_295 = arith.constant 0 : i32
        %dma_start3A_296 = tpu.memref_slice %arg4[%add3A_276, %dma_start3A_294, %dma_start3A_295] : memref<16384x56x128xf32, #tpu.memory_space<hbm>> -> memref<1x50x128xf32, #tpu.memory_space<hbm>>
        %dma_start3A_297 = tpu.memref_squeeze %dma_start3A_296 : memref<1x50x128xf32, #tpu.memory_space<hbm>> -> memref<50x128xf32, #tpu.memory_space<hbm>>
        %dma_start3A_298 = arith.constant 0 : i32
        %dma_start3A_299 = arith.constant 0 : i32
        %dma_start3A_300 = tpu.memref_slice %arg4[%add3A_276, %dma_start3A_298, %dma_start3A_299] : memref<16384x56x128xf32, #tpu.memory_space<hbm>> -> memref<1x50x128xf32, #tpu.memory_space<hbm>>
        %dma_start3A_301 = tpu.memref_squeeze %dma_start3A_300 : memref<1x50x128xf32, #tpu.memory_space<hbm>> -> memref<50x128xf32, #tpu.memory_space<hbm>>
        %dma_start3A_302 = arith.constant 50 : i32
        %dma_start3A_303 = arith.constant 0 : i32
        %dma_start3A_304 = tpu.memref_slice %arg9[%dma_start3A_302, %dma_start3A_303] : memref<400x128xf32, #tpu.memory_space<vmem>> -> memref<50x128xf32, #tpu.memory_space<vmem>>
        tpu.enqueue_dma source(%dma_start3A_304 : memref<50x128xf32, #tpu.memory_space<vmem>>) target(%dma_start3A_301 : memref<50x128xf32, #tpu.memory_space<hbm>>) target_semaphore(%run_scoped3A_290 : memref<!tpu.dma_semaphore, #tpu.memory_space<semaphore_mem>>)
        %dma_wait3A_305 = arith.constant 50 : i32
        %dma_wait3A_306 = arith.constant 0 : i32
        %dma_wait3A_307 = tpu.memref_slice %arg9[%dma_wait3A_305, %dma_wait3A_306] : memref<400x128xf32, #tpu.memory_space<vmem>> -> memref<50x128xf32, #tpu.memory_space<vmem>>
        %dma_wait3A_308 = arith.constant 0 : i32
        %dma_wait3A_309 = arith.constant 0 : i32
        %dma_wait3A_310 = tpu.memref_slice %arg4[%add3A_276, %dma_wait3A_308, %dma_wait3A_309] : memref<16384x56x128xf32, #tpu.memory_space<hbm>> -> memref<1x50x128xf32, #tpu.memory_space<hbm>>
        %dma_wait3A_311 = tpu.memref_squeeze %dma_wait3A_310 : memref<1x50x128xf32, #tpu.memory_space<hbm>> -> memref<50x128xf32, #tpu.memory_space<hbm>>
        %dma_wait3A_312 = arith.constant 0 : i32
        %dma_wait3A_313 = arith.constant 0 : i32
        %dma_wait3A_314 = tpu.memref_slice %arg4[%add3A_276, %dma_wait3A_312, %dma_wait3A_313] : memref<16384x56x128xf32, #tpu.memory_space<hbm>> -> memref<1x50x128xf32, #tpu.memory_space<hbm>>
        %dma_wait3A_315 = tpu.memref_squeeze %dma_wait3A_314 : memref<1x50x128xf32, #tpu.memory_space<hbm>> -> memref<50x128xf32, #tpu.memory_space<hbm>>
        %dma_wait3A_316 = arith.constant 50 : i32
        %dma_wait3A_317 = arith.constant 0 : i32
        %dma_wait3A_318 = tpu.memref_slice %arg9[%dma_wait3A_316, %dma_wait3A_317] : memref<400x128xf32, #tpu.memory_space<vmem>> -> memref<50x128xf32, #tpu.memory_space<vmem>>
        tpu.wait_dma2 semaphore(%run_scoped3A_290 : memref<!tpu.dma_semaphore, #tpu.memory_space<semaphore_mem>>) src(%dma_wait3A_318 : memref<50x128xf32, #tpu.memory_space<vmem>>) dst(%dma_wait3A_315 : memref<50x128xf32, #tpu.memory_space<hbm>>)
        tpu.yield
      }) : () -> ()
      %add3A_277 = arith.constant 2 : i32
      %add3A_278 = arith.addi %add3A_272, %add3A_277 : i32
      "tpu.region"() ({
        %run_scoped3A_290 = tpu.sem_alloc : memref<!tpu.dma_semaphore, #tpu.memory_space<semaphore_mem>>
        %dma_start3A_291 = arith.constant 100 : i32
        %dma_start3A_292 = arith.constant 0 : i32
        %dma_start3A_293 = tpu.memref_slice %arg9[%dma_start3A_291, %dma_start3A_292] : memref<400x128xf32, #tpu.memory_space<vmem>> -> memref<50x128xf32, #tpu.memory_space<vmem>>
        %dma_start3A_294 = arith.constant 0 : i32
        %dma_start3A_295 = arith.constant 0 : i32
        %dma_start3A_296 = tpu.memref_slice %arg4[%add3A_278, %dma_start3A_294, %dma_start3A_295] : memref<16384x56x128xf32, #tpu.memory_space<hbm>> -> memref<1x50x128xf32, #tpu.memory_space<hbm>>
        %dma_start3A_297 = tpu.memref_squeeze %dma_start3A_296 : memref<1x50x128xf32, #tpu.memory_space<hbm>> -> memref<50x128xf32, #tpu.memory_space<hbm>>
        %dma_start3A_298 = arith.constant 0 : i32
        %dma_start3A_299 = arith.constant 0 : i32
        %dma_start3A_300 = tpu.memref_slice %arg4[%add3A_278, %dma_start3A_298, %dma_start3A_299] : memref<16384x56x128xf32, #tpu.memory_space<hbm>> -> memref<1x50x128xf32, #tpu.memory_space<hbm>>
        %dma_start3A_301 = tpu.memref_squeeze %dma_start3A_300 : memref<1x50x128xf32, #tpu.memory_space<hbm>> -> memref<50x128xf32, #tpu.memory_space<hbm>>
        %dma_start3A_302 = arith.constant 100 : i32
        %dma_start3A_303 = arith.constant 0 : i32
        %dma_start3A_304 = tpu.memref_slice %arg9[%dma_start3A_302, %dma_start3A_303] : memref<400x128xf32, #tpu.memory_space<vmem>> -> memref<50x128xf32, #tpu.memory_space<vmem>>
        tpu.enqueue_dma source(%dma_start3A_304 : memref<50x128xf32, #tpu.memory_space<vmem>>) target(%dma_start3A_301 : memref<50x128xf32, #tpu.memory_space<hbm>>) target_semaphore(%run_scoped3A_290 : memref<!tpu.dma_semaphore, #tpu.memory_space<semaphore_mem>>)
        %dma_wait3A_305 = arith.constant 100 : i32
        %dma_wait3A_306 = arith.constant 0 : i32
        %dma_wait3A_307 = tpu.memref_slice %arg9[%dma_wait3A_305, %dma_wait3A_306] : memref<400x128xf32, #tpu.memory_space<vmem>> -> memref<50x128xf32, #tpu.memory_space<vmem>>
        %dma_wait3A_308 = arith.constant 0 : i32
        %dma_wait3A_309 = arith.constant 0 : i32
        %dma_wait3A_310 = tpu.memref_slice %arg4[%add3A_278, %dma_wait3A_308, %dma_wait3A_309] : memref<16384x56x128xf32, #tpu.memory_space<hbm>> -> memref<1x50x128xf32, #tpu.memory_space<hbm>>
        %dma_wait3A_311 = tpu.memref_squeeze %dma_wait3A_310 : memref<1x50x128xf32, #tpu.memory_space<hbm>> -> memref<50x128xf32, #tpu.memory_space<hbm>>
        %dma_wait3A_312 = arith.constant 0 : i32
        %dma_wait3A_313 = arith.constant 0 : i32
        %dma_wait3A_314 = tpu.memref_slice %arg4[%add3A_278, %dma_wait3A_312, %dma_wait3A_313] : memref<16384x56x128xf32, #tpu.memory_space<hbm>> -> memref<1x50x128xf32, #tpu.memory_space<hbm>>
        %dma_wait3A_315 = tpu.memref_squeeze %dma_wait3A_314 : memref<1x50x128xf32, #tpu.memory_space<hbm>> -> memref<50x128xf32, #tpu.memory_space<hbm>>
        %dma_wait3A_316 = arith.constant 100 : i32
        %dma_wait3A_317 = arith.constant 0 : i32
        %dma_wait3A_318 = tpu.memref_slice %arg9[%dma_wait3A_316, %dma_wait3A_317] : memref<400x128xf32, #tpu.memory_space<vmem>> -> memref<50x128xf32, #tpu.memory_space<vmem>>
        tpu.wait_dma2 semaphore(%run_scoped3A_290 : memref<!tpu.dma_semaphore, #tpu.memory_space<semaphore_mem>>) src(%dma_wait3A_318 : memref<50x128xf32, #tpu.memory_space<vmem>>) dst(%dma_wait3A_315 : memref<50x128xf32, #tpu.memory_space<hbm>>)
        tpu.yield
      }) : () -> ()
      %add3A_279 = arith.constant 3 : i32
      %add3A_280 = arith.addi %add3A_272, %add3A_279 : i32
      "tpu.region"() ({
        %run_scoped3A_290 = tpu.sem_alloc : memref<!tpu.dma_semaphore, #tpu.memory_space<semaphore_mem>>
        %dma_start3A_291 = arith.constant 150 : i32
        %dma_start3A_292 = arith.constant 0 : i32
        %dma_start3A_293 = tpu.memref_slice %arg9[%dma_start3A_291, %dma_start3A_292] : memref<400x128xf32, #tpu.memory_space<vmem>> -> memref<50x128xf32, #tpu.memory_space<vmem>>
        %dma_start3A_294 = arith.constant 0 : i32
        %dma_start3A_295 = arith.constant 0 : i32
        %dma_start3A_296 = tpu.memref_slice %arg4[%add3A_280, %dma_start3A_294, %dma_start3A_295] : memref<16384x56x128xf32, #tpu.memory_space<hbm>> -> memref<1x50x128xf32, #tpu.memory_space<hbm>>
        %dma_start3A_297 = tpu.memref_squeeze %dma_start3A_296 : memref<1x50x128xf32, #tpu.memory_space<hbm>> -> memref<50x128xf32, #tpu.memory_space<hbm>>
        %dma_start3A_298 = arith.constant 0 : i32
        %dma_start3A_299 = arith.constant 0 : i32
        %dma_start3A_300 = tpu.memref_slice %arg4[%add3A_280, %dma_start3A_298, %dma_start3A_299] : memref<16384x56x128xf32, #tpu.memory_space<hbm>> -> memref<1x50x128xf32, #tpu.memory_space<hbm>>
        %dma_start3A_301 = tpu.memref_squeeze %dma_start3A_300 : memref<1x50x128xf32, #tpu.memory_space<hbm>> -> memref<50x128xf32, #tpu.memory_space<hbm>>
        %dma_start3A_302 = arith.constant 150 : i32
        %dma_start3A_303 = arith.constant 0 : i32
        %dma_start3A_304 = tpu.memref_slice %arg9[%dma_start3A_302, %dma_start3A_303] : memref<400x128xf32, #tpu.memory_space<vmem>> -> memref<50x128xf32, #tpu.memory_space<vmem>>
        tpu.enqueue_dma source(%dma_start3A_304 : memref<50x128xf32, #tpu.memory_space<vmem>>) target(%dma_start3A_301 : memref<50x128xf32, #tpu.memory_space<hbm>>) target_semaphore(%run_scoped3A_290 : memref<!tpu.dma_semaphore, #tpu.memory_space<semaphore_mem>>)
        %dma_wait3A_305 = arith.constant 150 : i32
        %dma_wait3A_306 = arith.constant 0 : i32
        %dma_wait3A_307 = tpu.memref_slice %arg9[%dma_wait3A_305, %dma_wait3A_306] : memref<400x128xf32, #tpu.memory_space<vmem>> -> memref<50x128xf32, #tpu.memory_space<vmem>>
        %dma_wait3A_308 = arith.constant 0 : i32
        %dma_wait3A_309 = arith.constant 0 : i32
        %dma_wait3A_310 = tpu.memref_slice %arg4[%add3A_280, %dma_wait3A_308, %dma_wait3A_309] : memref<16384x56x128xf32, #tpu.memory_space<hbm>> -> memref<1x50x128xf32, #tpu.memory_space<hbm>>
        %dma_wait3A_311 = tpu.memref_squeeze %dma_wait3A_310 : memref<1x50x128xf32, #tpu.memory_space<hbm>> -> memref<50x128xf32, #tpu.memory_space<hbm>>
        %dma_wait3A_312 = arith.constant 0 : i32
        %dma_wait3A_313 = arith.constant 0 : i32
        %dma_wait3A_314 = tpu.memref_slice %arg4[%add3A_280, %dma_wait3A_312, %dma_wait3A_313] : memref<16384x56x128xf32, #tpu.memory_space<hbm>> -> memref<1x50x128xf32, #tpu.memory_space<hbm>>
        %dma_wait3A_315 = tpu.memref_squeeze %dma_wait3A_314 : memref<1x50x128xf32, #tpu.memory_space<hbm>> -> memref<50x128xf32, #tpu.memory_space<hbm>>
        %dma_wait3A_316 = arith.constant 150 : i32
        %dma_wait3A_317 = arith.constant 0 : i32
        %dma_wait3A_318 = tpu.memref_slice %arg9[%dma_wait3A_316, %dma_wait3A_317] : memref<400x128xf32, #tpu.memory_space<vmem>> -> memref<50x128xf32, #tpu.memory_space<vmem>>
        tpu.wait_dma2 semaphore(%run_scoped3A_290 : memref<!tpu.dma_semaphore, #tpu.memory_space<semaphore_mem>>) src(%dma_wait3A_318 : memref<50x128xf32, #tpu.memory_space<vmem>>) dst(%dma_wait3A_315 : memref<50x128xf32, #tpu.memory_space<hbm>>)
        tpu.yield
      }) : () -> ()
      %add3A_281 = arith.constant 4 : i32
      %add3A_282 = arith.addi %add3A_272, %add3A_281 : i32
      "tpu.region"() ({
        %run_scoped3A_290 = tpu.sem_alloc : memref<!tpu.dma_semaphore, #tpu.memory_space<semaphore_mem>>
        %dma_start3A_291 = arith.constant 200 : i32
        %dma_start3A_292 = arith.constant 0 : i32
        %dma_start3A_293 = tpu.memref_slice %arg9[%dma_start3A_291, %dma_start3A_292] : memref<400x128xf32, #tpu.memory_space<vmem>> -> memref<50x128xf32, #tpu.memory_space<vmem>>
        %dma_start3A_294 = arith.constant 0 : i32
        %dma_start3A_295 = arith.constant 0 : i32
        %dma_start3A_296 = tpu.memref_slice %arg4[%add3A_282, %dma_start3A_294, %dma_start3A_295] : memref<16384x56x128xf32, #tpu.memory_space<hbm>> -> memref<1x50x128xf32, #tpu.memory_space<hbm>>
        %dma_start3A_297 = tpu.memref_squeeze %dma_start3A_296 : memref<1x50x128xf32, #tpu.memory_space<hbm>> -> memref<50x128xf32, #tpu.memory_space<hbm>>
        %dma_start3A_298 = arith.constant 0 : i32
        %dma_start3A_299 = arith.constant 0 : i32
        %dma_start3A_300 = tpu.memref_slice %arg4[%add3A_282, %dma_start3A_298, %dma_start3A_299] : memref<16384x56x128xf32, #tpu.memory_space<hbm>> -> memref<1x50x128xf32, #tpu.memory_space<hbm>>
        %dma_start3A_301 = tpu.memref_squeeze %dma_start3A_300 : memref<1x50x128xf32, #tpu.memory_space<hbm>> -> memref<50x128xf32, #tpu.memory_space<hbm>>
        %dma_start3A_302 = arith.constant 200 : i32
        %dma_start3A_303 = arith.constant 0 : i32
        %dma_start3A_304 = tpu.memref_slice %arg9[%dma_start3A_302, %dma_start3A_303] : memref<400x128xf32, #tpu.memory_space<vmem>> -> memref<50x128xf32, #tpu.memory_space<vmem>>
        tpu.enqueue_dma source(%dma_start3A_304 : memref<50x128xf32, #tpu.memory_space<vmem>>) target(%dma_start3A_301 : memref<50x128xf32, #tpu.memory_space<hbm>>) target_semaphore(%run_scoped3A_290 : memref<!tpu.dma_semaphore, #tpu.memory_space<semaphore_mem>>)
        %dma_wait3A_305 = arith.constant 200 : i32
        %dma_wait3A_306 = arith.constant 0 : i32
        %dma_wait3A_307 = tpu.memref_slice %arg9[%dma_wait3A_305, %dma_wait3A_306] : memref<400x128xf32, #tpu.memory_space<vmem>> -> memref<50x128xf32, #tpu.memory_space<vmem>>
        %dma_wait3A_308 = arith.constant 0 : i32
        %dma_wait3A_309 = arith.constant 0 : i32
        %dma_wait3A_310 = tpu.memref_slice %arg4[%add3A_282, %dma_wait3A_308, %dma_wait3A_309] : memref<16384x56x128xf32, #tpu.memory_space<hbm>> -> memref<1x50x128xf32, #tpu.memory_space<hbm>>
        %dma_wait3A_311 = tpu.memref_squeeze %dma_wait3A_310 : memref<1x50x128xf32, #tpu.memory_space<hbm>> -> memref<50x128xf32, #tpu.memory_space<hbm>>
        %dma_wait3A_312 = arith.constant 0 : i32
        %dma_wait3A_313 = arith.constant 0 : i32
        %dma_wait3A_314 = tpu.memref_slice %arg4[%add3A_282, %dma_wait3A_312, %dma_wait3A_313] : memref<16384x56x128xf32, #tpu.memory_space<hbm>> -> memref<1x50x128xf32, #tpu.memory_space<hbm>>
        %dma_wait3A_315 = tpu.memref_squeeze %dma_wait3A_314 : memref<1x50x128xf32, #tpu.memory_space<hbm>> -> memref<50x128xf32, #tpu.memory_space<hbm>>
        %dma_wait3A_316 = arith.constant 200 : i32
        %dma_wait3A_317 = arith.constant 0 : i32
        %dma_wait3A_318 = tpu.memref_slice %arg9[%dma_wait3A_316, %dma_wait3A_317] : memref<400x128xf32, #tpu.memory_space<vmem>> -> memref<50x128xf32, #tpu.memory_space<vmem>>
        tpu.wait_dma2 semaphore(%run_scoped3A_290 : memref<!tpu.dma_semaphore, #tpu.memory_space<semaphore_mem>>) src(%dma_wait3A_318 : memref<50x128xf32, #tpu.memory_space<vmem>>) dst(%dma_wait3A_315 : memref<50x128xf32, #tpu.memory_space<hbm>>)
        tpu.yield
      }) : () -> ()
      %add3A_283 = arith.constant 5 : i32
      %add3A_284 = arith.addi %add3A_272, %add3A_283 : i32
      "tpu.region"() ({
        %run_scoped3A_290 = tpu.sem_alloc : memref<!tpu.dma_semaphore, #tpu.memory_space<semaphore_mem>>
        %dma_start3A_291 = arith.constant 250 : i32
        %dma_start3A_292 = arith.constant 0 : i32
        %dma_start3A_293 = tpu.memref_slice %arg9[%dma_start3A_291, %dma_start3A_292] : memref<400x128xf32, #tpu.memory_space<vmem>> -> memref<50x128xf32, #tpu.memory_space<vmem>>
        %dma_start3A_294 = arith.constant 0 : i32
        %dma_start3A_295 = arith.constant 0 : i32
        %dma_start3A_296 = tpu.memref_slice %arg4[%add3A_284, %dma_start3A_294, %dma_start3A_295] : memref<16384x56x128xf32, #tpu.memory_space<hbm>> -> memref<1x50x128xf32, #tpu.memory_space<hbm>>
        %dma_start3A_297 = tpu.memref_squeeze %dma_start3A_296 : memref<1x50x128xf32, #tpu.memory_space<hbm>> -> memref<50x128xf32, #tpu.memory_space<hbm>>
        %dma_start3A_298 = arith.constant 0 : i32
        %dma_start3A_299 = arith.constant 0 : i32
        %dma_start3A_300 = tpu.memref_slice %arg4[%add3A_284, %dma_start3A_298, %dma_start3A_299] : memref<16384x56x128xf32, #tpu.memory_space<hbm>> -> memref<1x50x128xf32, #tpu.memory_space<hbm>>
        %dma_start3A_301 = tpu.memref_squeeze %dma_start3A_300 : memref<1x50x128xf32, #tpu.memory_space<hbm>> -> memref<50x128xf32, #tpu.memory_space<hbm>>
        %dma_start3A_302 = arith.constant 250 : i32
        %dma_start3A_303 = arith.constant 0 : i32
        %dma_start3A_304 = tpu.memref_slice %arg9[%dma_start3A_302, %dma_start3A_303] : memref<400x128xf32, #tpu.memory_space<vmem>> -> memref<50x128xf32, #tpu.memory_space<vmem>>
        tpu.enqueue_dma source(%dma_start3A_304 : memref<50x128xf32, #tpu.memory_space<vmem>>) target(%dma_start3A_301 : memref<50x128xf32, #tpu.memory_space<hbm>>) target_semaphore(%run_scoped3A_290 : memref<!tpu.dma_semaphore, #tpu.memory_space<semaphore_mem>>)
        %dma_wait3A_305 = arith.constant 250 : i32
        %dma_wait3A_306 = arith.constant 0 : i32
        %dma_wait3A_307 = tpu.memref_slice %arg9[%dma_wait3A_305, %dma_wait3A_306] : memref<400x128xf32, #tpu.memory_space<vmem>> -> memref<50x128xf32, #tpu.memory_space<vmem>>
        %dma_wait3A_308 = arith.constant 0 : i32
        %dma_wait3A_309 = arith.constant 0 : i32
        %dma_wait3A_310 = tpu.memref_slice %arg4[%add3A_284, %dma_wait3A_308, %dma_wait3A_309] : memref<16384x56x128xf32, #tpu.memory_space<hbm>> -> memref<1x50x128xf32, #tpu.memory_space<hbm>>
        %dma_wait3A_311 = tpu.memref_squeeze %dma_wait3A_310 : memref<1x50x128xf32, #tpu.memory_space<hbm>> -> memref<50x128xf32, #tpu.memory_space<hbm>>
        %dma_wait3A_312 = arith.constant 0 : i32
        %dma_wait3A_313 = arith.constant 0 : i32
        %dma_wait3A_314 = tpu.memref_slice %arg4[%add3A_284, %dma_wait3A_312, %dma_wait3A_313] : memref<16384x56x128xf32, #tpu.memory_space<hbm>> -> memref<1x50x128xf32, #tpu.memory_space<hbm>>
        %dma_wait3A_315 = tpu.memref_squeeze %dma_wait3A_314 : memref<1x50x128xf32, #tpu.memory_space<hbm>> -> memref<50x128xf32, #tpu.memory_space<hbm>>
        %dma_wait3A_316 = arith.constant 250 : i32
        %dma_wait3A_317 = arith.constant 0 : i32
        %dma_wait3A_318 = tpu.memref_slice %arg9[%dma_wait3A_316, %dma_wait3A_317] : memref<400x128xf32, #tpu.memory_space<vmem>> -> memref<50x128xf32, #tpu.memory_space<vmem>>
        tpu.wait_dma2 semaphore(%run_scoped3A_290 : memref<!tpu.dma_semaphore, #tpu.memory_space<semaphore_mem>>) src(%dma_wait3A_318 : memref<50x128xf32, #tpu.memory_space<vmem>>) dst(%dma_wait3A_315 : memref<50x128xf32, #tpu.memory_space<hbm>>)
        tpu.yield
      }) : () -> ()
      %add3A_285 = arith.constant 6 : i32
      %add3A_286 = arith.addi %add3A_272, %add3A_285 : i32
      "tpu.region"() ({
        %run_scoped3A_290 = tpu.sem_alloc : memref<!tpu.dma_semaphore, #tpu.memory_space<semaphore_mem>>
        %dma_start3A_291 = arith.constant 300 : i32
        %dma_start3A_292 = arith.constant 0 : i32
        %dma_start3A_293 = tpu.memref_slice %arg9[%dma_start3A_291, %dma_start3A_292] : memref<400x128xf32, #tpu.memory_space<vmem>> -> memref<50x128xf32, #tpu.memory_space<vmem>>
        %dma_start3A_294 = arith.constant 0 : i32
        %dma_start3A_295 = arith.constant 0 : i32
        %dma_start3A_296 = tpu.memref_slice %arg4[%add3A_286, %dma_start3A_294, %dma_start3A_295] : memref<16384x56x128xf32, #tpu.memory_space<hbm>> -> memref<1x50x128xf32, #tpu.memory_space<hbm>>
        %dma_start3A_297 = tpu.memref_squeeze %dma_start3A_296 : memref<1x50x128xf32, #tpu.memory_space<hbm>> -> memref<50x128xf32, #tpu.memory_space<hbm>>
        %dma_start3A_298 = arith.constant 0 : i32
        %dma_start3A_299 = arith.constant 0 : i32
        %dma_start3A_300 = tpu.memref_slice %arg4[%add3A_286, %dma_start3A_298, %dma_start3A_299] : memref<16384x56x128xf32, #tpu.memory_space<hbm>> -> memref<1x50x128xf32, #tpu.memory_space<hbm>>
        %dma_start3A_301 = tpu.memref_squeeze %dma_start3A_300 : memref<1x50x128xf32, #tpu.memory_space<hbm>> -> memref<50x128xf32, #tpu.memory_space<hbm>>
        %dma_start3A_302 = arith.constant 300 : i32
        %dma_start3A_303 = arith.constant 0 : i32
        %dma_start3A_304 = tpu.memref_slice %arg9[%dma_start3A_302, %dma_start3A_303] : memref<400x128xf32, #tpu.memory_space<vmem>> -> memref<50x128xf32, #tpu.memory_space<vmem>>
        tpu.enqueue_dma source(%dma_start3A_304 : memref<50x128xf32, #tpu.memory_space<vmem>>) target(%dma_start3A_301 : memref<50x128xf32, #tpu.memory_space<hbm>>) target_semaphore(%run_scoped3A_290 : memref<!tpu.dma_semaphore, #tpu.memory_space<semaphore_mem>>)
        %dma_wait3A_305 = arith.constant 300 : i32
        %dma_wait3A_306 = arith.constant 0 : i32
        %dma_wait3A_307 = tpu.memref_slice %arg9[%dma_wait3A_305, %dma_wait3A_306] : memref<400x128xf32, #tpu.memory_space<vmem>> -> memref<50x128xf32, #tpu.memory_space<vmem>>
        %dma_wait3A_308 = arith.constant 0 : i32
        %dma_wait3A_309 = arith.constant 0 : i32
        %dma_wait3A_310 = tpu.memref_slice %arg4[%add3A_286, %dma_wait3A_308, %dma_wait3A_309] : memref<16384x56x128xf32, #tpu.memory_space<hbm>> -> memref<1x50x128xf32, #tpu.memory_space<hbm>>
        %dma_wait3A_311 = tpu.memref_squeeze %dma_wait3A_310 : memref<1x50x128xf32, #tpu.memory_space<hbm>> -> memref<50x128xf32, #tpu.memory_space<hbm>>
        %dma_wait3A_312 = arith.constant 0 : i32
        %dma_wait3A_313 = arith.constant 0 : i32
        %dma_wait3A_314 = tpu.memref_slice %arg4[%add3A_286, %dma_wait3A_312, %dma_wait3A_313] : memref<16384x56x128xf32, #tpu.memory_space<hbm>> -> memref<1x50x128xf32, #tpu.memory_space<hbm>>
        %dma_wait3A_315 = tpu.memref_squeeze %dma_wait3A_314 : memref<1x50x128xf32, #tpu.memory_space<hbm>> -> memref<50x128xf32, #tpu.memory_space<hbm>>
        %dma_wait3A_316 = arith.constant 300 : i32
        %dma_wait3A_317 = arith.constant 0 : i32
        %dma_wait3A_318 = tpu.memref_slice %arg9[%dma_wait3A_316, %dma_wait3A_317] : memref<400x128xf32, #tpu.memory_space<vmem>> -> memref<50x128xf32, #tpu.memory_space<vmem>>
        tpu.wait_dma2 semaphore(%run_scoped3A_290 : memref<!tpu.dma_semaphore, #tpu.memory_space<semaphore_mem>>) src(%dma_wait3A_318 : memref<50x128xf32, #tpu.memory_space<vmem>>) dst(%dma_wait3A_315 : memref<50x128xf32, #tpu.memory_space<hbm>>)
        tpu.yield
      }) : () -> ()
      %add3A_287 = arith.constant 7 : i32
      %add3A_288 = arith.addi %add3A_272, %add3A_287 : i32
      "tpu.region"() ({
        %run_scoped3A_290 = tpu.sem_alloc : memref<!tpu.dma_semaphore, #tpu.memory_space<semaphore_mem>>
        %dma_start3A_291 = arith.constant 350 : i32
        %dma_start3A_292 = arith.constant 0 : i32
        %dma_start3A_293 = tpu.memref_slice %arg9[%dma_start3A_291, %dma_start3A_292] : memref<400x128xf32, #tpu.memory_space<vmem>> -> memref<50x128xf32, #tpu.memory_space<vmem>>
        %dma_start3A_294 = arith.constant 0 : i32
        %dma_start3A_295 = arith.constant 0 : i32
        %dma_start3A_296 = tpu.memref_slice %arg4[%add3A_288, %dma_start3A_294, %dma_start3A_295] : memref<16384x56x128xf32, #tpu.memory_space<hbm>> -> memref<1x50x128xf32, #tpu.memory_space<hbm>>
        %dma_start3A_297 = tpu.memref_squeeze %dma_start3A_296 : memref<1x50x128xf32, #tpu.memory_space<hbm>> -> memref<50x128xf32, #tpu.memory_space<hbm>>
        %dma_start3A_298 = arith.constant 0 : i32
        %dma_start3A_299 = arith.constant 0 : i32
        %dma_start3A_300 = tpu.memref_slice %arg4[%add3A_288, %dma_start3A_298, %dma_start3A_299] : memref<16384x56x128xf32, #tpu.memory_space<hbm>> -> memref<1x50x128xf32, #tpu.memory_space<hbm>>
        %dma_start3A_301 = tpu.memref_squeeze %dma_start3A_300 : memref<1x50x128xf32, #tpu.memory_space<hbm>> -> memref<50x128xf32, #tpu.memory_space<hbm>>
        %dma_start3A_302 = arith.constant 350 : i32
        %dma_start3A_303 = arith.constant 0 : i32
        %dma_start3A_304 = tpu.memref_slice %arg9[%dma_start3A_302, %dma_start3A_303] : memref<400x128xf32, #tpu.memory_space<vmem>> -> memref<50x128xf32, #tpu.memory_space<vmem>>
        tpu.enqueue_dma source(%dma_start3A_304 : memref<50x128xf32, #tpu.memory_space<vmem>>) target(%dma_start3A_301 : memref<50x128xf32, #tpu.memory_space<hbm>>) target_semaphore(%run_scoped3A_290 : memref<!tpu.dma_semaphore, #tpu.memory_space<semaphore_mem>>)
        %dma_wait3A_305 = arith.constant 350 : i32
        %dma_wait3A_306 = arith.constant 0 : i32
        %dma_wait3A_307 = tpu.memref_slice %arg9[%dma_wait3A_305, %dma_wait3A_306] : memref<400x128xf32, #tpu.memory_space<vmem>> -> memref<50x128xf32, #tpu.memory_space<vmem>>
        %dma_wait3A_308 = arith.constant 0 : i32
        %dma_wait3A_309 = arith.constant 0 : i32
        %dma_wait3A_310 = tpu.memref_slice %arg4[%add3A_288, %dma_wait3A_308, %dma_wait3A_309] : memref<16384x56x128xf32, #tpu.memory_space<hbm>> -> memref<1x50x128xf32, #tpu.memory_space<hbm>>
        %dma_wait3A_311 = tpu.memref_squeeze %dma_wait3A_310 : memref<1x50x128xf32, #tpu.memory_space<hbm>> -> memref<50x128xf32, #tpu.memory_space<hbm>>
        %dma_wait3A_312 = arith.constant 0 : i32
        %dma_wait3A_313 = arith.constant 0 : i32
        %dma_wait3A_314 = tpu.memref_slice %arg4[%add3A_288, %dma_wait3A_312, %dma_wait3A_313] : memref<16384x56x128xf32, #tpu.memory_space<hbm>> -> memref<1x50x128xf32, #tpu.memory_space<hbm>>
        %dma_wait3A_315 = tpu.memref_squeeze %dma_wait3A_314 : memref<1x50x128xf32, #tpu.memory_space<hbm>> -> memref<50x128xf32, #tpu.memory_space<hbm>>
        %dma_wait3A_316 = arith.constant 350 : i32
        %dma_wait3A_317 = arith.constant 0 : i32
        %dma_wait3A_318 = tpu.memref_slice %arg9[%dma_wait3A_316, %dma_wait3A_317] : memref<400x128xf32, #tpu.memory_space<vmem>> -> memref<50x128xf32, #tpu.memory_space<vmem>>
        tpu.wait_dma2 semaphore(%run_scoped3A_290 : memref<!tpu.dma_semaphore, #tpu.memory_space<semaphore_mem>>) src(%dma_wait3A_318 : memref<50x128xf32, #tpu.memory_space<vmem>>) dst(%dma_wait3A_315 : memref<50x128xf32, #tpu.memory_space<hbm>>)
        tpu.yield
      }) : () -> ()
      %scan3A_289 = arith.constant 0 : i32
      scf.yield %scan3A_289 : i32
    }
    %scan3A_38 = arith.constant 8 : i32
    %dma_wait3A = arith.constant 0 : i32
    %dma_wait3A_39 = tpu.memref_slice %arg7[%dma_wait3A] : memref<6400xi32, #tpu.memory_space<vmem>> -> memref<400xi32, #tpu.memory_space<vmem>>
    %dma_wait3A_40 = arith.constant 0 : i32
    %dma_wait3A_41 = arith.constant 0 : i32
    %dma_wait3A_42 = tpu.memref_slice %arg2[%dma_wait3A_40, %dma_wait3A_41] : memref<200000x128xf32, #tpu.memory_space<hbm>> -> memref<200000x128xf32, #tpu.memory_space<hbm>>
    tpu.wait_indirect_dma semaphore(%arg10 : memref<!tpu.dma_semaphore, #tpu.memory_space<semaphore_mem>>) src(%dma_wait3A_42 : memref<200000x128xf32, #tpu.memory_space<hbm>>) dst(%arg8 : memref<400x128xf32, #tpu.memory_space<vmem>>)
    %add3A_43 = arith.constant 6400 : i32
    %add3A_44 = arith.addi %mul3A_2, %add3A_43 : i32
    %jit3A_45 = arith.constant 50 : i32
    %div3A_46 = arith.divsi %add3A_44, %jit3A_45 : i32
    %sign3A_47 = arith.constant 0 : i32
    %sign3A_48 = arith.cmpi sgt, %add3A_44, %sign3A_47 : i32
    %sign3A_49 = arith.extui %sign3A_48 : i1 to i32
    %sign3A_50 = arith.constant 0 : i32
    %sign3A_51 = arith.cmpi slt, %add3A_44, %sign3A_50 : i32
    %sign3A_52 = arith.extui %sign3A_51 : i1 to i32
    %sign3A_53 = arith.subi %sign3A_49, %sign3A_52 : i32
    %sign3A_54 = arith.constant 0 : i32
    %sign3A_55 = arith.cmpi sgt, %jit3A_45, %sign3A_54 : i32
    %sign3A_56 = arith.extui %sign3A_55 : i1 to i32
    %sign3A_57 = arith.constant 0 : i32
    %sign3A_58 = arith.cmpi slt, %jit3A_45, %sign3A_57 : i32
    %sign3A_59 = arith.extui %sign3A_58 : i1 to i32
    %sign3A_60 = arith.subi %sign3A_56, %sign3A_59 : i32
    %ne3A_61 = arith.cmpi ne, %sign3A_53, %sign3A_60 : i32
    %rem3A_62 = arith.remsi %add3A_44, %jit3A_45 : i32
    %ne3A_63 = arith.constant 0 : i32
    %ne3A_64 = arith.cmpi ne, %rem3A_62, %ne3A_63 : i32
    %and3A_65 = arith.andi %ne3A_61, %ne3A_64 : i1
    %sub3A_66 = arith.constant 1 : i32
    %sub3A_67 = arith.subi %div3A_46, %sub3A_66 : i32
    %select_n3A_68 = arith.select %and3A_65, %sub3A_67, %div3A_46 : i32
    %run_scoped3A_69 = arith.constant 0 : i32
    "tpu.region"() ({
      %run_scoped3A_199 = tpu.sem_alloc : memref<!tpu.dma_semaphore, #tpu.memory_space<semaphore_mem>>
      %dma_start3A_200 = tpu.memref_slice %arg3[%run_scoped3A_69, %add3A_44] : memref<2x819200xi32, #tpu.memory_space<hbm>> -> memref<1x6400xi32, #tpu.memory_space<hbm>>
      %dma_start3A_201 = tpu.memref_squeeze %dma_start3A_200 : memref<1x6400xi32, #tpu.memory_space<hbm>> -> memref<6400xi32, #tpu.memory_space<hbm>>
      %dma_start3A_202 = tpu.memref_slice %arg3[%run_scoped3A_69, %add3A_44] : memref<2x819200xi32, #tpu.memory_space<hbm>> -> memref<1x6400xi32, #tpu.memory_space<hbm>>
      %dma_start3A_203 = tpu.memref_squeeze %dma_start3A_202 : memref<1x6400xi32, #tpu.memory_space<hbm>> -> memref<6400xi32, #tpu.memory_space<hbm>>
      tpu.enqueue_dma source(%dma_start3A_203 : memref<6400xi32, #tpu.memory_space<hbm>>) target(%arg5 : memref<6400xi32, #tpu.memory_space<vmem>>) target_semaphore(%run_scoped3A_199 : memref<!tpu.dma_semaphore, #tpu.memory_space<semaphore_mem>>)
      %dma_wait3A_204 = tpu.memref_slice %arg3[%run_scoped3A_69, %add3A_44] : memref<2x819200xi32, #tpu.memory_space<hbm>> -> memref<1x6400xi32, #tpu.memory_space<hbm>>
      %dma_wait3A_205 = tpu.memref_squeeze %dma_wait3A_204 : memref<1x6400xi32, #tpu.memory_space<hbm>> -> memref<6400xi32, #tpu.memory_space<hbm>>
      %dma_wait3A_206 = tpu.memref_slice %arg3[%run_scoped3A_69, %add3A_44] : memref<2x819200xi32, #tpu.memory_space<hbm>> -> memref<1x6400xi32, #tpu.memory_space<hbm>>
      %dma_wait3A_207 = tpu.memref_squeeze %dma_wait3A_206 : memref<1x6400xi32, #tpu.memory_space<hbm>> -> memref<6400xi32, #tpu.memory_space<hbm>>
      tpu.wait_dma2 semaphore(%run_scoped3A_199 : memref<!tpu.dma_semaphore, #tpu.memory_space<semaphore_mem>>) src(%dma_wait3A_207 : memref<6400xi32, #tpu.memory_space<hbm>>) dst(%arg5 : memref<6400xi32, #tpu.memory_space<vmem>>)
      tpu.yield
    }) : () -> ()
    %run_scoped3A_70 = arith.constant 1 : i32
    "tpu.region"() ({
      %run_scoped3A_199 = tpu.sem_alloc : memref<!tpu.dma_semaphore, #tpu.memory_space<semaphore_mem>>
      %dma_start3A_200 = tpu.memref_slice %arg3[%run_scoped3A_70, %add3A_44] : memref<2x819200xi32, #tpu.memory_space<hbm>> -> memref<1x6400xi32, #tpu.memory_space<hbm>>
      %dma_start3A_201 = tpu.memref_squeeze %dma_start3A_200 : memref<1x6400xi32, #tpu.memory_space<hbm>> -> memref<6400xi32, #tpu.memory_space<hbm>>
      %dma_start3A_202 = tpu.memref_slice %arg3[%run_scoped3A_70, %add3A_44] : memref<2x819200xi32, #tpu.memory_space<hbm>> -> memref<1x6400xi32, #tpu.memory_space<hbm>>
      %dma_start3A_203 = tpu.memref_squeeze %dma_start3A_202 : memref<1x6400xi32, #tpu.memory_space<hbm>> -> memref<6400xi32, #tpu.memory_space<hbm>>
      tpu.enqueue_dma source(%dma_start3A_203 : memref<6400xi32, #tpu.memory_space<hbm>>) target(%arg6 : memref<6400xi32, #tpu.memory_space<vmem>>) target_semaphore(%run_scoped3A_199 : memref<!tpu.dma_semaphore, #tpu.memory_space<semaphore_mem>>)
      %dma_wait3A_204 = tpu.memref_slice %arg3[%run_scoped3A_70, %add3A_44] : memref<2x819200xi32, #tpu.memory_space<hbm>> -> memref<1x6400xi32, #tpu.memory_space<hbm>>
      %dma_wait3A_205 = tpu.memref_squeeze %dma_wait3A_204 : memref<1x6400xi32, #tpu.memory_space<hbm>> -> memref<6400xi32, #tpu.memory_space<hbm>>
      %dma_wait3A_206 = tpu.memref_slice %arg3[%run_scoped3A_70, %add3A_44] : memref<2x819200xi32, #tpu.memory_space<hbm>> -> memref<1x6400xi32, #tpu.memory_space<hbm>>
      %dma_wait3A_207 = tpu.memref_squeeze %dma_wait3A_206 : memref<1x6400xi32, #tpu.memory_space<hbm>> -> memref<6400xi32, #tpu.memory_space<hbm>>
      tpu.wait_dma2 semaphore(%run_scoped3A_199 : memref<!tpu.dma_semaphore, #tpu.memory_space<semaphore_mem>>) src(%dma_wait3A_207 : memref<6400xi32, #tpu.memory_space<hbm>>) dst(%arg6 : memref<6400xi32, #tpu.memory_space<vmem>>)
      tpu.yield
    }) : () -> ()
    %scan3A_71 = arith.constant 0 : i32
    %scan3A_72 = arith.constant 0 : i32
    %scan3A_73 = arith.constant 400 : i32
    %scan3A_74 = arith.addi %scan3A_72, %scan3A_73 : i32
    %scan3A_75 = arith.constant 1 : i32
    %scan3A_76 = scf.for %scan3A_199 = %scan3A_72 to %scan3A_74 step %scan3A_75 iter_args(%scan3A_200 = %scan3A_71) -> (i32)  : i32 {
      %mul3A_201 = arith.constant 16 : i32
      %mul3A_202 = arith.muli %scan3A_199, %mul3A_201 : i32
      %get3A = arith.index_cast %mul3A_202 : i32 to index
      %get3A_203 = tpu.vector_load %arg5[%get3A] {strides = array<i32>} : memref<6400xi32, #tpu.memory_space<vmem>>, vector<16xi32>,
      %get3A_204 = vector.shape_cast %get3A_203 : vector<16xi32> to vector<16xi32>
      %mul3A_205 = arith.constant 16 : i32
      %mul3A_206 = arith.muli %scan3A_199, %mul3A_205 : i32
      %get3A_207 = arith.index_cast %mul3A_206 : i32 to index
      %get3A_208 = tpu.vector_load %arg6[%get3A_207] {strides = array<i32>} : memref<6400xi32, #tpu.memory_space<vmem>>, vector<16xi32>,
      %get3A_209 = vector.shape_cast %get3A_208 : vector<16xi32> to vector<16xi32>
      %mul3A_210 = arith.constant 100000 : i32
      %mul3A_211 = vector.broadcast %mul3A_210 : i32 to vector<16xi32>
      %mul3A_212 = arith.muli %get3A_204, %mul3A_211 : vector<16xi32>
      %add3A_213 = arith.addi %get3A_209, %mul3A_212 : vector<16xi32>
      %mul3A_214 = arith.constant 16 : i32
      %mul3A_215 = arith.muli %scan3A_199, %mul3A_214 : i32
      %swap3A = arith.index_cast %mul3A_215 : i32 to index
      %swap3A_216 = tpu.vector_load %arg7[%swap3A] {strides = array<i32>} : memref<6400xi32, #tpu.memory_space<vmem>>, vector<16xi32>,
      %swap3A_217 = vector.shape_cast %swap3A_216 : vector<16xi32> to vector<16xi32>
      %swap3A_218 = vector.shape_cast %add3A_213 : vector<16xi32> to vector<16xi32>
      tpu.vector_store %arg7[%swap3A], %swap3A_218 {strides = array<i32>} : memref<6400xi32, #tpu.memory_space<vmem>>, vector<16xi32>,
      %scan3A_219 = arith.constant 0 : i32
      scf.yield %scan3A_219 : i32
    }
    %scan3A_77 = arith.constant 400 : i32
    %dma_start3A_78 = arith.constant 0 : i32
    %dma_start3A_79 = tpu.memref_slice %arg7[%dma_start3A_78] : memref<6400xi32, #tpu.memory_space<vmem>> -> memref<400xi32, #tpu.memory_space<vmem>>
    %dma_start3A_80 = arith.constant 0 : i32
    %dma_start3A_81 = arith.constant 0 : i32
    %dma_start3A_82 = tpu.memref_slice %arg2[%dma_start3A_80, %dma_start3A_81] : memref<200000x128xf32, #tpu.memory_space<hbm>> -> memref<200000x128xf32, #tpu.memory_space<hbm>>
    tpu.enqueue_indirect_dma source(%dma_start3A_82 : memref<200000x128xf32, #tpu.memory_space<hbm>>) target(%arg8 : memref<400x128xf32, #tpu.memory_space<vmem>>) offsets(%dma_start3A_79 : memref<400xi32, #tpu.memory_space<vmem>>) semaphore(%arg10 : memref<!tpu.dma_semaphore, #tpu.memory_space<semaphore_mem>>)
    %scan3A_83 = arith.constant 0 : i32
    %scan3A_84 = arith.constant 0 : i32
    %scan3A_85 = arith.constant 8 : i32
    %scan3A_86 = arith.addi %scan3A_84, %scan3A_85 : i32
    %scan3A_87 = arith.constant 1 : i32
    %scan3A_88 = scf.for %scan3A_199 = %scan3A_84 to %scan3A_86 step %scan3A_87 iter_args(%scan3A_200 = %scan3A_83) -> (i32)  : i32 {
      %mul3A_201 = arith.constant 2 : i32
      %mul3A_202 = arith.muli %mul3A_201, %scan3A_199 : i32
      %add3A_203 = arith.constant 1 : i32
      %add3A_204 = arith.addi %mul3A_202, %add3A_203 : i32
      %mul3A_205 = arith.constant 400 : i32
      %mul3A_206 = arith.muli %add3A_204, %mul3A_205 : i32
      %dma_start3A_207 = tpu.memref_slice %arg7[%mul3A_206] : memref<6400xi32, #tpu.memory_space<vmem>> -> memref<400xi32, #tpu.memory_space<vmem>>
      %dma_start3A_208 = arith.constant 0 : i32
      %dma_start3A_209 = arith.constant 0 : i32
      %dma_start3A_210 = tpu.memref_slice %arg2[%dma_start3A_208, %dma_start3A_209] : memref<200000x128xf32, #tpu.memory_space<hbm>> -> memref<200000x128xf32, #tpu.memory_space<hbm>>
      tpu.enqueue_indirect_dma source(%dma_start3A_210 : memref<200000x128xf32, #tpu.memory_space<hbm>>) target(%arg9 : memref<400x128xf32, #tpu.memory_space<vmem>>) offsets(%dma_start3A_207 : memref<400xi32, #tpu.memory_space<vmem>>) semaphore(%arg11 : memref<!tpu.dma_semaphore, #tpu.memory_space<semaphore_mem>>)
      %dma_wait3A_211 = arith.constant 0 : i32
      %dma_wait3A_212 = tpu.memref_slice %arg7[%dma_wait3A_211] : memref<6400xi32, #tpu.memory_space<vmem>> -> memref<400xi32, #tpu.memory_space<vmem>>
      %dma_wait3A_213 = arith.constant 0 : i32
      %dma_wait3A_214 = arith.constant 0 : i32
      %dma_wait3A_215 = tpu.memref_slice %arg2[%dma_wait3A_213, %dma_wait3A_214] : memref<200000x128xf32, #tpu.memory_space<hbm>> -> memref<200000x128xf32, #tpu.memory_space<hbm>>
      tpu.wait_indirect_dma semaphore(%arg10 : memref<!tpu.dma_semaphore, #tpu.memory_space<semaphore_mem>>) src(%dma_wait3A_215 : memref<200000x128xf32, #tpu.memory_space<hbm>>) dst(%arg8 : memref<400x128xf32, #tpu.memory_space<vmem>>)
      %mul3A_216 = arith.constant 2 : i32
      %mul3A_217 = arith.muli %mul3A_216, %scan3A_199 : i32
      %mul3A_218 = arith.constant 8 : i32
      %mul3A_219 = arith.muli %mul3A_217, %mul3A_218 : i32
      %add3A_220 = arith.addi %select_n3A_68, %mul3A_219 : i32
      %add3A_221 = arith.constant 0 : i32
      %add3A_222 = arith.addi %add3A_220, %add3A_221 : i32
      "tpu.region"() ({
        %run_scoped3A_290 = tpu.sem_alloc : memref<!tpu.dma_semaphore, #tpu.memory_space<semaphore_mem>>
        %dma_start3A_291 = arith.constant 0 : i32
        %dma_start3A_292 = arith.constant 0 : i32
        %dma_start3A_293 = tpu.memref_slice %arg8[%dma_start3A_291, %dma_start3A_292] : memref<400x128xf32, #tpu.memory_space<vmem>> -> memref<50x128xf32, #tpu.memory_space<vmem>>
        %dma_start3A_294 = arith.constant 0 : i32
        %dma_start3A_295 = arith.constant 0 : i32
        %dma_start3A_296 = tpu.memref_slice %arg4[%add3A_222, %dma_start3A_294, %dma_start3A_295] : memref<16384x56x128xf32, #tpu.memory_space<hbm>> -> memref<1x50x128xf32, #tpu.memory_space<hbm>>
        %dma_start3A_297 = tpu.memref_squeeze %dma_start3A_296 : memref<1x50x128xf32, #tpu.memory_space<hbm>> -> memref<50x128xf32, #tpu.memory_space<hbm>>
        %dma_start3A_298 = arith.constant 0 : i32
        %dma_start3A_299 = arith.constant 0 : i32
        %dma_start3A_300 = tpu.memref_slice %arg4[%add3A_222, %dma_start3A_298, %dma_start3A_299] : memref<16384x56x128xf32, #tpu.memory_space<hbm>> -> memref<1x50x128xf32, #tpu.memory_space<hbm>>
        %dma_start3A_301 = tpu.memref_squeeze %dma_start3A_300 : memref<1x50x128xf32, #tpu.memory_space<hbm>> -> memref<50x128xf32, #tpu.memory_space<hbm>>
        %dma_start3A_302 = arith.constant 0 : i32
        %dma_start3A_303 = arith.constant 0 : i32
        %dma_start3A_304 = tpu.memref_slice %arg8[%dma_start3A_302, %dma_start3A_303] : memref<400x128xf32, #tpu.memory_space<vmem>> -> memref<50x128xf32, #tpu.memory_space<vmem>>
        tpu.enqueue_dma source(%dma_start3A_304 : memref<50x128xf32, #tpu.memory_space<vmem>>) target(%dma_start3A_301 : memref<50x128xf32, #tpu.memory_space<hbm>>) target_semaphore(%run_scoped3A_290 : memref<!tpu.dma_semaphore, #tpu.memory_space<semaphore_mem>>)
        %dma_wait3A_305 = arith.constant 0 : i32
        %dma_wait3A_306 = arith.constant 0 : i32
        %dma_wait3A_307 = tpu.memref_slice %arg8[%dma_wait3A_305, %dma_wait3A_306] : memref<400x128xf32, #tpu.memory_space<vmem>> -> memref<50x128xf32, #tpu.memory_space<vmem>>
        %dma_wait3A_308 = arith.constant 0 : i32
        %dma_wait3A_309 = arith.constant 0 : i32
        %dma_wait3A_310 = tpu.memref_slice %arg4[%add3A_222, %dma_wait3A_308, %dma_wait3A_309] : memref<16384x56x128xf32, #tpu.memory_space<hbm>> -> memref<1x50x128xf32, #tpu.memory_space<hbm>>
        %dma_wait3A_311 = tpu.memref_squeeze %dma_wait3A_310 : memref<1x50x128xf32, #tpu.memory_space<hbm>> -> memref<50x128xf32, #tpu.memory_space<hbm>>
        %dma_wait3A_312 = arith.constant 0 : i32
        %dma_wait3A_313 = arith.constant 0 : i32
        %dma_wait3A_314 = tpu.memref_slice %arg4[%add3A_222, %dma_wait3A_312, %dma_wait3A_313] : memref<16384x56x128xf32, #tpu.memory_space<hbm>> -> memref<1x50x128xf32, #tpu.memory_space<hbm>>
        %dma_wait3A_315 = tpu.memref_squeeze %dma_wait3A_314 : memref<1x50x128xf32, #tpu.memory_space<hbm>> -> memref<50x128xf32, #tpu.memory_space<hbm>>
        %dma_wait3A_316 = arith.constant 0 : i32
        %dma_wait3A_317 = arith.constant 0 : i32
        %dma_wait3A_318 = tpu.memref_slice %arg8[%dma_wait3A_316, %dma_wait3A_317] : memref<400x128xf32, #tpu.memory_space<vmem>> -> memref<50x128xf32, #tpu.memory_space<vmem>>
        tpu.wait_dma2 semaphore(%run_scoped3A_290 : memref<!tpu.dma_semaphore, #tpu.memory_space<semaphore_mem>>) src(%dma_wait3A_318 : memref<50x128xf32, #tpu.memory_space<vmem>>) dst(%dma_wait3A_315 : memref<50x128xf32, #tpu.memory_space<hbm>>)
        tpu.yield
      }) : () -> ()
      %add3A_223 = arith.constant 1 : i32
      %add3A_224 = arith.addi %add3A_220, %add3A_223 : i32
      "tpu.region"() ({
        %run_scoped3A_290 = tpu.sem_alloc : memref<!tpu.dma_semaphore, #tpu.memory_space<semaphore_mem>>
        %dma_start3A_291 = arith.constant 50 : i32
        %dma_start3A_292 = arith.constant 0 : i32
        %dma_start3A_293 = tpu.memref_slice %arg8[%dma_start3A_291, %dma_start3A_292] : memref<400x128xf32, #tpu.memory_space<vmem>> -> memref<50x128xf32, #tpu.memory_space<vmem>>
        %dma_start3A_294 = arith.constant 0 : i32
        %dma_start3A_295 = arith.constant 0 : i32
        %dma_start3A_296 = tpu.memref_slice %arg4[%add3A_224, %dma_start3A_294, %dma_start3A_295] : memref<16384x56x128xf32, #tpu.memory_space<hbm>> -> memref<1x50x128xf32, #tpu.memory_space<hbm>>
        %dma_start3A_297 = tpu.memref_squeeze %dma_start3A_296 : memref<1x50x128xf32, #tpu.memory_space<hbm>> -> memref<50x128xf32, #tpu.memory_space<hbm>>
        %dma_start3A_298 = arith.constant 0 : i32
        %dma_start3A_299 = arith.constant 0 : i32
        %dma_start3A_300 = tpu.memref_slice %arg4[%add3A_224, %dma_start3A_298, %dma_start3A_299] : memref<16384x56x128xf32, #tpu.memory_space<hbm>> -> memref<1x50x128xf32, #tpu.memory_space<hbm>>
        %dma_start3A_301 = tpu.memref_squeeze %dma_start3A_300 : memref<1x50x128xf32, #tpu.memory_space<hbm>> -> memref<50x128xf32, #tpu.memory_space<hbm>>
        %dma_start3A_302 = arith.constant 50 : i32
        %dma_start3A_303 = arith.constant 0 : i32
        %dma_start3A_304 = tpu.memref_slice %arg8[%dma_start3A_302, %dma_start3A_303] : memref<400x128xf32, #tpu.memory_space<vmem>> -> memref<50x128xf32, #tpu.memory_space<vmem>>
        tpu.enqueue_dma source(%dma_start3A_304 : memref<50x128xf32, #tpu.memory_space<vmem>>) target(%dma_start3A_301 : memref<50x128xf32, #tpu.memory_space<hbm>>) target_semaphore(%run_scoped3A_290 : memref<!tpu.dma_semaphore, #tpu.memory_space<semaphore_mem>>)
        %dma_wait3A_305 = arith.constant 50 : i32
        %dma_wait3A_306 = arith.constant 0 : i32
        %dma_wait3A_307 = tpu.memref_slice %arg8[%dma_wait3A_305, %dma_wait3A_306] : memref<400x128xf32, #tpu.memory_space<vmem>> -> memref<50x128xf32, #tpu.memory_space<vmem>>
        %dma_wait3A_308 = arith.constant 0 : i32
        %dma_wait3A_309 = arith.constant 0 : i32
        %dma_wait3A_310 = tpu.memref_slice %arg4[%add3A_224, %dma_wait3A_308, %dma_wait3A_309] : memref<16384x56x128xf32, #tpu.memory_space<hbm>> -> memref<1x50x128xf32, #tpu.memory_space<hbm>>
        %dma_wait3A_311 = tpu.memref_squeeze %dma_wait3A_310 : memref<1x50x128xf32, #tpu.memory_space<hbm>> -> memref<50x128xf32, #tpu.memory_space<hbm>>
        %dma_wait3A_312 = arith.constant 0 : i32
        %dma_wait3A_313 = arith.constant 0 : i32
        %dma_wait3A_314 = tpu.memref_slice %arg4[%add3A_224, %dma_wait3A_312, %dma_wait3A_313] : memref<16384x56x128xf32, #tpu.memory_space<hbm>> -> memref<1x50x128xf32, #tpu.memory_space<hbm>>
        %dma_wait3A_315 = tpu.memref_squeeze %dma_wait3A_314 : memref<1x50x128xf32, #tpu.memory_space<hbm>> -> memref<50x128xf32, #tpu.memory_space<hbm>>
        %dma_wait3A_316 = arith.constant 50 : i32
        %dma_wait3A_317 = arith.constant 0 : i32
        %dma_wait3A_318 = tpu.memref_slice %arg8[%dma_wait3A_316, %dma_wait3A_317] : memref<400x128xf32, #tpu.memory_space<vmem>> -> memref<50x128xf32, #tpu.memory_space<vmem>>
        tpu.wait_dma2 semaphore(%run_scoped3A_290 : memref<!tpu.dma_semaphore, #tpu.memory_space<semaphore_mem>>) src(%dma_wait3A_318 : memref<50x128xf32, #tpu.memory_space<vmem>>) dst(%dma_wait3A_315 : memref<50x128xf32, #tpu.memory_space<hbm>>)
        tpu.yield
      }) : () -> ()
      %add3A_225 = arith.constant 2 : i32
      %add3A_226 = arith.addi %add3A_220, %add3A_225 : i32
      "tpu.region"() ({
        %run_scoped3A_290 = tpu.sem_alloc : memref<!tpu.dma_semaphore, #tpu.memory_space<semaphore_mem>>
        %dma_start3A_291 = arith.constant 100 : i32
        %dma_start3A_292 = arith.constant 0 : i32
        %dma_start3A_293 = tpu.memref_slice %arg8[%dma_start3A_291, %dma_start3A_292] : memref<400x128xf32, #tpu.memory_space<vmem>> -> memref<50x128xf32, #tpu.memory_space<vmem>>
        %dma_start3A_294 = arith.constant 0 : i32
        %dma_start3A_295 = arith.constant 0 : i32
        %dma_start3A_296 = tpu.memref_slice %arg4[%add3A_226, %dma_start3A_294, %dma_start3A_295] : memref<16384x56x128xf32, #tpu.memory_space<hbm>> -> memref<1x50x128xf32, #tpu.memory_space<hbm>>
        %dma_start3A_297 = tpu.memref_squeeze %dma_start3A_296 : memref<1x50x128xf32, #tpu.memory_space<hbm>> -> memref<50x128xf32, #tpu.memory_space<hbm>>
        %dma_start3A_298 = arith.constant 0 : i32
        %dma_start3A_299 = arith.constant 0 : i32
        %dma_start3A_300 = tpu.memref_slice %arg4[%add3A_226, %dma_start3A_298, %dma_start3A_299] : memref<16384x56x128xf32, #tpu.memory_space<hbm>> -> memref<1x50x128xf32, #tpu.memory_space<hbm>>
        %dma_start3A_301 = tpu.memref_squeeze %dma_start3A_300 : memref<1x50x128xf32, #tpu.memory_space<hbm>> -> memref<50x128xf32, #tpu.memory_space<hbm>>
        %dma_start3A_302 = arith.constant 100 : i32
        %dma_start3A_303 = arith.constant 0 : i32
        %dma_start3A_304 = tpu.memref_slice %arg8[%dma_start3A_302, %dma_start3A_303] : memref<400x128xf32, #tpu.memory_space<vmem>> -> memref<50x128xf32, #tpu.memory_space<vmem>>
        tpu.enqueue_dma source(%dma_start3A_304 : memref<50x128xf32, #tpu.memory_space<vmem>>) target(%dma_start3A_301 : memref<50x128xf32, #tpu.memory_space<hbm>>) target_semaphore(%run_scoped3A_290 : memref<!tpu.dma_semaphore, #tpu.memory_space<semaphore_mem>>)
        %dma_wait3A_305 = arith.constant 100 : i32
        %dma_wait3A_306 = arith.constant 0 : i32
        %dma_wait3A_307 = tpu.memref_slice %arg8[%dma_wait3A_305, %dma_wait3A_306] : memref<400x128xf32, #tpu.memory_space<vmem>> -> memref<50x128xf32, #tpu.memory_space<vmem>>
        %dma_wait3A_308 = arith.constant 0 : i32
        %dma_wait3A_309 = arith.constant 0 : i32
        %dma_wait3A_310 = tpu.memref_slice %arg4[%add3A_226, %dma_wait3A_308, %dma_wait3A_309] : memref<16384x56x128xf32, #tpu.memory_space<hbm>> -> memref<1x50x128xf32, #tpu.memory_space<hbm>>
        %dma_wait3A_311 = tpu.memref_squeeze %dma_wait3A_310 : memref<1x50x128xf32, #tpu.memory_space<hbm>> -> memref<50x128xf32, #tpu.memory_space<hbm>>
        %dma_wait3A_312 = arith.constant 0 : i32
        %dma_wait3A_313 = arith.constant 0 : i32
        %dma_wait3A_314 = tpu.memref_slice %arg4[%add3A_226, %dma_wait3A_312, %dma_wait3A_313] : memref<16384x56x128xf32, #tpu.memory_space<hbm>> -> memref<1x50x128xf32, #tpu.memory_space<hbm>>
        %dma_wait3A_315 = tpu.memref_squeeze %dma_wait3A_314 : memref<1x50x128xf32, #tpu.memory_space<hbm>> -> memref<50x128xf32, #tpu.memory_space<hbm>>
        %dma_wait3A_316 = arith.constant 100 : i32
        %dma_wait3A_317 = arith.constant 0 : i32
        %dma_wait3A_318 = tpu.memref_slice %arg8[%dma_wait3A_316, %dma_wait3A_317] : memref<400x128xf32, #tpu.memory_space<vmem>> -> memref<50x128xf32, #tpu.memory_space<vmem>>
        tpu.wait_dma2 semaphore(%run_scoped3A_290 : memref<!tpu.dma_semaphore, #tpu.memory_space<semaphore_mem>>) src(%dma_wait3A_318 : memref<50x128xf32, #tpu.memory_space<vmem>>) dst(%dma_wait3A_315 : memref<50x128xf32, #tpu.memory_space<hbm>>)
        tpu.yield
      }) : () -> ()
      %add3A_227 = arith.constant 3 : i32
      %add3A_228 = arith.addi %add3A_220, %add3A_227 : i32
      "tpu.region"() ({
        %run_scoped3A_290 = tpu.sem_alloc : memref<!tpu.dma_semaphore, #tpu.memory_space<semaphore_mem>>
        %dma_start3A_291 = arith.constant 150 : i32
        %dma_start3A_292 = arith.constant 0 : i32
        %dma_start3A_293 = tpu.memref_slice %arg8[%dma_start3A_291, %dma_start3A_292] : memref<400x128xf32, #tpu.memory_space<vmem>> -> memref<50x128xf32, #tpu.memory_space<vmem>>
        %dma_start3A_294 = arith.constant 0 : i32
        %dma_start3A_295 = arith.constant 0 : i32
        %dma_start3A_296 = tpu.memref_slice %arg4[%add3A_228, %dma_start3A_294, %dma_start3A_295] : memref<16384x56x128xf32, #tpu.memory_space<hbm>> -> memref<1x50x128xf32, #tpu.memory_space<hbm>>
        %dma_start3A_297 = tpu.memref_squeeze %dma_start3A_296 : memref<1x50x128xf32, #tpu.memory_space<hbm>> -> memref<50x128xf32, #tpu.memory_space<hbm>>
        %dma_start3A_298 = arith.constant 0 : i32
        %dma_start3A_299 = arith.constant 0 : i32
        %dma_start3A_300 = tpu.memref_slice %arg4[%add3A_228, %dma_start3A_298, %dma_start3A_299] : memref<16384x56x128xf32, #tpu.memory_space<hbm>> -> memref<1x50x128xf32, #tpu.memory_space<hbm>>
        %dma_start3A_301 = tpu.memref_squeeze %dma_start3A_300 : memref<1x50x128xf32, #tpu.memory_space<hbm>> -> memref<50x128xf32, #tpu.memory_space<hbm>>
        %dma_start3A_302 = arith.constant 150 : i32
        %dma_start3A_303 = arith.constant 0 : i32
        %dma_start3A_304 = tpu.memref_slice %arg8[%dma_start3A_302, %dma_start3A_303] : memref<400x128xf32, #tpu.memory_space<vmem>> -> memref<50x128xf32, #tpu.memory_space<vmem>>
        tpu.enqueue_dma source(%dma_start3A_304 : memref<50x128xf32, #tpu.memory_space<vmem>>) target(%dma_start3A_301 : memref<50x128xf32, #tpu.memory_space<hbm>>) target_semaphore(%run_scoped3A_290 : memref<!tpu.dma_semaphore, #tpu.memory_space<semaphore_mem>>)
        %dma_wait3A_305 = arith.constant 150 : i32
        %dma_wait3A_306 = arith.constant 0 : i32
        %dma_wait3A_307 = tpu.memref_slice %arg8[%dma_wait3A_305, %dma_wait3A_306] : memref<400x128xf32, #tpu.memory_space<vmem>> -> memref<50x128xf32, #tpu.memory_space<vmem>>
        %dma_wait3A_308 = arith.constant 0 : i32
        %dma_wait3A_309 = arith.constant 0 : i32
        %dma_wait3A_310 = tpu.memref_slice %arg4[%add3A_228, %dma_wait3A_308, %dma_wait3A_309] : memref<16384x56x128xf32, #tpu.memory_space<hbm>> -> memref<1x50x128xf32, #tpu.memory_space<hbm>>
        %dma_wait3A_311 = tpu.memref_squeeze %dma_wait3A_310 : memref<1x50x128xf32, #tpu.memory_space<hbm>> -> memref<50x128xf32, #tpu.memory_space<hbm>>
        %dma_wait3A_312 = arith.constant 0 : i32
        %dma_wait3A_313 = arith.constant 0 : i32
        %dma_wait3A_314 = tpu.memref_slice %arg4[%add3A_228, %dma_wait3A_312, %dma_wait3A_313] : memref<16384x56x128xf32, #tpu.memory_space<hbm>> -> memref<1x50x128xf32, #tpu.memory_space<hbm>>
        %dma_wait3A_315 = tpu.memref_squeeze %dma_wait3A_314 : memref<1x50x128xf32, #tpu.memory_space<hbm>> -> memref<50x128xf32, #tpu.memory_space<hbm>>
        %dma_wait3A_316 = arith.constant 150 : i32
        %dma_wait3A_317 = arith.constant 0 : i32
        %dma_wait3A_318 = tpu.memref_slice %arg8[%dma_wait3A_316, %dma_wait3A_317] : memref<400x128xf32, #tpu.memory_space<vmem>> -> memref<50x128xf32, #tpu.memory_space<vmem>>
        tpu.wait_dma2 semaphore(%run_scoped3A_290 : memref<!tpu.dma_semaphore, #tpu.memory_space<semaphore_mem>>) src(%dma_wait3A_318 : memref<50x128xf32, #tpu.memory_space<vmem>>) dst(%dma_wait3A_315 : memref<50x128xf32, #tpu.memory_space<hbm>>)
        tpu.yield
      }) : () -> ()
      %add3A_229 = arith.constant 4 : i32
      %add3A_230 = arith.addi %add3A_220, %add3A_229 : i32
      "tpu.region"() ({
        %run_scoped3A_290 = tpu.sem_alloc : memref<!tpu.dma_semaphore, #tpu.memory_space<semaphore_mem>>
        %dma_start3A_291 = arith.constant 200 : i32
        %dma_start3A_292 = arith.constant 0 : i32
        %dma_start3A_293 = tpu.memref_slice %arg8[%dma_start3A_291, %dma_start3A_292] : memref<400x128xf32, #tpu.memory_space<vmem>> -> memref<50x128xf32, #tpu.memory_space<vmem>>
        %dma_start3A_294 = arith.constant 0 : i32
        %dma_start3A_295 = arith.constant 0 : i32
        %dma_start3A_296 = tpu.memref_slice %arg4[%add3A_230, %dma_start3A_294, %dma_start3A_295] : memref<16384x56x128xf32, #tpu.memory_space<hbm>> -> memref<1x50x128xf32, #tpu.memory_space<hbm>>
        %dma_start3A_297 = tpu.memref_squeeze %dma_start3A_296 : memref<1x50x128xf32, #tpu.memory_space<hbm>> -> memref<50x128xf32, #tpu.memory_space<hbm>>
        %dma_start3A_298 = arith.constant 0 : i32
        %dma_start3A_299 = arith.constant 0 : i32
        %dma_start3A_300 = tpu.memref_slice %arg4[%add3A_230, %dma_start3A_298, %dma_start3A_299] : memref<16384x56x128xf32, #tpu.memory_space<hbm>> -> memref<1x50x128xf32, #tpu.memory_space<hbm>>
        %dma_start3A_301 = tpu.memref_squeeze %dma_start3A_300 : memref<1x50x128xf32, #tpu.memory_space<hbm>> -> memref<50x128xf32, #tpu.memory_space<hbm>>
        %dma_start3A_302 = arith.constant 200 : i32
        %dma_start3A_303 = arith.constant 0 : i32
        %dma_start3A_304 = tpu.memref_slice %arg8[%dma_start3A_302, %dma_start3A_303] : memref<400x128xf32, #tpu.memory_space<vmem>> -> memref<50x128xf32, #tpu.memory_space<vmem>>
        tpu.enqueue_dma source(%dma_start3A_304 : memref<50x128xf32, #tpu.memory_space<vmem>>) target(%dma_start3A_301 : memref<50x128xf32, #tpu.memory_space<hbm>>) target_semaphore(%run_scoped3A_290 : memref<!tpu.dma_semaphore, #tpu.memory_space<semaphore_mem>>)
        %dma_wait3A_305 = arith.constant 200 : i32
        %dma_wait3A_306 = arith.constant 0 : i32
        %dma_wait3A_307 = tpu.memref_slice %arg8[%dma_wait3A_305, %dma_wait3A_306] : memref<400x128xf32, #tpu.memory_space<vmem>> -> memref<50x128xf32, #tpu.memory_space<vmem>>
        %dma_wait3A_308 = arith.constant 0 : i32
        %dma_wait3A_309 = arith.constant 0 : i32
        %dma_wait3A_310 = tpu.memref_slice %arg4[%add3A_230, %dma_wait3A_308, %dma_wait3A_309] : memref<16384x56x128xf32, #tpu.memory_space<hbm>> -> memref<1x50x128xf32, #tpu.memory_space<hbm>>
        %dma_wait3A_311 = tpu.memref_squeeze %dma_wait3A_310 : memref<1x50x128xf32, #tpu.memory_space<hbm>> -> memref<50x128xf32, #tpu.memory_space<hbm>>
        %dma_wait3A_312 = arith.constant 0 : i32
        %dma_wait3A_313 = arith.constant 0 : i32
        %dma_wait3A_314 = tpu.memref_slice %arg4[%add3A_230, %dma_wait3A_312, %dma_wait3A_313] : memref<16384x56x128xf32, #tpu.memory_space<hbm>> -> memref<1x50x128xf32, #tpu.memory_space<hbm>>
        %dma_wait3A_315 = tpu.memref_squeeze %dma_wait3A_314 : memref<1x50x128xf32, #tpu.memory_space<hbm>> -> memref<50x128xf32, #tpu.memory_space<hbm>>
        %dma_wait3A_316 = arith.constant 200 : i32
        %dma_wait3A_317 = arith.constant 0 : i32
        %dma_wait3A_318 = tpu.memref_slice %arg8[%dma_wait3A_316, %dma_wait3A_317] : memref<400x128xf32, #tpu.memory_space<vmem>> -> memref<50x128xf32, #tpu.memory_space<vmem>>
        tpu.wait_dma2 semaphore(%run_scoped3A_290 : memref<!tpu.dma_semaphore, #tpu.memory_space<semaphore_mem>>) src(%dma_wait3A_318 : memref<50x128xf32, #tpu.memory_space<vmem>>) dst(%dma_wait3A_315 : memref<50x128xf32, #tpu.memory_space<hbm>>)
        tpu.yield
      }) : () -> ()
      %add3A_231 = arith.constant 5 : i32
      %add3A_232 = arith.addi %add3A_220, %add3A_231 : i32
      "tpu.region"() ({
        %run_scoped3A_290 = tpu.sem_alloc : memref<!tpu.dma_semaphore, #tpu.memory_space<semaphore_mem>>
        %dma_start3A_291 = arith.constant 250 : i32
        %dma_start3A_292 = arith.constant 0 : i32
        %dma_start3A_293 = tpu.memref_slice %arg8[%dma_start3A_291, %dma_start3A_292] : memref<400x128xf32, #tpu.memory_space<vmem>> -> memref<50x128xf32, #tpu.memory_space<vmem>>
        %dma_start3A_294 = arith.constant 0 : i32
        %dma_start3A_295 = arith.constant 0 : i32
        %dma_start3A_296 = tpu.memref_slice %arg4[%add3A_232, %dma_start3A_294, %dma_start3A_295] : memref<16384x56x128xf32, #tpu.memory_space<hbm>> -> memref<1x50x128xf32, #tpu.memory_space<hbm>>
        %dma_start3A_297 = tpu.memref_squeeze %dma_start3A_296 : memref<1x50x128xf32, #tpu.memory_space<hbm>> -> memref<50x128xf32, #tpu.memory_space<hbm>>
        %dma_start3A_298 = arith.constant 0 : i32
        %dma_start3A_299 = arith.constant 0 : i32
        %dma_start3A_300 = tpu.memref_slice %arg4[%add3A_232, %dma_start3A_298, %dma_start3A_299] : memref<16384x56x128xf32, #tpu.memory_space<hbm>> -> memref<1x50x128xf32, #tpu.memory_space<hbm>>
        %dma_start3A_301 = tpu.memref_squeeze %dma_start3A_300 : memref<1x50x128xf32, #tpu.memory_space<hbm>> -> memref<50x128xf32, #tpu.memory_space<hbm>>
        %dma_start3A_302 = arith.constant 250 : i32
        %dma_start3A_303 = arith.constant 0 : i32
        %dma_start3A_304 = tpu.memref_slice %arg8[%dma_start3A_302, %dma_start3A_303] : memref<400x128xf32, #tpu.memory_space<vmem>> -> memref<50x128xf32, #tpu.memory_space<vmem>>
        tpu.enqueue_dma source(%dma_start3A_304 : memref<50x128xf32, #tpu.memory_space<vmem>>) target(%dma_start3A_301 : memref<50x128xf32, #tpu.memory_space<hbm>>) target_semaphore(%run_scoped3A_290 : memref<!tpu.dma_semaphore, #tpu.memory_space<semaphore_mem>>)
        %dma_wait3A_305 = arith.constant 250 : i32
        %dma_wait3A_306 = arith.constant 0 : i32
        %dma_wait3A_307 = tpu.memref_slice %arg8[%dma_wait3A_305, %dma_wait3A_306] : memref<400x128xf32, #tpu.memory_space<vmem>> -> memref<50x128xf32, #tpu.memory_space<vmem>>
        %dma_wait3A_308 = arith.constant 0 : i32
        %dma_wait3A_309 = arith.constant 0 : i32
        %dma_wait3A_310 = tpu.memref_slice %arg4[%add3A_232, %dma_wait3A_308, %dma_wait3A_309] : memref<16384x56x128xf32, #tpu.memory_space<hbm>> -> memref<1x50x128xf32, #tpu.memory_space<hbm>>
        %dma_wait3A_311 = tpu.memref_squeeze %dma_wait3A_310 : memref<1x50x128xf32, #tpu.memory_space<hbm>> -> memref<50x128xf32, #tpu.memory_space<hbm>>
        %dma_wait3A_312 = arith.constant 0 : i32
        %dma_wait3A_313 = arith.constant 0 : i32
        %dma_wait3A_314 = tpu.memref_slice %arg4[%add3A_232, %dma_wait3A_312, %dma_wait3A_313] : memref<16384x56x128xf32, #tpu.memory_space<hbm>> -> memref<1x50x128xf32, #tpu.memory_space<hbm>>
        %dma_wait3A_315 = tpu.memref_squeeze %dma_wait3A_314 : memref<1x50x128xf32, #tpu.memory_space<hbm>> -> memref<50x128xf32, #tpu.memory_space<hbm>>
        %dma_wait3A_316 = arith.constant 250 : i32
        %dma_wait3A_317 = arith.constant 0 : i32
        %dma_wait3A_318 = tpu.memref_slice %arg8[%dma_wait3A_316, %dma_wait3A_317] : memref<400x128xf32, #tpu.memory_space<vmem>> -> memref<50x128xf32, #tpu.memory_space<vmem>>
        tpu.wait_dma2 semaphore(%run_scoped3A_290 : memref<!tpu.dma_semaphore, #tpu.memory_space<semaphore_mem>>) src(%dma_wait3A_318 : memref<50x128xf32, #tpu.memory_space<vmem>>) dst(%dma_wait3A_315 : memref<50x128xf32, #tpu.memory_space<hbm>>)
        tpu.yield
      }) : () -> ()
      %add3A_233 = arith.constant 6 : i32
      %add3A_234 = arith.addi %add3A_220, %add3A_233 : i32
      "tpu.region"() ({
        %run_scoped3A_290 = tpu.sem_alloc : memref<!tpu.dma_semaphore, #tpu.memory_space<semaphore_mem>>
        %dma_start3A_291 = arith.constant 300 : i32
        %dma_start3A_292 = arith.constant 0 : i32
        %dma_start3A_293 = tpu.memref_slice %arg8[%dma_start3A_291, %dma_start3A_292] : memref<400x128xf32, #tpu.memory_space<vmem>> -> memref<50x128xf32, #tpu.memory_space<vmem>>
        %dma_start3A_294 = arith.constant 0 : i32
        %dma_start3A_295 = arith.constant 0 : i32
        %dma_start3A_296 = tpu.memref_slice %arg4[%add3A_234, %dma_start3A_294, %dma_start3A_295] : memref<16384x56x128xf32, #tpu.memory_space<hbm>> -> memref<1x50x128xf32, #tpu.memory_space<hbm>>
        %dma_start3A_297 = tpu.memref_squeeze %dma_start3A_296 : memref<1x50x128xf32, #tpu.memory_space<hbm>> -> memref<50x128xf32, #tpu.memory_space<hbm>>
        %dma_start3A_298 = arith.constant 0 : i32
        %dma_start3A_299 = arith.constant 0 : i32
        %dma_start3A_300 = tpu.memref_slice %arg4[%add3A_234, %dma_start3A_298, %dma_start3A_299] : memref<16384x56x128xf32, #tpu.memory_space<hbm>> -> memref<1x50x128xf32, #tpu.memory_space<hbm>>
        %dma_start3A_301 = tpu.memref_squeeze %dma_start3A_300 : memref<1x50x128xf32, #tpu.memory_space<hbm>> -> memref<50x128xf32, #tpu.memory_space<hbm>>
        %dma_start3A_302 = arith.constant 300 : i32
        %dma_start3A_303 = arith.constant 0 : i32
        %dma_start3A_304 = tpu.memref_slice %arg8[%dma_start3A_302, %dma_start3A_303] : memref<400x128xf32, #tpu.memory_space<vmem>> -> memref<50x128xf32, #tpu.memory_space<vmem>>
        tpu.enqueue_dma source(%dma_start3A_304 : memref<50x128xf32, #tpu.memory_space<vmem>>) target(%dma_start3A_301 : memref<50x128xf32, #tpu.memory_space<hbm>>) target_semaphore(%run_scoped3A_290 : memref<!tpu.dma_semaphore, #tpu.memory_space<semaphore_mem>>)
        %dma_wait3A_305 = arith.constant 300 : i32
        %dma_wait3A_306 = arith.constant 0 : i32
        %dma_wait3A_307 = tpu.memref_slice %arg8[%dma_wait3A_305, %dma_wait3A_306] : memref<400x128xf32, #tpu.memory_space<vmem>> -> memref<50x128xf32, #tpu.memory_space<vmem>>
        %dma_wait3A_308 = arith.constant 0 : i32
        %dma_wait3A_309 = arith.constant 0 : i32
        %dma_wait3A_310 = tpu.memref_slice %arg4[%add3A_234, %dma_wait3A_308, %dma_wait3A_309] : memref<16384x56x128xf32, #tpu.memory_space<hbm>> -> memref<1x50x128xf32, #tpu.memory_space<hbm>>
        %dma_wait3A_311 = tpu.memref_squeeze %dma_wait3A_310 : memref<1x50x128xf32, #tpu.memory_space<hbm>> -> memref<50x128xf32, #tpu.memory_space<hbm>>
        %dma_wait3A_312 = arith.constant 0 : i32
        %dma_wait3A_313 = arith.constant 0 : i32
        %dma_wait3A_314 = tpu.memref_slice %arg4[%add3A_234, %dma_wait3A_312, %dma_wait3A_313] : memref<16384x56x128xf32, #tpu.memory_space<hbm>> -> memref<1x50x128xf32, #tpu.memory_space<hbm>>
        %dma_wait3A_315 = tpu.memref_squeeze %dma_wait3A_314 : memref<1x50x128xf32, #tpu.memory_space<hbm>> -> memref<50x128xf32, #tpu.memory_space<hbm>>
        %dma_wait3A_316 = arith.constant 300 : i32
        %dma_wait3A_317 = arith.constant 0 : i32
        %dma_wait3A_318 = tpu.memref_slice %arg8[%dma_wait3A_316, %dma_wait3A_317] : memref<400x128xf32, #tpu.memory_space<vmem>> -> memref<50x128xf32, #tpu.memory_space<vmem>>
        tpu.wait_dma2 semaphore(%run_scoped3A_290 : memref<!tpu.dma_semaphore, #tpu.memory_space<semaphore_mem>>) src(%dma_wait3A_318 : memref<50x128xf32, #tpu.memory_space<vmem>>) dst(%dma_wait3A_315 : memref<50x128xf32, #tpu.memory_space<hbm>>)
        tpu.yield
      }) : () -> ()
      %add3A_235 = arith.constant 7 : i32
      %add3A_236 = arith.addi %add3A_220, %add3A_235 : i32
      "tpu.region"() ({
        %run_scoped3A_290 = tpu.sem_alloc : memref<!tpu.dma_semaphore, #tpu.memory_space<semaphore_mem>>
        %dma_start3A_291 = arith.constant 350 : i32
        %dma_start3A_292 = arith.constant 0 : i32
        %dma_start3A_293 = tpu.memref_slice %arg8[%dma_start3A_291, %dma_start3A_292] : memref<400x128xf32, #tpu.memory_space<vmem>> -> memref<50x128xf32, #tpu.memory_space<vmem>>
        %dma_start3A_294 = arith.constant 0 : i32
        %dma_start3A_295 = arith.constant 0 : i32
        %dma_start3A_296 = tpu.memref_slice %arg4[%add3A_236, %dma_start3A_294, %dma_start3A_295] : memref<16384x56x128xf32, #tpu.memory_space<hbm>> -> memref<1x50x128xf32, #tpu.memory_space<hbm>>
        %dma_start3A_297 = tpu.memref_squeeze %dma_start3A_296 : memref<1x50x128xf32, #tpu.memory_space<hbm>> -> memref<50x128xf32, #tpu.memory_space<hbm>>
        %dma_start3A_298 = arith.constant 0 : i32
        %dma_start3A_299 = arith.constant 0 : i32
        %dma_start3A_300 = tpu.memref_slice %arg4[%add3A_236, %dma_start3A_298, %dma_start3A_299] : memref<16384x56x128xf32, #tpu.memory_space<hbm>> -> memref<1x50x128xf32, #tpu.memory_space<hbm>>
        %dma_start3A_301 = tpu.memref_squeeze %dma_start3A_300 : memref<1x50x128xf32, #tpu.memory_space<hbm>> -> memref<50x128xf32, #tpu.memory_space<hbm>>
        %dma_start3A_302 = arith.constant 350 : i32
        %dma_start3A_303 = arith.constant 0 : i32
        %dma_start3A_304 = tpu.memref_slice %arg8[%dma_start3A_302, %dma_start3A_303] : memref<400x128xf32, #tpu.memory_space<vmem>> -> memref<50x128xf32, #tpu.memory_space<vmem>>
        tpu.enqueue_dma source(%dma_start3A_304 : memref<50x128xf32, #tpu.memory_space<vmem>>) target(%dma_start3A_301 : memref<50x128xf32, #tpu.memory_space<hbm>>) target_semaphore(%run_scoped3A_290 : memref<!tpu.dma_semaphore, #tpu.memory_space<semaphore_mem>>)
        %dma_wait3A_305 = arith.constant 350 : i32
        %dma_wait3A_306 = arith.constant 0 : i32
        %dma_wait3A_307 = tpu.memref_slice %arg8[%dma_wait3A_305, %dma_wait3A_306] : memref<400x128xf32, #tpu.memory_space<vmem>> -> memref<50x128xf32, #tpu.memory_space<vmem>>
        %dma_wait3A_308 = arith.constant 0 : i32
        %dma_wait3A_309 = arith.constant 0 : i32
        %dma_wait3A_310 = tpu.memref_slice %arg4[%add3A_236, %dma_wait3A_308, %dma_wait3A_309] : memref<16384x56x128xf32, #tpu.memory_space<hbm>> -> memref<1x50x128xf32, #tpu.memory_space<hbm>>
        %dma_wait3A_311 = tpu.memref_squeeze %dma_wait3A_310 : memref<1x50x128xf32, #tpu.memory_space<hbm>> -> memref<50x128xf32, #tpu.memory_space<hbm>>
        %dma_wait3A_312 = arith.constant 0 : i32
        %dma_wait3A_313 = arith.constant 0 : i32
        %dma_wait3A_314 = tpu.memref_slice %arg4[%add3A_236, %dma_wait3A_312, %dma_wait3A_313] : memref<16384x56x128xf32, #tpu.memory_space<hbm>> -> memref<1x50x128xf32, #tpu.memory_space<hbm>>
        %dma_wait3A_315 = tpu.memref_squeeze %dma_wait3A_314 : memref<1x50x128xf32, #tpu.memory_space<hbm>> -> memref<50x128xf32, #tpu.memory_space<hbm>>
        %dma_wait3A_316 = arith.constant 350 : i32
        %dma_wait3A_317 = arith.constant 0 : i32
        %dma_wait3A_318 = tpu.memref_slice %arg8[%dma_wait3A_316, %dma_wait3A_317] : memref<400x128xf32, #tpu.memory_space<vmem>> -> memref<50x128xf32, #tpu.memory_space<vmem>>
        tpu.wait_dma2 semaphore(%run_scoped3A_290 : memref<!tpu.dma_semaphore, #tpu.memory_space<semaphore_mem>>) src(%dma_wait3A_318 : memref<50x128xf32, #tpu.memory_space<vmem>>) dst(%dma_wait3A_315 : memref<50x128xf32, #tpu.memory_space<hbm>>)
        tpu.yield
      }) : () -> ()
      %mul3A_237 = arith.constant 2 : i32
      %mul3A_238 = arith.muli %mul3A_237, %scan3A_199 : i32
      %add3A_239 = arith.constant 2 : i32
      %add3A_240 = arith.addi %mul3A_238, %add3A_239 : i32
      %jit3A_241 = arith.constant 16 : i32
      %eq3A = arith.constant 0 : i32
      %eq3A_242 = arith.cmpi eq, %jit3A_241, %eq3A : i32
      %jit3A_243 = arith.constant 1 : i32
      %select_n3A_244 = arith.select %eq3A_242, %jit3A_243, %jit3A_241 : i32
      %rem3A_245 = arith.remsi %add3A_240, %select_n3A_244 : i32
      %ne3A_246 = arith.constant 0 : i32
      %ne3A_247 = arith.cmpi ne, %rem3A_245, %ne3A_246 : i32
      %lt3A = arith.constant 0 : i32
      %lt3A_248 = arith.cmpi slt, %rem3A_245, %lt3A : i32
      %lt3A_249 = arith.constant 0 : i32
      %lt3A_250 = arith.cmpi slt, %select_n3A_244, %lt3A_249 : i32
      %ne3A_251 = arith.xori %lt3A_248, %lt3A_250 : i1
      %and3A_252 = arith.andi %ne3A_251, %ne3A_247 : i1
      %add3A_253 = arith.addi %rem3A_245, %select_n3A_244 : i32
      %select_n3A_254 = arith.select %and3A_252, %add3A_253, %rem3A_245 : i32
      %mul3A_255 = arith.constant 400 : i32
      %mul3A_256 = arith.muli %select_n3A_254, %mul3A_255 : i32
      %dma_start3A_257 = tpu.memref_slice %arg7[%mul3A_256] : memref<6400xi32, #tpu.memory_space<vmem>> -> memref<400xi32, #tpu.memory_space<vmem>>
      %dma_start3A_258 = arith.constant 0 : i32
      %dma_start3A_259 = arith.constant 0 : i32
      %dma_start3A_260 = tpu.memref_slice %arg2[%dma_start3A_258, %dma_start3A_259] : memref<200000x128xf32, #tpu.memory_space<hbm>> -> memref<200000x128xf32, #tpu.memory_space<hbm>>
      tpu.enqueue_indirect_dma source(%dma_start3A_260 : memref<200000x128xf32, #tpu.memory_space<hbm>>) target(%arg8 : memref<400x128xf32, #tpu.memory_space<vmem>>) offsets(%dma_start3A_257 : memref<400xi32, #tpu.memory_space<vmem>>) semaphore(%arg10 : memref<!tpu.dma_semaphore, #tpu.memory_space<semaphore_mem>>)
      %dma_wait3A_261 = arith.constant 0 : i32
      %dma_wait3A_262 = tpu.memref_slice %arg7[%dma_wait3A_261] : memref<6400xi32, #tpu.memory_space<vmem>> -> memref<400xi32, #tpu.memory_space<vmem>>
      %dma_wait3A_263 = arith.constant 0 : i32
      %dma_wait3A_264 = arith.constant 0 : i32
      %dma_wait3A_265 = tpu.memref_slice %arg2[%dma_wait3A_263, %dma_wait3A_264] : memref<200000x128xf32, #tpu.memory_space<hbm>> -> memref<200000x128xf32, #tpu.memory_space<hbm>>
      tpu.wait_indirect_dma semaphore(%arg11 : memref<!tpu.dma_semaphore, #tpu.memory_space<semaphore_mem>>) src(%dma_wait3A_265 : memref<200000x128xf32, #tpu.memory_space<hbm>>) dst(%arg9 : memref<400x128xf32, #tpu.memory_space<vmem>>)
      %mul3A_266 = arith.constant 2 : i32
      %mul3A_267 = arith.muli %mul3A_266, %scan3A_199 : i32
      %add3A_268 = arith.constant 1 : i32
      %add3A_269 = arith.addi %mul3A_267, %add3A_268 : i32
      %mul3A_270 = arith.constant 8 : i32
      %mul3A_271 = arith.muli %add3A_269, %mul3A_270 : i32
      %add3A_272 = arith.addi %select_n3A_68, %mul3A_271 : i32
      %add3A_273 = arith.constant 0 : i32
      %add3A_274 = arith.addi %add3A_272, %add3A_273 : i32
      "tpu.region"() ({
        %run_scoped3A_290 = tpu.sem_alloc : memref<!tpu.dma_semaphore, #tpu.memory_space<semaphore_mem>>
        %dma_start3A_291 = arith.constant 0 : i32
        %dma_start3A_292 = arith.constant 0 : i32
        %dma_start3A_293 = tpu.memref_slice %arg9[%dma_start3A_291, %dma_start3A_292] : memref<400x128xf32, #tpu.memory_space<vmem>> -> memref<50x128xf32, #tpu.memory_space<vmem>>
        %dma_start3A_294 = arith.constant 0 : i32
        %dma_start3A_295 = arith.constant 0 : i32
        %dma_start3A_296 = tpu.memref_slice %arg4[%add3A_274, %dma_start3A_294, %dma_start3A_295] : memref<16384x56x128xf32, #tpu.memory_space<hbm>> -> memref<1x50x128xf32, #tpu.memory_space<hbm>>
        %dma_start3A_297 = tpu.memref_squeeze %dma_start3A_296 : memref<1x50x128xf32, #tpu.memory_space<hbm>> -> memref<50x128xf32, #tpu.memory_space<hbm>>
        %dma_start3A_298 = arith.constant 0 : i32
        %dma_start3A_299 = arith.constant 0 : i32
        %dma_start3A_300 = tpu.memref_slice %arg4[%add3A_274, %dma_start3A_298, %dma_start3A_299] : memref<16384x56x128xf32, #tpu.memory_space<hbm>> -> memref<1x50x128xf32, #tpu.memory_space<hbm>>
        %dma_start3A_301 = tpu.memref_squeeze %dma_start3A_300 : memref<1x50x128xf32, #tpu.memory_space<hbm>> -> memref<50x128xf32, #tpu.memory_space<hbm>>
        %dma_start3A_302 = arith.constant 0 : i32
        %dma_start3A_303 = arith.constant 0 : i32
        %dma_start3A_304 = tpu.memref_slice %arg9[%dma_start3A_302, %dma_start3A_303] : memref<400x128xf32, #tpu.memory_space<vmem>> -> memref<50x128xf32, #tpu.memory_space<vmem>>
        tpu.enqueue_dma source(%dma_start3A_304 : memref<50x128xf32, #tpu.memory_space<vmem>>) target(%dma_start3A_301 : memref<50x128xf32, #tpu.memory_space<hbm>>) target_semaphore(%run_scoped3A_290 : memref<!tpu.dma_semaphore, #tpu.memory_space<semaphore_mem>>)
        %dma_wait3A_305 = arith.constant 0 : i32
        %dma_wait3A_306 = arith.constant 0 : i32
        %dma_wait3A_307 = tpu.memref_slice %arg9[%dma_wait3A_305, %dma_wait3A_306] : memref<400x128xf32, #tpu.memory_space<vmem>> -> memref<50x128xf32, #tpu.memory_space<vmem>>
        %dma_wait3A_308 = arith.constant 0 : i32
        %dma_wait3A_309 = arith.constant 0 : i32
        %dma_wait3A_310 = tpu.memref_slice %arg4[%add3A_274, %dma_wait3A_308, %dma_wait3A_309] : memref<16384x56x128xf32, #tpu.memory_space<hbm>> -> memref<1x50x128xf32, #tpu.memory_space<hbm>>
        %dma_wait3A_311 = tpu.memref_squeeze %dma_wait3A_310 : memref<1x50x128xf32, #tpu.memory_space<hbm>> -> memref<50x128xf32, #tpu.memory_space<hbm>>
        %dma_wait3A_312 = arith.constant 0 : i32
        %dma_wait3A_313 = arith.constant 0 : i32
        %dma_wait3A_314 = tpu.memref_slice %arg4[%add3A_274, %dma_wait3A_312, %dma_wait3A_313] : memref<16384x56x128xf32, #tpu.memory_space<hbm>> -> memref<1x50x128xf32, #tpu.memory_space<hbm>>
        %dma_wait3A_315 = tpu.memref_squeeze %dma_wait3A_314 : memref<1x50x128xf32, #tpu.memory_space<hbm>> -> memref<50x128xf32, #tpu.memory_space<hbm>>
        %dma_wait3A_316 = arith.constant 0 : i32
        %dma_wait3A_317 = arith.constant 0 : i32
        %dma_wait3A_318 = tpu.memref_slice %arg9[%dma_wait3A_316, %dma_wait3A_317] : memref<400x128xf32, #tpu.memory_space<vmem>> -> memref<50x128xf32, #tpu.memory_space<vmem>>
        tpu.wait_dma2 semaphore(%run_scoped3A_290 : memref<!tpu.dma_semaphore, #tpu.memory_space<semaphore_mem>>) src(%dma_wait3A_318 : memref<50x128xf32, #tpu.memory_space<vmem>>) dst(%dma_wait3A_315 : memref<50x128xf32, #tpu.memory_space<hbm>>)
        tpu.yield
      }) : () -> ()
      %add3A_275 = arith.constant 1 : i32
      %add3A_276 = arith.addi %add3A_272, %add3A_275 : i32
      "tpu.region"() ({
        %run_scoped3A_290 = tpu.sem_alloc : memref<!tpu.dma_semaphore, #tpu.memory_space<semaphore_mem>>
        %dma_start3A_291 = arith.constant 50 : i32
        %dma_start3A_292 = arith.constant 0 : i32
        %dma_start3A_293 = tpu.memref_slice %arg9[%dma_start3A_291, %dma_start3A_292] : memref<400x128xf32, #tpu.memory_space<vmem>> -> memref<50x128xf32, #tpu.memory_space<vmem>>
        %dma_start3A_294 = arith.constant 0 : i32
        %dma_start3A_295 = arith.constant 0 : i32
        %dma_start3A_296 = tpu.memref_slice %arg4[%add3A_276, %dma_start3A_294, %dma_start3A_295] : memref<16384x56x128xf32, #tpu.memory_space<hbm>> -> memref<1x50x128xf32, #tpu.memory_space<hbm>>
        %dma_start3A_297 = tpu.memref_squeeze %dma_start3A_296 : memref<1x50x128xf32, #tpu.memory_space<hbm>> -> memref<50x128xf32, #tpu.memory_space<hbm>>
        %dma_start3A_298 = arith.constant 0 : i32
        %dma_start3A_299 = arith.constant 0 : i32
        %dma_start3A_300 = tpu.memref_slice %arg4[%add3A_276, %dma_start3A_298, %dma_start3A_299] : memref<16384x56x128xf32, #tpu.memory_space<hbm>> -> memref<1x50x128xf32, #tpu.memory_space<hbm>>
        %dma_start3A_301 = tpu.memref_squeeze %dma_start3A_300 : memref<1x50x128xf32, #tpu.memory_space<hbm>> -> memref<50x128xf32, #tpu.memory_space<hbm>>
        %dma_start3A_302 = arith.constant 50 : i32
        %dma_start3A_303 = arith.constant 0 : i32
        %dma_start3A_304 = tpu.memref_slice %arg9[%dma_start3A_302, %dma_start3A_303] : memref<400x128xf32, #tpu.memory_space<vmem>> -> memref<50x128xf32, #tpu.memory_space<vmem>>
        tpu.enqueue_dma source(%dma_start3A_304 : memref<50x128xf32, #tpu.memory_space<vmem>>) target(%dma_start3A_301 : memref<50x128xf32, #tpu.memory_space<hbm>>) target_semaphore(%run_scoped3A_290 : memref<!tpu.dma_semaphore, #tpu.memory_space<semaphore_mem>>)
        %dma_wait3A_305 = arith.constant 50 : i32
        %dma_wait3A_306 = arith.constant 0 : i32
        %dma_wait3A_307 = tpu.memref_slice %arg9[%dma_wait3A_305, %dma_wait3A_306] : memref<400x128xf32, #tpu.memory_space<vmem>> -> memref<50x128xf32, #tpu.memory_space<vmem>>
        %dma_wait3A_308 = arith.constant 0 : i32
        %dma_wait3A_309 = arith.constant 0 : i32
        %dma_wait3A_310 = tpu.memref_slice %arg4[%add3A_276, %dma_wait3A_308, %dma_wait3A_309] : memref<16384x56x128xf32, #tpu.memory_space<hbm>> -> memref<1x50x128xf32, #tpu.memory_space<hbm>>
        %dma_wait3A_311 = tpu.memref_squeeze %dma_wait3A_310 : memref<1x50x128xf32, #tpu.memory_space<hbm>> -> memref<50x128xf32, #tpu.memory_space<hbm>>
        %dma_wait3A_312 = arith.constant 0 : i32
        %dma_wait3A_313 = arith.constant 0 : i32
        %dma_wait3A_314 = tpu.memref_slice %arg4[%add3A_276, %dma_wait3A_312, %dma_wait3A_313] : memref<16384x56x128xf32, #tpu.memory_space<hbm>> -> memref<1x50x128xf32, #tpu.memory_space<hbm>>
        %dma_wait3A_315 = tpu.memref_squeeze %dma_wait3A_314 : memref<1x50x128xf32, #tpu.memory_space<hbm>> -> memref<50x128xf32, #tpu.memory_space<hbm>>
        %dma_wait3A_316 = arith.constant 50 : i32
        %dma_wait3A_317 = arith.constant 0 : i32
        %dma_wait3A_318 = tpu.memref_slice %arg9[%dma_wait3A_316, %dma_wait3A_317] : memref<400x128xf32, #tpu.memory_space<vmem>> -> memref<50x128xf32, #tpu.memory_space<vmem>>
        tpu.wait_dma2 semaphore(%run_scoped3A_290 : memref<!tpu.dma_semaphore, #tpu.memory_space<semaphore_mem>>) src(%dma_wait3A_318 : memref<50x128xf32, #tpu.memory_space<vmem>>) dst(%dma_wait3A_315 : memref<50x128xf32, #tpu.memory_space<hbm>>)
        tpu.yield
      }) : () -> ()
      %add3A_277 = arith.constant 2 : i32
      %add3A_278 = arith.addi %add3A_272, %add3A_277 : i32
      "tpu.region"() ({
        %run_scoped3A_290 = tpu.sem_alloc : memref<!tpu.dma_semaphore, #tpu.memory_space<semaphore_mem>>
        %dma_start3A_291 = arith.constant 100 : i32
        %dma_start3A_292 = arith.constant 0 : i32
        %dma_start3A_293 = tpu.memref_slice %arg9[%dma_start3A_291, %dma_start3A_292] : memref<400x128xf32, #tpu.memory_space<vmem>> -> memref<50x128xf32, #tpu.memory_space<vmem>>
        %dma_start3A_294 = arith.constant 0 : i32
        %dma_start3A_295 = arith.constant 0 : i32
        %dma_start3A_296 = tpu.memref_slice %arg4[%add3A_278, %dma_start3A_294, %dma_start3A_295] : memref<16384x56x128xf32, #tpu.memory_space<hbm>> -> memref<1x50x128xf32, #tpu.memory_space<hbm>>
        %dma_start3A_297 = tpu.memref_squeeze %dma_start3A_296 : memref<1x50x128xf32, #tpu.memory_space<hbm>> -> memref<50x128xf32, #tpu.memory_space<hbm>>
        %dma_start3A_298 = arith.constant 0 : i32
        %dma_start3A_299 = arith.constant 0 : i32
        %dma_start3A_300 = tpu.memref_slice %arg4[%add3A_278, %dma_start3A_298, %dma_start3A_299] : memref<16384x56x128xf32, #tpu.memory_space<hbm>> -> memref<1x50x128xf32, #tpu.memory_space<hbm>>
        %dma_start3A_301 = tpu.memref_squeeze %dma_start3A_300 : memref<1x50x128xf32, #tpu.memory_space<hbm>> -> memref<50x128xf32, #tpu.memory_space<hbm>>
        %dma_start3A_302 = arith.constant 100 : i32
        %dma_start3A_303 = arith.constant 0 : i32
        %dma_start3A_304 = tpu.memref_slice %arg9[%dma_start3A_302, %dma_start3A_303] : memref<400x128xf32, #tpu.memory_space<vmem>> -> memref<50x128xf32, #tpu.memory_space<vmem>>
        tpu.enqueue_dma source(%dma_start3A_304 : memref<50x128xf32, #tpu.memory_space<vmem>>) target(%dma_start3A_301 : memref<50x128xf32, #tpu.memory_space<hbm>>) target_semaphore(%run_scoped3A_290 : memref<!tpu.dma_semaphore, #tpu.memory_space<semaphore_mem>>)
        %dma_wait3A_305 = arith.constant 100 : i32
        %dma_wait3A_306 = arith.constant 0 : i32
        %dma_wait3A_307 = tpu.memref_slice %arg9[%dma_wait3A_305, %dma_wait3A_306] : memref<400x128xf32, #tpu.memory_space<vmem>> -> memref<50x128xf32, #tpu.memory_space<vmem>>
        %dma_wait3A_308 = arith.constant 0 : i32
        %dma_wait3A_309 = arith.constant 0 : i32
        %dma_wait3A_310 = tpu.memref_slice %arg4[%add3A_278, %dma_wait3A_308, %dma_wait3A_309] : memref<16384x56x128xf32, #tpu.memory_space<hbm>> -> memref<1x50x128xf32, #tpu.memory_space<hbm>>
        %dma_wait3A_311 = tpu.memref_squeeze %dma_wait3A_310 : memref<1x50x128xf32, #tpu.memory_space<hbm>> -> memref<50x128xf32, #tpu.memory_space<hbm>>
        %dma_wait3A_312 = arith.constant 0 : i32
        %dma_wait3A_313 = arith.constant 0 : i32
        %dma_wait3A_314 = tpu.memref_slice %arg4[%add3A_278, %dma_wait3A_312, %dma_wait3A_313] : memref<16384x56x128xf32, #tpu.memory_space<hbm>> -> memref<1x50x128xf32, #tpu.memory_space<hbm>>
        %dma_wait3A_315 = tpu.memref_squeeze %dma_wait3A_314 : memref<1x50x128xf32, #tpu.memory_space<hbm>> -> memref<50x128xf32, #tpu.memory_space<hbm>>
        %dma_wait3A_316 = arith.constant 100 : i32
        %dma_wait3A_317 = arith.constant 0 : i32
        %dma_wait3A_318 = tpu.memref_slice %arg9[%dma_wait3A_316, %dma_wait3A_317] : memref<400x128xf32, #tpu.memory_space<vmem>> -> memref<50x128xf32, #tpu.memory_space<vmem>>
        tpu.wait_dma2 semaphore(%run_scoped3A_290 : memref<!tpu.dma_semaphore, #tpu.memory_space<semaphore_mem>>) src(%dma_wait3A_318 : memref<50x128xf32, #tpu.memory_space<vmem>>) dst(%dma_wait3A_315 : memref<50x128xf32, #tpu.memory_space<hbm>>)
        tpu.yield
      }) : () -> ()
      %add3A_279 = arith.constant 3 : i32
      %add3A_280 = arith.addi %add3A_272, %add3A_279 : i32
      "tpu.region"() ({
        %run_scoped3A_290 = tpu.sem_alloc : memref<!tpu.dma_semaphore, #tpu.memory_space<semaphore_mem>>
        %dma_start3A_291 = arith.constant 150 : i32
        %dma_start3A_292 = arith.constant 0 : i32
        %dma_start3A_293 = tpu.memref_slice %arg9[%dma_start3A_291, %dma_start3A_292] : memref<400x128xf32, #tpu.memory_space<vmem>> -> memref<50x128xf32, #tpu.memory_space<vmem>>
        %dma_start3A_294 = arith.constant 0 : i32
        %dma_start3A_295 = arith.constant 0 : i32
        %dma_start3A_296 = tpu.memref_slice %arg4[%add3A_280, %dma_start3A_294, %dma_start3A_295] : memref<16384x56x128xf32, #tpu.memory_space<hbm>> -> memref<1x50x128xf32, #tpu.memory_space<hbm>>
        %dma_start3A_297 = tpu.memref_squeeze %dma_start3A_296 : memref<1x50x128xf32, #tpu.memory_space<hbm>> -> memref<50x128xf32, #tpu.memory_space<hbm>>
        %dma_start3A_298 = arith.constant 0 : i32
        %dma_start3A_299 = arith.constant 0 : i32
        %dma_start3A_300 = tpu.memref_slice %arg4[%add3A_280, %dma_start3A_298, %dma_start3A_299] : memref<16384x56x128xf32, #tpu.memory_space<hbm>> -> memref<1x50x128xf32, #tpu.memory_space<hbm>>
        %dma_start3A_301 = tpu.memref_squeeze %dma_start3A_300 : memref<1x50x128xf32, #tpu.memory_space<hbm>> -> memref<50x128xf32, #tpu.memory_space<hbm>>
        %dma_start3A_302 = arith.constant 150 : i32
        %dma_start3A_303 = arith.constant 0 : i32
        %dma_start3A_304 = tpu.memref_slice %arg9[%dma_start3A_302, %dma_start3A_303] : memref<400x128xf32, #tpu.memory_space<vmem>> -> memref<50x128xf32, #tpu.memory_space<vmem>>
        tpu.enqueue_dma source(%dma_start3A_304 : memref<50x128xf32, #tpu.memory_space<vmem>>) target(%dma_start3A_301 : memref<50x128xf32, #tpu.memory_space<hbm>>) target_semaphore(%run_scoped3A_290 : memref<!tpu.dma_semaphore, #tpu.memory_space<semaphore_mem>>)
        %dma_wait3A_305 = arith.constant 150 : i32
        %dma_wait3A_306 = arith.constant 0 : i32
        %dma_wait3A_307 = tpu.memref_slice %arg9[%dma_wait3A_305, %dma_wait3A_306] : memref<400x128xf32, #tpu.memory_space<vmem>> -> memref<50x128xf32, #tpu.memory_space<vmem>>
        %dma_wait3A_308 = arith.constant 0 : i32
        %dma_wait3A_309 = arith.constant 0 : i32
        %dma_wait3A_310 = tpu.memref_slice %arg4[%add3A_280, %dma_wait3A_308, %dma_wait3A_309] : memref<16384x56x128xf32, #tpu.memory_space<hbm>> -> memref<1x50x128xf32, #tpu.memory_space<hbm>>
        %dma_wait3A_311 = tpu.memref_squeeze %dma_wait3A_310 : memref<1x50x128xf32, #tpu.memory_space<hbm>> -> memref<50x128xf32, #tpu.memory_space<hbm>>
        %dma_wait3A_312 = arith.constant 0 : i32
        %dma_wait3A_313 = arith.constant 0 : i32
        %dma_wait3A_314 = tpu.memref_slice %arg4[%add3A_280, %dma_wait3A_312, %dma_wait3A_313] : memref<16384x56x128xf32, #tpu.memory_space<hbm>> -> memref<1x50x128xf32, #tpu.memory_space<hbm>>
        %dma_wait3A_315 = tpu.memref_squeeze %dma_wait3A_314 : memref<1x50x128xf32, #tpu.memory_space<hbm>> -> memref<50x128xf32, #tpu.memory_space<hbm>>
        %dma_wait3A_316 = arith.constant 150 : i32
        %dma_wait3A_317 = arith.constant 0 : i32
        %dma_wait3A_318 = tpu.memref_slice %arg9[%dma_wait3A_316, %dma_wait3A_317] : memref<400x128xf32, #tpu.memory_space<vmem>> -> memref<50x128xf32, #tpu.memory_space<vmem>>
        tpu.wait_dma2 semaphore(%run_scoped3A_290 : memref<!tpu.dma_semaphore, #tpu.memory_space<semaphore_mem>>) src(%dma_wait3A_318 : memref<50x128xf32, #tpu.memory_space<vmem>>) dst(%dma_wait3A_315 : memref<50x128xf32, #tpu.memory_space<hbm>>)
        tpu.yield
      }) : () -> ()
      %add3A_281 = arith.constant 4 : i32
      %add3A_282 = arith.addi %add3A_272, %add3A_281 : i32
      "tpu.region"() ({
        %run_scoped3A_290 = tpu.sem_alloc : memref<!tpu.dma_semaphore, #tpu.memory_space<semaphore_mem>>
        %dma_start3A_291 = arith.constant 200 : i32
        %dma_start3A_292 = arith.constant 0 : i32
        %dma_start3A_293 = tpu.memref_slice %arg9[%dma_start3A_291, %dma_start3A_292] : memref<400x128xf32, #tpu.memory_space<vmem>> -> memref<50x128xf32, #tpu.memory_space<vmem>>
        %dma_start3A_294 = arith.constant 0 : i32
        %dma_start3A_295 = arith.constant 0 : i32
        %dma_start3A_296 = tpu.memref_slice %arg4[%add3A_282, %dma_start3A_294, %dma_start3A_295] : memref<16384x56x128xf32, #tpu.memory_space<hbm>> -> memref<1x50x128xf32, #tpu.memory_space<hbm>>
        %dma_start3A_297 = tpu.memref_squeeze %dma_start3A_296 : memref<1x50x128xf32, #tpu.memory_space<hbm>> -> memref<50x128xf32, #tpu.memory_space<hbm>>
        %dma_start3A_298 = arith.constant 0 : i32
        %dma_start3A_299 = arith.constant 0 : i32
        %dma_start3A_300 = tpu.memref_slice %arg4[%add3A_282, %dma_start3A_298, %dma_start3A_299] : memref<16384x56x128xf32, #tpu.memory_space<hbm>> -> memref<1x50x128xf32, #tpu.memory_space<hbm>>
        %dma_start3A_301 = tpu.memref_squeeze %dma_start3A_300 : memref<1x50x128xf32, #tpu.memory_space<hbm>> -> memref<50x128xf32, #tpu.memory_space<hbm>>
        %dma_start3A_302 = arith.constant 200 : i32
        %dma_start3A_303 = arith.constant 0 : i32
        %dma_start3A_304 = tpu.memref_slice %arg9[%dma_start3A_302, %dma_start3A_303] : memref<400x128xf32, #tpu.memory_space<vmem>> -> memref<50x128xf32, #tpu.memory_space<vmem>>
        tpu.enqueue_dma source(%dma_start3A_304 : memref<50x128xf32, #tpu.memory_space<vmem>>) target(%dma_start3A_301 : memref<50x128xf32, #tpu.memory_space<hbm>>) target_semaphore(%run_scoped3A_290 : memref<!tpu.dma_semaphore, #tpu.memory_space<semaphore_mem>>)
        %dma_wait3A_305 = arith.constant 200 : i32
        %dma_wait3A_306 = arith.constant 0 : i32
        %dma_wait3A_307 = tpu.memref_slice %arg9[%dma_wait3A_305, %dma_wait3A_306] : memref<400x128xf32, #tpu.memory_space<vmem>> -> memref<50x128xf32, #tpu.memory_space<vmem>>
        %dma_wait3A_308 = arith.constant 0 : i32
        %dma_wait3A_309 = arith.constant 0 : i32
        %dma_wait3A_310 = tpu.memref_slice %arg4[%add3A_282, %dma_wait3A_308, %dma_wait3A_309] : memref<16384x56x128xf32, #tpu.memory_space<hbm>> -> memref<1x50x128xf32, #tpu.memory_space<hbm>>
        %dma_wait3A_311 = tpu.memref_squeeze %dma_wait3A_310 : memref<1x50x128xf32, #tpu.memory_space<hbm>> -> memref<50x128xf32, #tpu.memory_space<hbm>>
        %dma_wait3A_312 = arith.constant 0 : i32
        %dma_wait3A_313 = arith.constant 0 : i32
        %dma_wait3A_314 = tpu.memref_slice %arg4[%add3A_282, %dma_wait3A_312, %dma_wait3A_313] : memref<16384x56x128xf32, #tpu.memory_space<hbm>> -> memref<1x50x128xf32, #tpu.memory_space<hbm>>
        %dma_wait3A_315 = tpu.memref_squeeze %dma_wait3A_314 : memref<1x50x128xf32, #tpu.memory_space<hbm>> -> memref<50x128xf32, #tpu.memory_space<hbm>>
        %dma_wait3A_316 = arith.constant 200 : i32
        %dma_wait3A_317 = arith.constant 0 : i32
        %dma_wait3A_318 = tpu.memref_slice %arg9[%dma_wait3A_316, %dma_wait3A_317] : memref<400x128xf32, #tpu.memory_space<vmem>> -> memref<50x128xf32, #tpu.memory_space<vmem>>
        tpu.wait_dma2 semaphore(%run_scoped3A_290 : memref<!tpu.dma_semaphore, #tpu.memory_space<semaphore_mem>>) src(%dma_wait3A_318 : memref<50x128xf32, #tpu.memory_space<vmem>>) dst(%dma_wait3A_315 : memref<50x128xf32, #tpu.memory_space<hbm>>)
        tpu.yield
      }) : () -> ()
      %add3A_283 = arith.constant 5 : i32
      %add3A_284 = arith.addi %add3A_272, %add3A_283 : i32
      "tpu.region"() ({
        %run_scoped3A_290 = tpu.sem_alloc : memref<!tpu.dma_semaphore, #tpu.memory_space<semaphore_mem>>
        %dma_start3A_291 = arith.constant 250 : i32
        %dma_start3A_292 = arith.constant 0 : i32
        %dma_start3A_293 = tpu.memref_slice %arg9[%dma_start3A_291, %dma_start3A_292] : memref<400x128xf32, #tpu.memory_space<vmem>> -> memref<50x128xf32, #tpu.memory_space<vmem>>
        %dma_start3A_294 = arith.constant 0 : i32
        %dma_start3A_295 = arith.constant 0 : i32
        %dma_start3A_296 = tpu.memref_slice %arg4[%add3A_284, %dma_start3A_294, %dma_start3A_295] : memref<16384x56x128xf32, #tpu.memory_space<hbm>> -> memref<1x50x128xf32, #tpu.memory_space<hbm>>
        %dma_start3A_297 = tpu.memref_squeeze %dma_start3A_296 : memref<1x50x128xf32, #tpu.memory_space<hbm>> -> memref<50x128xf32, #tpu.memory_space<hbm>>
        %dma_start3A_298 = arith.constant 0 : i32
        %dma_start3A_299 = arith.constant 0 : i32
        %dma_start3A_300 = tpu.memref_slice %arg4[%add3A_284, %dma_start3A_298, %dma_start3A_299] : memref<16384x56x128xf32, #tpu.memory_space<hbm>> -> memref<1x50x128xf32, #tpu.memory_space<hbm>>
        %dma_start3A_301 = tpu.memref_squeeze %dma_start3A_300 : memref<1x50x128xf32, #tpu.memory_space<hbm>> -> memref<50x128xf32, #tpu.memory_space<hbm>>
        %dma_start3A_302 = arith.constant 250 : i32
        %dma_start3A_303 = arith.constant 0 : i32
        %dma_start3A_304 = tpu.memref_slice %arg9[%dma_start3A_302, %dma_start3A_303] : memref<400x128xf32, #tpu.memory_space<vmem>> -> memref<50x128xf32, #tpu.memory_space<vmem>>
        tpu.enqueue_dma source(%dma_start3A_304 : memref<50x128xf32, #tpu.memory_space<vmem>>) target(%dma_start3A_301 : memref<50x128xf32, #tpu.memory_space<hbm>>) target_semaphore(%run_scoped3A_290 : memref<!tpu.dma_semaphore, #tpu.memory_space<semaphore_mem>>)
        %dma_wait3A_305 = arith.constant 250 : i32
        %dma_wait3A_306 = arith.constant 0 : i32
        %dma_wait3A_307 = tpu.memref_slice %arg9[%dma_wait3A_305, %dma_wait3A_306] : memref<400x128xf32, #tpu.memory_space<vmem>> -> memref<50x128xf32, #tpu.memory_space<vmem>>
        %dma_wait3A_308 = arith.constant 0 : i32
        %dma_wait3A_309 = arith.constant 0 : i32
        %dma_wait3A_310 = tpu.memref_slice %arg4[%add3A_284, %dma_wait3A_308, %dma_wait3A_309] : memref<16384x56x128xf32, #tpu.memory_space<hbm>> -> memref<1x50x128xf32, #tpu.memory_space<hbm>>
        %dma_wait3A_311 = tpu.memref_squeeze %dma_wait3A_310 : memref<1x50x128xf32, #tpu.memory_space<hbm>> -> memref<50x128xf32, #tpu.memory_space<hbm>>
        %dma_wait3A_312 = arith.constant 0 : i32
        %dma_wait3A_313 = arith.constant 0 : i32
        %dma_wait3A_314 = tpu.memref_slice %arg4[%add3A_284, %dma_wait3A_312, %dma_wait3A_313] : memref<16384x56x128xf32, #tpu.memory_space<hbm>> -> memref<1x50x128xf32, #tpu.memory_space<hbm>>
        %dma_wait3A_315 = tpu.memref_squeeze %dma_wait3A_314 : memref<1x50x128xf32, #tpu.memory_space<hbm>> -> memref<50x128xf32, #tpu.memory_space<hbm>>
        %dma_wait3A_316 = arith.constant 250 : i32
        %dma_wait3A_317 = arith.constant 0 : i32
        %dma_wait3A_318 = tpu.memref_slice %arg9[%dma_wait3A_316, %dma_wait3A_317] : memref<400x128xf32, #tpu.memory_space<vmem>> -> memref<50x128xf32, #tpu.memory_space<vmem>>
        tpu.wait_dma2 semaphore(%run_scoped3A_290 : memref<!tpu.dma_semaphore, #tpu.memory_space<semaphore_mem>>) src(%dma_wait3A_318 : memref<50x128xf32, #tpu.memory_space<vmem>>) dst(%dma_wait3A_315 : memref<50x128xf32, #tpu.memory_space<hbm>>)
        tpu.yield
      }) : () -> ()
      %add3A_285 = arith.constant 6 : i32
      %add3A_286 = arith.addi %add3A_272, %add3A_285 : i32
      "tpu.region"() ({
        %run_scoped3A_290 = tpu.sem_alloc : memref<!tpu.dma_semaphore, #tpu.memory_space<semaphore_mem>>
        %dma_start3A_291 = arith.constant 300 : i32
        %dma_start3A_292 = arith.constant 0 : i32
        %dma_start3A_293 = tpu.memref_slice %arg9[%dma_start3A_291, %dma_start3A_292] : memref<400x128xf32, #tpu.memory_space<vmem>> -> memref<50x128xf32, #tpu.memory_space<vmem>>
        %dma_start3A_294 = arith.constant 0 : i32
        %dma_start3A_295 = arith.constant 0 : i32
        %dma_start3A_296 = tpu.memref_slice %arg4[%add3A_286, %dma_start3A_294, %dma_start3A_295] : memref<16384x56x128xf32, #tpu.memory_space<hbm>> -> memref<1x50x128xf32, #tpu.memory_space<hbm>>
        %dma_start3A_297 = tpu.memref_squeeze %dma_start3A_296 : memref<1x50x128xf32, #tpu.memory_space<hbm>> -> memref<50x128xf32, #tpu.memory_space<hbm>>
        %dma_start3A_298 = arith.constant 0 : i32
        %dma_start3A_299 = arith.constant 0 : i32
        %dma_start3A_300 = tpu.memref_slice %arg4[%add3A_286, %dma_start3A_298, %dma_start3A_299] : memref<16384x56x128xf32, #tpu.memory_space<hbm>> -> memref<1x50x128xf32, #tpu.memory_space<hbm>>
        %dma_start3A_301 = tpu.memref_squeeze %dma_start3A_300 : memref<1x50x128xf32, #tpu.memory_space<hbm>> -> memref<50x128xf32, #tpu.memory_space<hbm>>
        %dma_start3A_302 = arith.constant 300 : i32
        %dma_start3A_303 = arith.constant 0 : i32
        %dma_start3A_304 = tpu.memref_slice %arg9[%dma_start3A_302, %dma_start3A_303] : memref<400x128xf32, #tpu.memory_space<vmem>> -> memref<50x128xf32, #tpu.memory_space<vmem>>
        tpu.enqueue_dma source(%dma_start3A_304 : memref<50x128xf32, #tpu.memory_space<vmem>>) target(%dma_start3A_301 : memref<50x128xf32, #tpu.memory_space<hbm>>) target_semaphore(%run_scoped3A_290 : memref<!tpu.dma_semaphore, #tpu.memory_space<semaphore_mem>>)
        %dma_wait3A_305 = arith.constant 300 : i32
        %dma_wait3A_306 = arith.constant 0 : i32
        %dma_wait3A_307 = tpu.memref_slice %arg9[%dma_wait3A_305, %dma_wait3A_306] : memref<400x128xf32, #tpu.memory_space<vmem>> -> memref<50x128xf32, #tpu.memory_space<vmem>>
        %dma_wait3A_308 = arith.constant 0 : i32
        %dma_wait3A_309 = arith.constant 0 : i32
        %dma_wait3A_310 = tpu.memref_slice %arg4[%add3A_286, %dma_wait3A_308, %dma_wait3A_309] : memref<16384x56x128xf32, #tpu.memory_space<hbm>> -> memref<1x50x128xf32, #tpu.memory_space<hbm>>
        %dma_wait3A_311 = tpu.memref_squeeze %dma_wait3A_310 : memref<1x50x128xf32, #tpu.memory_space<hbm>> -> memref<50x128xf32, #tpu.memory_space<hbm>>
        %dma_wait3A_312 = arith.constant 0 : i32
        %dma_wait3A_313 = arith.constant 0 : i32
        %dma_wait3A_314 = tpu.memref_slice %arg4[%add3A_286, %dma_wait3A_312, %dma_wait3A_313] : memref<16384x56x128xf32, #tpu.memory_space<hbm>> -> memref<1x50x128xf32, #tpu.memory_space<hbm>>
        %dma_wait3A_315 = tpu.memref_squeeze %dma_wait3A_314 : memref<1x50x128xf32, #tpu.memory_space<hbm>> -> memref<50x128xf32, #tpu.memory_space<hbm>>
        %dma_wait3A_316 = arith.constant 300 : i32
        %dma_wait3A_317 = arith.constant 0 : i32
        %dma_wait3A_318 = tpu.memref_slice %arg9[%dma_wait3A_316, %dma_wait3A_317] : memref<400x128xf32, #tpu.memory_space<vmem>> -> memref<50x128xf32, #tpu.memory_space<vmem>>
        tpu.wait_dma2 semaphore(%run_scoped3A_290 : memref<!tpu.dma_semaphore, #tpu.memory_space<semaphore_mem>>) src(%dma_wait3A_318 : memref<50x128xf32, #tpu.memory_space<vmem>>) dst(%dma_wait3A_315 : memref<50x128xf32, #tpu.memory_space<hbm>>)
        tpu.yield
      }) : () -> ()
      %add3A_287 = arith.constant 7 : i32
      %add3A_288 = arith.addi %add3A_272, %add3A_287 : i32
      "tpu.region"() ({
        %run_scoped3A_290 = tpu.sem_alloc : memref<!tpu.dma_semaphore, #tpu.memory_space<semaphore_mem>>
        %dma_start3A_291 = arith.constant 350 : i32
        %dma_start3A_292 = arith.constant 0 : i32
        %dma_start3A_293 = tpu.memref_slice %arg9[%dma_start3A_291, %dma_start3A_292] : memref<400x128xf32, #tpu.memory_space<vmem>> -> memref<50x128xf32, #tpu.memory_space<vmem>>
        %dma_start3A_294 = arith.constant 0 : i32
        %dma_start3A_295 = arith.constant 0 : i32
        %dma_start3A_296 = tpu.memref_slice %arg4[%add3A_288, %dma_start3A_294, %dma_start3A_295] : memref<16384x56x128xf32, #tpu.memory_space<hbm>> -> memref<1x50x128xf32, #tpu.memory_space<hbm>>
        %dma_start3A_297 = tpu.memref_squeeze %dma_start3A_296 : memref<1x50x128xf32, #tpu.memory_space<hbm>> -> memref<50x128xf32, #tpu.memory_space<hbm>>
        %dma_start3A_298 = arith.constant 0 : i32
        %dma_start3A_299 = arith.constant 0 : i32
        %dma_start3A_300 = tpu.memref_slice %arg4[%add3A_288, %dma_start3A_298, %dma_start3A_299] : memref<16384x56x128xf32, #tpu.memory_space<hbm>> -> memref<1x50x128xf32, #tpu.memory_space<hbm>>
        %dma_start3A_301 = tpu.memref_squeeze %dma_start3A_300 : memref<1x50x128xf32, #tpu.memory_space<hbm>> -> memref<50x128xf32, #tpu.memory_space<hbm>>
        %dma_start3A_302 = arith.constant 350 : i32
        %dma_start3A_303 = arith.constant 0 : i32
        %dma_start3A_304 = tpu.memref_slice %arg9[%dma_start3A_302, %dma_start3A_303] : memref<400x128xf32, #tpu.memory_space<vmem>> -> memref<50x128xf32, #tpu.memory_space<vmem>>
        tpu.enqueue_dma source(%dma_start3A_304 : memref<50x128xf32, #tpu.memory_space<vmem>>) target(%dma_start3A_301 : memref<50x128xf32, #tpu.memory_space<hbm>>) target_semaphore(%run_scoped3A_290 : memref<!tpu.dma_semaphore, #tpu.memory_space<semaphore_mem>>)
        %dma_wait3A_305 = arith.constant 350 : i32
        %dma_wait3A_306 = arith.constant 0 : i32
        %dma_wait3A_307 = tpu.memref_slice %arg9[%dma_wait3A_305, %dma_wait3A_306] : memref<400x128xf32, #tpu.memory_space<vmem>> -> memref<50x128xf32, #tpu.memory_space<vmem>>
        %dma_wait3A_308 = arith.constant 0 : i32
        %dma_wait3A_309 = arith.constant 0 : i32
        %dma_wait3A_310 = tpu.memref_slice %arg4[%add3A_288, %dma_wait3A_308, %dma_wait3A_309] : memref<16384x56x128xf32, #tpu.memory_space<hbm>> -> memref<1x50x128xf32, #tpu.memory_space<hbm>>
        %dma_wait3A_311 = tpu.memref_squeeze %dma_wait3A_310 : memref<1x50x128xf32, #tpu.memory_space<hbm>> -> memref<50x128xf32, #tpu.memory_space<hbm>>
        %dma_wait3A_312 = arith.constant 0 : i32
        %dma_wait3A_313 = arith.constant 0 : i32
        %dma_wait3A_314 = tpu.memref_slice %arg4[%add3A_288, %dma_wait3A_312, %dma_wait3A_313] : memref<16384x56x128xf32, #tpu.memory_space<hbm>> -> memref<1x50x128xf32, #tpu.memory_space<hbm>>
        %dma_wait3A_315 = tpu.memref_squeeze %dma_wait3A_314 : memref<1x50x128xf32, #tpu.memory_space<hbm>> -> memref<50x128xf32, #tpu.memory_space<hbm>>
        %dma_wait3A_316 = arith.constant 350 : i32
        %dma_wait3A_317 = arith.constant 0 : i32
        %dma_wait3A_318 = tpu.memref_slice %arg9[%dma_wait3A_316, %dma_wait3A_317] : memref<400x128xf32, #tpu.memory_space<vmem>> -> memref<50x128xf32, #tpu.memory_space<vmem>>
        tpu.wait_dma2 semaphore(%run_scoped3A_290 : memref<!tpu.dma_semaphore, #tpu.memory_space<semaphore_mem>>) src(%dma_wait3A_318 : memref<50x128xf32, #tpu.memory_space<vmem>>) dst(%dma_wait3A_315 : memref<50x128xf32, #tpu.memory_space<hbm>>)
        tpu.yield
      }) : () -> ()
      %scan3A_289 = arith.constant 0 : i32
      scf.yield %scan3A_289 : i32
    }
    %scan3A_89 = arith.constant 8 : i32
    %dma_wait3A_90 = arith.constant 0 : i32
    %dma_wait3A_91 = tpu.memref_slice %arg7[%dma_wait3A_90] : memref<6400xi32, #tpu.memory_space<vmem>> -> memref<400xi32, #tpu.memory_space<vmem>>
    %dma_wait3A_92 = arith.constant 0 : i32
    %dma_wait3A_93 = arith.constant 0 : i32
    %dma_wait3A_94 = tpu.memref_slice %arg2[%dma_wait3A_92, %dma_wait3A_93] : memref<200000x128xf32, #tpu.memory_space<hbm>> -> memref<200000x128xf32, #tpu.memory_space<hbm>>
    tpu.wait_indirect_dma semaphore(%arg10 : memref<!tpu.dma_semaphore, #tpu.memory_space<semaphore_mem>>) src(%dma_wait3A_94 : memref<200000x128xf32, #tpu.memory_space<hbm>>) dst(%arg8 : memref<400x128xf32, #tpu.memory_space<vmem>>)
    %add3A_95 = arith.constant 12800 : i32
    %add3A_96 = arith.addi %mul3A_2, %add3A_95 : i32
    %jit3A_97 = arith.constant 50 : i32
    %div3A_98 = arith.divsi %add3A_96, %jit3A_97 : i32
    %sign3A_99 = arith.constant 0 : i32
    %sign3A_100 = arith.cmpi sgt, %add3A_96, %sign3A_99 : i32
    %sign3A_101 = arith.extui %sign3A_100 : i1 to i32
    %sign3A_102 = arith.constant 0 : i32
    %sign3A_103 = arith.cmpi slt, %add3A_96, %sign3A_102 : i32
    %sign3A_104 = arith.extui %sign3A_103 : i1 to i32
    %sign3A_105 = arith.subi %sign3A_101, %sign3A_104 : i32
    %sign3A_106 = arith.constant 0 : i32
    %sign3A_107 = arith.cmpi sgt, %jit3A_97, %sign3A_106 : i32
    %sign3A_108 = arith.extui %sign3A_107 : i1 to i32
    %sign3A_109 = arith.constant 0 : i32
    %sign3A_110 = arith.cmpi slt, %jit3A_97, %sign3A_109 : i32
    %sign3A_111 = arith.extui %sign3A_110 : i1 to i32
    %sign3A_112 = arith.subi %sign3A_108, %sign3A_111 : i32
    %ne3A_113 = arith.cmpi ne, %sign3A_105, %sign3A_112 : i32
    %rem3A_114 = arith.remsi %add3A_96, %jit3A_97 : i32
    %ne3A_115 = arith.constant 0 : i32
    %ne3A_116 = arith.cmpi ne, %rem3A_114, %ne3A_115 : i32
    %and3A_117 = arith.andi %ne3A_113, %ne3A_116 : i1
    %sub3A_118 = arith.constant 1 : i32
    %sub3A_119 = arith.subi %div3A_98, %sub3A_118 : i32
    %select_n3A_120 = arith.select %and3A_117, %sub3A_119, %div3A_98 : i32
    %run_scoped3A_121 = arith.constant 0 : i32
    "tpu.region"() ({
      %run_scoped3A_199 = tpu.sem_alloc : memref<!tpu.dma_semaphore, #tpu.memory_space<semaphore_mem>>
      %dma_start3A_200 = tpu.memref_slice %arg3[%run_scoped3A_121, %add3A_96] : memref<2x819200xi32, #tpu.memory_space<hbm>> -> memref<1x6400xi32, #tpu.memory_space<hbm>>
      %dma_start3A_201 = tpu.memref_squeeze %dma_start3A_200 : memref<1x6400xi32, #tpu.memory_space<hbm>> -> memref<6400xi32, #tpu.memory_space<hbm>>
      %dma_start3A_202 = tpu.memref_slice %arg3[%run_scoped3A_121, %add3A_96] : memref<2x819200xi32, #tpu.memory_space<hbm>> -> memref<1x6400xi32, #tpu.memory_space<hbm>>
      %dma_start3A_203 = tpu.memref_squeeze %dma_start3A_202 : memref<1x6400xi32, #tpu.memory_space<hbm>> -> memref<6400xi32, #tpu.memory_space<hbm>>
      tpu.enqueue_dma source(%dma_start3A_203 : memref<6400xi32, #tpu.memory_space<hbm>>) target(%arg5 : memref<6400xi32, #tpu.memory_space<vmem>>) target_semaphore(%run_scoped3A_199 : memref<!tpu.dma_semaphore, #tpu.memory_space<semaphore_mem>>)
      %dma_wait3A_204 = tpu.memref_slice %arg3[%run_scoped3A_121, %add3A_96] : memref<2x819200xi32, #tpu.memory_space<hbm>> -> memref<1x6400xi32, #tpu.memory_space<hbm>>
      %dma_wait3A_205 = tpu.memref_squeeze %dma_wait3A_204 : memref<1x6400xi32, #tpu.memory_space<hbm>> -> memref<6400xi32, #tpu.memory_space<hbm>>
      %dma_wait3A_206 = tpu.memref_slice %arg3[%run_scoped3A_121, %add3A_96] : memref<2x819200xi32, #tpu.memory_space<hbm>> -> memref<1x6400xi32, #tpu.memory_space<hbm>>
      %dma_wait3A_207 = tpu.memref_squeeze %dma_wait3A_206 : memref<1x6400xi32, #tpu.memory_space<hbm>> -> memref<6400xi32, #tpu.memory_space<hbm>>
      tpu.wait_dma2 semaphore(%run_scoped3A_199 : memref<!tpu.dma_semaphore, #tpu.memory_space<semaphore_mem>>) src(%dma_wait3A_207 : memref<6400xi32, #tpu.memory_space<hbm>>) dst(%arg5 : memref<6400xi32, #tpu.memory_space<vmem>>)
      tpu.yield
    }) : () -> ()
    %run_scoped3A_122 = arith.constant 1 : i32
    "tpu.region"() ({
      %run_scoped3A_199 = tpu.sem_alloc : memref<!tpu.dma_semaphore, #tpu.memory_space<semaphore_mem>>
      %dma_start3A_200 = tpu.memref_slice %arg3[%run_scoped3A_122, %add3A_96] : memref<2x819200xi32, #tpu.memory_space<hbm>> -> memref<1x6400xi32, #tpu.memory_space<hbm>>
      %dma_start3A_201 = tpu.memref_squeeze %dma_start3A_200 : memref<1x6400xi32, #tpu.memory_space<hbm>> -> memref<6400xi32, #tpu.memory_space<hbm>>
      %dma_start3A_202 = tpu.memref_slice %arg3[%run_scoped3A_122, %add3A_96] : memref<2x819200xi32, #tpu.memory_space<hbm>> -> memref<1x6400xi32, #tpu.memory_space<hbm>>
      %dma_start3A_203 = tpu.memref_squeeze %dma_start3A_202 : memref<1x6400xi32, #tpu.memory_space<hbm>> -> memref<6400xi32, #tpu.memory_space<hbm>>
      tpu.enqueue_dma source(%dma_start3A_203 : memref<6400xi32, #tpu.memory_space<hbm>>) target(%arg6 : memref<6400xi32, #tpu.memory_space<vmem>>) target_semaphore(%run_scoped3A_199 : memref<!tpu.dma_semaphore, #tpu.memory_space<semaphore_mem>>)
      %dma_wait3A_204 = tpu.memref_slice %arg3[%run_scoped3A_122, %add3A_96] : memref<2x819200xi32, #tpu.memory_space<hbm>> -> memref<1x6400xi32, #tpu.memory_space<hbm>>
      %dma_wait3A_205 = tpu.memref_squeeze %dma_wait3A_204 : memref<1x6400xi32, #tpu.memory_space<hbm>> -> memref<6400xi32, #tpu.memory_space<hbm>>
      %dma_wait3A_206 = tpu.memref_slice %arg3[%run_scoped3A_122, %add3A_96] : memref<2x819200xi32, #tpu.memory_space<hbm>> -> memref<1x6400xi32, #tpu.memory_space<hbm>>
      %dma_wait3A_207 = tpu.memref_squeeze %dma_wait3A_206 : memref<1x6400xi32, #tpu.memory_space<hbm>> -> memref<6400xi32, #tpu.memory_space<hbm>>
      tpu.wait_dma2 semaphore(%run_scoped3A_199 : memref<!tpu.dma_semaphore, #tpu.memory_space<semaphore_mem>>) src(%dma_wait3A_207 : memref<6400xi32, #tpu.memory_space<hbm>>) dst(%arg6 : memref<6400xi32, #tpu.memory_space<vmem>>)
      tpu.yield
    }) : () -> ()
    %scan3A_123 = arith.constant 0 : i32
    %scan3A_124 = arith.constant 0 : i32
    %scan3A_125 = arith.constant 400 : i32
    %scan3A_126 = arith.addi %scan3A_124, %scan3A_125 : i32
    %scan3A_127 = arith.constant 1 : i32
    %scan3A_128 = scf.for %scan3A_199 = %scan3A_124 to %scan3A_126 step %scan3A_127 iter_args(%scan3A_200 = %scan3A_123) -> (i32)  : i32 {
      %mul3A_201 = arith.constant 16 : i32
      %mul3A_202 = arith.muli %scan3A_199, %mul3A_201 : i32
      %get3A = arith.index_cast %mul3A_202 : i32 to index
      %get3A_203 = tpu.vector_load %arg5[%get3A] {strides = array<i32>} : memref<6400xi32, #tpu.memory_space<vmem>>, vector<16xi32>,
      %get3A_204 = vector.shape_cast %get3A_203 : vector<16xi32> to vector<16xi32>
      %mul3A_205 = arith.constant 16 : i32
      %mul3A_206 = arith.muli %scan3A_199, %mul3A_205 : i32
      %get3A_207 = arith.index_cast %mul3A_206 : i32 to index
      %get3A_208 = tpu.vector_load %arg6[%get3A_207] {strides = array<i32>} : memref<6400xi32, #tpu.memory_space<vmem>>, vector<16xi32>,
      %get3A_209 = vector.shape_cast %get3A_208 : vector<16xi32> to vector<16xi32>
      %mul3A_210 = arith.constant 100000 : i32
      %mul3A_211 = vector.broadcast %mul3A_210 : i32 to vector<16xi32>
      %mul3A_212 = arith.muli %get3A_204, %mul3A_211 : vector<16xi32>
      %add3A_213 = arith.addi %get3A_209, %mul3A_212 : vector<16xi32>
      %mul3A_214 = arith.constant 16 : i32
      %mul3A_215 = arith.muli %scan3A_199, %mul3A_214 : i32
      %swap3A = arith.index_cast %mul3A_215 : i32 to index
      %swap3A_216 = tpu.vector_load %arg7[%swap3A] {strides = array<i32>} : memref<6400xi32, #tpu.memory_space<vmem>>, vector<16xi32>,
      %swap3A_217 = vector.shape_cast %swap3A_216 : vector<16xi32> to vector<16xi32>
      %swap3A_218 = vector.shape_cast %add3A_213 : vector<16xi32> to vector<16xi32>
      tpu.vector_store %arg7[%swap3A], %swap3A_218 {strides = array<i32>} : memref<6400xi32, #tpu.memory_space<vmem>>, vector<16xi32>,
      %scan3A_219 = arith.constant 0 : i32
      scf.yield %scan3A_219 : i32
    }
    %scan3A_129 = arith.constant 400 : i32
    %dma_start3A_130 = arith.constant 0 : i32
    %dma_start3A_131 = tpu.memref_slice %arg7[%dma_start3A_130] : memref<6400xi32, #tpu.memory_space<vmem>> -> memref<400xi32, #tpu.memory_space<vmem>>
    %dma_start3A_132 = arith.constant 0 : i32
    %dma_start3A_133 = arith.constant 0 : i32
    %dma_start3A_134 = tpu.memref_slice %arg2[%dma_start3A_132, %dma_start3A_133] : memref<200000x128xf32, #tpu.memory_space<hbm>> -> memref<200000x128xf32, #tpu.memory_space<hbm>>
    tpu.enqueue_indirect_dma source(%dma_start3A_134 : memref<200000x128xf32, #tpu.memory_space<hbm>>) target(%arg8 : memref<400x128xf32, #tpu.memory_space<vmem>>) offsets(%dma_start3A_131 : memref<400xi32, #tpu.memory_space<vmem>>) semaphore(%arg10 : memref<!tpu.dma_semaphore, #tpu.memory_space<semaphore_mem>>)
    %scan3A_135 = arith.constant 0 : i32
    %scan3A_136 = arith.constant 0 : i32
    %scan3A_137 = arith.constant 8 : i32
    %scan3A_138 = arith.addi %scan3A_136, %scan3A_137 : i32
    %scan3A_139 = arith.constant 1 : i32
    %scan3A_140 = scf.for %scan3A_199 = %scan3A_136 to %scan3A_138 step %scan3A_139 iter_args(%scan3A_200 = %scan3A_135) -> (i32)  : i32 {
      %mul3A_201 = arith.constant 2 : i32
      %mul3A_202 = arith.muli %mul3A_201, %scan3A_199 : i32
      %add3A_203 = arith.constant 1 : i32
      %add3A_204 = arith.addi %mul3A_202, %add3A_203 : i32
      %mul3A_205 = arith.constant 400 : i32
      %mul3A_206 = arith.muli %add3A_204, %mul3A_205 : i32
      %dma_start3A_207 = tpu.memref_slice %arg7[%mul3A_206] : memref<6400xi32, #tpu.memory_space<vmem>> -> memref<400xi32, #tpu.memory_space<vmem>>
      %dma_start3A_208 = arith.constant 0 : i32
      %dma_start3A_209 = arith.constant 0 : i32
      %dma_start3A_210 = tpu.memref_slice %arg2[%dma_start3A_208, %dma_start3A_209] : memref<200000x128xf32, #tpu.memory_space<hbm>> -> memref<200000x128xf32, #tpu.memory_space<hbm>>
      tpu.enqueue_indirect_dma source(%dma_start3A_210 : memref<200000x128xf32, #tpu.memory_space<hbm>>) target(%arg9 : memref<400x128xf32, #tpu.memory_space<vmem>>) offsets(%dma_start3A_207 : memref<400xi32, #tpu.memory_space<vmem>>) semaphore(%arg11 : memref<!tpu.dma_semaphore, #tpu.memory_space<semaphore_mem>>)
      %dma_wait3A_211 = arith.constant 0 : i32
      %dma_wait3A_212 = tpu.memref_slice %arg7[%dma_wait3A_211] : memref<6400xi32, #tpu.memory_space<vmem>> -> memref<400xi32, #tpu.memory_space<vmem>>
      %dma_wait3A_213 = arith.constant 0 : i32
      %dma_wait3A_214 = arith.constant 0 : i32
      %dma_wait3A_215 = tpu.memref_slice %arg2[%dma_wait3A_213, %dma_wait3A_214] : memref<200000x128xf32, #tpu.memory_space<hbm>> -> memref<200000x128xf32, #tpu.memory_space<hbm>>
      tpu.wait_indirect_dma semaphore(%arg10 : memref<!tpu.dma_semaphore, #tpu.memory_space<semaphore_mem>>) src(%dma_wait3A_215 : memref<200000x128xf32, #tpu.memory_space<hbm>>) dst(%arg8 : memref<400x128xf32, #tpu.memory_space<vmem>>)
      %mul3A_216 = arith.constant 2 : i32
      %mul3A_217 = arith.muli %mul3A_216, %scan3A_199 : i32
      %mul3A_218 = arith.constant 8 : i32
      %mul3A_219 = arith.muli %mul3A_217, %mul3A_218 : i32
      %add3A_220 = arith.addi %select_n3A_120, %mul3A_219 : i32
      %add3A_221 = arith.constant 0 : i32
      %add3A_222 = arith.addi %add3A_220, %add3A_221 : i32
      "tpu.region"() ({
        %run_scoped3A_290 = tpu.sem_alloc : memref<!tpu.dma_semaphore, #tpu.memory_space<semaphore_mem>>
        %dma_start3A_291 = arith.constant 0 : i32
        %dma_start3A_292 = arith.constant 0 : i32
        %dma_start3A_293 = tpu.memref_slice %arg8[%dma_start3A_291, %dma_start3A_292] : memref<400x128xf32, #tpu.memory_space<vmem>> -> memref<50x128xf32, #tpu.memory_space<vmem>>
        %dma_start3A_294 = arith.constant 0 : i32
        %dma_start3A_295 = arith.constant 0 : i32
        %dma_start3A_296 = tpu.memref_slice %arg4[%add3A_222, %dma_start3A_294, %dma_start3A_295] : memref<16384x56x128xf32, #tpu.memory_space<hbm>> -> memref<1x50x128xf32, #tpu.memory_space<hbm>>
        %dma_start3A_297 = tpu.memref_squeeze %dma_start3A_296 : memref<1x50x128xf32, #tpu.memory_space<hbm>> -> memref<50x128xf32, #tpu.memory_space<hbm>>
        %dma_start3A_298 = arith.constant 0 : i32
        %dma_start3A_299 = arith.constant 0 : i32
        %dma_start3A_300 = tpu.memref_slice %arg4[%add3A_222, %dma_start3A_298, %dma_start3A_299] : memref<16384x56x128xf32, #tpu.memory_space<hbm>> -> memref<1x50x128xf32, #tpu.memory_space<hbm>>
        %dma_start3A_301 = tpu.memref_squeeze %dma_start3A_300 : memref<1x50x128xf32, #tpu.memory_space<hbm>> -> memref<50x128xf32, #tpu.memory_space<hbm>>
        %dma_start3A_302 = arith.constant 0 : i32
        %dma_start3A_303 = arith.constant 0 : i32
        %dma_start3A_304 = tpu.memref_slice %arg8[%dma_start3A_302, %dma_start3A_303] : memref<400x128xf32, #tpu.memory_space<vmem>> -> memref<50x128xf32, #tpu.memory_space<vmem>>
        tpu.enqueue_dma source(%dma_start3A_304 : memref<50x128xf32, #tpu.memory_space<vmem>>) target(%dma_start3A_301 : memref<50x128xf32, #tpu.memory_space<hbm>>) target_semaphore(%run_scoped3A_290 : memref<!tpu.dma_semaphore, #tpu.memory_space<semaphore_mem>>)
        %dma_wait3A_305 = arith.constant 0 : i32
        %dma_wait3A_306 = arith.constant 0 : i32
        %dma_wait3A_307 = tpu.memref_slice %arg8[%dma_wait3A_305, %dma_wait3A_306] : memref<400x128xf32, #tpu.memory_space<vmem>> -> memref<50x128xf32, #tpu.memory_space<vmem>>
        %dma_wait3A_308 = arith.constant 0 : i32
        %dma_wait3A_309 = arith.constant 0 : i32
        %dma_wait3A_310 = tpu.memref_slice %arg4[%add3A_222, %dma_wait3A_308, %dma_wait3A_309] : memref<16384x56x128xf32, #tpu.memory_space<hbm>> -> memref<1x50x128xf32, #tpu.memory_space<hbm>>
        %dma_wait3A_311 = tpu.memref_squeeze %dma_wait3A_310 : memref<1x50x128xf32, #tpu.memory_space<hbm>> -> memref<50x128xf32, #tpu.memory_space<hbm>>
        %dma_wait3A_312 = arith.constant 0 : i32
        %dma_wait3A_313 = arith.constant 0 : i32
        %dma_wait3A_314 = tpu.memref_slice %arg4[%add3A_222, %dma_wait3A_312, %dma_wait3A_313] : memref<16384x56x128xf32, #tpu.memory_space<hbm>> -> memref<1x50x128xf32, #tpu.memory_space<hbm>>
        %dma_wait3A_315 = tpu.memref_squeeze %dma_wait3A_314 : memref<1x50x128xf32, #tpu.memory_space<hbm>> -> memref<50x128xf32, #tpu.memory_space<hbm>>
        %dma_wait3A_316 = arith.constant 0 : i32
        %dma_wait3A_317 = arith.constant 0 : i32
        %dma_wait3A_318 = tpu.memref_slice %arg8[%dma_wait3A_316, %dma_wait3A_317] : memref<400x128xf32, #tpu.memory_space<vmem>> -> memref<50x128xf32, #tpu.memory_space<vmem>>
        tpu.wait_dma2 semaphore(%run_scoped3A_290 : memref<!tpu.dma_semaphore, #tpu.memory_space<semaphore_mem>>) src(%dma_wait3A_318 : memref<50x128xf32, #tpu.memory_space<vmem>>) dst(%dma_wait3A_315 : memref<50x128xf32, #tpu.memory_space<hbm>>)
        tpu.yield
      }) : () -> ()
      %add3A_223 = arith.constant 1 : i32
      %add3A_224 = arith.addi %add3A_220, %add3A_223 : i32
      "tpu.region"() ({
        %run_scoped3A_290 = tpu.sem_alloc : memref<!tpu.dma_semaphore, #tpu.memory_space<semaphore_mem>>
        %dma_start3A_291 = arith.constant 50 : i32
        %dma_start3A_292 = arith.constant 0 : i32
        %dma_start3A_293 = tpu.memref_slice %arg8[%dma_start3A_291, %dma_start3A_292] : memref<400x128xf32, #tpu.memory_space<vmem>> -> memref<50x128xf32, #tpu.memory_space<vmem>>
        %dma_start3A_294 = arith.constant 0 : i32
        %dma_start3A_295 = arith.constant 0 : i32
        %dma_start3A_296 = tpu.memref_slice %arg4[%add3A_224, %dma_start3A_294, %dma_start3A_295] : memref<16384x56x128xf32, #tpu.memory_space<hbm>> -> memref<1x50x128xf32, #tpu.memory_space<hbm>>
        %dma_start3A_297 = tpu.memref_squeeze %dma_start3A_296 : memref<1x50x128xf32, #tpu.memory_space<hbm>> -> memref<50x128xf32, #tpu.memory_space<hbm>>
        %dma_start3A_298 = arith.constant 0 : i32
        %dma_start3A_299 = arith.constant 0 : i32
        %dma_start3A_300 = tpu.memref_slice %arg4[%add3A_224, %dma_start3A_298, %dma_start3A_299] : memref<16384x56x128xf32, #tpu.memory_space<hbm>> -> memref<1x50x128xf32, #tpu.memory_space<hbm>>
        %dma_start3A_301 = tpu.memref_squeeze %dma_start3A_300 : memref<1x50x128xf32, #tpu.memory_space<hbm>> -> memref<50x128xf32, #tpu.memory_space<hbm>>
        %dma_start3A_302 = arith.constant 50 : i32
        %dma_start3A_303 = arith.constant 0 : i32
        %dma_start3A_304 = tpu.memref_slice %arg8[%dma_start3A_302, %dma_start3A_303] : memref<400x128xf32, #tpu.memory_space<vmem>> -> memref<50x128xf32, #tpu.memory_space<vmem>>
        tpu.enqueue_dma source(%dma_start3A_304 : memref<50x128xf32, #tpu.memory_space<vmem>>) target(%dma_start3A_301 : memref<50x128xf32, #tpu.memory_space<hbm>>) target_semaphore(%run_scoped3A_290 : memref<!tpu.dma_semaphore, #tpu.memory_space<semaphore_mem>>)
        %dma_wait3A_305 = arith.constant 50 : i32
        %dma_wait3A_306 = arith.constant 0 : i32
        %dma_wait3A_307 = tpu.memref_slice %arg8[%dma_wait3A_305, %dma_wait3A_306] : memref<400x128xf32, #tpu.memory_space<vmem>> -> memref<50x128xf32, #tpu.memory_space<vmem>>
        %dma_wait3A_308 = arith.constant 0 : i32
        %dma_wait3A_309 = arith.constant 0 : i32
        %dma_wait3A_310 = tpu.memref_slice %arg4[%add3A_224, %dma_wait3A_308, %dma_wait3A_309] : memref<16384x56x128xf32, #tpu.memory_space<hbm>> -> memref<1x50x128xf32, #tpu.memory_space<hbm>>
        %dma_wait3A_311 = tpu.memref_squeeze %dma_wait3A_310 : memref<1x50x128xf32, #tpu.memory_space<hbm>> -> memref<50x128xf32, #tpu.memory_space<hbm>>
        %dma_wait3A_312 = arith.constant 0 : i32
        %dma_wait3A_313 = arith.constant 0 : i32
        %dma_wait3A_314 = tpu.memref_slice %arg4[%add3A_224, %dma_wait3A_312, %dma_wait3A_313] : memref<16384x56x128xf32, #tpu.memory_space<hbm>> -> memref<1x50x128xf32, #tpu.memory_space<hbm>>
        %dma_wait3A_315 = tpu.memref_squeeze %dma_wait3A_314 : memref<1x50x128xf32, #tpu.memory_space<hbm>> -> memref<50x128xf32, #tpu.memory_space<hbm>>
        %dma_wait3A_316 = arith.constant 50 : i32
        %dma_wait3A_317 = arith.constant 0 : i32
        %dma_wait3A_318 = tpu.memref_slice %arg8[%dma_wait3A_316, %dma_wait3A_317] : memref<400x128xf32, #tpu.memory_space<vmem>> -> memref<50x128xf32, #tpu.memory_space<vmem>>
        tpu.wait_dma2 semaphore(%run_scoped3A_290 : memref<!tpu.dma_semaphore, #tpu.memory_space<semaphore_mem>>) src(%dma_wait3A_318 : memref<50x128xf32, #tpu.memory_space<vmem>>) dst(%dma_wait3A_315 : memref<50x128xf32, #tpu.memory_space<hbm>>)
        tpu.yield
      }) : () -> ()
      %add3A_225 = arith.constant 2 : i32
      %add3A_226 = arith.addi %add3A_220, %add3A_225 : i32
      "tpu.region"() ({
        %run_scoped3A_290 = tpu.sem_alloc : memref<!tpu.dma_semaphore, #tpu.memory_space<semaphore_mem>>
        %dma_start3A_291 = arith.constant 100 : i32
        %dma_start3A_292 = arith.constant 0 : i32
        %dma_start3A_293 = tpu.memref_slice %arg8[%dma_start3A_291, %dma_start3A_292] : memref<400x128xf32, #tpu.memory_space<vmem>> -> memref<50x128xf32, #tpu.memory_space<vmem>>
        %dma_start3A_294 = arith.constant 0 : i32
        %dma_start3A_295 = arith.constant 0 : i32
        %dma_start3A_296 = tpu.memref_slice %arg4[%add3A_226, %dma_start3A_294, %dma_start3A_295] : memref<16384x56x128xf32, #tpu.memory_space<hbm>> -> memref<1x50x128xf32, #tpu.memory_space<hbm>>
        %dma_start3A_297 = tpu.memref_squeeze %dma_start3A_296 : memref<1x50x128xf32, #tpu.memory_space<hbm>> -> memref<50x128xf32, #tpu.memory_space<hbm>>
        %dma_start3A_298 = arith.constant 0 : i32
        %dma_start3A_299 = arith.constant 0 : i32
        %dma_start3A_300 = tpu.memref_slice %arg4[%add3A_226, %dma_start3A_298, %dma_start3A_299] : memref<16384x56x128xf32, #tpu.memory_space<hbm>> -> memref<1x50x128xf32, #tpu.memory_space<hbm>>
        %dma_start3A_301 = tpu.memref_squeeze %dma_start3A_300 : memref<1x50x128xf32, #tpu.memory_space<hbm>> -> memref<50x128xf32, #tpu.memory_space<hbm>>
        %dma_start3A_302 = arith.constant 100 : i32
        %dma_start3A_303 = arith.constant 0 : i32
        %dma_start3A_304 = tpu.memref_slice %arg8[%dma_start3A_302, %dma_start3A_303] : memref<400x128xf32, #tpu.memory_space<vmem>> -> memref<50x128xf32, #tpu.memory_space<vmem>>
        tpu.enqueue_dma source(%dma_start3A_304 : memref<50x128xf32, #tpu.memory_space<vmem>>) target(%dma_start3A_301 : memref<50x128xf32, #tpu.memory_space<hbm>>) target_semaphore(%run_scoped3A_290 : memref<!tpu.dma_semaphore, #tpu.memory_space<semaphore_mem>>)
        %dma_wait3A_305 = arith.constant 100 : i32
        %dma_wait3A_306 = arith.constant 0 : i32
        %dma_wait3A_307 = tpu.memref_slice %arg8[%dma_wait3A_305, %dma_wait3A_306] : memref<400x128xf32, #tpu.memory_space<vmem>> -> memref<50x128xf32, #tpu.memory_space<vmem>>
        %dma_wait3A_308 = arith.constant 0 : i32
        %dma_wait3A_309 = arith.constant 0 : i32
        %dma_wait3A_310 = tpu.memref_slice %arg4[%add3A_226, %dma_wait3A_308, %dma_wait3A_309] : memref<16384x56x128xf32, #tpu.memory_space<hbm>> -> memref<1x50x128xf32, #tpu.memory_space<hbm>>
        %dma_wait3A_311 = tpu.memref_squeeze %dma_wait3A_310 : memref<1x50x128xf32, #tpu.memory_space<hbm>> -> memref<50x128xf32, #tpu.memory_space<hbm>>
        %dma_wait3A_312 = arith.constant 0 : i32
        %dma_wait3A_313 = arith.constant 0 : i32
        %dma_wait3A_314 = tpu.memref_slice %arg4[%add3A_226, %dma_wait3A_312, %dma_wait3A_313] : memref<16384x56x128xf32, #tpu.memory_space<hbm>> -> memref<1x50x128xf32, #tpu.memory_space<hbm>>
        %dma_wait3A_315 = tpu.memref_squeeze %dma_wait3A_314 : memref<1x50x128xf32, #tpu.memory_space<hbm>> -> memref<50x128xf32, #tpu.memory_space<hbm>>
        %dma_wait3A_316 = arith.constant 100 : i32
        %dma_wait3A_317 = arith.constant 0 : i32
        %dma_wait3A_318 = tpu.memref_slice %arg8[%dma_wait3A_316, %dma_wait3A_317] : memref<400x128xf32, #tpu.memory_space<vmem>> -> memref<50x128xf32, #tpu.memory_space<vmem>>
        tpu.wait_dma2 semaphore(%run_scoped3A_290 : memref<!tpu.dma_semaphore, #tpu.memory_space<semaphore_mem>>) src(%dma_wait3A_318 : memref<50x128xf32, #tpu.memory_space<vmem>>) dst(%dma_wait3A_315 : memref<50x128xf32, #tpu.memory_space<hbm>>)
        tpu.yield
      }) : () -> ()
      %add3A_227 = arith.constant 3 : i32
      %add3A_228 = arith.addi %add3A_220, %add3A_227 : i32
      "tpu.region"() ({
        %run_scoped3A_290 = tpu.sem_alloc : memref<!tpu.dma_semaphore, #tpu.memory_space<semaphore_mem>>
        %dma_start3A_291 = arith.constant 150 : i32
        %dma_start3A_292 = arith.constant 0 : i32
        %dma_start3A_293 = tpu.memref_slice %arg8[%dma_start3A_291, %dma_start3A_292] : memref<400x128xf32, #tpu.memory_space<vmem>> -> memref<50x128xf32, #tpu.memory_space<vmem>>
        %dma_start3A_294 = arith.constant 0 : i32
        %dma_start3A_295 = arith.constant 0 : i32
        %dma_start3A_296 = tpu.memref_slice %arg4[%add3A_228, %dma_start3A_294, %dma_start3A_295] : memref<16384x56x128xf32, #tpu.memory_space<hbm>> -> memref<1x50x128xf32, #tpu.memory_space<hbm>>
        %dma_start3A_297 = tpu.memref_squeeze %dma_start3A_296 : memref<1x50x128xf32, #tpu.memory_space<hbm>> -> memref<50x128xf32, #tpu.memory_space<hbm>>
        %dma_start3A_298 = arith.constant 0 : i32
        %dma_start3A_299 = arith.constant 0 : i32
        %dma_start3A_300 = tpu.memref_slice %arg4[%add3A_228, %dma_start3A_298, %dma_start3A_299] : memref<16384x56x128xf32, #tpu.memory_space<hbm>> -> memref<1x50x128xf32, #tpu.memory_space<hbm>>
        %dma_start3A_301 = tpu.memref_squeeze %dma_start3A_300 : memref<1x50x128xf32, #tpu.memory_space<hbm>> -> memref<50x128xf32, #tpu.memory_space<hbm>>
        %dma_start3A_302 = arith.constant 150 : i32
        %dma_start3A_303 = arith.constant 0 : i32
        %dma_start3A_304 = tpu.memref_slice %arg8[%dma_start3A_302, %dma_start3A_303] : memref<400x128xf32, #tpu.memory_space<vmem>> -> memref<50x128xf32, #tpu.memory_space<vmem>>
        tpu.enqueue_dma source(%dma_start3A_304 : memref<50x128xf32, #tpu.memory_space<vmem>>) target(%dma_start3A_301 : memref<50x128xf32, #tpu.memory_space<hbm>>) target_semaphore(%run_scoped3A_290 : memref<!tpu.dma_semaphore, #tpu.memory_space<semaphore_mem>>)
        %dma_wait3A_305 = arith.constant 150 : i32
        %dma_wait3A_306 = arith.constant 0 : i32
        %dma_wait3A_307 = tpu.memref_slice %arg8[%dma_wait3A_305, %dma_wait3A_306] : memref<400x128xf32, #tpu.memory_space<vmem>> -> memref<50x128xf32, #tpu.memory_space<vmem>>
        %dma_wait3A_308 = arith.constant 0 : i32
        %dma_wait3A_309 = arith.constant 0 : i32
        %dma_wait3A_310 = tpu.memref_slice %arg4[%add3A_228, %dma_wait3A_308, %dma_wait3A_309] : memref<16384x56x128xf32, #tpu.memory_space<hbm>> -> memref<1x50x128xf32, #tpu.memory_space<hbm>>
        %dma_wait3A_311 = tpu.memref_squeeze %dma_wait3A_310 : memref<1x50x128xf32, #tpu.memory_space<hbm>> -> memref<50x128xf32, #tpu.memory_space<hbm>>
        %dma_wait3A_312 = arith.constant 0 : i32
        %dma_wait3A_313 = arith.constant 0 : i32
        %dma_wait3A_314 = tpu.memref_slice %arg4[%add3A_228, %dma_wait3A_312, %dma_wait3A_313] : memref<16384x56x128xf32, #tpu.memory_space<hbm>> -> memref<1x50x128xf32, #tpu.memory_space<hbm>>
        %dma_wait3A_315 = tpu.memref_squeeze %dma_wait3A_314 : memref<1x50x128xf32, #tpu.memory_space<hbm>> -> memref<50x128xf32, #tpu.memory_space<hbm>>
        %dma_wait3A_316 = arith.constant 150 : i32
        %dma_wait3A_317 = arith.constant 0 : i32
        %dma_wait3A_318 = tpu.memref_slice %arg8[%dma_wait3A_316, %dma_wait3A_317] : memref<400x128xf32, #tpu.memory_space<vmem>> -> memref<50x128xf32, #tpu.memory_space<vmem>>
        tpu.wait_dma2 semaphore(%run_scoped3A_290 : memref<!tpu.dma_semaphore, #tpu.memory_space<semaphore_mem>>) src(%dma_wait3A_318 : memref<50x128xf32, #tpu.memory_space<vmem>>) dst(%dma_wait3A_315 : memref<50x128xf32, #tpu.memory_space<hbm>>)
        tpu.yield
      }) : () -> ()
      %add3A_229 = arith.constant 4 : i32
      %add3A_230 = arith.addi %add3A_220, %add3A_229 : i32
      "tpu.region"() ({
        %run_scoped3A_290 = tpu.sem_alloc : memref<!tpu.dma_semaphore, #tpu.memory_space<semaphore_mem>>
        %dma_start3A_291 = arith.constant 200 : i32
        %dma_start3A_292 = arith.constant 0 : i32
        %dma_start3A_293 = tpu.memref_slice %arg8[%dma_start3A_291, %dma_start3A_292] : memref<400x128xf32, #tpu.memory_space<vmem>> -> memref<50x128xf32, #tpu.memory_space<vmem>>
        %dma_start3A_294 = arith.constant 0 : i32
        %dma_start3A_295 = arith.constant 0 : i32
        %dma_start3A_296 = tpu.memref_slice %arg4[%add3A_230, %dma_start3A_294, %dma_start3A_295] : memref<16384x56x128xf32, #tpu.memory_space<hbm>> -> memref<1x50x128xf32, #tpu.memory_space<hbm>>
        %dma_start3A_297 = tpu.memref_squeeze %dma_start3A_296 : memref<1x50x128xf32, #tpu.memory_space<hbm>> -> memref<50x128xf32, #tpu.memory_space<hbm>>
        %dma_start3A_298 = arith.constant 0 : i32
        %dma_start3A_299 = arith.constant 0 : i32
        %dma_start3A_300 = tpu.memref_slice %arg4[%add3A_230, %dma_start3A_298, %dma_start3A_299] : memref<16384x56x128xf32, #tpu.memory_space<hbm>> -> memref<1x50x128xf32, #tpu.memory_space<hbm>>
        %dma_start3A_301 = tpu.memref_squeeze %dma_start3A_300 : memref<1x50x128xf32, #tpu.memory_space<hbm>> -> memref<50x128xf32, #tpu.memory_space<hbm>>
        %dma_start3A_302 = arith.constant 200 : i32
        %dma_start3A_303 = arith.constant 0 : i32
        %dma_start3A_304 = tpu.memref_slice %arg8[%dma_start3A_302, %dma_start3A_303] : memref<400x128xf32, #tpu.memory_space<vmem>> -> memref<50x128xf32, #tpu.memory_space<vmem>>
        tpu.enqueue_dma source(%dma_start3A_304 : memref<50x128xf32, #tpu.memory_space<vmem>>) target(%dma_start3A_301 : memref<50x128xf32, #tpu.memory_space<hbm>>) target_semaphore(%run_scoped3A_290 : memref<!tpu.dma_semaphore, #tpu.memory_space<semaphore_mem>>)
        %dma_wait3A_305 = arith.constant 200 : i32
        %dma_wait3A_306 = arith.constant 0 : i32
        %dma_wait3A_307 = tpu.memref_slice %arg8[%dma_wait3A_305, %dma_wait3A_306] : memref<400x128xf32, #tpu.memory_space<vmem>> -> memref<50x128xf32, #tpu.memory_space<vmem>>
        %dma_wait3A_308 = arith.constant 0 : i32
        %dma_wait3A_309 = arith.constant 0 : i32
        %dma_wait3A_310 = tpu.memref_slice %arg4[%add3A_230, %dma_wait3A_308, %dma_wait3A_309] : memref<16384x56x128xf32, #tpu.memory_space<hbm>> -> memref<1x50x128xf32, #tpu.memory_space<hbm>>
        %dma_wait3A_311 = tpu.memref_squeeze %dma_wait3A_310 : memref<1x50x128xf32, #tpu.memory_space<hbm>> -> memref<50x128xf32, #tpu.memory_space<hbm>>
        %dma_wait3A_312 = arith.constant 0 : i32
        %dma_wait3A_313 = arith.constant 0 : i32
        %dma_wait3A_314 = tpu.memref_slice %arg4[%add3A_230, %dma_wait3A_312, %dma_wait3A_313] : memref<16384x56x128xf32, #tpu.memory_space<hbm>> -> memref<1x50x128xf32, #tpu.memory_space<hbm>>
        %dma_wait3A_315 = tpu.memref_squeeze %dma_wait3A_314 : memref<1x50x128xf32, #tpu.memory_space<hbm>> -> memref<50x128xf32, #tpu.memory_space<hbm>>
        %dma_wait3A_316 = arith.constant 200 : i32
        %dma_wait3A_317 = arith.constant 0 : i32
        %dma_wait3A_318 = tpu.memref_slice %arg8[%dma_wait3A_316, %dma_wait3A_317] : memref<400x128xf32, #tpu.memory_space<vmem>> -> memref<50x128xf32, #tpu.memory_space<vmem>>
        tpu.wait_dma2 semaphore(%run_scoped3A_290 : memref<!tpu.dma_semaphore, #tpu.memory_space<semaphore_mem>>) src(%dma_wait3A_318 : memref<50x128xf32, #tpu.memory_space<vmem>>) dst(%dma_wait3A_315 : memref<50x128xf32, #tpu.memory_space<hbm>>)
        tpu.yield
      }) : () -> ()
      %add3A_231 = arith.constant 5 : i32
      %add3A_232 = arith.addi %add3A_220, %add3A_231 : i32
      "tpu.region"() ({
        %run_scoped3A_290 = tpu.sem_alloc : memref<!tpu.dma_semaphore, #tpu.memory_space<semaphore_mem>>
        %dma_start3A_291 = arith.constant 250 : i32
        %dma_start3A_292 = arith.constant 0 : i32
        %dma_start3A_293 = tpu.memref_slice %arg8[%dma_start3A_291, %dma_start3A_292] : memref<400x128xf32, #tpu.memory_space<vmem>> -> memref<50x128xf32, #tpu.memory_space<vmem>>
        %dma_start3A_294 = arith.constant 0 : i32
        %dma_start3A_295 = arith.constant 0 : i32
        %dma_start3A_296 = tpu.memref_slice %arg4[%add3A_232, %dma_start3A_294, %dma_start3A_295] : memref<16384x56x128xf32, #tpu.memory_space<hbm>> -> memref<1x50x128xf32, #tpu.memory_space<hbm>>
        %dma_start3A_297 = tpu.memref_squeeze %dma_start3A_296 : memref<1x50x128xf32, #tpu.memory_space<hbm>> -> memref<50x128xf32, #tpu.memory_space<hbm>>
        %dma_start3A_298 = arith.constant 0 : i32
        %dma_start3A_299 = arith.constant 0 : i32
        %dma_start3A_300 = tpu.memref_slice %arg4[%add3A_232, %dma_start3A_298, %dma_start3A_299] : memref<16384x56x128xf32, #tpu.memory_space<hbm>> -> memref<1x50x128xf32, #tpu.memory_space<hbm>>
        %dma_start3A_301 = tpu.memref_squeeze %dma_start3A_300 : memref<1x50x128xf32, #tpu.memory_space<hbm>> -> memref<50x128xf32, #tpu.memory_space<hbm>>
        %dma_start3A_302 = arith.constant 250 : i32
        %dma_start3A_303 = arith.constant 0 : i32
        %dma_start3A_304 = tpu.memref_slice %arg8[%dma_start3A_302, %dma_start3A_303] : memref<400x128xf32, #tpu.memory_space<vmem>> -> memref<50x128xf32, #tpu.memory_space<vmem>>
        tpu.enqueue_dma source(%dma_start3A_304 : memref<50x128xf32, #tpu.memory_space<vmem>>) target(%dma_start3A_301 : memref<50x128xf32, #tpu.memory_space<hbm>>) target_semaphore(%run_scoped3A_290 : memref<!tpu.dma_semaphore, #tpu.memory_space<semaphore_mem>>)
        %dma_wait3A_305 = arith.constant 250 : i32
        %dma_wait3A_306 = arith.constant 0 : i32
        %dma_wait3A_307 = tpu.memref_slice %arg8[%dma_wait3A_305, %dma_wait3A_306] : memref<400x128xf32, #tpu.memory_space<vmem>> -> memref<50x128xf32, #tpu.memory_space<vmem>>
        %dma_wait3A_308 = arith.constant 0 : i32
        %dma_wait3A_309 = arith.constant 0 : i32
        %dma_wait3A_310 = tpu.memref_slice %arg4[%add3A_232, %dma_wait3A_308, %dma_wait3A_309] : memref<16384x56x128xf32, #tpu.memory_space<hbm>> -> memref<1x50x128xf32, #tpu.memory_space<hbm>>
        %dma_wait3A_311 = tpu.memref_squeeze %dma_wait3A_310 : memref<1x50x128xf32, #tpu.memory_space<hbm>> -> memref<50x128xf32, #tpu.memory_space<hbm>>
        %dma_wait3A_312 = arith.constant 0 : i32
        %dma_wait3A_313 = arith.constant 0 : i32
        %dma_wait3A_314 = tpu.memref_slice %arg4[%add3A_232, %dma_wait3A_312, %dma_wait3A_313] : memref<16384x56x128xf32, #tpu.memory_space<hbm>> -> memref<1x50x128xf32, #tpu.memory_space<hbm>>
        %dma_wait3A_315 = tpu.memref_squeeze %dma_wait3A_314 : memref<1x50x128xf32, #tpu.memory_space<hbm>> -> memref<50x128xf32, #tpu.memory_space<hbm>>
        %dma_wait3A_316 = arith.constant 250 : i32
        %dma_wait3A_317 = arith.constant 0 : i32
        %dma_wait3A_318 = tpu.memref_slice %arg8[%dma_wait3A_316, %dma_wait3A_317] : memref<400x128xf32, #tpu.memory_space<vmem>> -> memref<50x128xf32, #tpu.memory_space<vmem>>
        tpu.wait_dma2 semaphore(%run_scoped3A_290 : memref<!tpu.dma_semaphore, #tpu.memory_space<semaphore_mem>>) src(%dma_wait3A_318 : memref<50x128xf32, #tpu.memory_space<vmem>>) dst(%dma_wait3A_315 : memref<50x128xf32, #tpu.memory_space<hbm>>)
        tpu.yield
      }) : () -> ()
      %add3A_233 = arith.constant 6 : i32
      %add3A_234 = arith.addi %add3A_220, %add3A_233 : i32
      "tpu.region"() ({
        %run_scoped3A_290 = tpu.sem_alloc : memref<!tpu.dma_semaphore, #tpu.memory_space<semaphore_mem>>
        %dma_start3A_291 = arith.constant 300 : i32
        %dma_start3A_292 = arith.constant 0 : i32
        %dma_start3A_293 = tpu.memref_slice %arg8[%dma_start3A_291, %dma_start3A_292] : memref<400x128xf32, #tpu.memory_space<vmem>> -> memref<50x128xf32, #tpu.memory_space<vmem>>
        %dma_start3A_294 = arith.constant 0 : i32
        %dma_start3A_295 = arith.constant 0 : i32
        %dma_start3A_296 = tpu.memref_slice %arg4[%add3A_234, %dma_start3A_294, %dma_start3A_295] : memref<16384x56x128xf32, #tpu.memory_space<hbm>> -> memref<1x50x128xf32, #tpu.memory_space<hbm>>
        %dma_start3A_297 = tpu.memref_squeeze %dma_start3A_296 : memref<1x50x128xf32, #tpu.memory_space<hbm>> -> memref<50x128xf32, #tpu.memory_space<hbm>>
        %dma_start3A_298 = arith.constant 0 : i32
        %dma_start3A_299 = arith.constant 0 : i32
        %dma_start3A_300 = tpu.memref_slice %arg4[%add3A_234, %dma_start3A_298, %dma_start3A_299] : memref<16384x56x128xf32, #tpu.memory_space<hbm>> -> memref<1x50x128xf32, #tpu.memory_space<hbm>>
        %dma_start3A_301 = tpu.memref_squeeze %dma_start3A_300 : memref<1x50x128xf32, #tpu.memory_space<hbm>> -> memref<50x128xf32, #tpu.memory_space<hbm>>
        %dma_start3A_302 = arith.constant 300 : i32
        %dma_start3A_303 = arith.constant 0 : i32
        %dma_start3A_304 = tpu.memref_slice %arg8[%dma_start3A_302, %dma_start3A_303] : memref<400x128xf32, #tpu.memory_space<vmem>> -> memref<50x128xf32, #tpu.memory_space<vmem>>
        tpu.enqueue_dma source(%dma_start3A_304 : memref<50x128xf32, #tpu.memory_space<vmem>>) target(%dma_start3A_301 : memref<50x128xf32, #tpu.memory_space<hbm>>) target_semaphore(%run_scoped3A_290 : memref<!tpu.dma_semaphore, #tpu.memory_space<semaphore_mem>>)
        %dma_wait3A_305 = arith.constant 300 : i32
        %dma_wait3A_306 = arith.constant 0 : i32
        %dma_wait3A_307 = tpu.memref_slice %arg8[%dma_wait3A_305, %dma_wait3A_306] : memref<400x128xf32, #tpu.memory_space<vmem>> -> memref<50x128xf32, #tpu.memory_space<vmem>>
        %dma_wait3A_308 = arith.constant 0 : i32
        %dma_wait3A_309 = arith.constant 0 : i32
        %dma_wait3A_310 = tpu.memref_slice %arg4[%add3A_234, %dma_wait3A_308, %dma_wait3A_309] : memref<16384x56x128xf32, #tpu.memory_space<hbm>> -> memref<1x50x128xf32, #tpu.memory_space<hbm>>
        %dma_wait3A_311 = tpu.memref_squeeze %dma_wait3A_310 : memref<1x50x128xf32, #tpu.memory_space<hbm>> -> memref<50x128xf32, #tpu.memory_space<hbm>>
        %dma_wait3A_312 = arith.constant 0 : i32
        %dma_wait3A_313 = arith.constant 0 : i32
        %dma_wait3A_314 = tpu.memref_slice %arg4[%add3A_234, %dma_wait3A_312, %dma_wait3A_313] : memref<16384x56x128xf32, #tpu.memory_space<hbm>> -> memref<1x50x128xf32, #tpu.memory_space<hbm>>
        %dma_wait3A_315 = tpu.memref_squeeze %dma_wait3A_314 : memref<1x50x128xf32, #tpu.memory_space<hbm>> -> memref<50x128xf32, #tpu.memory_space<hbm>>
        %dma_wait3A_316 = arith.constant 300 : i32
        %dma_wait3A_317 = arith.constant 0 : i32
        %dma_wait3A_318 = tpu.memref_slice %arg8[%dma_wait3A_316, %dma_wait3A_317] : memref<400x128xf32, #tpu.memory_space<vmem>> -> memref<50x128xf32, #tpu.memory_space<vmem>>
        tpu.wait_dma2 semaphore(%run_scoped3A_290 : memref<!tpu.dma_semaphore, #tpu.memory_space<semaphore_mem>>) src(%dma_wait3A_318 : memref<50x128xf32, #tpu.memory_space<vmem>>) dst(%dma_wait3A_315 : memref<50x128xf32, #tpu.memory_space<hbm>>)
        tpu.yield
      }) : () -> ()
      %add3A_235 = arith.constant 7 : i32
      %add3A_236 = arith.addi %add3A_220, %add3A_235 : i32
      "tpu.region"() ({
        %run_scoped3A_290 = tpu.sem_alloc : memref<!tpu.dma_semaphore, #tpu.memory_space<semaphore_mem>>
        %dma_start3A_291 = arith.constant 350 : i32
        %dma_start3A_292 = arith.constant 0 : i32
        %dma_start3A_293 = tpu.memref_slice %arg8[%dma_start3A_291, %dma_start3A_292] : memref<400x128xf32, #tpu.memory_space<vmem>> -> memref<50x128xf32, #tpu.memory_space<vmem>>
        %dma_start3A_294 = arith.constant 0 : i32
        %dma_start3A_295 = arith.constant 0 : i32
        %dma_start3A_296 = tpu.memref_slice %arg4[%add3A_236, %dma_start3A_294, %dma_start3A_295] : memref<16384x56x128xf32, #tpu.memory_space<hbm>> -> memref<1x50x128xf32, #tpu.memory_space<hbm>>
        %dma_start3A_297 = tpu.memref_squeeze %dma_start3A_296 : memref<1x50x128xf32, #tpu.memory_space<hbm>> -> memref<50x128xf32, #tpu.memory_space<hbm>>
        %dma_start3A_298 = arith.constant 0 : i32
        %dma_start3A_299 = arith.constant 0 : i32
        %dma_start3A_300 = tpu.memref_slice %arg4[%add3A_236, %dma_start3A_298, %dma_start3A_299] : memref<16384x56x128xf32, #tpu.memory_space<hbm>> -> memref<1x50x128xf32, #tpu.memory_space<hbm>>
        %dma_start3A_301 = tpu.memref_squeeze %dma_start3A_300 : memref<1x50x128xf32, #tpu.memory_space<hbm>> -> memref<50x128xf32, #tpu.memory_space<hbm>>
        %dma_start3A_302 = arith.constant 350 : i32
        %dma_start3A_303 = arith.constant 0 : i32
        %dma_start3A_304 = tpu.memref_slice %arg8[%dma_start3A_302, %dma_start3A_303] : memref<400x128xf32, #tpu.memory_space<vmem>> -> memref<50x128xf32, #tpu.memory_space<vmem>>
        tpu.enqueue_dma source(%dma_start3A_304 : memref<50x128xf32, #tpu.memory_space<vmem>>) target(%dma_start3A_301 : memref<50x128xf32, #tpu.memory_space<hbm>>) target_semaphore(%run_scoped3A_290 : memref<!tpu.dma_semaphore, #tpu.memory_space<semaphore_mem>>)
        %dma_wait3A_305 = arith.constant 350 : i32
        %dma_wait3A_306 = arith.constant 0 : i32
        %dma_wait3A_307 = tpu.memref_slice %arg8[%dma_wait3A_305, %dma_wait3A_306] : memref<400x128xf32, #tpu.memory_space<vmem>> -> memref<50x128xf32, #tpu.memory_space<vmem>>
        %dma_wait3A_308 = arith.constant 0 : i32
        %dma_wait3A_309 = arith.constant 0 : i32
        %dma_wait3A_310 = tpu.memref_slice %arg4[%add3A_236, %dma_wait3A_308, %dma_wait3A_309] : memref<16384x56x128xf32, #tpu.memory_space<hbm>> -> memref<1x50x128xf32, #tpu.memory_space<hbm>>
        %dma_wait3A_311 = tpu.memref_squeeze %dma_wait3A_310 : memref<1x50x128xf32, #tpu.memory_space<hbm>> -> memref<50x128xf32, #tpu.memory_space<hbm>>
        %dma_wait3A_312 = arith.constant 0 : i32
        %dma_wait3A_313 = arith.constant 0 : i32
        %dma_wait3A_314 = tpu.memref_slice %arg4[%add3A_236, %dma_wait3A_312, %dma_wait3A_313] : memref<16384x56x128xf32, #tpu.memory_space<hbm>> -> memref<1x50x128xf32, #tpu.memory_space<hbm>>
        %dma_wait3A_315 = tpu.memref_squeeze %dma_wait3A_314 : memref<1x50x128xf32, #tpu.memory_space<hbm>> -> memref<50x128xf32, #tpu.memory_space<hbm>>
        %dma_wait3A_316 = arith.constant 350 : i32
        %dma_wait3A_317 = arith.constant 0 : i32
        %dma_wait3A_318 = tpu.memref_slice %arg8[%dma_wait3A_316, %dma_wait3A_317] : memref<400x128xf32, #tpu.memory_space<vmem>> -> memref<50x128xf32, #tpu.memory_space<vmem>>
        tpu.wait_dma2 semaphore(%run_scoped3A_290 : memref<!tpu.dma_semaphore, #tpu.memory_space<semaphore_mem>>) src(%dma_wait3A_318 : memref<50x128xf32, #tpu.memory_space<vmem>>) dst(%dma_wait3A_315 : memref<50x128xf32, #tpu.memory_space<hbm>>)
        tpu.yield
      }) : () -> ()
      %mul3A_237 = arith.constant 2 : i32
      %mul3A_238 = arith.muli %mul3A_237, %scan3A_199 : i32
      %add3A_239 = arith.constant 2 : i32
      %add3A_240 = arith.addi %mul3A_238, %add3A_239 : i32
      %jit3A_241 = arith.constant 16 : i32
      %eq3A = arith.constant 0 : i32
      %eq3A_242 = arith.cmpi eq, %jit3A_241, %eq3A : i32
      %jit3A_243 = arith.constant 1 : i32
      %select_n3A_244 = arith.select %eq3A_242, %jit3A_243, %jit3A_241 : i32
      %rem3A_245 = arith.remsi %add3A_240, %select_n3A_244 : i32
      %ne3A_246 = arith.constant 0 : i32
      %ne3A_247 = arith.cmpi ne, %rem3A_245, %ne3A_246 : i32
      %lt3A = arith.constant 0 : i32
      %lt3A_248 = arith.cmpi slt, %rem3A_245, %lt3A : i32
      %lt3A_249 = arith.constant 0 : i32
      %lt3A_250 = arith.cmpi slt, %select_n3A_244, %lt3A_249 : i32
      %ne3A_251 = arith.xori %lt3A_248, %lt3A_250 : i1
      %and3A_252 = arith.andi %ne3A_251, %ne3A_247 : i1
      %add3A_253 = arith.addi %rem3A_245, %select_n3A_244 : i32
      %select_n3A_254 = arith.select %and3A_252, %add3A_253, %rem3A_245 : i32
      %mul3A_255 = arith.constant 400 : i32
      %mul3A_256 = arith.muli %select_n3A_254, %mul3A_255 : i32
      %dma_start3A_257 = tpu.memref_slice %arg7[%mul3A_256] : memref<6400xi32, #tpu.memory_space<vmem>> -> memref<400xi32, #tpu.memory_space<vmem>>
      %dma_start3A_258 = arith.constant 0 : i32
      %dma_start3A_259 = arith.constant 0 : i32
      %dma_start3A_260 = tpu.memref_slice %arg2[%dma_start3A_258, %dma_start3A_259] : memref<200000x128xf32, #tpu.memory_space<hbm>> -> memref<200000x128xf32, #tpu.memory_space<hbm>>
      tpu.enqueue_indirect_dma source(%dma_start3A_260 : memref<200000x128xf32, #tpu.memory_space<hbm>>) target(%arg8 : memref<400x128xf32, #tpu.memory_space<vmem>>) offsets(%dma_start3A_257 : memref<400xi32, #tpu.memory_space<vmem>>) semaphore(%arg10 : memref<!tpu.dma_semaphore, #tpu.memory_space<semaphore_mem>>)
      %dma_wait3A_261 = arith.constant 0 : i32
      %dma_wait3A_262 = tpu.memref_slice %arg7[%dma_wait3A_261] : memref<6400xi32, #tpu.memory_space<vmem>> -> memref<400xi32, #tpu.memory_space<vmem>>
      %dma_wait3A_263 = arith.constant 0 : i32
      %dma_wait3A_264 = arith.constant 0 : i32
      %dma_wait3A_265 = tpu.memref_slice %arg2[%dma_wait3A_263, %dma_wait3A_264] : memref<200000x128xf32, #tpu.memory_space<hbm>> -> memref<200000x128xf32, #tpu.memory_space<hbm>>
      tpu.wait_indirect_dma semaphore(%arg11 : memref<!tpu.dma_semaphore, #tpu.memory_space<semaphore_mem>>) src(%dma_wait3A_265 : memref<200000x128xf32, #tpu.memory_space<hbm>>) dst(%arg9 : memref<400x128xf32, #tpu.memory_space<vmem>>)
      %mul3A_266 = arith.constant 2 : i32
      %mul3A_267 = arith.muli %mul3A_266, %scan3A_199 : i32
      %add3A_268 = arith.constant 1 : i32
      %add3A_269 = arith.addi %mul3A_267, %add3A_268 : i32
      %mul3A_270 = arith.constant 8 : i32
      %mul3A_271 = arith.muli %add3A_269, %mul3A_270 : i32
      %add3A_272 = arith.addi %select_n3A_120, %mul3A_271 : i32
      %add3A_273 = arith.constant 0 : i32
      %add3A_274 = arith.addi %add3A_272, %add3A_273 : i32
      "tpu.region"() ({
        %run_scoped3A_290 = tpu.sem_alloc : memref<!tpu.dma_semaphore, #tpu.memory_space<semaphore_mem>>
        %dma_start3A_291 = arith.constant 0 : i32
        %dma_start3A_292 = arith.constant 0 : i32
        %dma_start3A_293 = tpu.memref_slice %arg9[%dma_start3A_291, %dma_start3A_292] : memref<400x128xf32, #tpu.memory_space<vmem>> -> memref<50x128xf32, #tpu.memory_space<vmem>>
        %dma_start3A_294 = arith.constant 0 : i32
        %dma_start3A_295 = arith.constant 0 : i32
        %dma_start3A_296 = tpu.memref_slice %arg4[%add3A_274, %dma_start3A_294, %dma_start3A_295] : memref<16384x56x128xf32, #tpu.memory_space<hbm>> -> memref<1x50x128xf32, #tpu.memory_space<hbm>>
        %dma_start3A_297 = tpu.memref_squeeze %dma_start3A_296 : memref<1x50x128xf32, #tpu.memory_space<hbm>> -> memref<50x128xf32, #tpu.memory_space<hbm>>
        %dma_start3A_298 = arith.constant 0 : i32
        %dma_start3A_299 = arith.constant 0 : i32
        %dma_start3A_300 = tpu.memref_slice %arg4[%add3A_274, %dma_start3A_298, %dma_start3A_299] : memref<16384x56x128xf32, #tpu.memory_space<hbm>> -> memref<1x50x128xf32, #tpu.memory_space<hbm>>
        %dma_start3A_301 = tpu.memref_squeeze %dma_start3A_300 : memref<1x50x128xf32, #tpu.memory_space<hbm>> -> memref<50x128xf32, #tpu.memory_space<hbm>>
        %dma_start3A_302 = arith.constant 0 : i32
        %dma_start3A_303 = arith.constant 0 : i32
        %dma_start3A_304 = tpu.memref_slice %arg9[%dma_start3A_302, %dma_start3A_303] : memref<400x128xf32, #tpu.memory_space<vmem>> -> memref<50x128xf32, #tpu.memory_space<vmem>>
        tpu.enqueue_dma source(%dma_start3A_304 : memref<50x128xf32, #tpu.memory_space<vmem>>) target(%dma_start3A_301 : memref<50x128xf32, #tpu.memory_space<hbm>>) target_semaphore(%run_scoped3A_290 : memref<!tpu.dma_semaphore, #tpu.memory_space<semaphore_mem>>)
        %dma_wait3A_305 = arith.constant 0 : i32
        %dma_wait3A_306 = arith.constant 0 : i32
        %dma_wait3A_307 = tpu.memref_slice %arg9[%dma_wait3A_305, %dma_wait3A_306] : memref<400x128xf32, #tpu.memory_space<vmem>> -> memref<50x128xf32, #tpu.memory_space<vmem>>
        %dma_wait3A_308 = arith.constant 0 : i32
        %dma_wait3A_309 = arith.constant 0 : i32
        %dma_wait3A_310 = tpu.memref_slice %arg4[%add3A_274, %dma_wait3A_308, %dma_wait3A_309] : memref<16384x56x128xf32, #tpu.memory_space<hbm>> -> memref<1x50x128xf32, #tpu.memory_space<hbm>>
        %dma_wait3A_311 = tpu.memref_squeeze %dma_wait3A_310 : memref<1x50x128xf32, #tpu.memory_space<hbm>> -> memref<50x128xf32, #tpu.memory_space<hbm>>
        %dma_wait3A_312 = arith.constant 0 : i32
        %dma_wait3A_313 = arith.constant 0 : i32
        %dma_wait3A_314 = tpu.memref_slice %arg4[%add3A_274, %dma_wait3A_312, %dma_wait3A_313] : memref<16384x56x128xf32, #tpu.memory_space<hbm>> -> memref<1x50x128xf32, #tpu.memory_space<hbm>>
        %dma_wait3A_315 = tpu.memref_squeeze %dma_wait3A_314 : memref<1x50x128xf32, #tpu.memory_space<hbm>> -> memref<50x128xf32, #tpu.memory_space<hbm>>
        %dma_wait3A_316 = arith.constant 0 : i32
        %dma_wait3A_317 = arith.constant 0 : i32
        %dma_wait3A_318 = tpu.memref_slice %arg9[%dma_wait3A_316, %dma_wait3A_317] : memref<400x128xf32, #tpu.memory_space<vmem>> -> memref<50x128xf32, #tpu.memory_space<vmem>>
        tpu.wait_dma2 semaphore(%run_scoped3A_290 : memref<!tpu.dma_semaphore, #tpu.memory_space<semaphore_mem>>) src(%dma_wait3A_318 : memref<50x128xf32, #tpu.memory_space<vmem>>) dst(%dma_wait3A_315 : memref<50x128xf32, #tpu.memory_space<hbm>>)
        tpu.yield
      }) : () -> ()
      %add3A_275 = arith.constant 1 : i32
      %add3A_276 = arith.addi %add3A_272, %add3A_275 : i32
      "tpu.region"() ({
        %run_scoped3A_290 = tpu.sem_alloc : memref<!tpu.dma_semaphore, #tpu.memory_space<semaphore_mem>>
        %dma_start3A_291 = arith.constant 50 : i32
        %dma_start3A_292 = arith.constant 0 : i32
        %dma_start3A_293 = tpu.memref_slice %arg9[%dma_start3A_291, %dma_start3A_292] : memref<400x128xf32, #tpu.memory_space<vmem>> -> memref<50x128xf32, #tpu.memory_space<vmem>>
        %dma_start3A_294 = arith.constant 0 : i32
        %dma_start3A_295 = arith.constant 0 : i32
        %dma_start3A_296 = tpu.memref_slice %arg4[%add3A_276, %dma_start3A_294, %dma_start3A_295] : memref<16384x56x128xf32, #tpu.memory_space<hbm>> -> memref<1x50x128xf32, #tpu.memory_space<hbm>>
        %dma_start3A_297 = tpu.memref_squeeze %dma_start3A_296 : memref<1x50x128xf32, #tpu.memory_space<hbm>> -> memref<50x128xf32, #tpu.memory_space<hbm>>
        %dma_start3A_298 = arith.constant 0 : i32
        %dma_start3A_299 = arith.constant 0 : i32
        %dma_start3A_300 = tpu.memref_slice %arg4[%add3A_276, %dma_start3A_298, %dma_start3A_299] : memref<16384x56x128xf32, #tpu.memory_space<hbm>> -> memref<1x50x128xf32, #tpu.memory_space<hbm>>
        %dma_start3A_301 = tpu.memref_squeeze %dma_start3A_300 : memref<1x50x128xf32, #tpu.memory_space<hbm>> -> memref<50x128xf32, #tpu.memory_space<hbm>>
        %dma_start3A_302 = arith.constant 50 : i32
        %dma_start3A_303 = arith.constant 0 : i32
        %dma_start3A_304 = tpu.memref_slice %arg9[%dma_start3A_302, %dma_start3A_303] : memref<400x128xf32, #tpu.memory_space<vmem>> -> memref<50x128xf32, #tpu.memory_space<vmem>>
        tpu.enqueue_dma source(%dma_start3A_304 : memref<50x128xf32, #tpu.memory_space<vmem>>) target(%dma_start3A_301 : memref<50x128xf32, #tpu.memory_space<hbm>>) target_semaphore(%run_scoped3A_290 : memref<!tpu.dma_semaphore, #tpu.memory_space<semaphore_mem>>)
        %dma_wait3A_305 = arith.constant 50 : i32
        %dma_wait3A_306 = arith.constant 0 : i32
        %dma_wait3A_307 = tpu.memref_slice %arg9[%dma_wait3A_305, %dma_wait3A_306] : memref<400x128xf32, #tpu.memory_space<vmem>> -> memref<50x128xf32, #tpu.memory_space<vmem>>
        %dma_wait3A_308 = arith.constant 0 : i32
        %dma_wait3A_309 = arith.constant 0 : i32
        %dma_wait3A_310 = tpu.memref_slice %arg4[%add3A_276, %dma_wait3A_308, %dma_wait3A_309] : memref<16384x56x128xf32, #tpu.memory_space<hbm>> -> memref<1x50x128xf32, #tpu.memory_space<hbm>>
        %dma_wait3A_311 = tpu.memref_squeeze %dma_wait3A_310 : memref<1x50x128xf32, #tpu.memory_space<hbm>> -> memref<50x128xf32, #tpu.memory_space<hbm>>
        %dma_wait3A_312 = arith.constant 0 : i32
        %dma_wait3A_313 = arith.constant 0 : i32
        %dma_wait3A_314 = tpu.memref_slice %arg4[%add3A_276, %dma_wait3A_312, %dma_wait3A_313] : memref<16384x56x128xf32, #tpu.memory_space<hbm>> -> memref<1x50x128xf32, #tpu.memory_space<hbm>>
        %dma_wait3A_315 = tpu.memref_squeeze %dma_wait3A_314 : memref<1x50x128xf32, #tpu.memory_space<hbm>> -> memref<50x128xf32, #tpu.memory_space<hbm>>
        %dma_wait3A_316 = arith.constant 50 : i32
        %dma_wait3A_317 = arith.constant 0 : i32
        %dma_wait3A_318 = tpu.memref_slice %arg9[%dma_wait3A_316, %dma_wait3A_317] : memref<400x128xf32, #tpu.memory_space<vmem>> -> memref<50x128xf32, #tpu.memory_space<vmem>>
        tpu.wait_dma2 semaphore(%run_scoped3A_290 : memref<!tpu.dma_semaphore, #tpu.memory_space<semaphore_mem>>) src(%dma_wait3A_318 : memref<50x128xf32, #tpu.memory_space<vmem>>) dst(%dma_wait3A_315 : memref<50x128xf32, #tpu.memory_space<hbm>>)
        tpu.yield
      }) : () -> ()
      %add3A_277 = arith.constant 2 : i32
      %add3A_278 = arith.addi %add3A_272, %add3A_277 : i32
      "tpu.region"() ({
        %run_scoped3A_290 = tpu.sem_alloc : memref<!tpu.dma_semaphore, #tpu.memory_space<semaphore_mem>>
        %dma_start3A_291 = arith.constant 100 : i32
        %dma_start3A_292 = arith.constant 0 : i32
        %dma_start3A_293 = tpu.memref_slice %arg9[%dma_start3A_291, %dma_start3A_292] : memref<400x128xf32, #tpu.memory_space<vmem>> -> memref<50x128xf32, #tpu.memory_space<vmem>>
        %dma_start3A_294 = arith.constant 0 : i32
        %dma_start3A_295 = arith.constant 0 : i32
        %dma_start3A_296 = tpu.memref_slice %arg4[%add3A_278, %dma_start3A_294, %dma_start3A_295] : memref<16384x56x128xf32, #tpu.memory_space<hbm>> -> memref<1x50x128xf32, #tpu.memory_space<hbm>>
        %dma_start3A_297 = tpu.memref_squeeze %dma_start3A_296 : memref<1x50x128xf32, #tpu.memory_space<hbm>> -> memref<50x128xf32, #tpu.memory_space<hbm>>
        %dma_start3A_298 = arith.constant 0 : i32
        %dma_start3A_299 = arith.constant 0 : i32
        %dma_start3A_300 = tpu.memref_slice %arg4[%add3A_278, %dma_start3A_298, %dma_start3A_299] : memref<16384x56x128xf32, #tpu.memory_space<hbm>> -> memref<1x50x128xf32, #tpu.memory_space<hbm>>
        %dma_start3A_301 = tpu.memref_squeeze %dma_start3A_300 : memref<1x50x128xf32, #tpu.memory_space<hbm>> -> memref<50x128xf32, #tpu.memory_space<hbm>>
        %dma_start3A_302 = arith.constant 100 : i32
        %dma_start3A_303 = arith.constant 0 : i32
        %dma_start3A_304 = tpu.memref_slice %arg9[%dma_start3A_302, %dma_start3A_303] : memref<400x128xf32, #tpu.memory_space<vmem>> -> memref<50x128xf32, #tpu.memory_space<vmem>>
        tpu.enqueue_dma source(%dma_start3A_304 : memref<50x128xf32, #tpu.memory_space<vmem>>) target(%dma_start3A_301 : memref<50x128xf32, #tpu.memory_space<hbm>>) target_semaphore(%run_scoped3A_290 : memref<!tpu.dma_semaphore, #tpu.memory_space<semaphore_mem>>)
        %dma_wait3A_305 = arith.constant 100 : i32
        %dma_wait3A_306 = arith.constant 0 : i32
        %dma_wait3A_307 = tpu.memref_slice %arg9[%dma_wait3A_305, %dma_wait3A_306] : memref<400x128xf32, #tpu.memory_space<vmem>> -> memref<50x128xf32, #tpu.memory_space<vmem>>
        %dma_wait3A_308 = arith.constant 0 : i32
        %dma_wait3A_309 = arith.constant 0 : i32
        %dma_wait3A_310 = tpu.memref_slice %arg4[%add3A_278, %dma_wait3A_308, %dma_wait3A_309] : memref<16384x56x128xf32, #tpu.memory_space<hbm>> -> memref<1x50x128xf32, #tpu.memory_space<hbm>>
        %dma_wait3A_311 = tpu.memref_squeeze %dma_wait3A_310 : memref<1x50x128xf32, #tpu.memory_space<hbm>> -> memref<50x128xf32, #tpu.memory_space<hbm>>
        %dma_wait3A_312 = arith.constant 0 : i32
        %dma_wait3A_313 = arith.constant 0 : i32
        %dma_wait3A_314 = tpu.memref_slice %arg4[%add3A_278, %dma_wait3A_312, %dma_wait3A_313] : memref<16384x56x128xf32, #tpu.memory_space<hbm>> -> memref<1x50x128xf32, #tpu.memory_space<hbm>>
        %dma_wait3A_315 = tpu.memref_squeeze %dma_wait3A_314 : memref<1x50x128xf32, #tpu.memory_space<hbm>> -> memref<50x128xf32, #tpu.memory_space<hbm>>
        %dma_wait3A_316 = arith.constant 100 : i32
        %dma_wait3A_317 = arith.constant 0 : i32
        %dma_wait3A_318 = tpu.memref_slice %arg9[%dma_wait3A_316, %dma_wait3A_317] : memref<400x128xf32, #tpu.memory_space<vmem>> -> memref<50x128xf32, #tpu.memory_space<vmem>>
        tpu.wait_dma2 semaphore(%run_scoped3A_290 : memref<!tpu.dma_semaphore, #tpu.memory_space<semaphore_mem>>) src(%dma_wait3A_318 : memref<50x128xf32, #tpu.memory_space<vmem>>) dst(%dma_wait3A_315 : memref<50x128xf32, #tpu.memory_space<hbm>>)
        tpu.yield
      }) : () -> ()
      %add3A_279 = arith.constant 3 : i32
      %add3A_280 = arith.addi %add3A_272, %add3A_279 : i32
      "tpu.region"() ({
        %run_scoped3A_290 = tpu.sem_alloc : memref<!tpu.dma_semaphore, #tpu.memory_space<semaphore_mem>>
        %dma_start3A_291 = arith.constant 150 : i32
        %dma_start3A_292 = arith.constant 0 : i32
        %dma_start3A_293 = tpu.memref_slice %arg9[%dma_start3A_291, %dma_start3A_292] : memref<400x128xf32, #tpu.memory_space<vmem>> -> memref<50x128xf32, #tpu.memory_space<vmem>>
        %dma_start3A_294 = arith.constant 0 : i32
        %dma_start3A_295 = arith.constant 0 : i32
        %dma_start3A_296 = tpu.memref_slice %arg4[%add3A_280, %dma_start3A_294, %dma_start3A_295] : memref<16384x56x128xf32, #tpu.memory_space<hbm>> -> memref<1x50x128xf32, #tpu.memory_space<hbm>>
        %dma_start3A_297 = tpu.memref_squeeze %dma_start3A_296 : memref<1x50x128xf32, #tpu.memory_space<hbm>> -> memref<50x128xf32, #tpu.memory_space<hbm>>
        %dma_start3A_298 = arith.constant 0 : i32
        %dma_start3A_299 = arith.constant 0 : i32
        %dma_start3A_300 = tpu.memref_slice %arg4[%add3A_280, %dma_start3A_298, %dma_start3A_299] : memref<16384x56x128xf32, #tpu.memory_space<hbm>> -> memref<1x50x128xf32, #tpu.memory_space<hbm>>
        %dma_start3A_301 = tpu.memref_squeeze %dma_start3A_300 : memref<1x50x128xf32, #tpu.memory_space<hbm>> -> memref<50x128xf32, #tpu.memory_space<hbm>>
        %dma_start3A_302 = arith.constant 150 : i32
        %dma_start3A_303 = arith.constant 0 : i32
        %dma_start3A_304 = tpu.memref_slice %arg9[%dma_start3A_302, %dma_start3A_303] : memref<400x128xf32, #tpu.memory_space<vmem>> -> memref<50x128xf32, #tpu.memory_space<vmem>>
        tpu.enqueue_dma source(%dma_start3A_304 : memref<50x128xf32, #tpu.memory_space<vmem>>) target(%dma_start3A_301 : memref<50x128xf32, #tpu.memory_space<hbm>>) target_semaphore(%run_scoped3A_290 : memref<!tpu.dma_semaphore, #tpu.memory_space<semaphore_mem>>)
        %dma_wait3A_305 = arith.constant 150 : i32
        %dma_wait3A_306 = arith.constant 0 : i32
        %dma_wait3A_307 = tpu.memref_slice %arg9[%dma_wait3A_305, %dma_wait3A_306] : memref<400x128xf32, #tpu.memory_space<vmem>> -> memref<50x128xf32, #tpu.memory_space<vmem>>
        %dma_wait3A_308 = arith.constant 0 : i32
        %dma_wait3A_309 = arith.constant 0 : i32
        %dma_wait3A_310 = tpu.memref_slice %arg4[%add3A_280, %dma_wait3A_308, %dma_wait3A_309] : memref<16384x56x128xf32, #tpu.memory_space<hbm>> -> memref<1x50x128xf32, #tpu.memory_space<hbm>>
        %dma_wait3A_311 = tpu.memref_squeeze %dma_wait3A_310 : memref<1x50x128xf32, #tpu.memory_space<hbm>> -> memref<50x128xf32, #tpu.memory_space<hbm>>
        %dma_wait3A_312 = arith.constant 0 : i32
        %dma_wait3A_313 = arith.constant 0 : i32
        %dma_wait3A_314 = tpu.memref_slice %arg4[%add3A_280, %dma_wait3A_312, %dma_wait3A_313] : memref<16384x56x128xf32, #tpu.memory_space<hbm>> -> memref<1x50x128xf32, #tpu.memory_space<hbm>>
        %dma_wait3A_315 = tpu.memref_squeeze %dma_wait3A_314 : memref<1x50x128xf32, #tpu.memory_space<hbm>> -> memref<50x128xf32, #tpu.memory_space<hbm>>
        %dma_wait3A_316 = arith.constant 150 : i32
        %dma_wait3A_317 = arith.constant 0 : i32
        %dma_wait3A_318 = tpu.memref_slice %arg9[%dma_wait3A_316, %dma_wait3A_317] : memref<400x128xf32, #tpu.memory_space<vmem>> -> memref<50x128xf32, #tpu.memory_space<vmem>>
        tpu.wait_dma2 semaphore(%run_scoped3A_290 : memref<!tpu.dma_semaphore, #tpu.memory_space<semaphore_mem>>) src(%dma_wait3A_318 : memref<50x128xf32, #tpu.memory_space<vmem>>) dst(%dma_wait3A_315 : memref<50x128xf32, #tpu.memory_space<hbm>>)
        tpu.yield
      }) : () -> ()
      %add3A_281 = arith.constant 4 : i32
      %add3A_282 = arith.addi %add3A_272, %add3A_281 : i32
      "tpu.region"() ({
        %run_scoped3A_290 = tpu.sem_alloc : memref<!tpu.dma_semaphore, #tpu.memory_space<semaphore_mem>>
        %dma_start3A_291 = arith.constant 200 : i32
        %dma_start3A_292 = arith.constant 0 : i32
        %dma_start3A_293 = tpu.memref_slice %arg9[%dma_start3A_291, %dma_start3A_292] : memref<400x128xf32, #tpu.memory_space<vmem>> -> memref<50x128xf32, #tpu.memory_space<vmem>>
        %dma_start3A_294 = arith.constant 0 : i32
        %dma_start3A_295 = arith.constant 0 : i32
        %dma_start3A_296 = tpu.memref_slice %arg4[%add3A_282, %dma_start3A_294, %dma_start3A_295] : memref<16384x56x128xf32, #tpu.memory_space<hbm>> -> memref<1x50x128xf32, #tpu.memory_space<hbm>>
        %dma_start3A_297 = tpu.memref_squeeze %dma_start3A_296 : memref<1x50x128xf32, #tpu.memory_space<hbm>> -> memref<50x128xf32, #tpu.memory_space<hbm>>
        %dma_start3A_298 = arith.constant 0 : i32
        %dma_start3A_299 = arith.constant 0 : i32
        %dma_start3A_300 = tpu.memref_slice %arg4[%add3A_282, %dma_start3A_298, %dma_start3A_299] : memref<16384x56x128xf32, #tpu.memory_space<hbm>> -> memref<1x50x128xf32, #tpu.memory_space<hbm>>
        %dma_start3A_301 = tpu.memref_squeeze %dma_start3A_300 : memref<1x50x128xf32, #tpu.memory_space<hbm>> -> memref<50x128xf32, #tpu.memory_space<hbm>>
        %dma_start3A_302 = arith.constant 200 : i32
        %dma_start3A_303 = arith.constant 0 : i32
        %dma_start3A_304 = tpu.memref_slice %arg9[%dma_start3A_302, %dma_start3A_303] : memref<400x128xf32, #tpu.memory_space<vmem>> -> memref<50x128xf32, #tpu.memory_space<vmem>>
        tpu.enqueue_dma source(%dma_start3A_304 : memref<50x128xf32, #tpu.memory_space<vmem>>) target(%dma_start3A_301 : memref<50x128xf32, #tpu.memory_space<hbm>>) target_semaphore(%run_scoped3A_290 : memref<!tpu.dma_semaphore, #tpu.memory_space<semaphore_mem>>)
        %dma_wait3A_305 = arith.constant 200 : i32
        %dma_wait3A_306 = arith.constant 0 : i32
        %dma_wait3A_307 = tpu.memref_slice %arg9[%dma_wait3A_305, %dma_wait3A_306] : memref<400x128xf32, #tpu.memory_space<vmem>> -> memref<50x128xf32, #tpu.memory_space<vmem>>
        %dma_wait3A_308 = arith.constant 0 : i32
        %dma_wait3A_309 = arith.constant 0 : i32
        %dma_wait3A_310 = tpu.memref_slice %arg4[%add3A_282, %dma_wait3A_308, %dma_wait3A_309] : memref<16384x56x128xf32, #tpu.memory_space<hbm>> -> memref<1x50x128xf32, #tpu.memory_space<hbm>>
        %dma_wait3A_311 = tpu.memref_squeeze %dma_wait3A_310 : memref<1x50x128xf32, #tpu.memory_space<hbm>> -> memref<50x128xf32, #tpu.memory_space<hbm>>
        %dma_wait3A_312 = arith.constant 0 : i32
        %dma_wait3A_313 = arith.constant 0 : i32
        %dma_wait3A_314 = tpu.memref_slice %arg4[%add3A_282, %dma_wait3A_312, %dma_wait3A_313] : memref<16384x56x128xf32, #tpu.memory_space<hbm>> -> memref<1x50x128xf32, #tpu.memory_space<hbm>>
        %dma_wait3A_315 = tpu.memref_squeeze %dma_wait3A_314 : memref<1x50x128xf32, #tpu.memory_space<hbm>> -> memref<50x128xf32, #tpu.memory_space<hbm>>
        %dma_wait3A_316 = arith.constant 200 : i32
        %dma_wait3A_317 = arith.constant 0 : i32
        %dma_wait3A_318 = tpu.memref_slice %arg9[%dma_wait3A_316, %dma_wait3A_317] : memref<400x128xf32, #tpu.memory_space<vmem>> -> memref<50x128xf32, #tpu.memory_space<vmem>>
        tpu.wait_dma2 semaphore(%run_scoped3A_290 : memref<!tpu.dma_semaphore, #tpu.memory_space<semaphore_mem>>) src(%dma_wait3A_318 : memref<50x128xf32, #tpu.memory_space<vmem>>) dst(%dma_wait3A_315 : memref<50x128xf32, #tpu.memory_space<hbm>>)
        tpu.yield
      }) : () -> ()
      %add3A_283 = arith.constant 5 : i32
      %add3A_284 = arith.addi %add3A_272, %add3A_283 : i32
      "tpu.region"() ({
        %run_scoped3A_290 = tpu.sem_alloc : memref<!tpu.dma_semaphore, #tpu.memory_space<semaphore_mem>>
        %dma_start3A_291 = arith.constant 250 : i32
        %dma_start3A_292 = arith.constant 0 : i32
        %dma_start3A_293 = tpu.memref_slice %arg9[%dma_start3A_291, %dma_start3A_292] : memref<400x128xf32, #tpu.memory_space<vmem>> -> memref<50x128xf32, #tpu.memory_space<vmem>>
        %dma_start3A_294 = arith.constant 0 : i32
        %dma_start3A_295 = arith.constant 0 : i32
        %dma_start3A_296 = tpu.memref_slice %arg4[%add3A_284, %dma_start3A_294, %dma_start3A_295] : memref<16384x56x128xf32, #tpu.memory_space<hbm>> -> memref<1x50x128xf32, #tpu.memory_space<hbm>>
        %dma_start3A_297 = tpu.memref_squeeze %dma_start3A_296 : memref<1x50x128xf32, #tpu.memory_space<hbm>> -> memref<50x128xf32, #tpu.memory_space<hbm>>
        %dma_start3A_298 = arith.constant 0 : i32
        %dma_start3A_299 = arith.constant 0 : i32
        %dma_start3A_300 = tpu.memref_slice %arg4[%add3A_284, %dma_start3A_298, %dma_start3A_299] : memref<16384x56x128xf32, #tpu.memory_space<hbm>> -> memref<1x50x128xf32, #tpu.memory_space<hbm>>
        %dma_start3A_301 = tpu.memref_squeeze %dma_start3A_300 : memref<1x50x128xf32, #tpu.memory_space<hbm>> -> memref<50x128xf32, #tpu.memory_space<hbm>>
        %dma_start3A_302 = arith.constant 250 : i32
        %dma_start3A_303 = arith.constant 0 : i32
        %dma_start3A_304 = tpu.memref_slice %arg9[%dma_start3A_302, %dma_start3A_303] : memref<400x128xf32, #tpu.memory_space<vmem>> -> memref<50x128xf32, #tpu.memory_space<vmem>>
        tpu.enqueue_dma source(%dma_start3A_304 : memref<50x128xf32, #tpu.memory_space<vmem>>) target(%dma_start3A_301 : memref<50x128xf32, #tpu.memory_space<hbm>>) target_semaphore(%run_scoped3A_290 : memref<!tpu.dma_semaphore, #tpu.memory_space<semaphore_mem>>)
        %dma_wait3A_305 = arith.constant 250 : i32
        %dma_wait3A_306 = arith.constant 0 : i32
        %dma_wait3A_307 = tpu.memref_slice %arg9[%dma_wait3A_305, %dma_wait3A_306] : memref<400x128xf32, #tpu.memory_space<vmem>> -> memref<50x128xf32, #tpu.memory_space<vmem>>
        %dma_wait3A_308 = arith.constant 0 : i32
        %dma_wait3A_309 = arith.constant 0 : i32
        %dma_wait3A_310 = tpu.memref_slice %arg4[%add3A_284, %dma_wait3A_308, %dma_wait3A_309] : memref<16384x56x128xf32, #tpu.memory_space<hbm>> -> memref<1x50x128xf32, #tpu.memory_space<hbm>>
        %dma_wait3A_311 = tpu.memref_squeeze %dma_wait3A_310 : memref<1x50x128xf32, #tpu.memory_space<hbm>> -> memref<50x128xf32, #tpu.memory_space<hbm>>
        %dma_wait3A_312 = arith.constant 0 : i32
        %dma_wait3A_313 = arith.constant 0 : i32
        %dma_wait3A_314 = tpu.memref_slice %arg4[%add3A_284, %dma_wait3A_312, %dma_wait3A_313] : memref<16384x56x128xf32, #tpu.memory_space<hbm>> -> memref<1x50x128xf32, #tpu.memory_space<hbm>>
        %dma_wait3A_315 = tpu.memref_squeeze %dma_wait3A_314 : memref<1x50x128xf32, #tpu.memory_space<hbm>> -> memref<50x128xf32, #tpu.memory_space<hbm>>
        %dma_wait3A_316 = arith.constant 250 : i32
        %dma_wait3A_317 = arith.constant 0 : i32
        %dma_wait3A_318 = tpu.memref_slice %arg9[%dma_wait3A_316, %dma_wait3A_317] : memref<400x128xf32, #tpu.memory_space<vmem>> -> memref<50x128xf32, #tpu.memory_space<vmem>>
        tpu.wait_dma2 semaphore(%run_scoped3A_290 : memref<!tpu.dma_semaphore, #tpu.memory_space<semaphore_mem>>) src(%dma_wait3A_318 : memref<50x128xf32, #tpu.memory_space<vmem>>) dst(%dma_wait3A_315 : memref<50x128xf32, #tpu.memory_space<hbm>>)
        tpu.yield
      }) : () -> ()
      %add3A_285 = arith.constant 6 : i32
      %add3A_286 = arith.addi %add3A_272, %add3A_285 : i32
      "tpu.region"() ({
        %run_scoped3A_290 = tpu.sem_alloc : memref<!tpu.dma_semaphore, #tpu.memory_space<semaphore_mem>>
        %dma_start3A_291 = arith.constant 300 : i32
        %dma_start3A_292 = arith.constant 0 : i32
        %dma_start3A_293 = tpu.memref_slice %arg9[%dma_start3A_291, %dma_start3A_292] : memref<400x128xf32, #tpu.memory_space<vmem>> -> memref<50x128xf32, #tpu.memory_space<vmem>>
        %dma_start3A_294 = arith.constant 0 : i32
        %dma_start3A_295 = arith.constant 0 : i32
        %dma_start3A_296 = tpu.memref_slice %arg4[%add3A_286, %dma_start3A_294, %dma_start3A_295] : memref<16384x56x128xf32, #tpu.memory_space<hbm>> -> memref<1x50x128xf32, #tpu.memory_space<hbm>>
        %dma_start3A_297 = tpu.memref_squeeze %dma_start3A_296 : memref<1x50x128xf32, #tpu.memory_space<hbm>> -> memref<50x128xf32, #tpu.memory_space<hbm>>
        %dma_start3A_298 = arith.constant 0 : i32
        %dma_start3A_299 = arith.constant 0 : i32
        %dma_start3A_300 = tpu.memref_slice %arg4[%add3A_286, %dma_start3A_298, %dma_start3A_299] : memref<16384x56x128xf32, #tpu.memory_space<hbm>> -> memref<1x50x128xf32, #tpu.memory_space<hbm>>
        %dma_start3A_301 = tpu.memref_squeeze %dma_start3A_300 : memref<1x50x128xf32, #tpu.memory_space<hbm>> -> memref<50x128xf32, #tpu.memory_space<hbm>>
        %dma_start3A_302 = arith.constant 300 : i32
        %dma_start3A_303 = arith.constant 0 : i32
        %dma_start3A_304 = tpu.memref_slice %arg9[%dma_start3A_302, %dma_start3A_303] : memref<400x128xf32, #tpu.memory_space<vmem>> -> memref<50x128xf32, #tpu.memory_space<vmem>>
        tpu.enqueue_dma source(%dma_start3A_304 : memref<50x128xf32, #tpu.memory_space<vmem>>) target(%dma_start3A_301 : memref<50x128xf32, #tpu.memory_space<hbm>>) target_semaphore(%run_scoped3A_290 : memref<!tpu.dma_semaphore, #tpu.memory_space<semaphore_mem>>)
        %dma_wait3A_305 = arith.constant 300 : i32
        %dma_wait3A_306 = arith.constant 0 : i32
        %dma_wait3A_307 = tpu.memref_slice %arg9[%dma_wait3A_305, %dma_wait3A_306] : memref<400x128xf32, #tpu.memory_space<vmem>> -> memref<50x128xf32, #tpu.memory_space<vmem>>
        %dma_wait3A_308 = arith.constant 0 : i32
        %dma_wait3A_309 = arith.constant 0 : i32
        %dma_wait3A_310 = tpu.memref_slice %arg4[%add3A_286, %dma_wait3A_308, %dma_wait3A_309] : memref<16384x56x128xf32, #tpu.memory_space<hbm>> -> memref<1x50x128xf32, #tpu.memory_space<hbm>>
        %dma_wait3A_311 = tpu.memref_squeeze %dma_wait3A_310 : memref<1x50x128xf32, #tpu.memory_space<hbm>> -> memref<50x128xf32, #tpu.memory_space<hbm>>
        %dma_wait3A_312 = arith.constant 0 : i32
        %dma_wait3A_313 = arith.constant 0 : i32
        %dma_wait3A_314 = tpu.memref_slice %arg4[%add3A_286, %dma_wait3A_312, %dma_wait3A_313] : memref<16384x56x128xf32, #tpu.memory_space<hbm>> -> memref<1x50x128xf32, #tpu.memory_space<hbm>>
        %dma_wait3A_315 = tpu.memref_squeeze %dma_wait3A_314 : memref<1x50x128xf32, #tpu.memory_space<hbm>> -> memref<50x128xf32, #tpu.memory_space<hbm>>
        %dma_wait3A_316 = arith.constant 300 : i32
        %dma_wait3A_317 = arith.constant 0 : i32
        %dma_wait3A_318 = tpu.memref_slice %arg9[%dma_wait3A_316, %dma_wait3A_317] : memref<400x128xf32, #tpu.memory_space<vmem>> -> memref<50x128xf32, #tpu.memory_space<vmem>>
        tpu.wait_dma2 semaphore(%run_scoped3A_290 : memref<!tpu.dma_semaphore, #tpu.memory_space<semaphore_mem>>) src(%dma_wait3A_318 : memref<50x128xf32, #tpu.memory_space<vmem>>) dst(%dma_wait3A_315 : memref<50x128xf32, #tpu.memory_space<hbm>>)
        tpu.yield
      }) : () -> ()
      %add3A_287 = arith.constant 7 : i32
      %add3A_288 = arith.addi %add3A_272, %add3A_287 : i32
      "tpu.region"() ({
        %run_scoped3A_290 = tpu.sem_alloc : memref<!tpu.dma_semaphore, #tpu.memory_space<semaphore_mem>>
        %dma_start3A_291 = arith.constant 350 : i32
        %dma_start3A_292 = arith.constant 0 : i32
        %dma_start3A_293 = tpu.memref_slice %arg9[%dma_start3A_291, %dma_start3A_292] : memref<400x128xf32, #tpu.memory_space<vmem>> -> memref<50x128xf32, #tpu.memory_space<vmem>>
        %dma_start3A_294 = arith.constant 0 : i32
        %dma_start3A_295 = arith.constant 0 : i32
        %dma_start3A_296 = tpu.memref_slice %arg4[%add3A_288, %dma_start3A_294, %dma_start3A_295] : memref<16384x56x128xf32, #tpu.memory_space<hbm>> -> memref<1x50x128xf32, #tpu.memory_space<hbm>>
        %dma_start3A_297 = tpu.memref_squeeze %dma_start3A_296 : memref<1x50x128xf32, #tpu.memory_space<hbm>> -> memref<50x128xf32, #tpu.memory_space<hbm>>
        %dma_start3A_298 = arith.constant 0 : i32
        %dma_start3A_299 = arith.constant 0 : i32
        %dma_start3A_300 = tpu.memref_slice %arg4[%add3A_288, %dma_start3A_298, %dma_start3A_299] : memref<16384x56x128xf32, #tpu.memory_space<hbm>> -> memref<1x50x128xf32, #tpu.memory_space<hbm>>
        %dma_start3A_301 = tpu.memref_squeeze %dma_start3A_300 : memref<1x50x128xf32, #tpu.memory_space<hbm>> -> memref<50x128xf32, #tpu.memory_space<hbm>>
        %dma_start3A_302 = arith.constant 350 : i32
        %dma_start3A_303 = arith.constant 0 : i32
        %dma_start3A_304 = tpu.memref_slice %arg9[%dma_start3A_302, %dma_start3A_303] : memref<400x128xf32, #tpu.memory_space<vmem>> -> memref<50x128xf32, #tpu.memory_space<vmem>>
        tpu.enqueue_dma source(%dma_start3A_304 : memref<50x128xf32, #tpu.memory_space<vmem>>) target(%dma_start3A_301 : memref<50x128xf32, #tpu.memory_space<hbm>>) target_semaphore(%run_scoped3A_290 : memref<!tpu.dma_semaphore, #tpu.memory_space<semaphore_mem>>)
        %dma_wait3A_305 = arith.constant 350 : i32
        %dma_wait3A_306 = arith.constant 0 : i32
        %dma_wait3A_307 = tpu.memref_slice %arg9[%dma_wait3A_305, %dma_wait3A_306] : memref<400x128xf32, #tpu.memory_space<vmem>> -> memref<50x128xf32, #tpu.memory_space<vmem>>
        %dma_wait3A_308 = arith.constant 0 : i32
        %dma_wait3A_309 = arith.constant 0 : i32
        %dma_wait3A_310 = tpu.memref_slice %arg4[%add3A_288, %dma_wait3A_308, %dma_wait3A_309] : memref<16384x56x128xf32, #tpu.memory_space<hbm>> -> memref<1x50x128xf32, #tpu.memory_space<hbm>>
        %dma_wait3A_311 = tpu.memref_squeeze %dma_wait3A_310 : memref<1x50x128xf32, #tpu.memory_space<hbm>> -> memref<50x128xf32, #tpu.memory_space<hbm>>
        %dma_wait3A_312 = arith.constant 0 : i32
        %dma_wait3A_313 = arith.constant 0 : i32
        %dma_wait3A_314 = tpu.memref_slice %arg4[%add3A_288, %dma_wait3A_312, %dma_wait3A_313] : memref<16384x56x128xf32, #tpu.memory_space<hbm>> -> memref<1x50x128xf32, #tpu.memory_space<hbm>>
        %dma_wait3A_315 = tpu.memref_squeeze %dma_wait3A_314 : memref<1x50x128xf32, #tpu.memory_space<hbm>> -> memref<50x128xf32, #tpu.memory_space<hbm>>
        %dma_wait3A_316 = arith.constant 350 : i32
        %dma_wait3A_317 = arith.constant 0 : i32
        %dma_wait3A_318 = tpu.memref_slice %arg9[%dma_wait3A_316, %dma_wait3A_317] : memref<400x128xf32, #tpu.memory_space<vmem>> -> memref<50x128xf32, #tpu.memory_space<vmem>>
        tpu.wait_dma2 semaphore(%run_scoped3A_290 : memref<!tpu.dma_semaphore, #tpu.memory_space<semaphore_mem>>) src(%dma_wait3A_318 : memref<50x128xf32, #tpu.memory_space<vmem>>) dst(%dma_wait3A_315 : memref<50x128xf32, #tpu.memory_space<hbm>>)
        tpu.yield
      }) : () -> ()
      %scan3A_289 = arith.constant 0 : i32
      scf.yield %scan3A_289 : i32
    }
    %scan3A_141 = arith.constant 8 : i32
    %dma_wait3A_142 = arith.constant 0 : i32
    %dma_wait3A_143 = tpu.memref_slice %arg7[%dma_wait3A_142] : memref<6400xi32, #tpu.memory_space<vmem>> -> memref<400xi32, #tpu.memory_space<vmem>>
    %dma_wait3A_144 = arith.constant 0 : i32
    %dma_wait3A_145 = arith.constant 0 : i32
    %dma_wait3A_146 = tpu.memref_slice %arg2[%dma_wait3A_144, %dma_wait3A_145] : memref<200000x128xf32, #tpu.memory_space<hbm>> -> memref<200000x128xf32, #tpu.memory_space<hbm>>
    tpu.wait_indirect_dma semaphore(%arg10 : memref<!tpu.dma_semaphore, #tpu.memory_space<semaphore_mem>>) src(%dma_wait3A_146 : memref<200000x128xf32, #tpu.memory_space<hbm>>) dst(%arg8 : memref<400x128xf32, #tpu.memory_space<vmem>>)
    %add3A_147 = arith.constant 19200 : i32
    %add3A_148 = arith.addi %mul3A_2, %add3A_147 : i32
    %jit3A_149 = arith.constant 50 : i32
    %div3A_150 = arith.divsi %add3A_148, %jit3A_149 : i32
    %sign3A_151 = arith.constant 0 : i32
    %sign3A_152 = arith.cmpi sgt, %add3A_148, %sign3A_151 : i32
    %sign3A_153 = arith.extui %sign3A_152 : i1 to i32
    %sign3A_154 = arith.constant 0 : i32
    %sign3A_155 = arith.cmpi slt, %add3A_148, %sign3A_154 : i32
    %sign3A_156 = arith.extui %sign3A_155 : i1 to i32
    %sign3A_157 = arith.subi %sign3A_153, %sign3A_156 : i32
    %sign3A_158 = arith.constant 0 : i32
    %sign3A_159 = arith.cmpi sgt, %jit3A_149, %sign3A_158 : i32
    %sign3A_160 = arith.extui %sign3A_159 : i1 to i32
    %sign3A_161 = arith.constant 0 : i32
    %sign3A_162 = arith.cmpi slt, %jit3A_149, %sign3A_161 : i32
    %sign3A_163 = arith.extui %sign3A_162 : i1 to i32
    %sign3A_164 = arith.subi %sign3A_160, %sign3A_163 : i32
    %ne3A_165 = arith.cmpi ne, %sign3A_157, %sign3A_164 : i32
    %rem3A_166 = arith.remsi %add3A_148, %jit3A_149 : i32
    %ne3A_167 = arith.constant 0 : i32
    %ne3A_168 = arith.cmpi ne, %rem3A_166, %ne3A_167 : i32
    %and3A_169 = arith.andi %ne3A_165, %ne3A_168 : i1
    %sub3A_170 = arith.constant 1 : i32
    %sub3A_171 = arith.subi %div3A_150, %sub3A_170 : i32
    %select_n3A_172 = arith.select %and3A_169, %sub3A_171, %div3A_150 : i32
    %run_scoped3A_173 = arith.constant 0 : i32
    "tpu.region"() ({
      %run_scoped3A_199 = tpu.sem_alloc : memref<!tpu.dma_semaphore, #tpu.memory_space<semaphore_mem>>
      %dma_start3A_200 = tpu.memref_slice %arg3[%run_scoped3A_173, %add3A_148] : memref<2x819200xi32, #tpu.memory_space<hbm>> -> memref<1x6400xi32, #tpu.memory_space<hbm>>
      %dma_start3A_201 = tpu.memref_squeeze %dma_start3A_200 : memref<1x6400xi32, #tpu.memory_space<hbm>> -> memref<6400xi32, #tpu.memory_space<hbm>>
      %dma_start3A_202 = tpu.memref_slice %arg3[%run_scoped3A_173, %add3A_148] : memref<2x819200xi32, #tpu.memory_space<hbm>> -> memref<1x6400xi32, #tpu.memory_space<hbm>>
      %dma_start3A_203 = tpu.memref_squeeze %dma_start3A_202 : memref<1x6400xi32, #tpu.memory_space<hbm>> -> memref<6400xi32, #tpu.memory_space<hbm>>
      tpu.enqueue_dma source(%dma_start3A_203 : memref<6400xi32, #tpu.memory_space<hbm>>) target(%arg5 : memref<6400xi32, #tpu.memory_space<vmem>>) target_semaphore(%run_scoped3A_199 : memref<!tpu.dma_semaphore, #tpu.memory_space<semaphore_mem>>)
      %dma_wait3A_204 = tpu.memref_slice %arg3[%run_scoped3A_173, %add3A_148] : memref<2x819200xi32, #tpu.memory_space<hbm>> -> memref<1x6400xi32, #tpu.memory_space<hbm>>
      %dma_wait3A_205 = tpu.memref_squeeze %dma_wait3A_204 : memref<1x6400xi32, #tpu.memory_space<hbm>> -> memref<6400xi32, #tpu.memory_space<hbm>>
      %dma_wait3A_206 = tpu.memref_slice %arg3[%run_scoped3A_173, %add3A_148] : memref<2x819200xi32, #tpu.memory_space<hbm>> -> memref<1x6400xi32, #tpu.memory_space<hbm>>
      %dma_wait3A_207 = tpu.memref_squeeze %dma_wait3A_206 : memref<1x6400xi32, #tpu.memory_space<hbm>> -> memref<6400xi32, #tpu.memory_space<hbm>>
      tpu.wait_dma2 semaphore(%run_scoped3A_199 : memref<!tpu.dma_semaphore, #tpu.memory_space<semaphore_mem>>) src(%dma_wait3A_207 : memref<6400xi32, #tpu.memory_space<hbm>>) dst(%arg5 : memref<6400xi32, #tpu.memory_space<vmem>>)
      tpu.yield
    }) : () -> ()
    %run_scoped3A_174 = arith.constant 1 : i32
    "tpu.region"() ({
      %run_scoped3A_199 = tpu.sem_alloc : memref<!tpu.dma_semaphore, #tpu.memory_space<semaphore_mem>>
      %dma_start3A_200 = tpu.memref_slice %arg3[%run_scoped3A_174, %add3A_148] : memref<2x819200xi32, #tpu.memory_space<hbm>> -> memref<1x6400xi32, #tpu.memory_space<hbm>>
      %dma_start3A_201 = tpu.memref_squeeze %dma_start3A_200 : memref<1x6400xi32, #tpu.memory_space<hbm>> -> memref<6400xi32, #tpu.memory_space<hbm>>
      %dma_start3A_202 = tpu.memref_slice %arg3[%run_scoped3A_174, %add3A_148] : memref<2x819200xi32, #tpu.memory_space<hbm>> -> memref<1x6400xi32, #tpu.memory_space<hbm>>
      %dma_start3A_203 = tpu.memref_squeeze %dma_start3A_202 : memref<1x6400xi32, #tpu.memory_space<hbm>> -> memref<6400xi32, #tpu.memory_space<hbm>>
      tpu.enqueue_dma source(%dma_start3A_203 : memref<6400xi32, #tpu.memory_space<hbm>>) target(%arg6 : memref<6400xi32, #tpu.memory_space<vmem>>) target_semaphore(%run_scoped3A_199 : memref<!tpu.dma_semaphore, #tpu.memory_space<semaphore_mem>>)
      %dma_wait3A_204 = tpu.memref_slice %arg3[%run_scoped3A_174, %add3A_148] : memref<2x819200xi32, #tpu.memory_space<hbm>> -> memref<1x6400xi32, #tpu.memory_space<hbm>>
      %dma_wait3A_205 = tpu.memref_squeeze %dma_wait3A_204 : memref<1x6400xi32, #tpu.memory_space<hbm>> -> memref<6400xi32, #tpu.memory_space<hbm>>
      %dma_wait3A_206 = tpu.memref_slice %arg3[%run_scoped3A_174, %add3A_148] : memref<2x819200xi32, #tpu.memory_space<hbm>> -> memref<1x6400xi32, #tpu.memory_space<hbm>>
      %dma_wait3A_207 = tpu.memref_squeeze %dma_wait3A_206 : memref<1x6400xi32, #tpu.memory_space<hbm>> -> memref<6400xi32, #tpu.memory_space<hbm>>
      tpu.wait_dma2 semaphore(%run_scoped3A_199 : memref<!tpu.dma_semaphore, #tpu.memory_space<semaphore_mem>>) src(%dma_wait3A_207 : memref<6400xi32, #tpu.memory_space<hbm>>) dst(%arg6 : memref<6400xi32, #tpu.memory_space<vmem>>)
      tpu.yield
    }) : () -> ()
    %scan3A_175 = arith.constant 0 : i32
    %scan3A_176 = arith.constant 0 : i32
    %scan3A_177 = arith.constant 400 : i32
    %scan3A_178 = arith.addi %scan3A_176, %scan3A_177 : i32
    %scan3A_179 = arith.constant 1 : i32
    %scan3A_180 = scf.for %scan3A_199 = %scan3A_176 to %scan3A_178 step %scan3A_179 iter_args(%scan3A_200 = %scan3A_175) -> (i32)  : i32 {
      %mul3A_201 = arith.constant 16 : i32
      %mul3A_202 = arith.muli %scan3A_199, %mul3A_201 : i32
      %get3A = arith.index_cast %mul3A_202 : i32 to index
      %get3A_203 = tpu.vector_load %arg5[%get3A] {strides = array<i32>} : memref<6400xi32, #tpu.memory_space<vmem>>, vector<16xi32>,
      %get3A_204 = vector.shape_cast %get3A_203 : vector<16xi32> to vector<16xi32>
      %mul3A_205 = arith.constant 16 : i32
      %mul3A_206 = arith.muli %scan3A_199, %mul3A_205 : i32
      %get3A_207 = arith.index_cast %mul3A_206 : i32 to index
      %get3A_208 = tpu.vector_load %arg6[%get3A_207] {strides = array<i32>} : memref<6400xi32, #tpu.memory_space<vmem>>, vector<16xi32>,
      %get3A_209 = vector.shape_cast %get3A_208 : vector<16xi32> to vector<16xi32>
      %mul3A_210 = arith.constant 100000 : i32
      %mul3A_211 = vector.broadcast %mul3A_210 : i32 to vector<16xi32>
      %mul3A_212 = arith.muli %get3A_204, %mul3A_211 : vector<16xi32>
      %add3A_213 = arith.addi %get3A_209, %mul3A_212 : vector<16xi32>
      %mul3A_214 = arith.constant 16 : i32
      %mul3A_215 = arith.muli %scan3A_199, %mul3A_214 : i32
      %swap3A = arith.index_cast %mul3A_215 : i32 to index
      %swap3A_216 = tpu.vector_load %arg7[%swap3A] {strides = array<i32>} : memref<6400xi32, #tpu.memory_space<vmem>>, vector<16xi32>,
      %swap3A_217 = vector.shape_cast %swap3A_216 : vector<16xi32> to vector<16xi32>
      %swap3A_218 = vector.shape_cast %add3A_213 : vector<16xi32> to vector<16xi32>
      tpu.vector_store %arg7[%swap3A], %swap3A_218 {strides = array<i32>} : memref<6400xi32, #tpu.memory_space<vmem>>, vector<16xi32>,
      %scan3A_219 = arith.constant 0 : i32
      scf.yield %scan3A_219 : i32
    }
    %scan3A_181 = arith.constant 400 : i32
    %dma_start3A_182 = arith.constant 0 : i32
    %dma_start3A_183 = tpu.memref_slice %arg7[%dma_start3A_182] : memref<6400xi32, #tpu.memory_space<vmem>> -> memref<400xi32, #tpu.memory_space<vmem>>
    %dma_start3A_184 = arith.constant 0 : i32
    %dma_start3A_185 = arith.constant 0 : i32
    %dma_start3A_186 = tpu.memref_slice %arg2[%dma_start3A_184, %dma_start3A_185] : memref<200000x128xf32, #tpu.memory_space<hbm>> -> memref<200000x128xf32, #tpu.memory_space<hbm>>
    tpu.enqueue_indirect_dma source(%dma_start3A_186 : memref<200000x128xf32, #tpu.memory_space<hbm>>) target(%arg8 : memref<400x128xf32, #tpu.memory_space<vmem>>) offsets(%dma_start3A_183 : memref<400xi32, #tpu.memory_space<vmem>>) semaphore(%arg10 : memref<!tpu.dma_semaphore, #tpu.memory_space<semaphore_mem>>)
    %scan3A_187 = arith.constant 0 : i32
    %scan3A_188 = arith.constant 0 : i32
    %scan3A_189 = arith.constant 8 : i32
    %scan3A_190 = arith.addi %scan3A_188, %scan3A_189 : i32
    %scan3A_191 = arith.constant 1 : i32
    %scan3A_192 = scf.for %scan3A_199 = %scan3A_188 to %scan3A_190 step %scan3A_191 iter_args(%scan3A_200 = %scan3A_187) -> (i32)  : i32 {
      %mul3A_201 = arith.constant 2 : i32
      %mul3A_202 = arith.muli %mul3A_201, %scan3A_199 : i32
      %add3A_203 = arith.constant 1 : i32
      %add3A_204 = arith.addi %mul3A_202, %add3A_203 : i32
      %mul3A_205 = arith.constant 400 : i32
      %mul3A_206 = arith.muli %add3A_204, %mul3A_205 : i32
      %dma_start3A_207 = tpu.memref_slice %arg7[%mul3A_206] : memref<6400xi32, #tpu.memory_space<vmem>> -> memref<400xi32, #tpu.memory_space<vmem>>
      %dma_start3A_208 = arith.constant 0 : i32
      %dma_start3A_209 = arith.constant 0 : i32
      %dma_start3A_210 = tpu.memref_slice %arg2[%dma_start3A_208, %dma_start3A_209] : memref<200000x128xf32, #tpu.memory_space<hbm>> -> memref<200000x128xf32, #tpu.memory_space<hbm>>
      tpu.enqueue_indirect_dma source(%dma_start3A_210 : memref<200000x128xf32, #tpu.memory_space<hbm>>) target(%arg9 : memref<400x128xf32, #tpu.memory_space<vmem>>) offsets(%dma_start3A_207 : memref<400xi32, #tpu.memory_space<vmem>>) semaphore(%arg11 : memref<!tpu.dma_semaphore, #tpu.memory_space<semaphore_mem>>)
      %dma_wait3A_211 = arith.constant 0 : i32
      %dma_wait3A_212 = tpu.memref_slice %arg7[%dma_wait3A_211] : memref<6400xi32, #tpu.memory_space<vmem>> -> memref<400xi32, #tpu.memory_space<vmem>>
      %dma_wait3A_213 = arith.constant 0 : i32
      %dma_wait3A_214 = arith.constant 0 : i32
      %dma_wait3A_215 = tpu.memref_slice %arg2[%dma_wait3A_213, %dma_wait3A_214] : memref<200000x128xf32, #tpu.memory_space<hbm>> -> memref<200000x128xf32, #tpu.memory_space<hbm>>
      tpu.wait_indirect_dma semaphore(%arg10 : memref<!tpu.dma_semaphore, #tpu.memory_space<semaphore_mem>>) src(%dma_wait3A_215 : memref<200000x128xf32, #tpu.memory_space<hbm>>) dst(%arg8 : memref<400x128xf32, #tpu.memory_space<vmem>>)
      %mul3A_216 = arith.constant 2 : i32
      %mul3A_217 = arith.muli %mul3A_216, %scan3A_199 : i32
      %mul3A_218 = arith.constant 8 : i32
      %mul3A_219 = arith.muli %mul3A_217, %mul3A_218 : i32
      %add3A_220 = arith.addi %select_n3A_172, %mul3A_219 : i32
      %add3A_221 = arith.constant 0 : i32
      %add3A_222 = arith.addi %add3A_220, %add3A_221 : i32
      "tpu.region"() ({
        %run_scoped3A_290 = tpu.sem_alloc : memref<!tpu.dma_semaphore, #tpu.memory_space<semaphore_mem>>
        %dma_start3A_291 = arith.constant 0 : i32
        %dma_start3A_292 = arith.constant 0 : i32
        %dma_start3A_293 = tpu.memref_slice %arg8[%dma_start3A_291, %dma_start3A_292] : memref<400x128xf32, #tpu.memory_space<vmem>> -> memref<50x128xf32, #tpu.memory_space<vmem>>
        %dma_start3A_294 = arith.constant 0 : i32
        %dma_start3A_295 = arith.constant 0 : i32
        %dma_start3A_296 = tpu.memref_slice %arg4[%add3A_222, %dma_start3A_294, %dma_start3A_295] : memref<16384x56x128xf32, #tpu.memory_space<hbm>> -> memref<1x50x128xf32, #tpu.memory_space<hbm>>
        %dma_start3A_297 = tpu.memref_squeeze %dma_start3A_296 : memref<1x50x128xf32, #tpu.memory_space<hbm>> -> memref<50x128xf32, #tpu.memory_space<hbm>>
        %dma_start3A_298 = arith.constant 0 : i32
        %dma_start3A_299 = arith.constant 0 : i32
        %dma_start3A_300 = tpu.memref_slice %arg4[%add3A_222, %dma_start3A_298, %dma_start3A_299] : memref<16384x56x128xf32, #tpu.memory_space<hbm>> -> memref<1x50x128xf32, #tpu.memory_space<hbm>>
        %dma_start3A_301 = tpu.memref_squeeze %dma_start3A_300 : memref<1x50x128xf32, #tpu.memory_space<hbm>> -> memref<50x128xf32, #tpu.memory_space<hbm>>
        %dma_start3A_302 = arith.constant 0 : i32
        %dma_start3A_303 = arith.constant 0 : i32
        %dma_start3A_304 = tpu.memref_slice %arg8[%dma_start3A_302, %dma_start3A_303] : memref<400x128xf32, #tpu.memory_space<vmem>> -> memref<50x128xf32, #tpu.memory_space<vmem>>
        tpu.enqueue_dma source(%dma_start3A_304 : memref<50x128xf32, #tpu.memory_space<vmem>>) target(%dma_start3A_301 : memref<50x128xf32, #tpu.memory_space<hbm>>) target_semaphore(%run_scoped3A_290 : memref<!tpu.dma_semaphore, #tpu.memory_space<semaphore_mem>>)
        %dma_wait3A_305 = arith.constant 0 : i32
        %dma_wait3A_306 = arith.constant 0 : i32
        %dma_wait3A_307 = tpu.memref_slice %arg8[%dma_wait3A_305, %dma_wait3A_306] : memref<400x128xf32, #tpu.memory_space<vmem>> -> memref<50x128xf32, #tpu.memory_space<vmem>>
        %dma_wait3A_308 = arith.constant 0 : i32
        %dma_wait3A_309 = arith.constant 0 : i32
        %dma_wait3A_310 = tpu.memref_slice %arg4[%add3A_222, %dma_wait3A_308, %dma_wait3A_309] : memref<16384x56x128xf32, #tpu.memory_space<hbm>> -> memref<1x50x128xf32, #tpu.memory_space<hbm>>
        %dma_wait3A_311 = tpu.memref_squeeze %dma_wait3A_310 : memref<1x50x128xf32, #tpu.memory_space<hbm>> -> memref<50x128xf32, #tpu.memory_space<hbm>>
        %dma_wait3A_312 = arith.constant 0 : i32
        %dma_wait3A_313 = arith.constant 0 : i32
        %dma_wait3A_314 = tpu.memref_slice %arg4[%add3A_222, %dma_wait3A_312, %dma_wait3A_313] : memref<16384x56x128xf32, #tpu.memory_space<hbm>> -> memref<1x50x128xf32, #tpu.memory_space<hbm>>
        %dma_wait3A_315 = tpu.memref_squeeze %dma_wait3A_314 : memref<1x50x128xf32, #tpu.memory_space<hbm>> -> memref<50x128xf32, #tpu.memory_space<hbm>>
        %dma_wait3A_316 = arith.constant 0 : i32
        %dma_wait3A_317 = arith.constant 0 : i32
        %dma_wait3A_318 = tpu.memref_slice %arg8[%dma_wait3A_316, %dma_wait3A_317] : memref<400x128xf32, #tpu.memory_space<vmem>> -> memref<50x128xf32, #tpu.memory_space<vmem>>
        tpu.wait_dma2 semaphore(%run_scoped3A_290 : memref<!tpu.dma_semaphore, #tpu.memory_space<semaphore_mem>>) src(%dma_wait3A_318 : memref<50x128xf32, #tpu.memory_space<vmem>>) dst(%dma_wait3A_315 : memref<50x128xf32, #tpu.memory_space<hbm>>)
        tpu.yield
      }) : () -> ()
      %add3A_223 = arith.constant 1 : i32
      %add3A_224 = arith.addi %add3A_220, %add3A_223 : i32
      "tpu.region"() ({
        %run_scoped3A_290 = tpu.sem_alloc : memref<!tpu.dma_semaphore, #tpu.memory_space<semaphore_mem>>
        %dma_start3A_291 = arith.constant 50 : i32
        %dma_start3A_292 = arith.constant 0 : i32
        %dma_start3A_293 = tpu.memref_slice %arg8[%dma_start3A_291, %dma_start3A_292] : memref<400x128xf32, #tpu.memory_space<vmem>> -> memref<50x128xf32, #tpu.memory_space<vmem>>
        %dma_start3A_294 = arith.constant 0 : i32
        %dma_start3A_295 = arith.constant 0 : i32
        %dma_start3A_296 = tpu.memref_slice %arg4[%add3A_224, %dma_start3A_294, %dma_start3A_295] : memref<16384x56x128xf32, #tpu.memory_space<hbm>> -> memref<1x50x128xf32, #tpu.memory_space<hbm>>
        %dma_start3A_297 = tpu.memref_squeeze %dma_start3A_296 : memref<1x50x128xf32, #tpu.memory_space<hbm>> -> memref<50x128xf32, #tpu.memory_space<hbm>>
        %dma_start3A_298 = arith.constant 0 : i32
        %dma_start3A_299 = arith.constant 0 : i32
        %dma_start3A_300 = tpu.memref_slice %arg4[%add3A_224, %dma_start3A_298, %dma_start3A_299] : memref<16384x56x128xf32, #tpu.memory_space<hbm>> -> memref<1x50x128xf32, #tpu.memory_space<hbm>>
        %dma_start3A_301 = tpu.memref_squeeze %dma_start3A_300 : memref<1x50x128xf32, #tpu.memory_space<hbm>> -> memref<50x128xf32, #tpu.memory_space<hbm>>
        %dma_start3A_302 = arith.constant 50 : i32
        %dma_start3A_303 = arith.constant 0 : i32
        %dma_start3A_304 = tpu.memref_slice %arg8[%dma_start3A_302, %dma_start3A_303] : memref<400x128xf32, #tpu.memory_space<vmem>> -> memref<50x128xf32, #tpu.memory_space<vmem>>
        tpu.enqueue_dma source(%dma_start3A_304 : memref<50x128xf32, #tpu.memory_space<vmem>>) target(%dma_start3A_301 : memref<50x128xf32, #tpu.memory_space<hbm>>) target_semaphore(%run_scoped3A_290 : memref<!tpu.dma_semaphore, #tpu.memory_space<semaphore_mem>>)
        %dma_wait3A_305 = arith.constant 50 : i32
        %dma_wait3A_306 = arith.constant 0 : i32
        %dma_wait3A_307 = tpu.memref_slice %arg8[%dma_wait3A_305, %dma_wait3A_306] : memref<400x128xf32, #tpu.memory_space<vmem>> -> memref<50x128xf32, #tpu.memory_space<vmem>>
        %dma_wait3A_308 = arith.constant 0 : i32
        %dma_wait3A_309 = arith.constant 0 : i32
        %dma_wait3A_310 = tpu.memref_slice %arg4[%add3A_224, %dma_wait3A_308, %dma_wait3A_309] : memref<16384x56x128xf32, #tpu.memory_space<hbm>> -> memref<1x50x128xf32, #tpu.memory_space<hbm>>
        %dma_wait3A_311 = tpu.memref_squeeze %dma_wait3A_310 : memref<1x50x128xf32, #tpu.memory_space<hbm>> -> memref<50x128xf32, #tpu.memory_space<hbm>>
        %dma_wait3A_312 = arith.constant 0 : i32
        %dma_wait3A_313 = arith.constant 0 : i32
        %dma_wait3A_314 = tpu.memref_slice %arg4[%add3A_224, %dma_wait3A_312, %dma_wait3A_313] : memref<16384x56x128xf32, #tpu.memory_space<hbm>> -> memref<1x50x128xf32, #tpu.memory_space<hbm>>
        %dma_wait3A_315 = tpu.memref_squeeze %dma_wait3A_314 : memref<1x50x128xf32, #tpu.memory_space<hbm>> -> memref<50x128xf32, #tpu.memory_space<hbm>>
        %dma_wait3A_316 = arith.constant 50 : i32
        %dma_wait3A_317 = arith.constant 0 : i32
        %dma_wait3A_318 = tpu.memref_slice %arg8[%dma_wait3A_316, %dma_wait3A_317] : memref<400x128xf32, #tpu.memory_space<vmem>> -> memref<50x128xf32, #tpu.memory_space<vmem>>
        tpu.wait_dma2 semaphore(%run_scoped3A_290 : memref<!tpu.dma_semaphore, #tpu.memory_space<semaphore_mem>>) src(%dma_wait3A_318 : memref<50x128xf32, #tpu.memory_space<vmem>>) dst(%dma_wait3A_315 : memref<50x128xf32, #tpu.memory_space<hbm>>)
        tpu.yield
      }) : () -> ()
      %add3A_225 = arith.constant 2 : i32
      %add3A_226 = arith.addi %add3A_220, %add3A_225 : i32
      "tpu.region"() ({
        %run_scoped3A_290 = tpu.sem_alloc : memref<!tpu.dma_semaphore, #tpu.memory_space<semaphore_mem>>
        %dma_start3A_291 = arith.constant 100 : i32
        %dma_start3A_292 = arith.constant 0 : i32
        %dma_start3A_293 = tpu.memref_slice %arg8[%dma_start3A_291, %dma_start3A_292] : memref<400x128xf32, #tpu.memory_space<vmem>> -> memref<50x128xf32, #tpu.memory_space<vmem>>
        %dma_start3A_294 = arith.constant 0 : i32
        %dma_start3A_295 = arith.constant 0 : i32
        %dma_start3A_296 = tpu.memref_slice %arg4[%add3A_226, %dma_start3A_294, %dma_start3A_295] : memref<16384x56x128xf32, #tpu.memory_space<hbm>> -> memref<1x50x128xf32, #tpu.memory_space<hbm>>
        %dma_start3A_297 = tpu.memref_squeeze %dma_start3A_296 : memref<1x50x128xf32, #tpu.memory_space<hbm>> -> memref<50x128xf32, #tpu.memory_space<hbm>>
        %dma_start3A_298 = arith.constant 0 : i32
        %dma_start3A_299 = arith.constant 0 : i32
        %dma_start3A_300 = tpu.memref_slice %arg4[%add3A_226, %dma_start3A_298, %dma_start3A_299] : memref<16384x56x128xf32, #tpu.memory_space<hbm>> -> memref<1x50x128xf32, #tpu.memory_space<hbm>>
        %dma_start3A_301 = tpu.memref_squeeze %dma_start3A_300 : memref<1x50x128xf32, #tpu.memory_space<hbm>> -> memref<50x128xf32, #tpu.memory_space<hbm>>
        %dma_start3A_302 = arith.constant 100 : i32
        %dma_start3A_303 = arith.constant 0 : i32
        %dma_start3A_304 = tpu.memref_slice %arg8[%dma_start3A_302, %dma_start3A_303] : memref<400x128xf32, #tpu.memory_space<vmem>> -> memref<50x128xf32, #tpu.memory_space<vmem>>
        tpu.enqueue_dma source(%dma_start3A_304 : memref<50x128xf32, #tpu.memory_space<vmem>>) target(%dma_start3A_301 : memref<50x128xf32, #tpu.memory_space<hbm>>) target_semaphore(%run_scoped3A_290 : memref<!tpu.dma_semaphore, #tpu.memory_space<semaphore_mem>>)
        %dma_wait3A_305 = arith.constant 100 : i32
        %dma_wait3A_306 = arith.constant 0 : i32
        %dma_wait3A_307 = tpu.memref_slice %arg8[%dma_wait3A_305, %dma_wait3A_306] : memref<400x128xf32, #tpu.memory_space<vmem>> -> memref<50x128xf32, #tpu.memory_space<vmem>>
        %dma_wait3A_308 = arith.constant 0 : i32
        %dma_wait3A_309 = arith.constant 0 : i32
        %dma_wait3A_310 = tpu.memref_slice %arg4[%add3A_226, %dma_wait3A_308, %dma_wait3A_309] : memref<16384x56x128xf32, #tpu.memory_space<hbm>> -> memref<1x50x128xf32, #tpu.memory_space<hbm>>
        %dma_wait3A_311 = tpu.memref_squeeze %dma_wait3A_310 : memref<1x50x128xf32, #tpu.memory_space<hbm>> -> memref<50x128xf32, #tpu.memory_space<hbm>>
        %dma_wait3A_312 = arith.constant 0 : i32
        %dma_wait3A_313 = arith.constant 0 : i32
        %dma_wait3A_314 = tpu.memref_slice %arg4[%add3A_226, %dma_wait3A_312, %dma_wait3A_313] : memref<16384x56x128xf32, #tpu.memory_space<hbm>> -> memref<1x50x128xf32, #tpu.memory_space<hbm>>
        %dma_wait3A_315 = tpu.memref_squeeze %dma_wait3A_314 : memref<1x50x128xf32, #tpu.memory_space<hbm>> -> memref<50x128xf32, #tpu.memory_space<hbm>>
        %dma_wait3A_316 = arith.constant 100 : i32
        %dma_wait3A_317 = arith.constant 0 : i32
        %dma_wait3A_318 = tpu.memref_slice %arg8[%dma_wait3A_316, %dma_wait3A_317] : memref<400x128xf32, #tpu.memory_space<vmem>> -> memref<50x128xf32, #tpu.memory_space<vmem>>
        tpu.wait_dma2 semaphore(%run_scoped3A_290 : memref<!tpu.dma_semaphore, #tpu.memory_space<semaphore_mem>>) src(%dma_wait3A_318 : memref<50x128xf32, #tpu.memory_space<vmem>>) dst(%dma_wait3A_315 : memref<50x128xf32, #tpu.memory_space<hbm>>)
        tpu.yield
      }) : () -> ()
      %add3A_227 = arith.constant 3 : i32
      %add3A_228 = arith.addi %add3A_220, %add3A_227 : i32
      "tpu.region"() ({
        %run_scoped3A_290 = tpu.sem_alloc : memref<!tpu.dma_semaphore, #tpu.memory_space<semaphore_mem>>
        %dma_start3A_291 = arith.constant 150 : i32
        %dma_start3A_292 = arith.constant 0 : i32
        %dma_start3A_293 = tpu.memref_slice %arg8[%dma_start3A_291, %dma_start3A_292] : memref<400x128xf32, #tpu.memory_space<vmem>> -> memref<50x128xf32, #tpu.memory_space<vmem>>
        %dma_start3A_294 = arith.constant 0 : i32
        %dma_start3A_295 = arith.constant 0 : i32
        %dma_start3A_296 = tpu.memref_slice %arg4[%add3A_228, %dma_start3A_294, %dma_start3A_295] : memref<16384x56x128xf32, #tpu.memory_space<hbm>> -> memref<1x50x128xf32, #tpu.memory_space<hbm>>
        %dma_start3A_297 = tpu.memref_squeeze %dma_start3A_296 : memref<1x50x128xf32, #tpu.memory_space<hbm>> -> memref<50x128xf32, #tpu.memory_space<hbm>>
        %dma_start3A_298 = arith.constant 0 : i32
        %dma_start3A_299 = arith.constant 0 : i32
        %dma_start3A_300 = tpu.memref_slice %arg4[%add3A_228, %dma_start3A_298, %dma_start3A_299] : memref<16384x56x128xf32, #tpu.memory_space<hbm>> -> memref<1x50x128xf32, #tpu.memory_space<hbm>>
        %dma_start3A_301 = tpu.memref_squeeze %dma_start3A_300 : memref<1x50x128xf32, #tpu.memory_space<hbm>> -> memref<50x128xf32, #tpu.memory_space<hbm>>
        %dma_start3A_302 = arith.constant 150 : i32
        %dma_start3A_303 = arith.constant 0 : i32
        %dma_start3A_304 = tpu.memref_slice %arg8[%dma_start3A_302, %dma_start3A_303] : memref<400x128xf32, #tpu.memory_space<vmem>> -> memref<50x128xf32, #tpu.memory_space<vmem>>
        tpu.enqueue_dma source(%dma_start3A_304 : memref<50x128xf32, #tpu.memory_space<vmem>>) target(%dma_start3A_301 : memref<50x128xf32, #tpu.memory_space<hbm>>) target_semaphore(%run_scoped3A_290 : memref<!tpu.dma_semaphore, #tpu.memory_space<semaphore_mem>>)
        %dma_wait3A_305 = arith.constant 150 : i32
        %dma_wait3A_306 = arith.constant 0 : i32
        %dma_wait3A_307 = tpu.memref_slice %arg8[%dma_wait3A_305, %dma_wait3A_306] : memref<400x128xf32, #tpu.memory_space<vmem>> -> memref<50x128xf32, #tpu.memory_space<vmem>>
        %dma_wait3A_308 = arith.constant 0 : i32
        %dma_wait3A_309 = arith.constant 0 : i32
        %dma_wait3A_310 = tpu.memref_slice %arg4[%add3A_228, %dma_wait3A_308, %dma_wait3A_309] : memref<16384x56x128xf32, #tpu.memory_space<hbm>> -> memref<1x50x128xf32, #tpu.memory_space<hbm>>
        %dma_wait3A_311 = tpu.memref_squeeze %dma_wait3A_310 : memref<1x50x128xf32, #tpu.memory_space<hbm>> -> memref<50x128xf32, #tpu.memory_space<hbm>>
        %dma_wait3A_312 = arith.constant 0 : i32
        %dma_wait3A_313 = arith.constant 0 : i32
        %dma_wait3A_314 = tpu.memref_slice %arg4[%add3A_228, %dma_wait3A_312, %dma_wait3A_313] : memref<16384x56x128xf32, #tpu.memory_space<hbm>> -> memref<1x50x128xf32, #tpu.memory_space<hbm>>
        %dma_wait3A_315 = tpu.memref_squeeze %dma_wait3A_314 : memref<1x50x128xf32, #tpu.memory_space<hbm>> -> memref<50x128xf32, #tpu.memory_space<hbm>>
        %dma_wait3A_316 = arith.constant 150 : i32
        %dma_wait3A_317 = arith.constant 0 : i32
        %dma_wait3A_318 = tpu.memref_slice %arg8[%dma_wait3A_316, %dma_wait3A_317] : memref<400x128xf32, #tpu.memory_space<vmem>> -> memref<50x128xf32, #tpu.memory_space<vmem>>
        tpu.wait_dma2 semaphore(%run_scoped3A_290 : memref<!tpu.dma_semaphore, #tpu.memory_space<semaphore_mem>>) src(%dma_wait3A_318 : memref<50x128xf32, #tpu.memory_space<vmem>>) dst(%dma_wait3A_315 : memref<50x128xf32, #tpu.memory_space<hbm>>)
        tpu.yield
      }) : () -> ()
      %add3A_229 = arith.constant 4 : i32
      %add3A_230 = arith.addi %add3A_220, %add3A_229 : i32
      "tpu.region"() ({
        %run_scoped3A_290 = tpu.sem_alloc : memref<!tpu.dma_semaphore, #tpu.memory_space<semaphore_mem>>
        %dma_start3A_291 = arith.constant 200 : i32
        %dma_start3A_292 = arith.constant 0 : i32
        %dma_start3A_293 = tpu.memref_slice %arg8[%dma_start3A_291, %dma_start3A_292] : memref<400x128xf32, #tpu.memory_space<vmem>> -> memref<50x128xf32, #tpu.memory_space<vmem>>
        %dma_start3A_294 = arith.constant 0 : i32
        %dma_start3A_295 = arith.constant 0 : i32
        %dma_start3A_296 = tpu.memref_slice %arg4[%add3A_230, %dma_start3A_294, %dma_start3A_295] : memref<16384x56x128xf32, #tpu.memory_space<hbm>> -> memref<1x50x128xf32, #tpu.memory_space<hbm>>
        %dma_start3A_297 = tpu.memref_squeeze %dma_start3A_296 : memref<1x50x128xf32, #tpu.memory_space<hbm>> -> memref<50x128xf32, #tpu.memory_space<hbm>>
        %dma_start3A_298 = arith.constant 0 : i32
        %dma_start3A_299 = arith.constant 0 : i32
        %dma_start3A_300 = tpu.memref_slice %arg4[%add3A_230, %dma_start3A_298, %dma_start3A_299] : memref<16384x56x128xf32, #tpu.memory_space<hbm>> -> memref<1x50x128xf32, #tpu.memory_space<hbm>>
        %dma_start3A_301 = tpu.memref_squeeze %dma_start3A_300 : memref<1x50x128xf32, #tpu.memory_space<hbm>> -> memref<50x128xf32, #tpu.memory_space<hbm>>
        %dma_start3A_302 = arith.constant 200 : i32
        %dma_start3A_303 = arith.constant 0 : i32
        %dma_start3A_304 = tpu.memref_slice %arg8[%dma_start3A_302, %dma_start3A_303] : memref<400x128xf32, #tpu.memory_space<vmem>> -> memref<50x128xf32, #tpu.memory_space<vmem>>
        tpu.enqueue_dma source(%dma_start3A_304 : memref<50x128xf32, #tpu.memory_space<vmem>>) target(%dma_start3A_301 : memref<50x128xf32, #tpu.memory_space<hbm>>) target_semaphore(%run_scoped3A_290 : memref<!tpu.dma_semaphore, #tpu.memory_space<semaphore_mem>>)
        %dma_wait3A_305 = arith.constant 200 : i32
        %dma_wait3A_306 = arith.constant 0 : i32
        %dma_wait3A_307 = tpu.memref_slice %arg8[%dma_wait3A_305, %dma_wait3A_306] : memref<400x128xf32, #tpu.memory_space<vmem>> -> memref<50x128xf32, #tpu.memory_space<vmem>>
        %dma_wait3A_308 = arith.constant 0 : i32
        %dma_wait3A_309 = arith.constant 0 : i32
        %dma_wait3A_310 = tpu.memref_slice %arg4[%add3A_230, %dma_wait3A_308, %dma_wait3A_309] : memref<16384x56x128xf32, #tpu.memory_space<hbm>> -> memref<1x50x128xf32, #tpu.memory_space<hbm>>
        %dma_wait3A_311 = tpu.memref_squeeze %dma_wait3A_310 : memref<1x50x128xf32, #tpu.memory_space<hbm>> -> memref<50x128xf32, #tpu.memory_space<hbm>>
        %dma_wait3A_312 = arith.constant 0 : i32
        %dma_wait3A_313 = arith.constant 0 : i32
        %dma_wait3A_314 = tpu.memref_slice %arg4[%add3A_230, %dma_wait3A_312, %dma_wait3A_313] : memref<16384x56x128xf32, #tpu.memory_space<hbm>> -> memref<1x50x128xf32, #tpu.memory_space<hbm>>
        %dma_wait3A_315 = tpu.memref_squeeze %dma_wait3A_314 : memref<1x50x128xf32, #tpu.memory_space<hbm>> -> memref<50x128xf32, #tpu.memory_space<hbm>>
        %dma_wait3A_316 = arith.constant 200 : i32
        %dma_wait3A_317 = arith.constant 0 : i32
        %dma_wait3A_318 = tpu.memref_slice %arg8[%dma_wait3A_316, %dma_wait3A_317] : memref<400x128xf32, #tpu.memory_space<vmem>> -> memref<50x128xf32, #tpu.memory_space<vmem>>
        tpu.wait_dma2 semaphore(%run_scoped3A_290 : memref<!tpu.dma_semaphore, #tpu.memory_space<semaphore_mem>>) src(%dma_wait3A_318 : memref<50x128xf32, #tpu.memory_space<vmem>>) dst(%dma_wait3A_315 : memref<50x128xf32, #tpu.memory_space<hbm>>)
        tpu.yield
      }) : () -> ()
      %add3A_231 = arith.constant 5 : i32
      %add3A_232 = arith.addi %add3A_220, %add3A_231 : i32
      "tpu.region"() ({
        %run_scoped3A_290 = tpu.sem_alloc : memref<!tpu.dma_semaphore, #tpu.memory_space<semaphore_mem>>
        %dma_start3A_291 = arith.constant 250 : i32
        %dma_start3A_292 = arith.constant 0 : i32
        %dma_start3A_293 = tpu.memref_slice %arg8[%dma_start3A_291, %dma_start3A_292] : memref<400x128xf32, #tpu.memory_space<vmem>> -> memref<50x128xf32, #tpu.memory_space<vmem>>
        %dma_start3A_294 = arith.constant 0 : i32
        %dma_start3A_295 = arith.constant 0 : i32
        %dma_start3A_296 = tpu.memref_slice %arg4[%add3A_232, %dma_start3A_294, %dma_start3A_295] : memref<16384x56x128xf32, #tpu.memory_space<hbm>> -> memref<1x50x128xf32, #tpu.memory_space<hbm>>
        %dma_start3A_297 = tpu.memref_squeeze %dma_start3A_296 : memref<1x50x128xf32, #tpu.memory_space<hbm>> -> memref<50x128xf32, #tpu.memory_space<hbm>>
        %dma_start3A_298 = arith.constant 0 : i32
        %dma_start3A_299 = arith.constant 0 : i32
        %dma_start3A_300 = tpu.memref_slice %arg4[%add3A_232, %dma_start3A_298, %dma_start3A_299] : memref<16384x56x128xf32, #tpu.memory_space<hbm>> -> memref<1x50x128xf32, #tpu.memory_space<hbm>>
        %dma_start3A_301 = tpu.memref_squeeze %dma_start3A_300 : memref<1x50x128xf32, #tpu.memory_space<hbm>> -> memref<50x128xf32, #tpu.memory_space<hbm>>
        %dma_start3A_302 = arith.constant 250 : i32
        %dma_start3A_303 = arith.constant 0 : i32
        %dma_start3A_304 = tpu.memref_slice %arg8[%dma_start3A_302, %dma_start3A_303] : memref<400x128xf32, #tpu.memory_space<vmem>> -> memref<50x128xf32, #tpu.memory_space<vmem>>
        tpu.enqueue_dma source(%dma_start3A_304 : memref<50x128xf32, #tpu.memory_space<vmem>>) target(%dma_start3A_301 : memref<50x128xf32, #tpu.memory_space<hbm>>) target_semaphore(%run_scoped3A_290 : memref<!tpu.dma_semaphore, #tpu.memory_space<semaphore_mem>>)
        %dma_wait3A_305 = arith.constant 250 : i32
        %dma_wait3A_306 = arith.constant 0 : i32
        %dma_wait3A_307 = tpu.memref_slice %arg8[%dma_wait3A_305, %dma_wait3A_306] : memref<400x128xf32, #tpu.memory_space<vmem>> -> memref<50x128xf32, #tpu.memory_space<vmem>>
        %dma_wait3A_308 = arith.constant 0 : i32
        %dma_wait3A_309 = arith.constant 0 : i32
        %dma_wait3A_310 = tpu.memref_slice %arg4[%add3A_232, %dma_wait3A_308, %dma_wait3A_309] : memref<16384x56x128xf32, #tpu.memory_space<hbm>> -> memref<1x50x128xf32, #tpu.memory_space<hbm>>
        %dma_wait3A_311 = tpu.memref_squeeze %dma_wait3A_310 : memref<1x50x128xf32, #tpu.memory_space<hbm>> -> memref<50x128xf32, #tpu.memory_space<hbm>>
        %dma_wait3A_312 = arith.constant 0 : i32
        %dma_wait3A_313 = arith.constant 0 : i32
        %dma_wait3A_314 = tpu.memref_slice %arg4[%add3A_232, %dma_wait3A_312, %dma_wait3A_313] : memref<16384x56x128xf32, #tpu.memory_space<hbm>> -> memref<1x50x128xf32, #tpu.memory_space<hbm>>
        %dma_wait3A_315 = tpu.memref_squeeze %dma_wait3A_314 : memref<1x50x128xf32, #tpu.memory_space<hbm>> -> memref<50x128xf32, #tpu.memory_space<hbm>>
        %dma_wait3A_316 = arith.constant 250 : i32
        %dma_wait3A_317 = arith.constant 0 : i32
        %dma_wait3A_318 = tpu.memref_slice %arg8[%dma_wait3A_316, %dma_wait3A_317] : memref<400x128xf32, #tpu.memory_space<vmem>> -> memref<50x128xf32, #tpu.memory_space<vmem>>
        tpu.wait_dma2 semaphore(%run_scoped3A_290 : memref<!tpu.dma_semaphore, #tpu.memory_space<semaphore_mem>>) src(%dma_wait3A_318 : memref<50x128xf32, #tpu.memory_space<vmem>>) dst(%dma_wait3A_315 : memref<50x128xf32, #tpu.memory_space<hbm>>)
        tpu.yield
      }) : () -> ()
      %add3A_233 = arith.constant 6 : i32
      %add3A_234 = arith.addi %add3A_220, %add3A_233 : i32
      "tpu.region"() ({
        %run_scoped3A_290 = tpu.sem_alloc : memref<!tpu.dma_semaphore, #tpu.memory_space<semaphore_mem>>
        %dma_start3A_291 = arith.constant 300 : i32
        %dma_start3A_292 = arith.constant 0 : i32
        %dma_start3A_293 = tpu.memref_slice %arg8[%dma_start3A_291, %dma_start3A_292] : memref<400x128xf32, #tpu.memory_space<vmem>> -> memref<50x128xf32, #tpu.memory_space<vmem>>
        %dma_start3A_294 = arith.constant 0 : i32
        %dma_start3A_295 = arith.constant 0 : i32
        %dma_start3A_296 = tpu.memref_slice %arg4[%add3A_234, %dma_start3A_294, %dma_start3A_295] : memref<16384x56x128xf32, #tpu.memory_space<hbm>> -> memref<1x50x128xf32, #tpu.memory_space<hbm>>
        %dma_start3A_297 = tpu.memref_squeeze %dma_start3A_296 : memref<1x50x128xf32, #tpu.memory_space<hbm>> -> memref<50x128xf32, #tpu.memory_space<hbm>>
        %dma_start3A_298 = arith.constant 0 : i32
        %dma_start3A_299 = arith.constant 0 : i32
        %dma_start3A_300 = tpu.memref_slice %arg4[%add3A_234, %dma_start3A_298, %dma_start3A_299] : memref<16384x56x128xf32, #tpu.memory_space<hbm>> -> memref<1x50x128xf32, #tpu.memory_space<hbm>>
        %dma_start3A_301 = tpu.memref_squeeze %dma_start3A_300 : memref<1x50x128xf32, #tpu.memory_space<hbm>> -> memref<50x128xf32, #tpu.memory_space<hbm>>
        %dma_start3A_302 = arith.constant 300 : i32
        %dma_start3A_303 = arith.constant 0 : i32
        %dma_start3A_304 = tpu.memref_slice %arg8[%dma_start3A_302, %dma_start3A_303] : memref<400x128xf32, #tpu.memory_space<vmem>> -> memref<50x128xf32, #tpu.memory_space<vmem>>
        tpu.enqueue_dma source(%dma_start3A_304 : memref<50x128xf32, #tpu.memory_space<vmem>>) target(%dma_start3A_301 : memref<50x128xf32, #tpu.memory_space<hbm>>) target_semaphore(%run_scoped3A_290 : memref<!tpu.dma_semaphore, #tpu.memory_space<semaphore_mem>>)
        %dma_wait3A_305 = arith.constant 300 : i32
        %dma_wait3A_306 = arith.constant 0 : i32
        %dma_wait3A_307 = tpu.memref_slice %arg8[%dma_wait3A_305, %dma_wait3A_306] : memref<400x128xf32, #tpu.memory_space<vmem>> -> memref<50x128xf32, #tpu.memory_space<vmem>>
        %dma_wait3A_308 = arith.constant 0 : i32
        %dma_wait3A_309 = arith.constant 0 : i32
        %dma_wait3A_310 = tpu.memref_slice %arg4[%add3A_234, %dma_wait3A_308, %dma_wait3A_309] : memref<16384x56x128xf32, #tpu.memory_space<hbm>> -> memref<1x50x128xf32, #tpu.memory_space<hbm>>
        %dma_wait3A_311 = tpu.memref_squeeze %dma_wait3A_310 : memref<1x50x128xf32, #tpu.memory_space<hbm>> -> memref<50x128xf32, #tpu.memory_space<hbm>>
        %dma_wait3A_312 = arith.constant 0 : i32
        %dma_wait3A_313 = arith.constant 0 : i32
        %dma_wait3A_314 = tpu.memref_slice %arg4[%add3A_234, %dma_wait3A_312, %dma_wait3A_313] : memref<16384x56x128xf32, #tpu.memory_space<hbm>> -> memref<1x50x128xf32, #tpu.memory_space<hbm>>
        %dma_wait3A_315 = tpu.memref_squeeze %dma_wait3A_314 : memref<1x50x128xf32, #tpu.memory_space<hbm>> -> memref<50x128xf32, #tpu.memory_space<hbm>>
        %dma_wait3A_316 = arith.constant 300 : i32
        %dma_wait3A_317 = arith.constant 0 : i32
        %dma_wait3A_318 = tpu.memref_slice %arg8[%dma_wait3A_316, %dma_wait3A_317] : memref<400x128xf32, #tpu.memory_space<vmem>> -> memref<50x128xf32, #tpu.memory_space<vmem>>
        tpu.wait_dma2 semaphore(%run_scoped3A_290 : memref<!tpu.dma_semaphore, #tpu.memory_space<semaphore_mem>>) src(%dma_wait3A_318 : memref<50x128xf32, #tpu.memory_space<vmem>>) dst(%dma_wait3A_315 : memref<50x128xf32, #tpu.memory_space<hbm>>)
        tpu.yield
      }) : () -> ()
      %add3A_235 = arith.constant 7 : i32
      %add3A_236 = arith.addi %add3A_220, %add3A_235 : i32
      "tpu.region"() ({
        %run_scoped3A_290 = tpu.sem_alloc : memref<!tpu.dma_semaphore, #tpu.memory_space<semaphore_mem>>
        %dma_start3A_291 = arith.constant 350 : i32
        %dma_start3A_292 = arith.constant 0 : i32
        %dma_start3A_293 = tpu.memref_slice %arg8[%dma_start3A_291, %dma_start3A_292] : memref<400x128xf32, #tpu.memory_space<vmem>> -> memref<50x128xf32, #tpu.memory_space<vmem>>
        %dma_start3A_294 = arith.constant 0 : i32
        %dma_start3A_295 = arith.constant 0 : i32
        %dma_start3A_296 = tpu.memref_slice %arg4[%add3A_236, %dma_start3A_294, %dma_start3A_295] : memref<16384x56x128xf32, #tpu.memory_space<hbm>> -> memref<1x50x128xf32, #tpu.memory_space<hbm>>
        %dma_start3A_297 = tpu.memref_squeeze %dma_start3A_296 : memref<1x50x128xf32, #tpu.memory_space<hbm>> -> memref<50x128xf32, #tpu.memory_space<hbm>>
        %dma_start3A_298 = arith.constant 0 : i32
        %dma_start3A_299 = arith.constant 0 : i32
        %dma_start3A_300 = tpu.memref_slice %arg4[%add3A_236, %dma_start3A_298, %dma_start3A_299] : memref<16384x56x128xf32, #tpu.memory_space<hbm>> -> memref<1x50x128xf32, #tpu.memory_space<hbm>>
        %dma_start3A_301 = tpu.memref_squeeze %dma_start3A_300 : memref<1x50x128xf32, #tpu.memory_space<hbm>> -> memref<50x128xf32, #tpu.memory_space<hbm>>
        %dma_start3A_302 = arith.constant 350 : i32
        %dma_start3A_303 = arith.constant 0 : i32
        %dma_start3A_304 = tpu.memref_slice %arg8[%dma_start3A_302, %dma_start3A_303] : memref<400x128xf32, #tpu.memory_space<vmem>> -> memref<50x128xf32, #tpu.memory_space<vmem>>
        tpu.enqueue_dma source(%dma_start3A_304 : memref<50x128xf32, #tpu.memory_space<vmem>>) target(%dma_start3A_301 : memref<50x128xf32, #tpu.memory_space<hbm>>) target_semaphore(%run_scoped3A_290 : memref<!tpu.dma_semaphore, #tpu.memory_space<semaphore_mem>>)
        %dma_wait3A_305 = arith.constant 350 : i32
        %dma_wait3A_306 = arith.constant 0 : i32
        %dma_wait3A_307 = tpu.memref_slice %arg8[%dma_wait3A_305, %dma_wait3A_306] : memref<400x128xf32, #tpu.memory_space<vmem>> -> memref<50x128xf32, #tpu.memory_space<vmem>>
        %dma_wait3A_308 = arith.constant 0 : i32
        %dma_wait3A_309 = arith.constant 0 : i32
        %dma_wait3A_310 = tpu.memref_slice %arg4[%add3A_236, %dma_wait3A_308, %dma_wait3A_309] : memref<16384x56x128xf32, #tpu.memory_space<hbm>> -> memref<1x50x128xf32, #tpu.memory_space<hbm>>
        %dma_wait3A_311 = tpu.memref_squeeze %dma_wait3A_310 : memref<1x50x128xf32, #tpu.memory_space<hbm>> -> memref<50x128xf32, #tpu.memory_space<hbm>>
        %dma_wait3A_312 = arith.constant 0 : i32
        %dma_wait3A_313 = arith.constant 0 : i32
        %dma_wait3A_314 = tpu.memref_slice %arg4[%add3A_236, %dma_wait3A_312, %dma_wait3A_313] : memref<16384x56x128xf32, #tpu.memory_space<hbm>> -> memref<1x50x128xf32, #tpu.memory_space<hbm>>
        %dma_wait3A_315 = tpu.memref_squeeze %dma_wait3A_314 : memref<1x50x128xf32, #tpu.memory_space<hbm>> -> memref<50x128xf32, #tpu.memory_space<hbm>>
        %dma_wait3A_316 = arith.constant 350 : i32
        %dma_wait3A_317 = arith.constant 0 : i32
        %dma_wait3A_318 = tpu.memref_slice %arg8[%dma_wait3A_316, %dma_wait3A_317] : memref<400x128xf32, #tpu.memory_space<vmem>> -> memref<50x128xf32, #tpu.memory_space<vmem>>
        tpu.wait_dma2 semaphore(%run_scoped3A_290 : memref<!tpu.dma_semaphore, #tpu.memory_space<semaphore_mem>>) src(%dma_wait3A_318 : memref<50x128xf32, #tpu.memory_space<vmem>>) dst(%dma_wait3A_315 : memref<50x128xf32, #tpu.memory_space<hbm>>)
        tpu.yield
      }) : () -> ()
      %mul3A_237 = arith.constant 2 : i32
      %mul3A_238 = arith.muli %mul3A_237, %scan3A_199 : i32
      %add3A_239 = arith.constant 2 : i32
      %add3A_240 = arith.addi %mul3A_238, %add3A_239 : i32
      %jit3A_241 = arith.constant 16 : i32
      %eq3A = arith.constant 0 : i32
      %eq3A_242 = arith.cmpi eq, %jit3A_241, %eq3A : i32
      %jit3A_243 = arith.constant 1 : i32
      %select_n3A_244 = arith.select %eq3A_242, %jit3A_243, %jit3A_241 : i32
      %rem3A_245 = arith.remsi %add3A_240, %select_n3A_244 : i32
      %ne3A_246 = arith.constant 0 : i32
      %ne3A_247 = arith.cmpi ne, %rem3A_245, %ne3A_246 : i32
      %lt3A = arith.constant 0 : i32
      %lt3A_248 = arith.cmpi slt, %rem3A_245, %lt3A : i32
      %lt3A_249 = arith.constant 0 : i32
      %lt3A_250 = arith.cmpi slt, %select_n3A_244, %lt3A_249 : i32
      %ne3A_251 = arith.xori %lt3A_248, %lt3A_250 : i1
      %and3A_252 = arith.andi %ne3A_251, %ne3A_247 : i1
      %add3A_253 = arith.addi %rem3A_245, %select_n3A_244 : i32
      %select_n3A_254 = arith.select %and3A_252, %add3A_253, %rem3A_245 : i32
      %mul3A_255 = arith.constant 400 : i32
      %mul3A_256 = arith.muli %select_n3A_254, %mul3A_255 : i32
      %dma_start3A_257 = tpu.memref_slice %arg7[%mul3A_256] : memref<6400xi32, #tpu.memory_space<vmem>> -> memref<400xi32, #tpu.memory_space<vmem>>
      %dma_start3A_258 = arith.constant 0 : i32
      %dma_start3A_259 = arith.constant 0 : i32
      %dma_start3A_260 = tpu.memref_slice %arg2[%dma_start3A_258, %dma_start3A_259] : memref<200000x128xf32, #tpu.memory_space<hbm>> -> memref<200000x128xf32, #tpu.memory_space<hbm>>
      tpu.enqueue_indirect_dma source(%dma_start3A_260 : memref<200000x128xf32, #tpu.memory_space<hbm>>) target(%arg8 : memref<400x128xf32, #tpu.memory_space<vmem>>) offsets(%dma_start3A_257 : memref<400xi32, #tpu.memory_space<vmem>>) semaphore(%arg10 : memref<!tpu.dma_semaphore, #tpu.memory_space<semaphore_mem>>)
      %dma_wait3A_261 = arith.constant 0 : i32
      %dma_wait3A_262 = tpu.memref_slice %arg7[%dma_wait3A_261] : memref<6400xi32, #tpu.memory_space<vmem>> -> memref<400xi32, #tpu.memory_space<vmem>>
      %dma_wait3A_263 = arith.constant 0 : i32
      %dma_wait3A_264 = arith.constant 0 : i32
      %dma_wait3A_265 = tpu.memref_slice %arg2[%dma_wait3A_263, %dma_wait3A_264] : memref<200000x128xf32, #tpu.memory_space<hbm>> -> memref<200000x128xf32, #tpu.memory_space<hbm>>
      tpu.wait_indirect_dma semaphore(%arg11 : memref<!tpu.dma_semaphore, #tpu.memory_space<semaphore_mem>>) src(%dma_wait3A_265 : memref<200000x128xf32, #tpu.memory_space<hbm>>) dst(%arg9 : memref<400x128xf32, #tpu.memory_space<vmem>>)
      %mul3A_266 = arith.constant 2 : i32
      %mul3A_267 = arith.muli %mul3A_266, %scan3A_199 : i32
      %add3A_268 = arith.constant 1 : i32
      %add3A_269 = arith.addi %mul3A_267, %add3A_268 : i32
      %mul3A_270 = arith.constant 8 : i32
      %mul3A_271 = arith.muli %add3A_269, %mul3A_270 : i32
      %add3A_272 = arith.addi %select_n3A_172, %mul3A_271 : i32
      %add3A_273 = arith.constant 0 : i32
      %add3A_274 = arith.addi %add3A_272, %add3A_273 : i32
      "tpu.region"() ({
        %run_scoped3A_290 = tpu.sem_alloc : memref<!tpu.dma_semaphore, #tpu.memory_space<semaphore_mem>>
        %dma_start3A_291 = arith.constant 0 : i32
        %dma_start3A_292 = arith.constant 0 : i32
        %dma_start3A_293 = tpu.memref_slice %arg9[%dma_start3A_291, %dma_start3A_292] : memref<400x128xf32, #tpu.memory_space<vmem>> -> memref<50x128xf32, #tpu.memory_space<vmem>>
        %dma_start3A_294 = arith.constant 0 : i32
        %dma_start3A_295 = arith.constant 0 : i32
        %dma_start3A_296 = tpu.memref_slice %arg4[%add3A_274, %dma_start3A_294, %dma_start3A_295] : memref<16384x56x128xf32, #tpu.memory_space<hbm>> -> memref<1x50x128xf32, #tpu.memory_space<hbm>>
        %dma_start3A_297 = tpu.memref_squeeze %dma_start3A_296 : memref<1x50x128xf32, #tpu.memory_space<hbm>> -> memref<50x128xf32, #tpu.memory_space<hbm>>
        %dma_start3A_298 = arith.constant 0 : i32
        %dma_start3A_299 = arith.constant 0 : i32
        %dma_start3A_300 = tpu.memref_slice %arg4[%add3A_274, %dma_start3A_298, %dma_start3A_299] : memref<16384x56x128xf32, #tpu.memory_space<hbm>> -> memref<1x50x128xf32, #tpu.memory_space<hbm>>
        %dma_start3A_301 = tpu.memref_squeeze %dma_start3A_300 : memref<1x50x128xf32, #tpu.memory_space<hbm>> -> memref<50x128xf32, #tpu.memory_space<hbm>>
        %dma_start3A_302 = arith.constant 0 : i32
        %dma_start3A_303 = arith.constant 0 : i32
        %dma_start3A_304 = tpu.memref_slice %arg9[%dma_start3A_302, %dma_start3A_303] : memref<400x128xf32, #tpu.memory_space<vmem>> -> memref<50x128xf32, #tpu.memory_space<vmem>>
        tpu.enqueue_dma source(%dma_start3A_304 : memref<50x128xf32, #tpu.memory_space<vmem>>) target(%dma_start3A_301 : memref<50x128xf32, #tpu.memory_space<hbm>>) target_semaphore(%run_scoped3A_290 : memref<!tpu.dma_semaphore, #tpu.memory_space<semaphore_mem>>)
        %dma_wait3A_305 = arith.constant 0 : i32
        %dma_wait3A_306 = arith.constant 0 : i32
        %dma_wait3A_307 = tpu.memref_slice %arg9[%dma_wait3A_305, %dma_wait3A_306] : memref<400x128xf32, #tpu.memory_space<vmem>> -> memref<50x128xf32, #tpu.memory_space<vmem>>
        %dma_wait3A_308 = arith.constant 0 : i32
        %dma_wait3A_309 = arith.constant 0 : i32
        %dma_wait3A_310 = tpu.memref_slice %arg4[%add3A_274, %dma_wait3A_308, %dma_wait3A_309] : memref<16384x56x128xf32, #tpu.memory_space<hbm>> -> memref<1x50x128xf32, #tpu.memory_space<hbm>>
        %dma_wait3A_311 = tpu.memref_squeeze %dma_wait3A_310 : memref<1x50x128xf32, #tpu.memory_space<hbm>> -> memref<50x128xf32, #tpu.memory_space<hbm>>
        %dma_wait3A_312 = arith.constant 0 : i32
        %dma_wait3A_313 = arith.constant 0 : i32
        %dma_wait3A_314 = tpu.memref_slice %arg4[%add3A_274, %dma_wait3A_312, %dma_wait3A_313] : memref<16384x56x128xf32, #tpu.memory_space<hbm>> -> memref<1x50x128xf32, #tpu.memory_space<hbm>>
        %dma_wait3A_315 = tpu.memref_squeeze %dma_wait3A_314 : memref<1x50x128xf32, #tpu.memory_space<hbm>> -> memref<50x128xf32, #tpu.memory_space<hbm>>
        %dma_wait3A_316 = arith.constant 0 : i32
        %dma_wait3A_317 = arith.constant 0 : i32
        %dma_wait3A_318 = tpu.memref_slice %arg9[%dma_wait3A_316, %dma_wait3A_317] : memref<400x128xf32, #tpu.memory_space<vmem>> -> memref<50x128xf32, #tpu.memory_space<vmem>>
        tpu.wait_dma2 semaphore(%run_scoped3A_290 : memref<!tpu.dma_semaphore, #tpu.memory_space<semaphore_mem>>) src(%dma_wait3A_318 : memref<50x128xf32, #tpu.memory_space<vmem>>) dst(%dma_wait3A_315 : memref<50x128xf32, #tpu.memory_space<hbm>>)
        tpu.yield
      }) : () -> ()
      %add3A_275 = arith.constant 1 : i32
      %add3A_276 = arith.addi %add3A_272, %add3A_275 : i32
      "tpu.region"() ({
        %run_scoped3A_290 = tpu.sem_alloc : memref<!tpu.dma_semaphore, #tpu.memory_space<semaphore_mem>>
        %dma_start3A_291 = arith.constant 50 : i32
        %dma_start3A_292 = arith.constant 0 : i32
        %dma_start3A_293 = tpu.memref_slice %arg9[%dma_start3A_291, %dma_start3A_292] : memref<400x128xf32, #tpu.memory_space<vmem>> -> memref<50x128xf32, #tpu.memory_space<vmem>>
        %dma_start3A_294 = arith.constant 0 : i32
        %dma_start3A_295 = arith.constant 0 : i32
        %dma_start3A_296 = tpu.memref_slice %arg4[%add3A_276, %dma_start3A_294, %dma_start3A_295] : memref<16384x56x128xf32, #tpu.memory_space<hbm>> -> memref<1x50x128xf32, #tpu.memory_space<hbm>>
        %dma_start3A_297 = tpu.memref_squeeze %dma_start3A_296 : memref<1x50x128xf32, #tpu.memory_space<hbm>> -> memref<50x128xf32, #tpu.memory_space<hbm>>
        %dma_start3A_298 = arith.constant 0 : i32
        %dma_start3A_299 = arith.constant 0 : i32
        %dma_start3A_300 = tpu.memref_slice %arg4[%add3A_276, %dma_start3A_298, %dma_start3A_299] : memref<16384x56x128xf32, #tpu.memory_space<hbm>> -> memref<1x50x128xf32, #tpu.memory_space<hbm>>
        %dma_start3A_301 = tpu.memref_squeeze %dma_start3A_300 : memref<1x50x128xf32, #tpu.memory_space<hbm>> -> memref<50x128xf32, #tpu.memory_space<hbm>>
        %dma_start3A_302 = arith.constant 50 : i32
        %dma_start3A_303 = arith.constant 0 : i32
        %dma_start3A_304 = tpu.memref_slice %arg9[%dma_start3A_302, %dma_start3A_303] : memref<400x128xf32, #tpu.memory_space<vmem>> -> memref<50x128xf32, #tpu.memory_space<vmem>>
        tpu.enqueue_dma source(%dma_start3A_304 : memref<50x128xf32, #tpu.memory_space<vmem>>) target(%dma_start3A_301 : memref<50x128xf32, #tpu.memory_space<hbm>>) target_semaphore(%run_scoped3A_290 : memref<!tpu.dma_semaphore, #tpu.memory_space<semaphore_mem>>)
        %dma_wait3A_305 = arith.constant 50 : i32
        %dma_wait3A_306 = arith.constant 0 : i32
        %dma_wait3A_307 = tpu.memref_slice %arg9[%dma_wait3A_305, %dma_wait3A_306] : memref<400x128xf32, #tpu.memory_space<vmem>> -> memref<50x128xf32, #tpu.memory_space<vmem>>
        %dma_wait3A_308 = arith.constant 0 : i32
        %dma_wait3A_309 = arith.constant 0 : i32
        %dma_wait3A_310 = tpu.memref_slice %arg4[%add3A_276, %dma_wait3A_308, %dma_wait3A_309] : memref<16384x56x128xf32, #tpu.memory_space<hbm>> -> memref<1x50x128xf32, #tpu.memory_space<hbm>>
        %dma_wait3A_311 = tpu.memref_squeeze %dma_wait3A_310 : memref<1x50x128xf32, #tpu.memory_space<hbm>> -> memref<50x128xf32, #tpu.memory_space<hbm>>
        %dma_wait3A_312 = arith.constant 0 : i32
        %dma_wait3A_313 = arith.constant 0 : i32
        %dma_wait3A_314 = tpu.memref_slice %arg4[%add3A_276, %dma_wait3A_312, %dma_wait3A_313] : memref<16384x56x128xf32, #tpu.memory_space<hbm>> -> memref<1x50x128xf32, #tpu.memory_space<hbm>>
        %dma_wait3A_315 = tpu.memref_squeeze %dma_wait3A_314 : memref<1x50x128xf32, #tpu.memory_space<hbm>> -> memref<50x128xf32, #tpu.memory_space<hbm>>
        %dma_wait3A_316 = arith.constant 50 : i32
        %dma_wait3A_317 = arith.constant 0 : i32
        %dma_wait3A_318 = tpu.memref_slice %arg9[%dma_wait3A_316, %dma_wait3A_317] : memref<400x128xf32, #tpu.memory_space<vmem>> -> memref<50x128xf32, #tpu.memory_space<vmem>>
        tpu.wait_dma2 semaphore(%run_scoped3A_290 : memref<!tpu.dma_semaphore, #tpu.memory_space<semaphore_mem>>) src(%dma_wait3A_318 : memref<50x128xf32, #tpu.memory_space<vmem>>) dst(%dma_wait3A_315 : memref<50x128xf32, #tpu.memory_space<hbm>>)
        tpu.yield
      }) : () -> ()
      %add3A_277 = arith.constant 2 : i32
      %add3A_278 = arith.addi %add3A_272, %add3A_277 : i32
      "tpu.region"() ({
        %run_scoped3A_290 = tpu.sem_alloc : memref<!tpu.dma_semaphore, #tpu.memory_space<semaphore_mem>>
        %dma_start3A_291 = arith.constant 100 : i32
        %dma_start3A_292 = arith.constant 0 : i32
        %dma_start3A_293 = tpu.memref_slice %arg9[%dma_start3A_291, %dma_start3A_292] : memref<400x128xf32, #tpu.memory_space<vmem>> -> memref<50x128xf32, #tpu.memory_space<vmem>>
        %dma_start3A_294 = arith.constant 0 : i32
        %dma_start3A_295 = arith.constant 0 : i32
        %dma_start3A_296 = tpu.memref_slice %arg4[%add3A_278, %dma_start3A_294, %dma_start3A_295] : memref<16384x56x128xf32, #tpu.memory_space<hbm>> -> memref<1x50x128xf32, #tpu.memory_space<hbm>>
        %dma_start3A_297 = tpu.memref_squeeze %dma_start3A_296 : memref<1x50x128xf32, #tpu.memory_space<hbm>> -> memref<50x128xf32, #tpu.memory_space<hbm>>
        %dma_start3A_298 = arith.constant 0 : i32
        %dma_start3A_299 = arith.constant 0 : i32
        %dma_start3A_300 = tpu.memref_slice %arg4[%add3A_278, %dma_start3A_298, %dma_start3A_299] : memref<16384x56x128xf32, #tpu.memory_space<hbm>> -> memref<1x50x128xf32, #tpu.memory_space<hbm>>
        %dma_start3A_301 = tpu.memref_squeeze %dma_start3A_300 : memref<1x50x128xf32, #tpu.memory_space<hbm>> -> memref<50x128xf32, #tpu.memory_space<hbm>>
        %dma_start3A_302 = arith.constant 100 : i32
        %dma_start3A_303 = arith.constant 0 : i32
        %dma_start3A_304 = tpu.memref_slice %arg9[%dma_start3A_302, %dma_start3A_303] : memref<400x128xf32, #tpu.memory_space<vmem>> -> memref<50x128xf32, #tpu.memory_space<vmem>>
        tpu.enqueue_dma source(%dma_start3A_304 : memref<50x128xf32, #tpu.memory_space<vmem>>) target(%dma_start3A_301 : memref<50x128xf32, #tpu.memory_space<hbm>>) target_semaphore(%run_scoped3A_290 : memref<!tpu.dma_semaphore, #tpu.memory_space<semaphore_mem>>)
        %dma_wait3A_305 = arith.constant 100 : i32
        %dma_wait3A_306 = arith.constant 0 : i32
        %dma_wait3A_307 = tpu.memref_slice %arg9[%dma_wait3A_305, %dma_wait3A_306] : memref<400x128xf32, #tpu.memory_space<vmem>> -> memref<50x128xf32, #tpu.memory_space<vmem>>
        %dma_wait3A_308 = arith.constant 0 : i32
        %dma_wait3A_309 = arith.constant 0 : i32
        %dma_wait3A_310 = tpu.memref_slice %arg4[%add3A_278, %dma_wait3A_308, %dma_wait3A_309] : memref<16384x56x128xf32, #tpu.memory_space<hbm>> -> memref<1x50x128xf32, #tpu.memory_space<hbm>>
        %dma_wait3A_311 = tpu.memref_squeeze %dma_wait3A_310 : memref<1x50x128xf32, #tpu.memory_space<hbm>> -> memref<50x128xf32, #tpu.memory_space<hbm>>
        %dma_wait3A_312 = arith.constant 0 : i32
        %dma_wait3A_313 = arith.constant 0 : i32
        %dma_wait3A_314 = tpu.memref_slice %arg4[%add3A_278, %dma_wait3A_312, %dma_wait3A_313] : memref<16384x56x128xf32, #tpu.memory_space<hbm>> -> memref<1x50x128xf32, #tpu.memory_space<hbm>>
        %dma_wait3A_315 = tpu.memref_squeeze %dma_wait3A_314 : memref<1x50x128xf32, #tpu.memory_space<hbm>> -> memref<50x128xf32, #tpu.memory_space<hbm>>
        %dma_wait3A_316 = arith.constant 100 : i32
        %dma_wait3A_317 = arith.constant 0 : i32
        %dma_wait3A_318 = tpu.memref_slice %arg9[%dma_wait3A_316, %dma_wait3A_317] : memref<400x128xf32, #tpu.memory_space<vmem>> -> memref<50x128xf32, #tpu.memory_space<vmem>>
        tpu.wait_dma2 semaphore(%run_scoped3A_290 : memref<!tpu.dma_semaphore, #tpu.memory_space<semaphore_mem>>) src(%dma_wait3A_318 : memref<50x128xf32, #tpu.memory_space<vmem>>) dst(%dma_wait3A_315 : memref<50x128xf32, #tpu.memory_space<hbm>>)
        tpu.yield
      }) : () -> ()
      %add3A_279 = arith.constant 3 : i32
      %add3A_280 = arith.addi %add3A_272, %add3A_279 : i32
      "tpu.region"() ({
        %run_scoped3A_290 = tpu.sem_alloc : memref<!tpu.dma_semaphore, #tpu.memory_space<semaphore_mem>>
        %dma_start3A_291 = arith.constant 150 : i32
        %dma_start3A_292 = arith.constant 0 : i32
        %dma_start3A_293 = tpu.memref_slice %arg9[%dma_start3A_291, %dma_start3A_292] : memref<400x128xf32, #tpu.memory_space<vmem>> -> memref<50x128xf32, #tpu.memory_space<vmem>>
        %dma_start3A_294 = arith.constant 0 : i32
        %dma_start3A_295 = arith.constant 0 : i32
        %dma_start3A_296 = tpu.memref_slice %arg4[%add3A_280, %dma_start3A_294, %dma_start3A_295] : memref<16384x56x128xf32, #tpu.memory_space<hbm>> -> memref<1x50x128xf32, #tpu.memory_space<hbm>>
        %dma_start3A_297 = tpu.memref_squeeze %dma_start3A_296 : memref<1x50x128xf32, #tpu.memory_space<hbm>> -> memref<50x128xf32, #tpu.memory_space<hbm>>
        %dma_start3A_298 = arith.constant 0 : i32
        %dma_start3A_299 = arith.constant 0 : i32
        %dma_start3A_300 = tpu.memref_slice %arg4[%add3A_280, %dma_start3A_298, %dma_start3A_299] : memref<16384x56x128xf32, #tpu.memory_space<hbm>> -> memref<1x50x128xf32, #tpu.memory_space<hbm>>
        %dma_start3A_301 = tpu.memref_squeeze %dma_start3A_300 : memref<1x50x128xf32, #tpu.memory_space<hbm>> -> memref<50x128xf32, #tpu.memory_space<hbm>>
        %dma_start3A_302 = arith.constant 150 : i32
        %dma_start3A_303 = arith.constant 0 : i32
        %dma_start3A_304 = tpu.memref_slice %arg9[%dma_start3A_302, %dma_start3A_303] : memref<400x128xf32, #tpu.memory_space<vmem>> -> memref<50x128xf32, #tpu.memory_space<vmem>>
        tpu.enqueue_dma source(%dma_start3A_304 : memref<50x128xf32, #tpu.memory_space<vmem>>) target(%dma_start3A_301 : memref<50x128xf32, #tpu.memory_space<hbm>>) target_semaphore(%run_scoped3A_290 : memref<!tpu.dma_semaphore, #tpu.memory_space<semaphore_mem>>)
        %dma_wait3A_305 = arith.constant 150 : i32
        %dma_wait3A_306 = arith.constant 0 : i32
        %dma_wait3A_307 = tpu.memref_slice %arg9[%dma_wait3A_305, %dma_wait3A_306] : memref<400x128xf32, #tpu.memory_space<vmem>> -> memref<50x128xf32, #tpu.memory_space<vmem>>
        %dma_wait3A_308 = arith.constant 0 : i32
        %dma_wait3A_309 = arith.constant 0 : i32
        %dma_wait3A_310 = tpu.memref_slice %arg4[%add3A_280, %dma_wait3A_308, %dma_wait3A_309] : memref<16384x56x128xf32, #tpu.memory_space<hbm>> -> memref<1x50x128xf32, #tpu.memory_space<hbm>>
        %dma_wait3A_311 = tpu.memref_squeeze %dma_wait3A_310 : memref<1x50x128xf32, #tpu.memory_space<hbm>> -> memref<50x128xf32, #tpu.memory_space<hbm>>
        %dma_wait3A_312 = arith.constant 0 : i32
        %dma_wait3A_313 = arith.constant 0 : i32
        %dma_wait3A_314 = tpu.memref_slice %arg4[%add3A_280, %dma_wait3A_312, %dma_wait3A_313] : memref<16384x56x128xf32, #tpu.memory_space<hbm>> -> memref<1x50x128xf32, #tpu.memory_space<hbm>>
        %dma_wait3A_315 = tpu.memref_squeeze %dma_wait3A_314 : memref<1x50x128xf32, #tpu.memory_space<hbm>> -> memref<50x128xf32, #tpu.memory_space<hbm>>
        %dma_wait3A_316 = arith.constant 150 : i32
        %dma_wait3A_317 = arith.constant 0 : i32
        %dma_wait3A_318 = tpu.memref_slice %arg9[%dma_wait3A_316, %dma_wait3A_317] : memref<400x128xf32, #tpu.memory_space<vmem>> -> memref<50x128xf32, #tpu.memory_space<vmem>>
        tpu.wait_dma2 semaphore(%run_scoped3A_290 : memref<!tpu.dma_semaphore, #tpu.memory_space<semaphore_mem>>) src(%dma_wait3A_318 : memref<50x128xf32, #tpu.memory_space<vmem>>) dst(%dma_wait3A_315 : memref<50x128xf32, #tpu.memory_space<hbm>>)
        tpu.yield
      }) : () -> ()
      %add3A_281 = arith.constant 4 : i32
      %add3A_282 = arith.addi %add3A_272, %add3A_281 : i32
      "tpu.region"() ({
        %run_scoped3A_290 = tpu.sem_alloc : memref<!tpu.dma_semaphore, #tpu.memory_space<semaphore_mem>>
        %dma_start3A_291 = arith.constant 200 : i32
        %dma_start3A_292 = arith.constant 0 : i32
        %dma_start3A_293 = tpu.memref_slice %arg9[%dma_start3A_291, %dma_start3A_292] : memref<400x128xf32, #tpu.memory_space<vmem>> -> memref<50x128xf32, #tpu.memory_space<vmem>>
        %dma_start3A_294 = arith.constant 0 : i32
        %dma_start3A_295 = arith.constant 0 : i32
        %dma_start3A_296 = tpu.memref_slice %arg4[%add3A_282, %dma_start3A_294, %dma_start3A_295] : memref<16384x56x128xf32, #tpu.memory_space<hbm>> -> memref<1x50x128xf32, #tpu.memory_space<hbm>>
        %dma_start3A_297 = tpu.memref_squeeze %dma_start3A_296 : memref<1x50x128xf32, #tpu.memory_space<hbm>> -> memref<50x128xf32, #tpu.memory_space<hbm>>
        %dma_start3A_298 = arith.constant 0 : i32
        %dma_start3A_299 = arith.constant 0 : i32
        %dma_start3A_300 = tpu.memref_slice %arg4[%add3A_282, %dma_start3A_298, %dma_start3A_299] : memref<16384x56x128xf32, #tpu.memory_space<hbm>> -> memref<1x50x128xf32, #tpu.memory_space<hbm>>
        %dma_start3A_301 = tpu.memref_squeeze %dma_start3A_300 : memref<1x50x128xf32, #tpu.memory_space<hbm>> -> memref<50x128xf32, #tpu.memory_space<hbm>>
        %dma_start3A_302 = arith.constant 200 : i32
        %dma_start3A_303 = arith.constant 0 : i32
        %dma_start3A_304 = tpu.memref_slice %arg9[%dma_start3A_302, %dma_start3A_303] : memref<400x128xf32, #tpu.memory_space<vmem>> -> memref<50x128xf32, #tpu.memory_space<vmem>>
        tpu.enqueue_dma source(%dma_start3A_304 : memref<50x128xf32, #tpu.memory_space<vmem>>) target(%dma_start3A_301 : memref<50x128xf32, #tpu.memory_space<hbm>>) target_semaphore(%run_scoped3A_290 : memref<!tpu.dma_semaphore, #tpu.memory_space<semaphore_mem>>)
        %dma_wait3A_305 = arith.constant 200 : i32
        %dma_wait3A_306 = arith.constant 0 : i32
        %dma_wait3A_307 = tpu.memref_slice %arg9[%dma_wait3A_305, %dma_wait3A_306] : memref<400x128xf32, #tpu.memory_space<vmem>> -> memref<50x128xf32, #tpu.memory_space<vmem>>
        %dma_wait3A_308 = arith.constant 0 : i32
        %dma_wait3A_309 = arith.constant 0 : i32
        %dma_wait3A_310 = tpu.memref_slice %arg4[%add3A_282, %dma_wait3A_308, %dma_wait3A_309] : memref<16384x56x128xf32, #tpu.memory_space<hbm>> -> memref<1x50x128xf32, #tpu.memory_space<hbm>>
        %dma_wait3A_311 = tpu.memref_squeeze %dma_wait3A_310 : memref<1x50x128xf32, #tpu.memory_space<hbm>> -> memref<50x128xf32, #tpu.memory_space<hbm>>
        %dma_wait3A_312 = arith.constant 0 : i32
        %dma_wait3A_313 = arith.constant 0 : i32
        %dma_wait3A_314 = tpu.memref_slice %arg4[%add3A_282, %dma_wait3A_312, %dma_wait3A_313] : memref<16384x56x128xf32, #tpu.memory_space<hbm>> -> memref<1x50x128xf32, #tpu.memory_space<hbm>>
        %dma_wait3A_315 = tpu.memref_squeeze %dma_wait3A_314 : memref<1x50x128xf32, #tpu.memory_space<hbm>> -> memref<50x128xf32, #tpu.memory_space<hbm>>
        %dma_wait3A_316 = arith.constant 200 : i32
        %dma_wait3A_317 = arith.constant 0 : i32
        %dma_wait3A_318 = tpu.memref_slice %arg9[%dma_wait3A_316, %dma_wait3A_317] : memref<400x128xf32, #tpu.memory_space<vmem>> -> memref<50x128xf32, #tpu.memory_space<vmem>>
        tpu.wait_dma2 semaphore(%run_scoped3A_290 : memref<!tpu.dma_semaphore, #tpu.memory_space<semaphore_mem>>) src(%dma_wait3A_318 : memref<50x128xf32, #tpu.memory_space<vmem>>) dst(%dma_wait3A_315 : memref<50x128xf32, #tpu.memory_space<hbm>>)
        tpu.yield
      }) : () -> ()
      %add3A_283 = arith.constant 5 : i32
      %add3A_284 = arith.addi %add3A_272, %add3A_283 : i32
      "tpu.region"() ({
        %run_scoped3A_290 = tpu.sem_alloc : memref<!tpu.dma_semaphore, #tpu.memory_space<semaphore_mem>>
        %dma_start3A_291 = arith.constant 250 : i32
        %dma_start3A_292 = arith.constant 0 : i32
        %dma_start3A_293 = tpu.memref_slice %arg9[%dma_start3A_291, %dma_start3A_292] : memref<400x128xf32, #tpu.memory_space<vmem>> -> memref<50x128xf32, #tpu.memory_space<vmem>>
        %dma_start3A_294 = arith.constant 0 : i32
        %dma_start3A_295 = arith.constant 0 : i32
        %dma_start3A_296 = tpu.memref_slice %arg4[%add3A_284, %dma_start3A_294, %dma_start3A_295] : memref<16384x56x128xf32, #tpu.memory_space<hbm>> -> memref<1x50x128xf32, #tpu.memory_space<hbm>>
        %dma_start3A_297 = tpu.memref_squeeze %dma_start3A_296 : memref<1x50x128xf32, #tpu.memory_space<hbm>> -> memref<50x128xf32, #tpu.memory_space<hbm>>
        %dma_start3A_298 = arith.constant 0 : i32
        %dma_start3A_299 = arith.constant 0 : i32
        %dma_start3A_300 = tpu.memref_slice %arg4[%add3A_284, %dma_start3A_298, %dma_start3A_299] : memref<16384x56x128xf32, #tpu.memory_space<hbm>> -> memref<1x50x128xf32, #tpu.memory_space<hbm>>
        %dma_start3A_301 = tpu.memref_squeeze %dma_start3A_300 : memref<1x50x128xf32, #tpu.memory_space<hbm>> -> memref<50x128xf32, #tpu.memory_space<hbm>>
        %dma_start3A_302 = arith.constant 250 : i32
        %dma_start3A_303 = arith.constant 0 : i32
        %dma_start3A_304 = tpu.memref_slice %arg9[%dma_start3A_302, %dma_start3A_303] : memref<400x128xf32, #tpu.memory_space<vmem>> -> memref<50x128xf32, #tpu.memory_space<vmem>>
        tpu.enqueue_dma source(%dma_start3A_304 : memref<50x128xf32, #tpu.memory_space<vmem>>) target(%dma_start3A_301 : memref<50x128xf32, #tpu.memory_space<hbm>>) target_semaphore(%run_scoped3A_290 : memref<!tpu.dma_semaphore, #tpu.memory_space<semaphore_mem>>)
        %dma_wait3A_305 = arith.constant 250 : i32
        %dma_wait3A_306 = arith.constant 0 : i32
        %dma_wait3A_307 = tpu.memref_slice %arg9[%dma_wait3A_305, %dma_wait3A_306] : memref<400x128xf32, #tpu.memory_space<vmem>> -> memref<50x128xf32, #tpu.memory_space<vmem>>
        %dma_wait3A_308 = arith.constant 0 : i32
        %dma_wait3A_309 = arith.constant 0 : i32
        %dma_wait3A_310 = tpu.memref_slice %arg4[%add3A_284, %dma_wait3A_308, %dma_wait3A_309] : memref<16384x56x128xf32, #tpu.memory_space<hbm>> -> memref<1x50x128xf32, #tpu.memory_space<hbm>>
        %dma_wait3A_311 = tpu.memref_squeeze %dma_wait3A_310 : memref<1x50x128xf32, #tpu.memory_space<hbm>> -> memref<50x128xf32, #tpu.memory_space<hbm>>
        %dma_wait3A_312 = arith.constant 0 : i32
        %dma_wait3A_313 = arith.constant 0 : i32
        %dma_wait3A_314 = tpu.memref_slice %arg4[%add3A_284, %dma_wait3A_312, %dma_wait3A_313] : memref<16384x56x128xf32, #tpu.memory_space<hbm>> -> memref<1x50x128xf32, #tpu.memory_space<hbm>>
        %dma_wait3A_315 = tpu.memref_squeeze %dma_wait3A_314 : memref<1x50x128xf32, #tpu.memory_space<hbm>> -> memref<50x128xf32, #tpu.memory_space<hbm>>
        %dma_wait3A_316 = arith.constant 250 : i32
        %dma_wait3A_317 = arith.constant 0 : i32
        %dma_wait3A_318 = tpu.memref_slice %arg9[%dma_wait3A_316, %dma_wait3A_317] : memref<400x128xf32, #tpu.memory_space<vmem>> -> memref<50x128xf32, #tpu.memory_space<vmem>>
        tpu.wait_dma2 semaphore(%run_scoped3A_290 : memref<!tpu.dma_semaphore, #tpu.memory_space<semaphore_mem>>) src(%dma_wait3A_318 : memref<50x128xf32, #tpu.memory_space<vmem>>) dst(%dma_wait3A_315 : memref<50x128xf32, #tpu.memory_space<hbm>>)
        tpu.yield
      }) : () -> ()
      %add3A_285 = arith.constant 6 : i32
      %add3A_286 = arith.addi %add3A_272, %add3A_285 : i32
      "tpu.region"() ({
        %run_scoped3A_290 = tpu.sem_alloc : memref<!tpu.dma_semaphore, #tpu.memory_space<semaphore_mem>>
        %dma_start3A_291 = arith.constant 300 : i32
        %dma_start3A_292 = arith.constant 0 : i32
        %dma_start3A_293 = tpu.memref_slice %arg9[%dma_start3A_291, %dma_start3A_292] : memref<400x128xf32, #tpu.memory_space<vmem>> -> memref<50x128xf32, #tpu.memory_space<vmem>>
        %dma_start3A_294 = arith.constant 0 : i32
        %dma_start3A_295 = arith.constant 0 : i32
        %dma_start3A_296 = tpu.memref_slice %arg4[%add3A_286, %dma_start3A_294, %dma_start3A_295] : memref<16384x56x128xf32, #tpu.memory_space<hbm>> -> memref<1x50x128xf32, #tpu.memory_space<hbm>>
        %dma_start3A_297 = tpu.memref_squeeze %dma_start3A_296 : memref<1x50x128xf32, #tpu.memory_space<hbm>> -> memref<50x128xf32, #tpu.memory_space<hbm>>
        %dma_start3A_298 = arith.constant 0 : i32
        %dma_start3A_299 = arith.constant 0 : i32
        %dma_start3A_300 = tpu.memref_slice %arg4[%add3A_286, %dma_start3A_298, %dma_start3A_299] : memref<16384x56x128xf32, #tpu.memory_space<hbm>> -> memref<1x50x128xf32, #tpu.memory_space<hbm>>
        %dma_start3A_301 = tpu.memref_squeeze %dma_start3A_300 : memref<1x50x128xf32, #tpu.memory_space<hbm>> -> memref<50x128xf32, #tpu.memory_space<hbm>>
        %dma_start3A_302 = arith.constant 300 : i32
        %dma_start3A_303 = arith.constant 0 : i32
        %dma_start3A_304 = tpu.memref_slice %arg9[%dma_start3A_302, %dma_start3A_303] : memref<400x128xf32, #tpu.memory_space<vmem>> -> memref<50x128xf32, #tpu.memory_space<vmem>>
        tpu.enqueue_dma source(%dma_start3A_304 : memref<50x128xf32, #tpu.memory_space<vmem>>) target(%dma_start3A_301 : memref<50x128xf32, #tpu.memory_space<hbm>>) target_semaphore(%run_scoped3A_290 : memref<!tpu.dma_semaphore, #tpu.memory_space<semaphore_mem>>)
        %dma_wait3A_305 = arith.constant 300 : i32
        %dma_wait3A_306 = arith.constant 0 : i32
        %dma_wait3A_307 = tpu.memref_slice %arg9[%dma_wait3A_305, %dma_wait3A_306] : memref<400x128xf32, #tpu.memory_space<vmem>> -> memref<50x128xf32, #tpu.memory_space<vmem>>
        %dma_wait3A_308 = arith.constant 0 : i32
        %dma_wait3A_309 = arith.constant 0 : i32
        %dma_wait3A_310 = tpu.memref_slice %arg4[%add3A_286, %dma_wait3A_308, %dma_wait3A_309] : memref<16384x56x128xf32, #tpu.memory_space<hbm>> -> memref<1x50x128xf32, #tpu.memory_space<hbm>>
        %dma_wait3A_311 = tpu.memref_squeeze %dma_wait3A_310 : memref<1x50x128xf32, #tpu.memory_space<hbm>> -> memref<50x128xf32, #tpu.memory_space<hbm>>
        %dma_wait3A_312 = arith.constant 0 : i32
        %dma_wait3A_313 = arith.constant 0 : i32
        %dma_wait3A_314 = tpu.memref_slice %arg4[%add3A_286, %dma_wait3A_312, %dma_wait3A_313] : memref<16384x56x128xf32, #tpu.memory_space<hbm>> -> memref<1x50x128xf32, #tpu.memory_space<hbm>>
        %dma_wait3A_315 = tpu.memref_squeeze %dma_wait3A_314 : memref<1x50x128xf32, #tpu.memory_space<hbm>> -> memref<50x128xf32, #tpu.memory_space<hbm>>
        %dma_wait3A_316 = arith.constant 300 : i32
        %dma_wait3A_317 = arith.constant 0 : i32
        %dma_wait3A_318 = tpu.memref_slice %arg9[%dma_wait3A_316, %dma_wait3A_317] : memref<400x128xf32, #tpu.memory_space<vmem>> -> memref<50x128xf32, #tpu.memory_space<vmem>>
        tpu.wait_dma2 semaphore(%run_scoped3A_290 : memref<!tpu.dma_semaphore, #tpu.memory_space<semaphore_mem>>) src(%dma_wait3A_318 : memref<50x128xf32, #tpu.memory_space<vmem>>) dst(%dma_wait3A_315 : memref<50x128xf32, #tpu.memory_space<hbm>>)
        tpu.yield
      }) : () -> ()
      %add3A_287 = arith.constant 7 : i32
      %add3A_288 = arith.addi %add3A_272, %add3A_287 : i32
      "tpu.region"() ({
        %run_scoped3A_290 = tpu.sem_alloc : memref<!tpu.dma_semaphore, #tpu.memory_space<semaphore_mem>>
        %dma_start3A_291 = arith.constant 350 : i32
        %dma_start3A_292 = arith.constant 0 : i32
        %dma_start3A_293 = tpu.memref_slice %arg9[%dma_start3A_291, %dma_start3A_292] : memref<400x128xf32, #tpu.memory_space<vmem>> -> memref<50x128xf32, #tpu.memory_space<vmem>>
        %dma_start3A_294 = arith.constant 0 : i32
        %dma_start3A_295 = arith.constant 0 : i32
        %dma_start3A_296 = tpu.memref_slice %arg4[%add3A_288, %dma_start3A_294, %dma_start3A_295] : memref<16384x56x128xf32, #tpu.memory_space<hbm>> -> memref<1x50x128xf32, #tpu.memory_space<hbm>>
        %dma_start3A_297 = tpu.memref_squeeze %dma_start3A_296 : memref<1x50x128xf32, #tpu.memory_space<hbm>> -> memref<50x128xf32, #tpu.memory_space<hbm>>
        %dma_start3A_298 = arith.constant 0 : i32
        %dma_start3A_299 = arith.constant 0 : i32
        %dma_start3A_300 = tpu.memref_slice %arg4[%add3A_288, %dma_start3A_298, %dma_start3A_299] : memref<16384x56x128xf32, #tpu.memory_space<hbm>> -> memref<1x50x128xf32, #tpu.memory_space<hbm>>
        %dma_start3A_301 = tpu.memref_squeeze %dma_start3A_300 : memref<1x50x128xf32, #tpu.memory_space<hbm>> -> memref<50x128xf32, #tpu.memory_space<hbm>>
        %dma_start3A_302 = arith.constant 350 : i32
        %dma_start3A_303 = arith.constant 0 : i32
        %dma_start3A_304 = tpu.memref_slice %arg9[%dma_start3A_302, %dma_start3A_303] : memref<400x128xf32, #tpu.memory_space<vmem>> -> memref<50x128xf32, #tpu.memory_space<vmem>>
        tpu.enqueue_dma source(%dma_start3A_304 : memref<50x128xf32, #tpu.memory_space<vmem>>) target(%dma_start3A_301 : memref<50x128xf32, #tpu.memory_space<hbm>>) target_semaphore(%run_scoped3A_290 : memref<!tpu.dma_semaphore, #tpu.memory_space<semaphore_mem>>)
        %dma_wait3A_305 = arith.constant 350 : i32
        %dma_wait3A_306 = arith.constant 0 : i32
        %dma_wait3A_307 = tpu.memref_slice %arg9[%dma_wait3A_305, %dma_wait3A_306] : memref<400x128xf32, #tpu.memory_space<vmem>> -> memref<50x128xf32, #tpu.memory_space<vmem>>
        %dma_wait3A_308 = arith.constant 0 : i32
        %dma_wait3A_309 = arith.constant 0 : i32
        %dma_wait3A_310 = tpu.memref_slice %arg4[%add3A_288, %dma_wait3A_308, %dma_wait3A_309] : memref<16384x56x128xf32, #tpu.memory_space<hbm>> -> memref<1x50x128xf32, #tpu.memory_space<hbm>>
        %dma_wait3A_311 = tpu.memref_squeeze %dma_wait3A_310 : memref<1x50x128xf32, #tpu.memory_space<hbm>> -> memref<50x128xf32, #tpu.memory_space<hbm>>
        %dma_wait3A_312 = arith.constant 0 : i32
        %dma_wait3A_313 = arith.constant 0 : i32
        %dma_wait3A_314 = tpu.memref_slice %arg4[%add3A_288, %dma_wait3A_312, %dma_wait3A_313] : memref<16384x56x128xf32, #tpu.memory_space<hbm>> -> memref<1x50x128xf32, #tpu.memory_space<hbm>>
        %dma_wait3A_315 = tpu.memref_squeeze %dma_wait3A_314 : memref<1x50x128xf32, #tpu.memory_space<hbm>> -> memref<50x128xf32, #tpu.memory_space<hbm>>
        %dma_wait3A_316 = arith.constant 350 : i32
        %dma_wait3A_317 = arith.constant 0 : i32
        %dma_wait3A_318 = tpu.memref_slice %arg9[%dma_wait3A_316, %dma_wait3A_317] : memref<400x128xf32, #tpu.memory_space<vmem>> -> memref<50x128xf32, #tpu.memory_space<vmem>>
        tpu.wait_dma2 semaphore(%run_scoped3A_290 : memref<!tpu.dma_semaphore, #tpu.memory_space<semaphore_mem>>) src(%dma_wait3A_318 : memref<50x128xf32, #tpu.memory_space<vmem>>) dst(%dma_wait3A_315 : memref<50x128xf32, #tpu.memory_space<hbm>>)
        tpu.yield
      }) : () -> ()
      %scan3A_289 = arith.constant 0 : i32
      scf.yield %scan3A_289 : i32
    }
    %scan3A_193 = arith.constant 8 : i32
    %dma_wait3A_194 = arith.constant 0 : i32
    %dma_wait3A_195 = tpu.memref_slice %arg7[%dma_wait3A_194] : memref<6400xi32, #tpu.memory_space<vmem>> -> memref<400xi32, #tpu.memory_space<vmem>>
    %dma_wait3A_196 = arith.constant 0 : i32
    %dma_wait3A_197 = arith.constant 0 : i32
    %dma_wait3A_198 = tpu.memref_slice %arg2[%dma_wait3A_196, %dma_wait3A_197] : memref<200000x128xf32, #tpu.memory_space<hbm>> -> memref<200000x128xf32, #tpu.memory_space<hbm>>
    tpu.wait_indirect_dma semaphore(%arg10 : memref<!tpu.dma_semaphore, #tpu.memory_space<semaphore_mem>>) src(%dma_wait3A_198 : memref<200000x128xf32, #tpu.memory_space<hbm>>) dst(%arg8 : memref<400x128xf32, #tpu.memory_space<vmem>>)
    return
  }
}

</mosaic_0001>

<sc_bundles>
// kernel: _action_embed.3.cloned.1.call-start
scs
__scs_entry_jumppad:
0x0: {  	(pc) =	sbr.rel $0x88, $3  }
0x1: {  	(tag) =	ssettag $0x0;
	lr =	simm.s32 $0x1  }
0x2: {  	[smem:$0x3F9F] =	sst lr;
	_ =	strace $0xD0000000  }
0x3: {  	_ = 	snop  }
0x4: {  	_ = 	snop  }
0x5: {  	_ = 	snop  }
0x6: {  	_ = 	snop  }
0x7: {  	_ = 	snop  }
__scs_overlays_trampoline_lowered:
0x8: {  	[smem:$0x3FAE] =	sst s0  }
0x9: {  	[smem:$0x3FAF] =	sst s1  }
0xa: {  	[smem:$0x3FB0] =	sst s2  }
0xb: {  	[smem:$0x3FB1] =	sst s3  }
0xc: {  	[smem:$0x3FB2] =	sst s4  }
0xd: {  	[smem:$0x3FB3] =	sst s5  }
0xe: {  	[smem:$0x3FB4] =	sst s6  }
0xf: {  	[smem:$0x3FB5] =	sst s7  }
0x10: {  	[smem:$0x3FB6] =	sst s8  }
0x11: {  	[smem:$0x3FB7] =	sst s9;
	s0 =	simm.s32 @!p0 $0x0  }
0x12: {  	s1 =	sld [smem:$0x3F9D];
	s0 =	simm.s32 @p0 $0x1  }
0x13: {  	[smem:$0x3FB8] =	sst s0;
	s0 =	simm.s32 @!p1 $0x0  }
0x14: {  	s2 =	sld [smem:$0x3F9C];
	s0 =	simm.s32 @p1 $0x1  }
0x15: {  	[smem:$0x3FB9] =	sst s0;
	s0 =	simm.s32 @!p2 $0x0  }
0x16: {  	s3 =	sld [smem:$0x3FDB];
	s0 =	simm.s32 @p2 $0x1  }
0x17: {  	s4 =	simm.s32 $0x1BF5;
	[smem:$0x3FBB] =	sst s0  }
0x18: {  	s0 =	sld [smem:$0x3F9E];
	_ =	swait.ge [sflag:s4], $0x0  }
0x19: {  	s7 =	sld [smem:$0x3F9F]  }
0x1a: {  	s8 =	sadd.s32 $0xFFFFE003, lr  }
0x1b: {  	s9 =	sadd.s32 $0xFFFFFEF7, lr;
	s5 =	simm.s32 $0xFFFFFFFF;
	p2 =	slt.u32 s8, $0xFFFFF086  }
0x1c: {  	p1 =	slt.u32 s9, $0xF7A;
	s5 =	simm.s32 @!p2 $0x0  }
0x1d: {  	s5 =	simm.s32 @p1 $0x1;
	p0 =	seq.s32 s7, s2  }
0x1e: {  	s7 =	smul.u32 @!p0 $0xF7A, s2;
	p2 =	seq.s32 @!p0 s5, $0x0  }
0x1f: {  	s9 =	smul.u32 $0xF7A, s1;
	s8 =	simm.s32 @!p0 $0x1BF5;
	p2 =	por !p2, p0  }
0x20: {  	[sflag:s8] =	ssyncset.s32 @!p0 $0xFFFFF086;
	s6 =	sadd.s32 @!p0 s3, s7;
	s7 =	simm.s32 @!p0 $0x108  }
0x21: {  	s3 =	sadd.s32 s3, s9;
	s6 =	sadd.s32 @!p0 $0x88, s6;
	s7 =	simm.s32 @p2 $0x1082  }
0x22: {  	[simem:s7], [sflag:s8] =	dma.local @!p0 [hbm:s6], $0xF7A  }
0x23: {  	s9 =	sor.u32 $0xD0000000, s2;
	s6 =	simm.s32 $0x108;
	_ =	swait.ge @!p0 [sflag:s8], $0x0  }
0x24: {  	s3 =	sadd.s32 $0x88, s3;
	s6 =	simm.s32 @!p1 $0x1082;
	[sflag:s4] =	ssyncset.s32 $0xFFFFF086  }
0x25: {  	[simem:s6], [sflag:s4] =	dma.local [hbm:s3], $0xF7A  }
0x26: {  	[smem:$0x3F9F] =	sst s1;
	(tag) =	ssettag s2;
	_ =	strace s9  }
0x27: {  	s1 =	sld [smem:$0x3FAF]  }
0x28: {  	s2 =	sld [smem:$0x3FB0]  }
0x29: {  	s4 =	sld [smem:$0x3FB2]  }
0x2a: {  	p0 =	seq.s32 s5, $0x0;
	s5 =	sld [smem:$0x3FB3]  }
0x2b: {  	s6 =	sld [smem:$0x3FB4]  }
0x2c: {  	s7 =	sld [smem:$0x3FB5]  }
0x2d: {  	s3 =	simm.s32 $0x108;
	s8 =	sld [smem:$0x3FB6]  }
0x2e: {  	s3 =	simm.s32 @!p0 $0x1082;
	s9 =	sld [smem:$0x3FB7]  }
0x2f: {  	lr =	sadd.s32 s0, s3;
	s0 =	sld [smem:$0x3FAE]  }
0x30: {  	s3 =	sld [smem:$0x3FB1]  }
0x31: {  	[smem:$0x3FBA] =	sst s10  }
0x32: {  	s10 =	sld [smem:$0x3FB8];
	_ =	sdelay $0x3  }
0x33: {  	p0 =	seq.s32 s10, $0x1;
	s10 =	sld [smem:$0x3FBA];
	_ =	sdelay $0x3  }
0x34: {  	[smem:$0x3FBA] =	sst s10  }
0x35: {  	s10 =	sld [smem:$0x3FB9];
	_ =	sdelay $0x3  }
0x36: {  	p1 =	seq.s32 s10, $0x1;
	s10 =	sld [smem:$0x3FBA];
	_ =	sdelay $0x3  }
0x37: {  	[smem:$0x3FBA] =	sst s10  }
0x38: {  	s10 =	sld [smem:$0x3FBB]  }
0x39: {  	_ = 	snop;
	(pc) =	sbr.ind lr, $3  }
0x3a: {  	_ = 	snop  }
0x3b: {  	_ = 	snop  }
0x3c: {  	p2 =	seq.s32 s10, $0x1;
	s10 =	sld [smem:$0x3FBA]  }
0x3d: {  	_ =	shalt  }
0x3e: {  	_ =	shalt  }
0x3f: {  	_ =	shalt  }
0x40: {  	_ =	shalt  }
0x41: {  	_ =	shalt  }
0x42: {  	_ =	shalt  }
0x43: {  	_ =	shalt  }
0x44: {  	_ =	shalt  }
0x45: {  	_ =	shalt  }
0x46: {  	_ =	shalt  }
0x47: {  	_ =	shalt  }
0x48: {  	_ =	shalt  }
0x49: {  	_ =	shalt  }
0x4a: {  	_ =	shalt  }
0x4b: {  	_ =	shalt  }
0x4c: {  	_ =	shalt  }
0x4d: {  	_ =	shalt  }
0x4e: {  	_ =	shalt  }
0x4f: {  	_ =	shalt  }
0x50: {  	_ =	shalt  }
0x51: {  	_ =	shalt  }
0x52: {  	_ =	shalt  }
0x53: {  	_ =	shalt  }
0x54: {  	_ =	shalt  }
0x55: {  	_ =	shalt  }
0x56: {  	_ =	shalt  }
0x57: {  	_ =	shalt  }
0x58: {  	_ =	shalt  }
0x59: {  	_ =	shalt  }
0x5a: {  	_ =	shalt  }
0x5b: {  	_ =	shalt  }
0x5c: {  	_ =	shalt  }
0x5d: {  	_ =	shalt  }
0x5e: {  	_ =	shalt  }
0x5f: {  	_ =	shalt  }
0x60: {  	_ =	shalt  }
0x61: {  	_ =	shalt  }
0x62: {  	_ =	shalt  }
0x63: {  	_ =	shalt  }
0x64: {  	_ =	shalt  }
0x65: {  	_ =	shalt  }
0x66: {  	_ =	shalt  }
0x67: {  	_ =	shalt  }
0x68: {  	_ =	shalt  }
0x69: {  	_ =	shalt  }
0x6a: {  	_ =	shalt  }
0x6b: {  	_ =	shalt  }
0x6c: {  	_ =	shalt  }
0x6d: {  	_ =	shalt  }
0x6e: {  	_ =	shalt  }
0x6f: {  	_ =	shalt  }
0x70: {  	_ =	shalt  }
0x71: {  	_ =	shalt  }
0x72: {  	_ =	shalt  }
0x73: {  	_ =	shalt  }
0x74: {  	_ =	shalt  }
0x75: {  	_ =	shalt  }
0x76: {  	_ =	shalt  }
0x77: {  	_ =	shalt  }
0x78: {  	_ =	shalt  }
0x79: {  	_ =	shalt  }
0x7a: {  	_ =	shalt  }
0x7b: {  	_ =	shalt  }
0x7c: {  	_ =	shalt  }
0x7d: {  	_ =	shalt  }
0x7e: {  	_ =	shalt  }
0x7f: {  	_ =	shalt  }
0x80: {  	_ =	shalt  }
0x81: {  	_ =	shalt  }
0x82: {  	_ =	shalt  }
0x83: {  	_ =	shalt  }
0x84: {  	_ =	shalt  }
0x85: {  	_ =	shalt  }
0x86: {  	_ =	shalt  }
0x87: {  	_ =	shalt  }
.Lfunc_end0:
.L_simem_size_0:
called_computation_lowered:
.L_overlay_start_0:
0x88: {  	s2 =	sld [smem:$0x3FD9]  }
0x89: {  	s3 =	sld [smem:$0x3FFE];
	_ =	sdelay $0x1  }
0x8a: {  	s1 =	srdreg.scid  }
0x8b: {  	s0 =	sand.u32 $0x1, s1  }
0x8c: {  	s17 =	sshll.u32 s0, $0xA;
	s2 =	sadd.s32 s3, s2  }
0x8d: {  	s2 =	sadd.s32 s2, s17  }
0x8e: {  	[smem:$0x3FC6] =	sst s2  }
0x8f: {  	_ = 	snop  }
0x90: {  	s2 =	sld [smem:$0x3FC9]  }
0x91: {  	s18 =	sld [smem:$0x3FD0];
	(tm) =	ssettm $0x1  }
0x92: {  	s4 =	sld [smem:$0x3FFB];
	_ =	sdelay $0x3  }
0x93: {  	_ =	strace s4  }
0x94: {  	s4 =	sld [smem:$0x3FFC];
	_ =	sdelay $0x3  }
0x95: {  	_ =	strace s4  }
0x96: {  	s4 =	sld [smem:$0x3FFD];
	_ =	sdelay $0x3  }
0x97: {  	_ =	strace s4  }
0x98: {  	_ =	strace $0x8FFFFFFF  }
0x99: {  	s19 =	sld [smem:$0x3FDB];
	_ =	sdelay $0x1  }
0x9a: {  	s5 =	simm.s32 $_scs_section_size  }
0x9b: {  	s6 =	simm.s32 $_size__tile_overlayer_lowered;
	s7 =	simm.s32 $_tile_overlayer_lowered  }
0x9c: {  	s22 =	simm.s32 $0x1BFF;
	s21 =	sshll.u32 s7, $0x1;
	s4 =	sadd.s32 s5, s19  }
0x9d: {  	s8 =	simm.s32 $0x0;
	s20 =	sshll.u32 s6, $0x1;
	s6 =	sadd.s32 s21, s4  }
0x9e: {  	[timem:s8], [sflag:s22] =	dma.local [hbm:s6], s20  }
0x9f: {  	_ =	swait.ge [sflag:s22], s20  }
0xa0: {  	s5 =	ssub.s32 $0x0, s20;
	[sflag:s22] =	ssyncset.done $0x0  }
0xa1: {  	[sflag:s22] =	ssyncadd.s32 s5;
	_ =	sdelay $0x1  }
0xa2: {  	s23 =	simm.s32 $0x1B8B  }
0xa3: {  	_ =	swait.ge [sflag:s23], $0x1  }
0xa4: {  	[sflag:s23] =	ssyncset.done $0x0  }
0xa5: {  	s25 =	simm.s32 $0x1B8E;
	s24 =	sld [smem:$0x3FFE];
	[sflag:s23] =	ssyncadd.s32 $0xFFFFFFFF  }
0xa6: {  	s26 =	simm.s32 $execute0_lowered;
	[smem:$0x3FD2] =	sst s25  }
0xa7: {  	s6 =	sshll.u32 s26, $0x1;
	_ =	strace $0x80000046;
	[dreg:$0x1] =	wrdreg $0xFFFFFFFF  }
0xa8: {  	s28 =	simm.s32 $_size_execute0_lowered;
	s4 =	sadd.s32 s4, s6;
	[dreg:$0x0] =	wrdreg $0x0  }
0xa9: {  	s6 =	sshll.u32 s28, $0x1;
	[dreg:$0x2] =	wrdreg s4  }
0xaa: {  	[dreg:$0x3] =	wrdreg s6  }
0xab: {  	[dreg:$0x4] =	wrdreg $0xC0  }
0xac: {  	_ =	task [dreg:s8], $0x5FFFF  }
0xad: {  	[dreg:$0x1] =	wrdreg $0xFFFFFFFF  }
0xae: {  	[dreg:$0x0] =	wrdreg $0x60  }
0xaf: {  	[dreg:$0x2] =	wrdreg s2  }
0xb0: {  	[dreg:$0x3] =	wrdreg s24  }
0xb1: {  	[dreg:$0x4] =	wrdreg s18  }
0xb2: {  	[dreg:$0x5] =	wrdreg $0x9  }
0xb3: {  	_ =	task.clear_ibuf [dreg:s8], $0x6FFFF;
	_ =	strace $0x90000046  }
0xb4: {  	s29 =	simm.s32 $0x9;
	_ =	strace $0x80000048  }
0xb5: {  	_ =	swait.ge [sflag:s29], $0x1  }
0xb6: {  	[sflag:s29] =	ssyncadd.s32 $0xFFFFFFFF  }
0xb7: {  	_ =	strace $0x90000048  }
0xb8: {  	_ =	sfence  }
0xb9: {  	s30 =	sld [smem:$0x0];
	_ =	sdelay $0x2  }
0xba: {  	s31 =	sshll.u32 s1, $0xD;
	s1 =	sshrl.u32 s1, $0x2  }
0xbb: {  	s3 =	sand.u32 $0x4000, s31;
	s1 =	sadd.s32 s1, s30  }
0xbc: {  	s0 =	sor.u32 s3, s0;
	s1 =	sshll.u32 s1, $0x11  }
0xbd: {  	s0 =	sor.u32 s1, s0  }
0xbe: {  	s0 =	sadd.s32 $0x8F2B, s0  }
0xbf: {  	[sflag:s0] =	ssyncadd.remote.s32 $0x1  }
0xc0: {  	_ =	sfence.sel $0xFFFF  }
0xc1: {  	[dreg:$0x0] =	wrdreg $0xFFFFFFFF;
	(pc) =	sbr.abs _section_cstart, $3  }
0xc2: {  	[dreg:$0x1] =	wrdreg $0xFFFFFFFF  }
0xc3: {  	_ =	task.clear_ibuf [dreg:s8], $0x2FFFF;
	_ =	strace $0x9FFFFFFF  }
0xc4: {  	(tm) =	ssettm $0x7FFFFFFF  }
0xc5: {  	_ =	shalt  }
tec
execute0_lowered:
.L_overlay_start_1:
0x0: {  	(tag) =	ssettag $0x1  }
0x1: {  	s0 =	srdreg.scid;
	s1 =	rddreg [dreg:$0x0]  }
0x2: {  	s11 =	stileid.u32;
	s2 =	rddreg [dreg:$0x1];
	s28 =	simm.s32 $0x2  }
0x3: {  	s29 =	simm.s32 $0x12C00;
	s30 =	simm.s32 $0x14500;
	s6 =	smul.u32 $0x700000, s11  }
0x4: {  	s5 =	sand.u32 $0x1, s0;
	s9 =	sshll.u32 s11, $0x1;
	s24 =	smul.u32 $0xE0000, s11  }
0x5: {  	s0 =	rddreg [dreg:$0x2];
	s3 =	sor.u32 s5, s9;
	s8 =	smul.u32 $0x380000, s5  }
0x6: {  	s7 =	ssub.s32 $0x2, s5;
	s4 =	smul.u32 $0x6400, s3;
	s3 =	simm.s32 $0x0  }
0x7: {  	s31 =	simm.s32 $0x15E00;
	s9 =	sshrl.u32 s7, $0x1;
	[smem:$0x7FF] =	sst s3  }
0x8: {  	s26 =	sadd.s32 s24, s0;
	s6 =	sadd.s32 s8, s6;
	_ =	strace $0x80000047  }
0x9: {  	s4 =	sshrl.u32 s4, $0x3;
	s13 =	sor.u32 $0xC400, s6;
	s15 =	sor.u32 $0xA800, s6  }
0xa: {  	s16 =	sor.u32 $0x8C00, s6;
	s22 =	sor.u32 $0x7000, s6;
	s4 =	sadd.s32 s4, s2  }
0xb: {  	s23 =	sor.u32 $0x5400, s6;
	s2 =	ssub.s32 s7, s9;
	s10 =	sadd.s32 $0x400, s4  }
0xc: {  	s7 =	sshrl.u32 s13, $0x3;
	s12 =	sadd.s32 $0x19400, s4;
	[dreg:$0x13] =	wrdreg s10  }
0xd: {  	s8 =	sshrl.u32 s15, $0x3;
	s14 =	sadd.s32 $0x720, s4;
	[dreg:$0x14] =	wrdreg s12  }
0xe: {  	s18 =	sshrl.u32 s16, $0x3;
	s7 =	sadd.s32 s7, s0;
	[dreg:$0x15] =	wrdreg s14  }
0xf: {  	s13 =	sor.u32 $0x18800, s6;
	s19 =	sadd.s32 $0x19720, s4;
	[dreg:$0x4] =	wrdreg s7  }
0x10: {  	s17 =	sadd.s32 s8, s0;
	s20 =	sadd.s32 s18, s0;
	[dreg:$0x16] =	wrdreg s19  }
0x11: {  	s21 =	sadd.s32 $0xA40, s4;
	s8 =	sshrl.u32 s23, $0x3;
	[dreg:$0x5] =	wrdreg s17  }
0x12: {  	s16 =	sadd.s32 $0x19A40, s4;
	s18 =	sor.u32 $0x15000, s6;
	[dreg:$0x17] =	wrdreg s21  }
0x13: {  	s2 =	smax.u32 s2, $0x1;
	[dreg:$0x6] =	wrdreg s20;
	s10 =	smul.u32 $0x70000, s5  }
0x14: {  	s7 =	sshrl.u32 s22, $0x3;
	s25 =	sadd.s32 s8, s0;
	s14 =	smul.u32 $0xC800, s11  }
0x15: {  	s8 =	sshrl.u32 s13, $0x3;
	s5 =	smul.u32 $0x6400, s5;
	[dreg:$0x18] =	wrdreg s16  }
0x16: {  	s17 =	sor.u32 $0x16C00, s6;
	s21 =	sadd.s32 $0xD60, s4;
	s22 =	sor.u32 $0x13400, s6  }
0x17: {  	s4 =	sadd.s32 $0x19D60, s4;
	[dreg:$0x1b] =	wrdreg s2;
	s13 =	simm.s32 $0x3  }
0x18: {  	s16 =	simm.s32 $0x3200;
	s2 =	simm.s32 $0x17700;
	[dreg:$0x8] =	wrdreg s25  }
0x19: {  	s7 =	sadd.s32 s7, s0;
	s15 =	sadd.s32 s8, s0;
	[dreg:$0x19] =	wrdreg s21  }
0x1a: {  	s8 =	sshrl.u32 s18, $0x3;
	[dreg:$0x1a] =	wrdreg s4;
	s18 =	simm.s32 $0x11300  }
0x1b: {  	s21 =	simm.s32 $0x7D00;
	s4 =	simm.s32 $0x1A900;
	[dreg:$0x7] =	wrdreg s7  }
0x1c: {  	s9 =	sadd.s32 s10, s26;
	s10 =	sor.u32 $0x1A400, s6;
	[dreg:$0xb] =	wrdreg s15  }
0x1d: {  	s5 =	sadd.s32 s5, s14;
	s19 =	sadd.s32 s8, s0;
	s6 =	sor.u32 $0x11800, s6  }
0x1e: {  	s14 =	simm.s32 $0x1900;
	s15 =	simm.s32 $0x190;
	[dreg:$0x9] =	wrdreg s9  }
0x1f: {  	s12 =	sshrl.u32 s10, $0x3;
	s9 =	sadd.s32 $0x1900, s5;
	[dreg:$0xd] =	wrdreg s19  }
0x20: {  	s23 =	sadd.s32 $0x3200, s5;
	s5 =	sadd.s32 $0x4B00, s5;
	s20 =	smulhi.u32 $0x51EB852, s9  }
0x21: {  	s6 =	sshrl.u32 s6, $0x3;
	s19 =	simm.s32 $0x1;
	s9 =	smulhi.u32 $0x51EB852, s23  }
0x22: {  	s7 =	sadd.s32 s12, s0;
	s5 =	smulhi.u32 $0x51EB852, s5;
	s6 =	sadd.s32 s6, s0  }
0x23: {  	s23 =	simm.s32 $0xAF00;
	[dreg:$0xa] =	wrdreg s7;
	s7 =	sshrl.u32 s17, $0x3  }
0x24: {  	[dreg:$0xf] =	wrdreg s6;
	s17 =	simm.s32 $0x4B00;
	s7 =	sadd.s32 s7, s0  }
0x25: {  	s8 =	smul.u32 $0x380, s20;
	[dreg:$0xc] =	wrdreg s7;
	s7 =	sshrl.u32 s22, $0x3  }
0x26: {  	s6 =	simm.s32 $0x0;
	s24 =	smul.u32 $0x380, s9;
	s7 =	sadd.s32 s7, s0  }
0x27: {  	s5 =	smul.u32 $0x380, s5;
	s25 =	sadd.s32 s8, s0;
	[dreg:$0xe] =	wrdreg s7  }
0x28: {  	s20 =	simm.s32 $0x6400;
	s26 =	sadd.s32 s24, s0;
	[dreg:$0x10] =	wrdreg s25  }
0x29: {  	s22 =	simm.s32 $0x9600;
	s0 =	sadd.s32 s5, s0;
	[dreg:$0x11] =	wrdreg s26  }
0x2a: {  	s24 =	simm.s32 $0xC800;
	s5 =	simm.s32 $0x1C200;
	[dreg:$0x12] =	wrdreg s0  }
0x2b: {  	s25 =	simm.s32 $0xE100;
	s26 =	simm.s32 $0xFA00;
	s0 =	simm.s32 $0x19000  }
.LBB2_1:
0x2c: {  	s7 =	rddreg [dreg:$0x13]  }
0x2d: {  	[tilespmem:s3], [sflag:$0x3] =	stream.linear.gather [hbm4b:s7+s3], $0x1900, $0x38;
	[tilespmem:$0x1DB00] =	vst v63  }
0x2e: {  	_ =	swait.ge [sflag:s13], $0x1900  }
0x2f: {  	[sflag:s13] =	ssyncset.done $0x0  }
0x30: {  	s12 =	rddreg [dreg:$0x14];
	[sflag:s13] =	ssyncadd.s32 $0xFFFFE700  }
0x31: {  	[tilespmem:s14], [sflag:$0x3] =	stream.linear.gather [hbm4b:s12+s3], $0x1900, $0x38;
	[tilespmem:$0x1DB00] =	vst v63  }
0x32: {  	_ =	swait.ge [sflag:s13], $0x1900  }
0x33: {  	[sflag:s13] =	ssyncset.done $0x0  }
0x34: {  	s7 =	simm.s32 $0x0;
	[sflag:s13] =	ssyncadd.s32 $0xFFFFE700  }
0x35: {  	v0 =	vld [tilespmem:s7+$0x0]  }
0x36: {  	s8 =	simm.s32 $0x40;
	v1 =	vld [tilespmem:s7+$0x1900]  }
.LBB2_2:
0x37: {  	_ = 	snop  }
0x38: {  	p0 =	sne.s32 s8, $0x63C0  }
.Ltmp0:
0x39: {  	_ = 	snop;
	(pc) =	sbr.rel @p0 .LBB2_2-.Ltmp0, $4  }
0x3a: {  	v2 =	vmul.u32 $0x186A0, v0  }
0x3b: {  	s9 =	sshra.s32 s8, $0x2  }
0x3c: {  	v0 =	vld [tilespmem:s9+$0x0];
	v2 =	vadd.s32 v2, v1  }
0x3d: {  	s8 =	sadd.s32 $0x40, s8;
	v1 =	vld [tilespmem:s9+$0x1900];
	[tilespmem:s7+$0x3200] =	vst v2;
	s7 =	smov.u32 s9  }
0x3e: {  	_ =	sdelay $0x2  }
0x3f: {  	v0 =	vmul.u32 $0x186A0, v0;
	_ =	sdelay $0x1  }
0x40: {  	v0 =	vadd.s32 v0, v1  }
0x41: {  	[tilespmem:s7+$0x3200] =	vst v0  }
0x42: {  	[tilespmem:s17], [sflag:$0x1] =	stream.indirect.gather [hbm4b:s1+s15], $0x80, s16, s15, $0xb8;
	[tilespmem:$0x1DB00] =	vst v63  }
0x43: {  	s7 =	simm.s32 $0x3390  }
0x44: {  	[tilespmem:s18], [sflag:$0x2] =	stream.indirect.gather [hbm4b:s1+s15], $0x80, s7, s15, $0xb8;
	[tilespmem:$0x1DB00] =	vst v63  }
0x45: {  	_ =	swait.ge [sflag:s19], $0xC800  }
0x46: {  	s8 =	rddreg [dreg:$0x9];
	[sflag:s19] =	ssyncset.done $0x0  }
0x47: {  	[sflag:s19] =	ssyncadd.s32 $0xFFFF3800;
	s9 =	sadd.s32 $0x0, s8  }
0x48: {  	[hbm4b:s9+s3] =	stream.linear.scatter [tilespmem:s17], [sflag:$0x3], $0x1900, $0x38;
	[tilespmem:$0x1DB00] =	vst v63  }
0x49: {  	_ =	swait.ge [sflag:s13], $0x1900  }
0x4a: {  	[sflag:s13] =	ssyncset.done $0x0  }
0x4b: {  	s8 =	sadd.s32 $0x380, s9;
	[sflag:s13] =	ssyncadd.s32 $0xFFFFE700  }
0x4c: {  	[hbm4b:s8+s3] =	stream.linear.scatter [tilespmem:s20], [sflag:$0x3], $0x1900, $0x38;
	[tilespmem:$0x1DB00] =	vst v63  }
0x4d: {  	_ =	swait.ge [sflag:s13], $0x1900  }
0x4e: {  	[sflag:s13] =	ssyncset.done $0x0  }
0x4f: {  	s12 =	sadd.s32 $0x700, s9;
	[sflag:s13] =	ssyncadd.s32 $0xFFFFE700  }
0x50: {  	[hbm4b:s12+s3] =	stream.linear.scatter [tilespmem:s21], [sflag:$0x3], $0x1900, $0x38;
	[tilespmem:$0x1DB00] =	vst v63  }
0x51: {  	_ =	swait.ge [sflag:s13], $0x1900  }
0x52: {  	s14 =	rddreg [dreg:$0x8];
	[sflag:s13] =	ssyncset.done $0x0  }
0x53: {  	[sflag:s13] =	ssyncadd.s32 $0xFFFFE700;
	s8 =	sadd.s32 $0x0, s14  }
0x54: {  	[hbm4b:s8+s3] =	stream.linear.scatter [tilespmem:s22], [sflag:$0x3], $0x1900, $0x38;
	[tilespmem:$0x1DB00] =	vst v63  }
0x55: {  	_ =	swait.ge [sflag:s13], $0x1900  }
0x56: {  	s10 =	rddreg [dreg:$0x7];
	[sflag:s13] =	ssyncset.done $0x0  }
0x57: {  	[sflag:s13] =	ssyncadd.s32 $0xFFFFE700;
	s8 =	sadd.s32 $0x0, s10  }
0x58: {  	[hbm4b:s8+s3] =	stream.linear.scatter [tilespmem:s23], [sflag:$0x3], $0x1900, $0x38;
	[tilespmem:$0x1DB00] =	vst v63  }
0x59: {  	_ =	swait.ge [sflag:s13], $0x1900  }
0x5a: {  	s11 =	rddreg [dreg:$0x6];
	[sflag:s13] =	ssyncset.done $0x0  }
0x5b: {  	[sflag:s13] =	ssyncadd.s32 $0xFFFFE700;
	s8 =	sadd.s32 $0x0, s11  }
0x5c: {  	[hbm4b:s8+s3] =	stream.linear.scatter [tilespmem:s24], [sflag:$0x3], $0x1900, $0x38;
	[tilespmem:$0x1DB00] =	vst v63  }
0x5d: {  	_ =	swait.ge [sflag:s13], $0x1900  }
0x5e: {  	s12 =	rddreg [dreg:$0x5];
	[sflag:s13] =	ssyncset.done $0x0  }
0x5f: {  	[sflag:s13] =	ssyncadd.s32 $0xFFFFE700;
	s8 =	sadd.s32 $0x0, s12  }
0x60: {  	[hbm4b:s8+s3] =	stream.linear.scatter [tilespmem:s25], [sflag:$0x3], $0x1900, $0x38;
	[tilespmem:$0x1DB00] =	vst v63  }
0x61: {  	_ =	swait.ge [sflag:s13], $0x1900  }
0x62: {  	s8 =	simm.s32 $0x2;
	s10 =	rddreg [dreg:$0x4];
	[sflag:s13] =	ssyncset.done $0x0  }
0x63: {  	s14 =	sand.u32 $0xE, s8;
	[sflag:s13] =	ssyncadd.s32 $0xFFFFE700;
	s10 =	sadd.s32 $0x0, s10  }
0x64: {  	[hbm4b:s10+s3] =	stream.linear.scatter [tilespmem:s26], [sflag:$0x3], $0x1900, $0x38;
	[tilespmem:$0x1DB00] =	vst v63  }
0x65: {  	s10 =	smul.u32 $0x640, s14  }
0x66: {  	_ =	swait.ge [sflag:s13], $0x1900  }
0x67: {  	s10 =	sshrl.u32 s10, $0x2;
	[sflag:s13] =	ssyncset.done $0x0  }
0x68: {  	[sflag:s13] =	ssyncadd.s32 $0xFFFFE700;
	s10 =	sadd.s32 $0x3200, s10  }
0x69: {  	[tilespmem:s17], [sflag:$0x1] =	stream.indirect.gather [hbm4b:s1+s15], $0x80, s10, s15, $0xb8;
	[tilespmem:$0x1DB00] =	vst v63  }
0x6a: {  	_ =	swait.ge [sflag:s28], $0xC800  }
0x6b: {  	[sflag:s28] =	ssyncset.done $0x0  }
0x6c: {  	s11 =	sadd.s32 $0x1C00, s9;
	[sflag:s28] =	ssyncadd.s32 $0xFFFF3800  }
0x6d: {  	[hbm4b:s11+s3] =	stream.linear.scatter [tilespmem:s18], [sflag:$0x3], $0x1900, $0x38;
	[tilespmem:$0x1DB00] =	vst v63  }
0x6e: {  	_ =	swait.ge [sflag:s13], $0x1900  }
0x6f: {  	[sflag:s13] =	ssyncset.done $0x0  }
0x70: {  	s9 =	sadd.s32 $0x1F80, s9;
	[sflag:s13] =	ssyncadd.s32 $0xFFFFE700  }
0x71: {  	[hbm4b:s9+s3] =	stream.linear.scatter [tilespmem:s29], [sflag:$0x3], $0x1900, $0x38;
	[tilespmem:$0x1DB00] =	vst v63  }
0x72: {  	_ =	swait.ge [sflag:s13], $0x1900  }
0x73: {  	s12 =	rddreg [dreg:$0xf];
	[sflag:s13] =	ssyncset.done $0x0  }
0x74: {  	[sflag:s13] =	ssyncadd.s32 $0xFFFFE700;
	s9 =	sadd.s32 $0x0, s12  }
0x75: {  	[hbm4b:s9+s3] =	stream.linear.scatter [tilespmem:s30], [sflag:$0x3], $0x1900, $0x38;
	[tilespmem:$0x1DB00] =	vst v63  }
0x76: {  	_ =	swait.ge [sflag:s13], $0x1900  }
0x77: {  	s14 =	rddreg [dreg:$0xe];
	[sflag:s13] =	ssyncset.done $0x0  }
0x78: {  	[sflag:s13] =	ssyncadd.s32 $0xFFFFE700;
	s9 =	sadd.s32 $0x0, s14  }
0x79: {  	[hbm4b:s9+s3] =	stream.linear.scatter [tilespmem:s31], [sflag:$0x3], $0x1900, $0x38;
	[tilespmem:$0x1DB00] =	vst v63  }
0x7a: {  	_ =	swait.ge [sflag:s13], $0x1900  }
0x7b: {  	s10 =	rddreg [dreg:$0xd];
	[sflag:s13] =	ssyncset.done $0x0  }
0x7c: {  	[sflag:s13] =	ssyncadd.s32 $0xFFFFE700;
	s9 =	sadd.s32 $0x0, s10  }
0x7d: {  	[hbm4b:s9+s3] =	stream.linear.scatter [tilespmem:s2], [sflag:$0x3], $0x1900, $0x38;
	[tilespmem:$0x1DB00] =	vst v63  }
0x7e: {  	_ =	swait.ge [sflag:s13], $0x1900  }
0x7f: {  	s11 =	rddreg [dreg:$0xc];
	[sflag:s13] =	ssyncset.done $0x0  }
0x80: {  	[sflag:s13] =	ssyncadd.s32 $0xFFFFE700;
	s9 =	sadd.s32 $0x0, s11  }
0x81: {  	[hbm4b:s9+s3] =	stream.linear.scatter [tilespmem:s0], [sflag:$0x3], $0x1900, $0x38;
	[tilespmem:$0x1DB00] =	vst v63  }
0x82: {  	_ =	swait.ge [sflag:s13], $0x1900  }
0x83: {  	s12 =	rddreg [dreg:$0xb];
	[sflag:s13] =	ssyncset.done $0x0  }
0x84: {  	[sflag:s13] =	ssyncadd.s32 $0xFFFFE700;
	s9 =	sadd.s32 $0x0, s12  }
0x85: {  	[hbm4b:s9+s3] =	stream.linear.scatter [tilespmem:s4], [sflag:$0x3], $0x1900, $0x38;
	[tilespmem:$0x1DB00] =	vst v63  }
0x86: {  	_ =	swait.ge [sflag:s13], $0x1900  }
0x87: {  	s14 =	rddreg [dreg:$0xa];
	[sflag:s13] =	ssyncset.done $0x0  }
0x88: {  	[sflag:s13] =	ssyncadd.s32 $0xFFFFE700;
	s9 =	sadd.s32 $0x0, s14  }
0x89: {  	[hbm4b:s9+s3] =	stream.linear.scatter [tilespmem:s5], [sflag:$0x3], $0x1900, $0x38;
	[tilespmem:$0x1DB00] =	vst v63  }
0x8a: {  	s9 =	simm.s32 $0x3800;
	_ =	swait.ge [sflag:s13], $0x1900  }
.LBB2_4:
0x8b: {  	[sflag:s13] =	ssyncset.done $0x0  }
0x8c: {  	s7 =	sadd.s32 $0x320, s7;
	[sflag:s13] =	ssyncadd.s32 $0xFFFFE700  }
0x8d: {  	[tilespmem:s18], [sflag:$0x2] =	stream.indirect.gather [hbm4b:s1+s15], $0x80, s7, s15, $0xb8;
	[tilespmem:$0x1DB00] =	vst v63  }
0x8e: {  	_ =	swait.ge [sflag:s19], $0xC800  }
0x8f: {  	s10 =	smov.u32 s9;
	s11 =	rddreg [dreg:$0x9];
	[sflag:s19] =	ssyncset.done $0x0  }
0x90: {  	[sflag:s19] =	ssyncadd.s32 $0xFFFF3800;
	s11 =	sadd.s32 s10, s11  }
0x91: {  	[hbm4b:s11+s3] =	stream.linear.scatter [tilespmem:s17], [sflag:$0x3], $0x1900, $0x38;
	[tilespmem:$0x1DB00] =	vst v63  }
0x92: {  	_ =	swait.ge [sflag:s13], $0x1900  }
0x93: {  	[sflag:s13] =	ssyncset.done $0x0  }
0x94: {  	s12 =	sadd.s32 $0x380, s11;
	[sflag:s13] =	ssyncadd.s32 $0xFFFFE700  }
0x95: {  	[hbm4b:s12+s3] =	stream.linear.scatter [tilespmem:s20], [sflag:$0x3], $0x1900, $0x38;
	[tilespmem:$0x1DB00] =	vst v63  }
0x96: {  	_ =	swait.ge [sflag:s13], $0x1900  }
0x97: {  	[sflag:s13] =	ssyncset.done $0x0  }
0x98: {  	s14 =	sadd.s32 $0x700, s11;
	[sflag:s13] =	ssyncadd.s32 $0xFFFFE700  }
0x99: {  	[hbm4b:s14+s3] =	stream.linear.scatter [tilespmem:s21], [sflag:$0x3], $0x1900, $0x38;
	[tilespmem:$0x1DB00] =	vst v63  }
0x9a: {  	_ =	swait.ge [sflag:s13], $0x1900  }
0x9b: {  	s14 =	rddreg [dreg:$0x8];
	[sflag:s13] =	ssyncset.done $0x0  }
0x9c: {  	[sflag:s13] =	ssyncadd.s32 $0xFFFFE700;
	s12 =	sadd.s32 s10, s14  }
0x9d: {  	[hbm4b:s12+s3] =	stream.linear.scatter [tilespmem:s22], [sflag:$0x3], $0x1900, $0x38;
	[tilespmem:$0x1DB00] =	vst v63  }
0x9e: {  	_ =	swait.ge [sflag:s13], $0x1900  }
0x9f: {  	s14 =	rddreg [dreg:$0x7];
	[sflag:s13] =	ssyncset.done $0x0  }
0xa0: {  	[sflag:s13] =	ssyncadd.s32 $0xFFFFE700;
	s12 =	sadd.s32 s10, s14  }
0xa1: {  	[hbm4b:s12+s3] =	stream.linear.scatter [tilespmem:s23], [sflag:$0x3], $0x1900, $0x38;
	[tilespmem:$0x1DB00] =	vst v63  }
0xa2: {  	_ =	swait.ge [sflag:s13], $0x1900  }
0xa3: {  	s14 =	rddreg [dreg:$0x6];
	[sflag:s13] =	ssyncset.done $0x0  }
0xa4: {  	[sflag:s13] =	ssyncadd.s32 $0xFFFFE700;
	s12 =	sadd.s32 s10, s14  }
0xa5: {  	[hbm4b:s12+s3] =	stream.linear.scatter [tilespmem:s24], [sflag:$0x3], $0x1900, $0x38;
	[tilespmem:$0x1DB00] =	vst v63  }
0xa6: {  	_ =	swait.ge [sflag:s13], $0x1900  }
0xa7: {  	s14 =	rddreg [dreg:$0x5];
	[sflag:s13] =	ssyncset.done $0x0  }
0xa8: {  	[sflag:s13] =	ssyncadd.s32 $0xFFFFE700;
	s12 =	sadd.s32 s10, s14  }
0xa9: {  	[hbm4b:s12+s3] =	stream.linear.scatter [tilespmem:s25], [sflag:$0x3], $0x1900, $0x38;
	[tilespmem:$0x1DB00] =	vst v63  }
0xaa: {  	s8 =	sadd.s32 $0x2, s8;
	_ =	swait.ge [sflag:s13], $0x1900  }
0xab: {  	s14 =	sand.u32 $0xE, s8;
	s12 =	rddreg [dreg:$0x4];
	[sflag:s13] =	ssyncset.done $0x0  }
0xac: {  	s14 =	smul.u32 $0x640, s14;
	[sflag:s13] =	ssyncadd.s32 $0xFFFFE700;
	s12 =	sadd.s32 s10, s12  }
0xad: {  	[hbm4b:s12+s3] =	stream.linear.scatter [tilespmem:s26], [sflag:$0x3], $0x1900, $0x38;
	[tilespmem:$0x1DB00] =	vst v63  }
0xae: {  	_ =	swait.ge [sflag:s13], $0x1900  }
0xaf: {  	s14 =	sshrl.u32 s14, $0x2;
	[sflag:s13] =	ssyncset.done $0x0  }
0xb0: {  	s12 =	sadd.s32 $0x3200, s14;
	[sflag:s13] =	ssyncadd.s32 $0xFFFFE700  }
0xb1: {  	[tilespmem:s17], [sflag:$0x1] =	stream.indirect.gather [hbm4b:s1+s15], $0x80, s12, s15, $0xb8;
	[tilespmem:$0x1DB00] =	vst v63  }
0xb2: {  	_ =	swait.ge [sflag:s28], $0xC800  }
0xb3: {  	[sflag:s28] =	ssyncset.done $0x0  }
0xb4: {  	s14 =	sadd.s32 $0x1C00, s11;
	[sflag:s28] =	ssyncadd.s32 $0xFFFF3800  }
0xb5: {  	[hbm4b:s14+s3] =	stream.linear.scatter [tilespmem:s18], [sflag:$0x3], $0x1900, $0x38;
	[tilespmem:$0x1DB00] =	vst v63  }
0xb6: {  	_ =	swait.ge [sflag:s13], $0x1900  }
0xb7: {  	[sflag:s13] =	ssyncset.done $0x0  }
0xb8: {  	s11 =	sadd.s32 $0x1F80, s11;
	[sflag:s13] =	ssyncadd.s32 $0xFFFFE700  }
0xb9: {  	[hbm4b:s11+s3] =	stream.linear.scatter [tilespmem:s29], [sflag:$0x3], $0x1900, $0x38;
	[tilespmem:$0x1DB00] =	vst v63  }
0xba: {  	_ =	swait.ge [sflag:s13], $0x1900  }
0xbb: {  	s12 =	rddreg [dreg:$0xf];
	[sflag:s13] =	ssyncset.done $0x0  }
0xbc: {  	[sflag:s13] =	ssyncadd.s32 $0xFFFFE700;
	s11 =	sadd.s32 s10, s12  }
0xbd: {  	[hbm4b:s11+s3] =	stream.linear.scatter [tilespmem:s30], [sflag:$0x3], $0x1900, $0x38;
	[tilespmem:$0x1DB00] =	vst v63  }
0xbe: {  	_ =	swait.ge [sflag:s13], $0x1900  }
0xbf: {  	s14 =	rddreg [dreg:$0xe];
	[sflag:s13] =	ssyncset.done $0x0  }
0xc0: {  	[sflag:s13] =	ssyncadd.s32 $0xFFFFE700;
	s11 =	sadd.s32 s10, s14  }
0xc1: {  	[hbm4b:s11+s3] =	stream.linear.scatter [tilespmem:s31], [sflag:$0x3], $0x1900, $0x38;
	[tilespmem:$0x1DB00] =	vst v63  }
0xc2: {  	_ =	swait.ge [sflag:s13], $0x1900  }
0xc3: {  	s12 =	rddreg [dreg:$0xd];
	[sflag:s13] =	ssyncset.done $0x0  }
0xc4: {  	[sflag:s13] =	ssyncadd.s32 $0xFFFFE700;
	s11 =	sadd.s32 s10, s12  }
0xc5: {  	[hbm4b:s11+s3] =	stream.linear.scatter [tilespmem:s2], [sflag:$0x3], $0x1900, $0x38;
	[tilespmem:$0x1DB00] =	vst v63  }
0xc6: {  	_ =	swait.ge [sflag:s13], $0x1900  }
0xc7: {  	s14 =	rddreg [dreg:$0xc];
	[sflag:s13] =	ssyncset.done $0x0  }
0xc8: {  	[sflag:s13] =	ssyncadd.s32 $0xFFFFE700;
	s11 =	sadd.s32 s10, s14  }
0xc9: {  	[hbm4b:s11+s3] =	stream.linear.scatter [tilespmem:s0], [sflag:$0x3], $0x1900, $0x38;
	[tilespmem:$0x1DB00] =	vst v63  }
0xca: {  	_ =	swait.ge [sflag:s13], $0x1900  }
0xcb: {  	s12 =	rddreg [dreg:$0xb];
	[sflag:s13] =	ssyncset.done $0x0  }
0xcc: {  	p0 =	sne.s32 s9, $0x18800;
	[sflag:s13] =	ssyncadd.s32 $0xFFFFE700;
	s11 =	sadd.s32 s10, s12  }
0xcd: {  	[hbm4b:s11+s3] =	stream.linear.scatter [tilespmem:s4], [sflag:$0x3], $0x1900, $0x38;
	[tilespmem:$0x1DB00] =	vst v63  }
.Ltmp1:
0xce: {  	_ =	swait.ge [sflag:s13], $0x1900;
	(pc) =	sbr.rel @p0 .LBB2_4-.Ltmp1, $4  }
0xcf: {  	s14 =	rddreg [dreg:$0xa];
	[sflag:s13] =	ssyncset.done $0x0  }
0xd0: {  	[sflag:s13] =	ssyncadd.s32 $0xFFFFE700;
	s10 =	sadd.s32 s10, s14  }
0xd1: {  	[hbm4b:s10+s3] =	stream.linear.scatter [tilespmem:s5], [sflag:$0x3], $0x1900, $0x38;
	[tilespmem:$0x1DB00] =	vst v63  }
0xd2: {  	s9 =	sadd.s32 $0x3800, s9;
	_ =	swait.ge [sflag:s13], $0x1900  }
0xd3: {  	[sflag:s13] =	ssyncset.done $0x0  }
0xd4: {  	[sflag:s13] =	ssyncadd.s32 $0xFFFFE700  }
0xd5: {  	_ =	swait.ge [sflag:s19], $0xC800  }
0xd6: {  	[sflag:s19] =	ssyncset.done $0x0  }
0xd7: {  	s7 =	simm.s32 $0x0;
	s8 =	rddreg [dreg:$0x15];
	[sflag:s19] =	ssyncadd.s32 $0xFFFF3800  }
0xd8: {  	[tilespmem:s7], [sflag:$0x3] =	stream.linear.gather [hbm4b:s8+s7], $0x1900, $0x38;
	[tilespmem:$0x1DB00] =	vst v63  }
0xd9: {  	_ =	swait.ge [sflag:s13], $0x1900  }
0xda: {  	[sflag:s13] =	ssyncset.done $0x0  }
0xdb: {  	s14 =	simm.s32 $0x1900;
	s12 =	rddreg [dreg:$0x16];
	[sflag:s13] =	ssyncadd.s32 $0xFFFFE700  }
0xdc: {  	[tilespmem:s14], [sflag:$0x3] =	stream.linear.gather [hbm4b:s12+s7], $0x1900, $0x38;
	[tilespmem:$0x1DB00] =	vst v63  }
0xdd: {  	_ =	swait.ge [sflag:s13], $0x1900  }
0xde: {  	[sflag:s13] =	ssyncset.done $0x0  }
0xdf: {  	s7 =	simm.s32 $0x0;
	[sflag:s13] =	ssyncadd.s32 $0xFFFFE700  }
0xe0: {  	v0 =	vld [tilespmem:s7+$0x0]  }
0xe1: {  	s8 =	simm.s32 $0x40;
	v1 =	vld [tilespmem:s7+$0x1900]  }
.LBB2_6:
0xe2: {  	_ = 	snop  }
0xe3: {  	p0 =	sne.s32 s8, $0x63C0  }
.Ltmp2:
0xe4: {  	_ = 	snop;
	(pc) =	sbr.rel @p0 .LBB2_6-.Ltmp2, $4  }
0xe5: {  	v2 =	vmul.u32 $0x186A0, v0  }
0xe6: {  	s9 =	sshra.s32 s8, $0x2  }
0xe7: {  	v0 =	vld [tilespmem:s9+$0x0];
	v2 =	vadd.s32 v2, v1  }
0xe8: {  	s8 =	sadd.s32 $0x40, s8;
	v1 =	vld [tilespmem:s9+$0x1900];
	[tilespmem:s7+$0x3200] =	vst v2;
	s7 =	smov.u32 s9  }
0xe9: {  	_ =	sdelay $0x2  }
0xea: {  	v0 =	vmul.u32 $0x186A0, v0;
	_ =	sdelay $0x1  }
0xeb: {  	v0 =	vadd.s32 v0, v1  }
0xec: {  	[tilespmem:s7+$0x3200] =	vst v0  }
0xed: {  	[tilespmem:s17], [sflag:$0x1] =	stream.indirect.gather [hbm4b:s1+s15], $0x80, s16, s15, $0xb8;
	[tilespmem:$0x1DB00] =	vst v63  }
0xee: {  	s7 =	simm.s32 $0x3390  }
0xef: {  	[tilespmem:s18], [sflag:$0x2] =	stream.indirect.gather [hbm4b:s1+s15], $0x80, s7, s15, $0xb8;
	[tilespmem:$0x1DB00] =	vst v63  }
0xf0: {  	_ =	swait.ge [sflag:s19], $0xC800  }
0xf1: {  	s8 =	rddreg [dreg:$0x10];
	[sflag:s19] =	ssyncset.done $0x0  }
0xf2: {  	[sflag:s19] =	ssyncadd.s32 $0xFFFF3800;
	s9 =	sadd.s32 $0x0, s8  }
0xf3: {  	[hbm4b:s9+s3] =	stream.linear.scatter [tilespmem:s17], [sflag:$0x3], $0x1900, $0x38;
	[tilespmem:$0x1DB00] =	vst v63  }
0xf4: {  	_ =	swait.ge [sflag:s13], $0x1900  }
0xf5: {  	[sflag:s13] =	ssyncset.done $0x0  }
0xf6: {  	s8 =	sadd.s32 $0x380, s9;
	[sflag:s13] =	ssyncadd.s32 $0xFFFFE700  }
0xf7: {  	[hbm4b:s8+s3] =	stream.linear.scatter [tilespmem:s20], [sflag:$0x3], $0x1900, $0x38;
	[tilespmem:$0x1DB00] =	vst v63  }
0xf8: {  	_ =	swait.ge [sflag:s13], $0x1900  }
0xf9: {  	[sflag:s13] =	ssyncset.done $0x0  }
0xfa: {  	s12 =	sadd.s32 $0x700, s9;
	[sflag:s13] =	ssyncadd.s32 $0xFFFFE700  }
0xfb: {  	[hbm4b:s12+s3] =	stream.linear.scatter [tilespmem:s21], [sflag:$0x3], $0x1900, $0x38;
	[tilespmem:$0x1DB00] =	vst v63  }
0xfc: {  	_ =	swait.ge [sflag:s13], $0x1900  }
0xfd: {  	[sflag:s13] =	ssyncset.done $0x0  }
0xfe: {  	s10 =	sadd.s32 $0xA80, s9;
	[sflag:s13] =	ssyncadd.s32 $0xFFFFE700  }
0xff: {  	[hbm4b:s10+s3] =	stream.linear.scatter [tilespmem:s22], [sflag:$0x3], $0x1900, $0x38;
	[tilespmem:$0x1DB00] =	vst v63  }
0x100: {  	_ =	swait.ge [sflag:s13], $0x1900  }
0x101: {  	[sflag:s13] =	ssyncset.done $0x0  }
0x102: {  	s11 =	sadd.s32 $0xE00, s9;
	[sflag:s13] =	ssyncadd.s32 $0xFFFFE700  }
0x103: {  	[hbm4b:s11+s3] =	stream.linear.scatter [tilespmem:s23], [sflag:$0x3], $0x1900, $0x38;
	[tilespmem:$0x1DB00] =	vst v63  }
0x104: {  	_ =	swait.ge [sflag:s13], $0x1900  }
0x105: {  	[sflag:s13] =	ssyncset.done $0x0  }
0x106: {  	s12 =	sadd.s32 $0x1180, s9;
	[sflag:s13] =	ssyncadd.s32 $0xFFFFE700  }
0x107: {  	[hbm4b:s12+s3] =	stream.linear.scatter [tilespmem:s24], [sflag:$0x3], $0x1900, $0x38;
	[tilespmem:$0x1DB00] =	vst v63  }
0x108: {  	_ =	swait.ge [sflag:s13], $0x1900  }
0x109: {  	[sflag:s13] =	ssyncset.done $0x0  }
0x10a: {  	s10 =	sadd.s32 $0x1500, s9;
	[sflag:s13] =	ssyncadd.s32 $0xFFFFE700  }
0x10b: {  	[hbm4b:s10+s3] =	stream.linear.scatter [tilespmem:s25], [sflag:$0x3], $0x1900, $0x38;
	[tilespmem:$0x1DB00] =	vst v63  }
0x10c: {  	_ =	swait.ge [sflag:s13], $0x1900  }
0x10d: {  	s8 =	simm.s32 $0x2;
	[sflag:s13] =	ssyncset.done $0x0  }
0x10e: {  	s11 =	sand.u32 $0xE, s8;
	s10 =	sadd.s32 $0x1880, s9;
	[sflag:s13] =	ssyncadd.s32 $0xFFFFE700  }
0x10f: {  	[hbm4b:s10+s3] =	stream.linear.scatter [tilespmem:s26], [sflag:$0x3], $0x1900, $0x38;
	[tilespmem:$0x1DB00] =	vst v63  }
0x110: {  	s10 =	smul.u32 $0x640, s11  }
0x111: {  	_ =	swait.ge [sflag:s13], $0x1900  }
0x112: {  	s10 =	sshrl.u32 s10, $0x2;
	[sflag:s13] =	ssyncset.done $0x0  }
0x113: {  	s10 =	sadd.s32 $0x3200, s10;
	[sflag:s13] =	ssyncadd.s32 $0xFFFFE700  }
0x114: {  	[tilespmem:s17], [sflag:$0x1] =	stream.indirect.gather [hbm4b:s1+s15], $0x80, s10, s15, $0xb8;
	[tilespmem:$0x1DB00] =	vst v63  }
0x115: {  	_ =	swait.ge [sflag:s28], $0xC800  }
0x116: {  	[sflag:s28] =	ssyncset.done $0x0  }
0x117: {  	s12 =	sadd.s32 $0x1C00, s9;
	[sflag:s28] =	ssyncadd.s32 $0xFFFF3800  }
0x118: {  	[hbm4b:s12+s3] =	stream.linear.scatter [tilespmem:s18], [sflag:$0x3], $0x1900, $0x38;
	[tilespmem:$0x1DB00] =	vst v63  }
0x119: {  	_ =	swait.ge [sflag:s13], $0x1900  }
0x11a: {  	[sflag:s13] =	ssyncset.done $0x0  }
0x11b: {  	s11 =	sadd.s32 $0x1F80, s9;
	[sflag:s13] =	ssyncadd.s32 $0xFFFFE700  }
0x11c: {  	[hbm4b:s11+s3] =	stream.linear.scatter [tilespmem:s29], [sflag:$0x3], $0x1900, $0x38;
	[tilespmem:$0x1DB00] =	vst v63  }
0x11d: {  	_ =	swait.ge [sflag:s13], $0x1900  }
0x11e: {  	[sflag:s13] =	ssyncset.done $0x0  }
0x11f: {  	s12 =	sadd.s32 $0x2300, s9;
	[sflag:s13] =	ssyncadd.s32 $0xFFFFE700  }
0x120: {  	[hbm4b:s12+s3] =	stream.linear.scatter [tilespmem:s30], [sflag:$0x3], $0x1900, $0x38;
	[tilespmem:$0x1DB00] =	vst v63  }
0x121: {  	_ =	swait.ge [sflag:s13], $0x1900  }
0x122: {  	[sflag:s13] =	ssyncset.done $0x0  }
0x123: {  	s11 =	sadd.s32 $0x2680, s9;
	[sflag:s13] =	ssyncadd.s32 $0xFFFFE700  }
0x124: {  	[hbm4b:s11+s3] =	stream.linear.scatter [tilespmem:s31], [sflag:$0x3], $0x1900, $0x38;
	[tilespmem:$0x1DB00] =	vst v63  }
0x125: {  	_ =	swait.ge [sflag:s13], $0x1900  }
0x126: {  	[sflag:s13] =	ssyncset.done $0x0  }
0x127: {  	s12 =	sadd.s32 $0x2A00, s9;
	[sflag:s13] =	ssyncadd.s32 $0xFFFFE700  }
0x128: {  	[hbm4b:s12+s3] =	stream.linear.scatter [tilespmem:s2], [sflag:$0x3], $0x1900, $0x38;
	[tilespmem:$0x1DB00] =	vst v63  }
0x129: {  	_ =	swait.ge [sflag:s13], $0x1900  }
0x12a: {  	[sflag:s13] =	ssyncset.done $0x0  }
0x12b: {  	s11 =	sadd.s32 $0x2D80, s9;
	[sflag:s13] =	ssyncadd.s32 $0xFFFFE700  }
0x12c: {  	[hbm4b:s11+s3] =	stream.linear.scatter [tilespmem:s0], [sflag:$0x3], $0x1900, $0x38;
	[tilespmem:$0x1DB00] =	vst v63  }
0x12d: {  	_ =	swait.ge [sflag:s13], $0x1900  }
0x12e: {  	[sflag:s13] =	ssyncset.done $0x0  }
0x12f: {  	s12 =	sadd.s32 $0x3100, s9;
	[sflag:s13] =	ssyncadd.s32 $0xFFFFE700  }
0x130: {  	[hbm4b:s12+s3] =	stream.linear.scatter [tilespmem:s4], [sflag:$0x3], $0x1900, $0x38;
	[tilespmem:$0x1DB00] =	vst v63  }
0x131: {  	_ =	swait.ge [sflag:s13], $0x1900  }
0x132: {  	[sflag:s13] =	ssyncset.done $0x0  }
0x133: {  	s9 =	sadd.s32 $0x3480, s9;
	[sflag:s13] =	ssyncadd.s32 $0xFFFFE700  }
0x134: {  	[hbm4b:s9+s3] =	stream.linear.scatter [tilespmem:s5], [sflag:$0x3], $0x1900, $0x38;
	[tilespmem:$0x1DB00] =	vst v63  }
0x135: {  	s9 =	simm.s32 $0x3800;
	_ =	swait.ge [sflag:s13], $0x1900  }
.LBB2_8:
0x136: {  	[sflag:s13] =	ssyncset.done $0x0  }
0x137: {  	s7 =	sadd.s32 $0x320, s7;
	[sflag:s13] =	ssyncadd.s32 $0xFFFFE700  }
0x138: {  	[tilespmem:s18], [sflag:$0x2] =	stream.indirect.gather [hbm4b:s1+s15], $0x80, s7, s15, $0xb8;
	[tilespmem:$0x1DB00] =	vst v63  }
0x139: {  	_ =	swait.ge [sflag:s19], $0xC800  }
0x13a: {  	s10 =	smov.u32 s9;
	s11 =	rddreg [dreg:$0x10];
	[sflag:s19] =	ssyncset.done $0x0  }
0x13b: {  	[sflag:s19] =	ssyncadd.s32 $0xFFFF3800;
	s10 =	sadd.s32 s10, s11  }
0x13c: {  	[hbm4b:s10+s3] =	stream.linear.scatter [tilespmem:s17], [sflag:$0x3], $0x1900, $0x38;
	[tilespmem:$0x1DB00] =	vst v63  }
0x13d: {  	_ =	swait.ge [sflag:s13], $0x1900  }
0x13e: {  	[sflag:s13] =	ssyncset.done $0x0  }
0x13f: {  	s11 =	sadd.s32 $0x380, s10;
	[sflag:s13] =	ssyncadd.s32 $0xFFFFE700  }
0x140: {  	[hbm4b:s11+s3] =	stream.linear.scatter [tilespmem:s20], [sflag:$0x3], $0x1900, $0x38;
	[tilespmem:$0x1DB00] =	vst v63  }
0x141: {  	_ =	swait.ge [sflag:s13], $0x1900  }
0x142: {  	[sflag:s13] =	ssyncset.done $0x0  }
0x143: {  	s12 =	sadd.s32 $0x700, s10;
	[sflag:s13] =	ssyncadd.s32 $0xFFFFE700  }
0x144: {  	[hbm4b:s12+s3] =	stream.linear.scatter [tilespmem:s21], [sflag:$0x3], $0x1900, $0x38;
	[tilespmem:$0x1DB00] =	vst v63  }
0x145: {  	_ =	swait.ge [sflag:s13], $0x1900  }
0x146: {  	[sflag:s13] =	ssyncset.done $0x0  }
0x147: {  	s12 =	sadd.s32 $0xA80, s10;
	[sflag:s13] =	ssyncadd.s32 $0xFFFFE700  }
0x148: {  	[hbm4b:s12+s3] =	stream.linear.scatter [tilespmem:s22], [sflag:$0x3], $0x1900, $0x38;
	[tilespmem:$0x1DB00] =	vst v63  }
0x149: {  	_ =	swait.ge [sflag:s13], $0x1900  }
0x14a: {  	[sflag:s13] =	ssyncset.done $0x0  }
0x14b: {  	s12 =	sadd.s32 $0xE00, s10;
	[sflag:s13] =	ssyncadd.s32 $0xFFFFE700  }
0x14c: {  	[hbm4b:s12+s3] =	stream.linear.scatter [tilespmem:s23], [sflag:$0x3], $0x1900, $0x38;
	[tilespmem:$0x1DB00] =	vst v63  }
0x14d: {  	_ =	swait.ge [sflag:s13], $0x1900  }
0x14e: {  	[sflag:s13] =	ssyncset.done $0x0  }
0x14f: {  	s12 =	sadd.s32 $0x1180, s10;
	[sflag:s13] =	ssyncadd.s32 $0xFFFFE700  }
0x150: {  	[hbm4b:s12+s3] =	stream.linear.scatter [tilespmem:s24], [sflag:$0x3], $0x1900, $0x38;
	[tilespmem:$0x1DB00] =	vst v63  }
0x151: {  	_ =	swait.ge [sflag:s13], $0x1900  }
0x152: {  	[sflag:s13] =	ssyncset.done $0x0  }
0x153: {  	s12 =	sadd.s32 $0x1500, s10;
	[sflag:s13] =	ssyncadd.s32 $0xFFFFE700  }
0x154: {  	[hbm4b:s12+s3] =	stream.linear.scatter [tilespmem:s25], [sflag:$0x3], $0x1900, $0x38;
	[tilespmem:$0x1DB00] =	vst v63  }
0x155: {  	s8 =	sadd.s32 $0x2, s8;
	_ =	swait.ge [sflag:s13], $0x1900  }
0x156: {  	s12 =	sand.u32 $0xE, s8;
	[sflag:s13] =	ssyncset.done $0x0  }
0x157: {  	s11 =	sadd.s32 $0x1880, s10;
	s12 =	smul.u32 $0x640, s12;
	[sflag:s13] =	ssyncadd.s32 $0xFFFFE700  }
0x158: {  	[hbm4b:s11+s3] =	stream.linear.scatter [tilespmem:s26], [sflag:$0x3], $0x1900, $0x38;
	[tilespmem:$0x1DB00] =	vst v63  }
0x159: {  	_ =	swait.ge [sflag:s13], $0x1900  }
0x15a: {  	s12 =	sshrl.u32 s12, $0x2;
	[sflag:s13] =	ssyncset.done $0x0  }
0x15b: {  	s11 =	sadd.s32 $0x3200, s12;
	[sflag:s13] =	ssyncadd.s32 $0xFFFFE700  }
0x15c: {  	[tilespmem:s17], [sflag:$0x1] =	stream.indirect.gather [hbm4b:s1+s15], $0x80, s11, s15, $0xb8;
	[tilespmem:$0x1DB00] =	vst v63  }
0x15d: {  	_ =	swait.ge [sflag:s28], $0xC800  }
0x15e: {  	[sflag:s28] =	ssyncset.done $0x0  }
0x15f: {  	s12 =	sadd.s32 $0x1C00, s10;
	[sflag:s28] =	ssyncadd.s32 $0xFFFF3800  }
0x160: {  	[hbm4b:s12+s3] =	stream.linear.scatter [tilespmem:s18], [sflag:$0x3], $0x1900, $0x38;
	[tilespmem:$0x1DB00] =	vst v63  }
0x161: {  	_ =	swait.ge [sflag:s13], $0x1900  }
0x162: {  	[sflag:s13] =	ssyncset.done $0x0  }
0x163: {  	s12 =	sadd.s32 $0x1F80, s10;
	[sflag:s13] =	ssyncadd.s32 $0xFFFFE700  }
0x164: {  	[hbm4b:s12+s3] =	stream.linear.scatter [tilespmem:s29], [sflag:$0x3], $0x1900, $0x38;
	[tilespmem:$0x1DB00] =	vst v63  }
0x165: {  	_ =	swait.ge [sflag:s13], $0x1900  }
0x166: {  	[sflag:s13] =	ssyncset.done $0x0  }
0x167: {  	s12 =	sadd.s32 $0x2300, s10;
	[sflag:s13] =	ssyncadd.s32 $0xFFFFE700  }
0x168: {  	[hbm4b:s12+s3] =	stream.linear.scatter [tilespmem:s30], [sflag:$0x3], $0x1900, $0x38;
	[tilespmem:$0x1DB00] =	vst v63  }
0x169: {  	_ =	swait.ge [sflag:s13], $0x1900  }
0x16a: {  	[sflag:s13] =	ssyncset.done $0x0  }
0x16b: {  	s12 =	sadd.s32 $0x2680, s10;
	[sflag:s13] =	ssyncadd.s32 $0xFFFFE700  }
0x16c: {  	[hbm4b:s12+s3] =	stream.linear.scatter [tilespmem:s31], [sflag:$0x3], $0x1900, $0x38;
	[tilespmem:$0x1DB00] =	vst v63  }
0x16d: {  	_ =	swait.ge [sflag:s13], $0x1900  }
0x16e: {  	[sflag:s13] =	ssyncset.done $0x0  }
0x16f: {  	s12 =	sadd.s32 $0x2A00, s10;
	[sflag:s13] =	ssyncadd.s32 $0xFFFFE700  }
0x170: {  	[hbm4b:s12+s3] =	stream.linear.scatter [tilespmem:s2], [sflag:$0x3], $0x1900, $0x38;
	[tilespmem:$0x1DB00] =	vst v63  }
0x171: {  	_ =	swait.ge [sflag:s13], $0x1900  }
0x172: {  	[sflag:s13] =	ssyncset.done $0x0  }
0x173: {  	s12 =	sadd.s32 $0x2D80, s10;
	[sflag:s13] =	ssyncadd.s32 $0xFFFFE700  }
0x174: {  	[hbm4b:s12+s3] =	stream.linear.scatter [tilespmem:s0], [sflag:$0x3], $0x1900, $0x38;
	[tilespmem:$0x1DB00] =	vst v63  }
0x175: {  	_ =	swait.ge [sflag:s13], $0x1900  }
0x176: {  	[sflag:s13] =	ssyncset.done $0x0  }
0x177: {  	p0 =	sne.s32 s9, $0x18800;
	s12 =	sadd.s32 $0x3100, s10;
	[sflag:s13] =	ssyncadd.s32 $0xFFFFE700  }
0x178: {  	[hbm4b:s12+s3] =	stream.linear.scatter [tilespmem:s4], [sflag:$0x3], $0x1900, $0x38;
	[tilespmem:$0x1DB00] =	vst v63  }
.Ltmp3:
0x179: {  	_ =	swait.ge [sflag:s13], $0x1900;
	(pc) =	sbr.rel @p0 .LBB2_8-.Ltmp3, $4  }
0x17a: {  	[sflag:s13] =	ssyncset.done $0x0  }
0x17b: {  	s10 =	sadd.s32 $0x3480, s10;
	[sflag:s13] =	ssyncadd.s32 $0xFFFFE700  }
0x17c: {  	[hbm4b:s10+s3] =	stream.linear.scatter [tilespmem:s5], [sflag:$0x3], $0x1900, $0x38;
	[tilespmem:$0x1DB00] =	vst v63  }
0x17d: {  	s9 =	sadd.s32 $0x3800, s9;
	_ =	swait.ge [sflag:s13], $0x1900  }
0x17e: {  	[sflag:s13] =	ssyncset.done $0x0  }
0x17f: {  	[sflag:s13] =	ssyncadd.s32 $0xFFFFE700  }
0x180: {  	_ =	swait.ge [sflag:s19], $0xC800  }
0x181: {  	[sflag:s19] =	ssyncset.done $0x0  }
0x182: {  	s7 =	simm.s32 $0x0;
	s8 =	rddreg [dreg:$0x17];
	[sflag:s19] =	ssyncadd.s32 $0xFFFF3800  }
0x183: {  	[tilespmem:s7], [sflag:$0x3] =	stream.linear.gather [hbm4b:s8+s7], $0x1900, $0x38;
	[tilespmem:$0x1DB00] =	vst v63  }
0x184: {  	_ =	swait.ge [sflag:s13], $0x1900  }
0x185: {  	[sflag:s13] =	ssyncset.done $0x0  }
0x186: {  	s12 =	rddreg [dreg:$0x18];
	[sflag:s13] =	ssyncadd.s32 $0xFFFFE700  }
0x187: {  	[tilespmem:s14], [sflag:$0x3] =	stream.linear.gather [hbm4b:s12+s7], $0x1900, $0x38;
	[tilespmem:$0x1DB00] =	vst v63  }
0x188: {  	_ =	swait.ge [sflag:s13], $0x1900  }
0x189: {  	[sflag:s13] =	ssyncset.done $0x0  }
0x18a: {  	s7 =	simm.s32 $0x0;
	[sflag:s13] =	ssyncadd.s32 $0xFFFFE700  }
0x18b: {  	v0 =	vld [tilespmem:s7+$0x0]  }
0x18c: {  	s8 =	simm.s32 $0x40;
	v1 =	vld [tilespmem:s7+$0x1900]  }
.LBB2_10:
0x18d: {  	_ = 	snop  }
0x18e: {  	p0 =	sne.s32 s8, $0x63C0  }
.Ltmp4:
0x18f: {  	_ = 	snop;
	(pc) =	sbr.rel @p0 .LBB2_10-.Ltmp4, $4  }
0x190: {  	v2 =	vmul.u32 $0x186A0, v0  }
0x191: {  	s9 =	sshra.s32 s8, $0x2  }
0x192: {  	v0 =	vld [tilespmem:s9+$0x0];
	v2 =	vadd.s32 v2, v1  }
0x193: {  	s8 =	sadd.s32 $0x40, s8;
	v1 =	vld [tilespmem:s9+$0x1900];
	[tilespmem:s7+$0x3200] =	vst v2;
	s7 =	smov.u32 s9  }
0x194: {  	_ =	sdelay $0x2  }
0x195: {  	v0 =	vmul.u32 $0x186A0, v0;
	_ =	sdelay $0x1  }
0x196: {  	v0 =	vadd.s32 v0, v1  }
0x197: {  	[tilespmem:s7+$0x3200] =	vst v0  }
0x198: {  	[tilespmem:s17], [sflag:$0x1] =	stream.indirect.gather [hbm4b:s1+s15], $0x80, s16, s15, $0xb8;
	[tilespmem:$0x1DB00] =	vst v63  }
0x199: {  	s7 =	simm.s32 $0x3390  }
0x19a: {  	[tilespmem:s18], [sflag:$0x2] =	stream.indirect.gather [hbm4b:s1+s15], $0x80, s7, s15, $0xb8;
	[tilespmem:$0x1DB00] =	vst v63  }
0x19b: {  	_ =	swait.ge [sflag:s19], $0xC800  }
0x19c: {  	s8 =	rddreg [dreg:$0x11];
	[sflag:s19] =	ssyncset.done $0x0  }
0x19d: {  	[sflag:s19] =	ssyncadd.s32 $0xFFFF3800;
	s9 =	sadd.s32 $0x0, s8  }
0x19e: {  	[hbm4b:s9+s3] =	stream.linear.scatter [tilespmem:s17], [sflag:$0x3], $0x1900, $0x38;
	[tilespmem:$0x1DB00] =	vst v63  }
0x19f: {  	_ =	swait.ge [sflag:s13], $0x1900  }
0x1a0: {  	[sflag:s13] =	ssyncset.done $0x0  }
0x1a1: {  	s8 =	sadd.s32 $0x380, s9;
	[sflag:s13] =	ssyncadd.s32 $0xFFFFE700  }
0x1a2: {  	[hbm4b:s8+s3] =	stream.linear.scatter [tilespmem:s20], [sflag:$0x3], $0x1900, $0x38;
	[tilespmem:$0x1DB00] =	vst v63  }
0x1a3: {  	_ =	swait.ge [sflag:s13], $0x1900  }
0x1a4: {  	[sflag:s13] =	ssyncset.done $0x0  }
0x1a5: {  	s12 =	sadd.s32 $0x700, s9;
	[sflag:s13] =	ssyncadd.s32 $0xFFFFE700  }
0x1a6: {  	[hbm4b:s12+s3] =	stream.linear.scatter [tilespmem:s21], [sflag:$0x3], $0x1900, $0x38;
	[tilespmem:$0x1DB00] =	vst v63  }
0x1a7: {  	_ =	swait.ge [sflag:s13], $0x1900  }
0x1a8: {  	[sflag:s13] =	ssyncset.done $0x0  }
0x1a9: {  	s10 =	sadd.s32 $0xA80, s9;
	[sflag:s13] =	ssyncadd.s32 $0xFFFFE700  }
0x1aa: {  	[hbm4b:s10+s3] =	stream.linear.scatter [tilespmem:s22], [sflag:$0x3], $0x1900, $0x38;
	[tilespmem:$0x1DB00] =	vst v63  }
0x1ab: {  	_ =	swait.ge [sflag:s13], $0x1900  }
0x1ac: {  	[sflag:s13] =	ssyncset.done $0x0  }
0x1ad: {  	s11 =	sadd.s32 $0xE00, s9;
	[sflag:s13] =	ssyncadd.s32 $0xFFFFE700  }
0x1ae: {  	[hbm4b:s11+s3] =	stream.linear.scatter [tilespmem:s23], [sflag:$0x3], $0x1900, $0x38;
	[tilespmem:$0x1DB00] =	vst v63  }
0x1af: {  	_ =	swait.ge [sflag:s13], $0x1900  }
0x1b0: {  	[sflag:s13] =	ssyncset.done $0x0  }
0x1b1: {  	s12 =	sadd.s32 $0x1180, s9;
	[sflag:s13] =	ssyncadd.s32 $0xFFFFE700  }
0x1b2: {  	[hbm4b:s12+s3] =	stream.linear.scatter [tilespmem:s24], [sflag:$0x3], $0x1900, $0x38;
	[tilespmem:$0x1DB00] =	vst v63  }
0x1b3: {  	_ =	swait.ge [sflag:s13], $0x1900  }
0x1b4: {  	[sflag:s13] =	ssyncset.done $0x0  }
0x1b5: {  	s10 =	sadd.s32 $0x1500, s9;
	[sflag:s13] =	ssyncadd.s32 $0xFFFFE700  }
0x1b6: {  	[hbm4b:s10+s3] =	stream.linear.scatter [tilespmem:s25], [sflag:$0x3], $0x1900, $0x38;
	[tilespmem:$0x1DB00] =	vst v63  }
0x1b7: {  	_ =	swait.ge [sflag:s13], $0x1900  }
0x1b8: {  	s8 =	simm.s32 $0x2;
	[sflag:s13] =	ssyncset.done $0x0  }
0x1b9: {  	s11 =	sand.u32 $0xE, s8;
	s10 =	sadd.s32 $0x1880, s9;
	[sflag:s13] =	ssyncadd.s32 $0xFFFFE700  }
0x1ba: {  	[hbm4b:s10+s3] =	stream.linear.scatter [tilespmem:s26], [sflag:$0x3], $0x1900, $0x38;
	[tilespmem:$0x1DB00] =	vst v63  }
0x1bb: {  	s10 =	smul.u32 $0x640, s11  }
0x1bc: {  	_ =	swait.ge [sflag:s13], $0x1900  }
0x1bd: {  	s10 =	sshrl.u32 s10, $0x2;
	[sflag:s13] =	ssyncset.done $0x0  }
0x1be: {  	s10 =	sadd.s32 $0x3200, s10;
	[sflag:s13] =	ssyncadd.s32 $0xFFFFE700  }
0x1bf: {  	[tilespmem:s17], [sflag:$0x1] =	stream.indirect.gather [hbm4b:s1+s15], $0x80, s10, s15, $0xb8;
	[tilespmem:$0x1DB00] =	vst v63  }
0x1c0: {  	_ =	swait.ge [sflag:s28], $0xC800  }
0x1c1: {  	[sflag:s28] =	ssyncset.done $0x0  }
0x1c2: {  	s12 =	sadd.s32 $0x1C00, s9;
	[sflag:s28] =	ssyncadd.s32 $0xFFFF3800  }
0x1c3: {  	[hbm4b:s12+s3] =	stream.linear.scatter [tilespmem:s18], [sflag:$0x3], $0x1900, $0x38;
	[tilespmem:$0x1DB00] =	vst v63  }
0x1c4: {  	_ =	swait.ge [sflag:s13], $0x1900  }
0x1c5: {  	[sflag:s13] =	ssyncset.done $0x0  }
0x1c6: {  	s11 =	sadd.s32 $0x1F80, s9;
	[sflag:s13] =	ssyncadd.s32 $0xFFFFE700  }
0x1c7: {  	[hbm4b:s11+s3] =	stream.linear.scatter [tilespmem:s29], [sflag:$0x3], $0x1900, $0x38;
	[tilespmem:$0x1DB00] =	vst v63  }
0x1c8: {  	_ =	swait.ge [sflag:s13], $0x1900  }
0x1c9: {  	[sflag:s13] =	ssyncset.done $0x0  }
0x1ca: {  	s12 =	sadd.s32 $0x2300, s9;
	[sflag:s13] =	ssyncadd.s32 $0xFFFFE700  }
0x1cb: {  	[hbm4b:s12+s3] =	stream.linear.scatter [tilespmem:s30], [sflag:$0x3], $0x1900, $0x38;
	[tilespmem:$0x1DB00] =	vst v63  }
0x1cc: {  	_ =	swait.ge [sflag:s13], $0x1900  }
0x1cd: {  	[sflag:s13] =	ssyncset.done $0x0  }
0x1ce: {  	s11 =	sadd.s32 $0x2680, s9;
	[sflag:s13] =	ssyncadd.s32 $0xFFFFE700  }
0x1cf: {  	[hbm4b:s11+s3] =	stream.linear.scatter [tilespmem:s31], [sflag:$0x3], $0x1900, $0x38;
	[tilespmem:$0x1DB00] =	vst v63  }
0x1d0: {  	_ =	swait.ge [sflag:s13], $0x1900  }
0x1d1: {  	[sflag:s13] =	ssyncset.done $0x0  }
0x1d2: {  	s12 =	sadd.s32 $0x2A00, s9;
	[sflag:s13] =	ssyncadd.s32 $0xFFFFE700  }
0x1d3: {  	[hbm4b:s12+s3] =	stream.linear.scatter [tilespmem:s2], [sflag:$0x3], $0x1900, $0x38;
	[tilespmem:$0x1DB00] =	vst v63  }
0x1d4: {  	_ =	swait.ge [sflag:s13], $0x1900  }
0x1d5: {  	[sflag:s13] =	ssyncset.done $0x0  }
0x1d6: {  	s11 =	sadd.s32 $0x2D80, s9;
	[sflag:s13] =	ssyncadd.s32 $0xFFFFE700  }
0x1d7: {  	[hbm4b:s11+s3] =	stream.linear.scatter [tilespmem:s0], [sflag:$0x3], $0x1900, $0x38;
	[tilespmem:$0x1DB00] =	vst v63  }
0x1d8: {  	_ =	swait.ge [sflag:s13], $0x1900  }
0x1d9: {  	[sflag:s13] =	ssyncset.done $0x0  }
0x1da: {  	s12 =	sadd.s32 $0x3100, s9;
	[sflag:s13] =	ssyncadd.s32 $0xFFFFE700  }
0x1db: {  	[hbm4b:s12+s3] =	stream.linear.scatter [tilespmem:s4], [sflag:$0x3], $0x1900, $0x38;
	[tilespmem:$0x1DB00] =	vst v63  }
0x1dc: {  	_ =	swait.ge [sflag:s13], $0x1900  }
0x1dd: {  	[sflag:s13] =	ssyncset.done $0x0  }
0x1de: {  	s9 =	sadd.s32 $0x3480, s9;
	[sflag:s13] =	ssyncadd.s32 $0xFFFFE700  }
0x1df: {  	[hbm4b:s9+s3] =	stream.linear.scatter [tilespmem:s5], [sflag:$0x3], $0x1900, $0x38;
	[tilespmem:$0x1DB00] =	vst v63  }
0x1e0: {  	s9 =	simm.s32 $0x3800;
	_ =	swait.ge [sflag:s13], $0x1900  }
.LBB2_12:
0x1e1: {  	[sflag:s13] =	ssyncset.done $0x0  }
0x1e2: {  	s7 =	sadd.s32 $0x320, s7;
	[sflag:s13] =	ssyncadd.s32 $0xFFFFE700  }
0x1e3: {  	[tilespmem:s18], [sflag:$0x2] =	stream.indirect.gather [hbm4b:s1+s15], $0x80, s7, s15, $0xb8;
	[tilespmem:$0x1DB00] =	vst v63  }
0x1e4: {  	_ =	swait.ge [sflag:s19], $0xC800  }
0x1e5: {  	s10 =	smov.u32 s9;
	s11 =	rddreg [dreg:$0x11];
	[sflag:s19] =	ssyncset.done $0x0  }
0x1e6: {  	[sflag:s19] =	ssyncadd.s32 $0xFFFF3800;
	s10 =	sadd.s32 s10, s11  }
0x1e7: {  	[hbm4b:s10+s3] =	stream.linear.scatter [tilespmem:s17], [sflag:$0x3], $0x1900, $0x38;
	[tilespmem:$0x1DB00] =	vst v63  }
0x1e8: {  	_ =	swait.ge [sflag:s13], $0x1900  }
0x1e9: {  	[sflag:s13] =	ssyncset.done $0x0  }
0x1ea: {  	s11 =	sadd.s32 $0x380, s10;
	[sflag:s13] =	ssyncadd.s32 $0xFFFFE700  }
0x1eb: {  	[hbm4b:s11+s3] =	stream.linear.scatter [tilespmem:s20], [sflag:$0x3], $0x1900, $0x38;
	[tilespmem:$0x1DB00] =	vst v63  }
0x1ec: {  	_ =	swait.ge [sflag:s13], $0x1900  }
0x1ed: {  	[sflag:s13] =	ssyncset.done $0x0  }
0x1ee: {  	s12 =	sadd.s32 $0x700, s10;
	[sflag:s13] =	ssyncadd.s32 $0xFFFFE700  }
0x1ef: {  	[hbm4b:s12+s3] =	stream.linear.scatter [tilespmem:s21], [sflag:$0x3], $0x1900, $0x38;
	[tilespmem:$0x1DB00] =	vst v63  }
0x1f0: {  	_ =	swait.ge [sflag:s13], $0x1900  }
0x1f1: {  	[sflag:s13] =	ssyncset.done $0x0  }
0x1f2: {  	s12 =	sadd.s32 $0xA80, s10;
	[sflag:s13] =	ssyncadd.s32 $0xFFFFE700  }
0x1f3: {  	[hbm4b:s12+s3] =	stream.linear.scatter [tilespmem:s22], [sflag:$0x3], $0x1900, $0x38;
	[tilespmem:$0x1DB00] =	vst v63  }
0x1f4: {  	_ =	swait.ge [sflag:s13], $0x1900  }
0x1f5: {  	[sflag:s13] =	ssyncset.done $0x0  }
0x1f6: {  	s12 =	sadd.s32 $0xE00, s10;
	[sflag:s13] =	ssyncadd.s32 $0xFFFFE700  }
0x1f7: {  	[hbm4b:s12+s3] =	stream.linear.scatter [tilespmem:s23], [sflag:$0x3], $0x1900, $0x38;
	[tilespmem:$0x1DB00] =	vst v63  }
0x1f8: {  	_ =	swait.ge [sflag:s13], $0x1900  }
0x1f9: {  	[sflag:s13] =	ssyncset.done $0x0  }
0x1fa: {  	s12 =	sadd.s32 $0x1180, s10;
	[sflag:s13] =	ssyncadd.s32 $0xFFFFE700  }
0x1fb: {  	[hbm4b:s12+s3] =	stream.linear.scatter [tilespmem:s24], [sflag:$0x3], $0x1900, $0x38;
	[tilespmem:$0x1DB00] =	vst v63  }
0x1fc: {  	_ =	swait.ge [sflag:s13], $0x1900  }
0x1fd: {  	[sflag:s13] =	ssyncset.done $0x0  }
0x1fe: {  	s12 =	sadd.s32 $0x1500, s10;
	[sflag:s13] =	ssyncadd.s32 $0xFFFFE700  }
0x1ff: {  	[hbm4b:s12+s3] =	stream.linear.scatter [tilespmem:s25], [sflag:$0x3], $0x1900, $0x38;
	[tilespmem:$0x1DB00] =	vst v63  }
0x200: {  	s8 =	sadd.s32 $0x2, s8;
	_ =	swait.ge [sflag:s13], $0x1900  }
0x201: {  	s12 =	sand.u32 $0xE, s8;
	[sflag:s13] =	ssyncset.done $0x0  }
0x202: {  	s11 =	sadd.s32 $0x1880, s10;
	s12 =	smul.u32 $0x640, s12;
	[sflag:s13] =	ssyncadd.s32 $0xFFFFE700  }
0x203: {  	[hbm4b:s11+s3] =	stream.linear.scatter [tilespmem:s26], [sflag:$0x3], $0x1900, $0x38;
	[tilespmem:$0x1DB00] =	vst v63  }
0x204: {  	_ =	swait.ge [sflag:s13], $0x1900  }
0x205: {  	s12 =	sshrl.u32 s12, $0x2;
	[sflag:s13] =	ssyncset.done $0x0  }
0x206: {  	s11 =	sadd.s32 $0x3200, s12;
	[sflag:s13] =	ssyncadd.s32 $0xFFFFE700  }
0x207: {  	[tilespmem:s17], [sflag:$0x1] =	stream.indirect.gather [hbm4b:s1+s15], $0x80, s11, s15, $0xb8;
	[tilespmem:$0x1DB00] =	vst v63  }
0x208: {  	_ =	swait.ge [sflag:s28], $0xC800  }
0x209: {  	[sflag:s28] =	ssyncset.done $0x0  }
0x20a: {  	s12 =	sadd.s32 $0x1C00, s10;
	[sflag:s28] =	ssyncadd.s32 $0xFFFF3800  }
0x20b: {  	[hbm4b:s12+s3] =	stream.linear.scatter [tilespmem:s18], [sflag:$0x3], $0x1900, $0x38;
	[tilespmem:$0x1DB00] =	vst v63  }
0x20c: {  	_ =	swait.ge [sflag:s13], $0x1900  }
0x20d: {  	[sflag:s13] =	ssyncset.done $0x0  }
0x20e: {  	s12 =	sadd.s32 $0x1F80, s10;
	[sflag:s13] =	ssyncadd.s32 $0xFFFFE700  }
0x20f: {  	[hbm4b:s12+s3] =	stream.linear.scatter [tilespmem:s29], [sflag:$0x3], $0x1900, $0x38;
	[tilespmem:$0x1DB00] =	vst v63  }
0x210: {  	_ =	swait.ge [sflag:s13], $0x1900  }
0x211: {  	[sflag:s13] =	ssyncset.done $0x0  }
0x212: {  	s12 =	sadd.s32 $0x2300, s10;
	[sflag:s13] =	ssyncadd.s32 $0xFFFFE700  }
0x213: {  	[hbm4b:s12+s3] =	stream.linear.scatter [tilespmem:s30], [sflag:$0x3], $0x1900, $0x38;
	[tilespmem:$0x1DB00] =	vst v63  }
0x214: {  	_ =	swait.ge [sflag:s13], $0x1900  }
0x215: {  	[sflag:s13] =	ssyncset.done $0x0  }
0x216: {  	s12 =	sadd.s32 $0x2680, s10;
	[sflag:s13] =	ssyncadd.s32 $0xFFFFE700  }
0x217: {  	[hbm4b:s12+s3] =	stream.linear.scatter [tilespmem:s31], [sflag:$0x3], $0x1900, $0x38;
	[tilespmem:$0x1DB00] =	vst v63  }
0x218: {  	_ =	swait.ge [sflag:s13], $0x1900  }
0x219: {  	[sflag:s13] =	ssyncset.done $0x0  }
0x21a: {  	s12 =	sadd.s32 $0x2A00, s10;
	[sflag:s13] =	ssyncadd.s32 $0xFFFFE700  }
0x21b: {  	[hbm4b:s12+s3] =	stream.linear.scatter [tilespmem:s2], [sflag:$0x3], $0x1900, $0x38;
	[tilespmem:$0x1DB00] =	vst v63  }
0x21c: {  	_ =	swait.ge [sflag:s13], $0x1900  }
0x21d: {  	[sflag:s13] =	ssyncset.done $0x0  }
0x21e: {  	s12 =	sadd.s32 $0x2D80, s10;
	[sflag:s13] =	ssyncadd.s32 $0xFFFFE700  }
0x21f: {  	[hbm4b:s12+s3] =	stream.linear.scatter [tilespmem:s0], [sflag:$0x3], $0x1900, $0x38;
	[tilespmem:$0x1DB00] =	vst v63  }
0x220: {  	_ =	swait.ge [sflag:s13], $0x1900  }
0x221: {  	[sflag:s13] =	ssyncset.done $0x0  }
0x222: {  	p0 =	sne.s32 s9, $0x18800;
	s12 =	sadd.s32 $0x3100, s10;
	[sflag:s13] =	ssyncadd.s32 $0xFFFFE700  }
0x223: {  	[hbm4b:s12+s3] =	stream.linear.scatter [tilespmem:s4], [sflag:$0x3], $0x1900, $0x38;
	[tilespmem:$0x1DB00] =	vst v63  }
.Ltmp5:
0x224: {  	_ =	swait.ge [sflag:s13], $0x1900;
	(pc) =	sbr.rel @p0 .LBB2_12-.Ltmp5, $4  }
0x225: {  	[sflag:s13] =	ssyncset.done $0x0  }
0x226: {  	s10 =	sadd.s32 $0x3480, s10;
	[sflag:s13] =	ssyncadd.s32 $0xFFFFE700  }
0x227: {  	[hbm4b:s10+s3] =	stream.linear.scatter [tilespmem:s5], [sflag:$0x3], $0x1900, $0x38;
	[tilespmem:$0x1DB00] =	vst v63  }
0x228: {  	s9 =	sadd.s32 $0x3800, s9;
	_ =	swait.ge [sflag:s13], $0x1900  }
0x229: {  	[sflag:s13] =	ssyncset.done $0x0  }
0x22a: {  	[sflag:s13] =	ssyncadd.s32 $0xFFFFE700  }
0x22b: {  	_ =	swait.ge [sflag:s19], $0xC800  }
0x22c: {  	[sflag:s19] =	ssyncset.done $0x0  }
0x22d: {  	s7 =	simm.s32 $0x0;
	s8 =	rddreg [dreg:$0x19];
	[sflag:s19] =	ssyncadd.s32 $0xFFFF3800  }
0x22e: {  	[tilespmem:s7], [sflag:$0x3] =	stream.linear.gather [hbm4b:s8+s7], $0x1900, $0x38;
	[tilespmem:$0x1DB00] =	vst v63  }
0x22f: {  	_ =	swait.ge [sflag:s13], $0x1900  }
0x230: {  	[sflag:s13] =	ssyncset.done $0x0  }
0x231: {  	s12 =	rddreg [dreg:$0x1a];
	[sflag:s13] =	ssyncadd.s32 $0xFFFFE700  }
0x232: {  	[tilespmem:s14], [sflag:$0x3] =	stream.linear.gather [hbm4b:s12+s7], $0x1900, $0x38;
	[tilespmem:$0x1DB00] =	vst v63  }
0x233: {  	_ =	swait.ge [sflag:s13], $0x1900  }
0x234: {  	[sflag:s13] =	ssyncset.done $0x0  }
0x235: {  	s7 =	simm.s32 $0x0;
	[sflag:s13] =	ssyncadd.s32 $0xFFFFE700  }
0x236: {  	v0 =	vld [tilespmem:s7+$0x0]  }
0x237: {  	s8 =	simm.s32 $0x40;
	v1 =	vld [tilespmem:s7+$0x1900]  }
.LBB2_14:
0x238: {  	_ = 	snop  }
0x239: {  	p0 =	sne.s32 s8, $0x63C0  }
.Ltmp6:
0x23a: {  	_ = 	snop;
	(pc) =	sbr.rel @p0 .LBB2_14-.Ltmp6, $4  }
0x23b: {  	v2 =	vmul.u32 $0x186A0, v0  }
0x23c: {  	s9 =	sshra.s32 s8, $0x2  }
0x23d: {  	v0 =	vld [tilespmem:s9+$0x0];
	v2 =	vadd.s32 v2, v1  }
0x23e: {  	s8 =	sadd.s32 $0x40, s8;
	v1 =	vld [tilespmem:s9+$0x1900];
	[tilespmem:s7+$0x3200] =	vst v2;
	s7 =	smov.u32 s9  }
0x23f: {  	_ =	sdelay $0x2  }
0x240: {  	v0 =	vmul.u32 $0x186A0, v0;
	_ =	sdelay $0x1  }
0x241: {  	v0 =	vadd.s32 v0, v1  }
0x242: {  	[tilespmem:s7+$0x3200] =	vst v0  }
0x243: {  	[tilespmem:s17], [sflag:$0x1] =	stream.indirect.gather [hbm4b:s1+s15], $0x80, s16, s15, $0xb8;
	[tilespmem:$0x1DB00] =	vst v63  }
0x244: {  	s7 =	simm.s32 $0x3390  }
0x245: {  	[tilespmem:s18], [sflag:$0x2] =	stream.indirect.gather [hbm4b:s1+s15], $0x80, s7, s15, $0xb8;
	[tilespmem:$0x1DB00] =	vst v63  }
0x246: {  	_ =	swait.ge [sflag:s19], $0xC800  }
0x247: {  	s8 =	rddreg [dreg:$0x12];
	[sflag:s19] =	ssyncset.done $0x0  }
0x248: {  	[sflag:s19] =	ssyncadd.s32 $0xFFFF3800;
	s9 =	sadd.s32 $0x0, s8  }
0x249: {  	[hbm4b:s9+s3] =	stream.linear.scatter [tilespmem:s17], [sflag:$0x3], $0x1900, $0x38;
	[tilespmem:$0x1DB00] =	vst v63  }
0x24a: {  	_ =	swait.ge [sflag:s13], $0x1900  }
0x24b: {  	[sflag:s13] =	ssyncset.done $0x0  }
0x24c: {  	s8 =	sadd.s32 $0x380, s9;
	[sflag:s13] =	ssyncadd.s32 $0xFFFFE700  }
0x24d: {  	[hbm4b:s8+s3] =	stream.linear.scatter [tilespmem:s20], [sflag:$0x3], $0x1900, $0x38;
	[tilespmem:$0x1DB00] =	vst v63  }
0x24e: {  	_ =	swait.ge [sflag:s13], $0x1900  }
0x24f: {  	[sflag:s13] =	ssyncset.done $0x0  }
0x250: {  	s12 =	sadd.s32 $0x700, s9;
	[sflag:s13] =	ssyncadd.s32 $0xFFFFE700  }
0x251: {  	[hbm4b:s12+s3] =	stream.linear.scatter [tilespmem:s21], [sflag:$0x3], $0x1900, $0x38;
	[tilespmem:$0x1DB00] =	vst v63  }
0x252: {  	_ =	swait.ge [sflag:s13], $0x1900  }
0x253: {  	[sflag:s13] =	ssyncset.done $0x0  }
0x254: {  	s10 =	sadd.s32 $0xA80, s9;
	[sflag:s13] =	ssyncadd.s32 $0xFFFFE700  }
0x255: {  	[hbm4b:s10+s3] =	stream.linear.scatter [tilespmem:s22], [sflag:$0x3], $0x1900, $0x38;
	[tilespmem:$0x1DB00] =	vst v63  }
0x256: {  	_ =	swait.ge [sflag:s13], $0x1900  }
0x257: {  	[sflag:s13] =	ssyncset.done $0x0  }
0x258: {  	s11 =	sadd.s32 $0xE00, s9;
	[sflag:s13] =	ssyncadd.s32 $0xFFFFE700  }
0x259: {  	[hbm4b:s11+s3] =	stream.linear.scatter [tilespmem:s23], [sflag:$0x3], $0x1900, $0x38;
	[tilespmem:$0x1DB00] =	vst v63  }
0x25a: {  	_ =	swait.ge [sflag:s13], $0x1900  }
0x25b: {  	[sflag:s13] =	ssyncset.done $0x0  }
0x25c: {  	s12 =	sadd.s32 $0x1180, s9;
	[sflag:s13] =	ssyncadd.s32 $0xFFFFE700  }
0x25d: {  	[hbm4b:s12+s3] =	stream.linear.scatter [tilespmem:s24], [sflag:$0x3], $0x1900, $0x38;
	[tilespmem:$0x1DB00] =	vst v63  }
0x25e: {  	_ =	swait.ge [sflag:s13], $0x1900  }
0x25f: {  	[sflag:s13] =	ssyncset.done $0x0  }
0x260: {  	s10 =	sadd.s32 $0x1500, s9;
	[sflag:s13] =	ssyncadd.s32 $0xFFFFE700  }
0x261: {  	[hbm4b:s10+s3] =	stream.linear.scatter [tilespmem:s25], [sflag:$0x3], $0x1900, $0x38;
	[tilespmem:$0x1DB00] =	vst v63  }
0x262: {  	_ =	swait.ge [sflag:s13], $0x1900  }
0x263: {  	s8 =	simm.s32 $0x2;
	[sflag:s13] =	ssyncset.done $0x0  }
0x264: {  	s11 =	sand.u32 $0xE, s8;
	s10 =	sadd.s32 $0x1880, s9;
	[sflag:s13] =	ssyncadd.s32 $0xFFFFE700  }
0x265: {  	[hbm4b:s10+s3] =	stream.linear.scatter [tilespmem:s26], [sflag:$0x3], $0x1900, $0x38;
	[tilespmem:$0x1DB00] =	vst v63  }
0x266: {  	s10 =	smul.u32 $0x640, s11  }
0x267: {  	_ =	swait.ge [sflag:s13], $0x1900  }
0x268: {  	s10 =	sshrl.u32 s10, $0x2;
	[sflag:s13] =	ssyncset.done $0x0  }
0x269: {  	s10 =	sadd.s32 $0x3200, s10;
	[sflag:s13] =	ssyncadd.s32 $0xFFFFE700  }
0x26a: {  	[tilespmem:s17], [sflag:$0x1] =	stream.indirect.gather [hbm4b:s1+s15], $0x80, s10, s15, $0xb8;
	[tilespmem:$0x1DB00] =	vst v63  }
0x26b: {  	_ =	swait.ge [sflag:s28], $0xC800  }
0x26c: {  	[sflag:s28] =	ssyncset.done $0x0  }
0x26d: {  	s12 =	sadd.s32 $0x1C00, s9;
	[sflag:s28] =	ssyncadd.s32 $0xFFFF3800  }
0x26e: {  	[hbm4b:s12+s3] =	stream.linear.scatter [tilespmem:s18], [sflag:$0x3], $0x1900, $0x38;
	[tilespmem:$0x1DB00] =	vst v63  }
0x26f: {  	_ =	swait.ge [sflag:s13], $0x1900  }
0x270: {  	[sflag:s13] =	ssyncset.done $0x0  }
0x271: {  	s11 =	sadd.s32 $0x1F80, s9;
	[sflag:s13] =	ssyncadd.s32 $0xFFFFE700  }
0x272: {  	[hbm4b:s11+s3] =	stream.linear.scatter [tilespmem:s29], [sflag:$0x3], $0x1900, $0x38;
	[tilespmem:$0x1DB00] =	vst v63  }
0x273: {  	_ =	swait.ge [sflag:s13], $0x1900  }
0x274: {  	[sflag:s13] =	ssyncset.done $0x0  }
0x275: {  	s12 =	sadd.s32 $0x2300, s9;
	[sflag:s13] =	ssyncadd.s32 $0xFFFFE700  }
0x276: {  	[hbm4b:s12+s3] =	stream.linear.scatter [tilespmem:s30], [sflag:$0x3], $0x1900, $0x38;
	[tilespmem:$0x1DB00] =	vst v63  }
0x277: {  	_ =	swait.ge [sflag:s13], $0x1900  }
0x278: {  	[sflag:s13] =	ssyncset.done $0x0  }
0x279: {  	s11 =	sadd.s32 $0x2680, s9;
	[sflag:s13] =	ssyncadd.s32 $0xFFFFE700  }
0x27a: {  	[hbm4b:s11+s3] =	stream.linear.scatter [tilespmem:s31], [sflag:$0x3], $0x1900, $0x38;
	[tilespmem:$0x1DB00] =	vst v63  }
0x27b: {  	_ =	swait.ge [sflag:s13], $0x1900  }
0x27c: {  	[sflag:s13] =	ssyncset.done $0x0  }
0x27d: {  	s12 =	sadd.s32 $0x2A00, s9;
	[sflag:s13] =	ssyncadd.s32 $0xFFFFE700  }
0x27e: {  	[hbm4b:s12+s3] =	stream.linear.scatter [tilespmem:s2], [sflag:$0x3], $0x1900, $0x38;
	[tilespmem:$0x1DB00] =	vst v63  }
0x27f: {  	_ =	swait.ge [sflag:s13], $0x1900  }
0x280: {  	[sflag:s13] =	ssyncset.done $0x0  }
0x281: {  	s11 =	sadd.s32 $0x2D80, s9;
	[sflag:s13] =	ssyncadd.s32 $0xFFFFE700  }
0x282: {  	[hbm4b:s11+s3] =	stream.linear.scatter [tilespmem:s0], [sflag:$0x3], $0x1900, $0x38;
	[tilespmem:$0x1DB00] =	vst v63  }
0x283: {  	_ =	swait.ge [sflag:s13], $0x1900  }
0x284: {  	[sflag:s13] =	ssyncset.done $0x0  }
0x285: {  	s12 =	sadd.s32 $0x3100, s9;
	[sflag:s13] =	ssyncadd.s32 $0xFFFFE700  }
0x286: {  	[hbm4b:s12+s3] =	stream.linear.scatter [tilespmem:s4], [sflag:$0x3], $0x1900, $0x38;
	[tilespmem:$0x1DB00] =	vst v63  }
0x287: {  	_ =	swait.ge [sflag:s13], $0x1900  }
0x288: {  	[sflag:s13] =	ssyncset.done $0x0  }
0x289: {  	s9 =	sadd.s32 $0x3480, s9;
	[sflag:s13] =	ssyncadd.s32 $0xFFFFE700  }
0x28a: {  	[hbm4b:s9+s3] =	stream.linear.scatter [tilespmem:s5], [sflag:$0x3], $0x1900, $0x38;
	[tilespmem:$0x1DB00] =	vst v63  }
0x28b: {  	s9 =	simm.s32 $0x3800;
	_ =	swait.ge [sflag:s13], $0x1900  }
.LBB2_16:
0x28c: {  	[sflag:s13] =	ssyncset.done $0x0  }
0x28d: {  	s7 =	sadd.s32 $0x320, s7;
	[sflag:s13] =	ssyncadd.s32 $0xFFFFE700  }
0x28e: {  	[tilespmem:s18], [sflag:$0x2] =	stream.indirect.gather [hbm4b:s1+s15], $0x80, s7, s15, $0xb8;
	[tilespmem:$0x1DB00] =	vst v63  }
0x28f: {  	_ =	swait.ge [sflag:s19], $0xC800  }
0x290: {  	s10 =	smov.u32 s9;
	s11 =	rddreg [dreg:$0x12];
	[sflag:s19] =	ssyncset.done $0x0  }
0x291: {  	[sflag:s19] =	ssyncadd.s32 $0xFFFF3800;
	s10 =	sadd.s32 s10, s11  }
0x292: {  	[hbm4b:s10+s3] =	stream.linear.scatter [tilespmem:s17], [sflag:$0x3], $0x1900, $0x38;
	[tilespmem:$0x1DB00] =	vst v63  }
0x293: {  	_ =	swait.ge [sflag:s13], $0x1900  }
0x294: {  	[sflag:s13] =	ssyncset.done $0x0  }
0x295: {  	s11 =	sadd.s32 $0x380, s10;
	[sflag:s13] =	ssyncadd.s32 $0xFFFFE700  }
0x296: {  	[hbm4b:s11+s3] =	stream.linear.scatter [tilespmem:s20], [sflag:$0x3], $0x1900, $0x38;
	[tilespmem:$0x1DB00] =	vst v63  }
0x297: {  	_ =	swait.ge [sflag:s13], $0x1900  }
0x298: {  	[sflag:s13] =	ssyncset.done $0x0  }
0x299: {  	s12 =	sadd.s32 $0x700, s10;
	[sflag:s13] =	ssyncadd.s32 $0xFFFFE700  }
0x29a: {  	[hbm4b:s12+s3] =	stream.linear.scatter [tilespmem:s21], [sflag:$0x3], $0x1900, $0x38;
	[tilespmem:$0x1DB00] =	vst v63  }
0x29b: {  	_ =	swait.ge [sflag:s13], $0x1900  }
0x29c: {  	[sflag:s13] =	ssyncset.done $0x0  }
0x29d: {  	s12 =	sadd.s32 $0xA80, s10;
	[sflag:s13] =	ssyncadd.s32 $0xFFFFE700  }
0x29e: {  	[hbm4b:s12+s3] =	stream.linear.scatter [tilespmem:s22], [sflag:$0x3], $0x1900, $0x38;
	[tilespmem:$0x1DB00] =	vst v63  }
0x29f: {  	_ =	swait.ge [sflag:s13], $0x1900  }
0x2a0: {  	[sflag:s13] =	ssyncset.done $0x0  }
0x2a1: {  	s12 =	sadd.s32 $0xE00, s10;
	[sflag:s13] =	ssyncadd.s32 $0xFFFFE700  }
0x2a2: {  	[hbm4b:s12+s3] =	stream.linear.scatter [tilespmem:s23], [sflag:$0x3], $0x1900, $0x38;
	[tilespmem:$0x1DB00] =	vst v63  }
0x2a3: {  	_ =	swait.ge [sflag:s13], $0x1900  }
0x2a4: {  	[sflag:s13] =	ssyncset.done $0x0  }
0x2a5: {  	s12 =	sadd.s32 $0x1180, s10;
	[sflag:s13] =	ssyncadd.s32 $0xFFFFE700  }
0x2a6: {  	[hbm4b:s12+s3] =	stream.linear.scatter [tilespmem:s24], [sflag:$0x3], $0x1900, $0x38;
	[tilespmem:$0x1DB00] =	vst v63  }
0x2a7: {  	_ =	swait.ge [sflag:s13], $0x1900  }
0x2a8: {  	[sflag:s13] =	ssyncset.done $0x0  }
0x2a9: {  	s12 =	sadd.s32 $0x1500, s10;
	[sflag:s13] =	ssyncadd.s32 $0xFFFFE700  }
0x2aa: {  	[hbm4b:s12+s3] =	stream.linear.scatter [tilespmem:s25], [sflag:$0x3], $0x1900, $0x38;
	[tilespmem:$0x1DB00] =	vst v63  }
0x2ab: {  	s8 =	sadd.s32 $0x2, s8;
	_ =	swait.ge [sflag:s13], $0x1900  }
0x2ac: {  	s12 =	sand.u32 $0xE, s8;
	[sflag:s13] =	ssyncset.done $0x0  }
0x2ad: {  	s11 =	sadd.s32 $0x1880, s10;
	s12 =	smul.u32 $0x640, s12;
	[sflag:s13] =	ssyncadd.s32 $0xFFFFE700  }
0x2ae: {  	[hbm4b:s11+s3] =	stream.linear.scatter [tilespmem:s26], [sflag:$0x3], $0x1900, $0x38;
	[tilespmem:$0x1DB00] =	vst v63  }
0x2af: {  	_ =	swait.ge [sflag:s13], $0x1900  }
0x2b0: {  	s12 =	sshrl.u32 s12, $0x2;
	[sflag:s13] =	ssyncset.done $0x0  }
0x2b1: {  	s11 =	sadd.s32 $0x3200, s12;
	[sflag:s13] =	ssyncadd.s32 $0xFFFFE700  }
0x2b2: {  	[tilespmem:s17], [sflag:$0x1] =	stream.indirect.gather [hbm4b:s1+s15], $0x80, s11, s15, $0xb8;
	[tilespmem:$0x1DB00] =	vst v63  }
0x2b3: {  	_ =	swait.ge [sflag:s28], $0xC800  }
0x2b4: {  	[sflag:s28] =	ssyncset.done $0x0  }
0x2b5: {  	s12 =	sadd.s32 $0x1C00, s10;
	[sflag:s28] =	ssyncadd.s32 $0xFFFF3800  }
0x2b6: {  	[hbm4b:s12+s3] =	stream.linear.scatter [tilespmem:s18], [sflag:$0x3], $0x1900, $0x38;
	[tilespmem:$0x1DB00] =	vst v63  }
0x2b7: {  	_ =	swait.ge [sflag:s13], $0x1900  }
0x2b8: {  	[sflag:s13] =	ssyncset.done $0x0  }
0x2b9: {  	s12 =	sadd.s32 $0x1F80, s10;
	[sflag:s13] =	ssyncadd.s32 $0xFFFFE700  }
0x2ba: {  	[hbm4b:s12+s3] =	stream.linear.scatter [tilespmem:s29], [sflag:$0x3], $0x1900, $0x38;
	[tilespmem:$0x1DB00] =	vst v63  }
0x2bb: {  	_ =	swait.ge [sflag:s13], $0x1900  }
0x2bc: {  	[sflag:s13] =	ssyncset.done $0x0  }
0x2bd: {  	s12 =	sadd.s32 $0x2300, s10;
	[sflag:s13] =	ssyncadd.s32 $0xFFFFE700  }
0x2be: {  	[hbm4b:s12+s3] =	stream.linear.scatter [tilespmem:s30], [sflag:$0x3], $0x1900, $0x38;
	[tilespmem:$0x1DB00] =	vst v63  }
0x2bf: {  	_ =	swait.ge [sflag:s13], $0x1900  }
0x2c0: {  	[sflag:s13] =	ssyncset.done $0x0  }
0x2c1: {  	s12 =	sadd.s32 $0x2680, s10;
	[sflag:s13] =	ssyncadd.s32 $0xFFFFE700  }
0x2c2: {  	[hbm4b:s12+s3] =	stream.linear.scatter [tilespmem:s31], [sflag:$0x3], $0x1900, $0x38;
	[tilespmem:$0x1DB00] =	vst v63  }
0x2c3: {  	_ =	swait.ge [sflag:s13], $0x1900  }
0x2c4: {  	[sflag:s13] =	ssyncset.done $0x0  }
0x2c5: {  	s12 =	sadd.s32 $0x2A00, s10;
	[sflag:s13] =	ssyncadd.s32 $0xFFFFE700  }
0x2c6: {  	[hbm4b:s12+s3] =	stream.linear.scatter [tilespmem:s2], [sflag:$0x3], $0x1900, $0x38;
	[tilespmem:$0x1DB00] =	vst v63  }
0x2c7: {  	_ =	swait.ge [sflag:s13], $0x1900  }
0x2c8: {  	[sflag:s13] =	ssyncset.done $0x0  }
0x2c9: {  	s12 =	sadd.s32 $0x2D80, s10;
	[sflag:s13] =	ssyncadd.s32 $0xFFFFE700  }
0x2ca: {  	[hbm4b:s12+s3] =	stream.linear.scatter [tilespmem:s0], [sflag:$0x3], $0x1900, $0x38;
	[tilespmem:$0x1DB00] =	vst v63  }
0x2cb: {  	_ =	swait.ge [sflag:s13], $0x1900  }
0x2cc: {  	[sflag:s13] =	ssyncset.done $0x0  }
0x2cd: {  	p0 =	sne.s32 s9, $0x18800;
	s12 =	sadd.s32 $0x3100, s10;
	[sflag:s13] =	ssyncadd.s32 $0xFFFFE700  }
0x2ce: {  	[hbm4b:s12+s3] =	stream.linear.scatter [tilespmem:s4], [sflag:$0x3], $0x1900, $0x38;
	[tilespmem:$0x1DB00] =	vst v63  }
.Ltmp7:
0x2cf: {  	_ =	swait.ge [sflag:s13], $0x1900;
	(pc) =	sbr.rel @p0 .LBB2_16-.Ltmp7, $4  }
0x2d0: {  	[sflag:s13] =	ssyncset.done $0x0  }
0x2d1: {  	s10 =	sadd.s32 $0x3480, s10;
	[sflag:s13] =	ssyncadd.s32 $0xFFFFE700  }
0x2d2: {  	[hbm4b:s10+s3] =	stream.linear.scatter [tilespmem:s5], [sflag:$0x3], $0x1900, $0x38;
	[tilespmem:$0x1DB00] =	vst v63  }
0x2d3: {  	s9 =	sadd.s32 $0x3800, s9;
	_ =	swait.ge [sflag:s13], $0x1900  }
0x2d4: {  	[sflag:s13] =	ssyncset.done $0x0  }
0x2d5: {  	[sflag:s13] =	ssyncadd.s32 $0xFFFFE700  }
0x2d6: {  	_ =	swait.ge [sflag:s19], $0xC800  }
0x2d7: {  	s6 =	sadd.s32 $0x1, s6;
	s7 =	rddreg [dreg:$0x1b]  }
0x2d8: {  	p0 =	sne.s32 s6, s7  }
.Ltmp8:
0x2d9: {  	_ = 	snop;
	(pc) =	sbr.rel @p0 .LBB2_1-.Ltmp8, $3  }
0x2da: {  	_ =	sdelay $0x1  }
0x2db: {  	[sflag:s19] =	ssyncset.done $0x0  }
0x2dc: {  	[sflag:s19] =	ssyncadd.s32 $0xFFFF3800  }
0x2dd: {  	_ =	sfence.sel $0x180000  }
0x2de: {  	[bflag:$0x0] =	sbarrier.arrive $0xFFFF  }
0x2df: {  	_ =	strace $0x90000047  }
0x2e0: {  	s0 =	stileid.u32;
	[bflag:$0x2] =	sbarrier.arrive $0xFFFF  }
0x2e1: {  	p0 =	sne.s32 s0, $0x0;
	s0 =	rddreg [dreg:$0x3]  }
0x2e2: {  	s0 =	sadd.s32 @!p0 $0x100000, s0  }
0x2e3: {  	[sflag:s0] =	ssyncadd.tile.s32 @!p0 $0x1;
	_ =	shalt  }
.Lfunc_end2:
_tile_overlayer_lowered:
.L_overlay_start_2:
0x2e4: {  	(tag) =	ssettag $0x2  }
0x2e5: {  	s0 =	rddreg [dreg:$0x0];
	s2 =	stileid.u32  }
0x2e6: {  	s1 =	rddreg [dreg:$0x1];
	p0 =	sne.s32 s2, $0x0  }
0x2e7: {  	s3 =	rddreg [dreg:$0x2];
	[bflag:$0x3] =	sbarrier.arrive $0xFFFF;
	s2 =	simm.s32 @!p0 $0x1C03  }
0x2e8: {  	[timem:s3], [sflag:s2] =	dma.local @!p0 [hbm:s0], s1  }
0x2e9: {  	s0 =	simm.s32 @!p0 $0x3  }
0x2ea: {  	_ =	swait.ge @!p0 [sflag:s0], s1  }
0x2eb: {  	s1 =	ssub.s32 @!p0 $0x0, s1;
	[sflag:s0] =	ssyncset.done @!p0 $0x0  }
0x2ec: {  	[sflag:s0] =	ssyncadd.s32 @!p0 s1  }
0x2ed: {  	[bflag:$0x3] =	sbarrier.arrive $0xFFFF  }
0x2ee: {  	_ =	shalt  }

</sc_bundles>
